<compile_context>
chip_gen: v7x
topology: tpu7x:2x2x1
jax: 0.10.2.dev20260603
libtpu: 0.0.44.dev20260713+nightly
codegen_flags: <defaults>
</compile_context>

<pallas_src>
import functools

import jax
import jax.numpy as jnp
from jax import lax
from jax.experimental import pallas as pl
from jax.experimental.pallas import tpu as pltpu
from jax.experimental.pallas import tpu_sc as plsc

N_NODES = 10000
N_EDGES = 320000
D = 128
D_EDGE = 16

NC = 2
NS = 16
NW = NC * NS
E_PER_W = N_EDGES // NW
N_PAD = 10240
ROWS_PER_SUB = N_PAD // NS
CW = 128
K = 80
N_CHUNKS = E_PER_W // K
KA = 40
NCA = E_PER_W // KA

def _matmul_t_kernel(a_ref, w_ref, b_ref, o_ref):
    o_ref[...] = lax.dot_general(
        a_ref[...], w_ref[...], (((1,), (1,)), ((), ())),
        preferred_element_type=jnp.float32) + b_ref[...]


def _prep_y(x, w_lin, b_lin):
    return pl.pallas_call(
        _matmul_t_kernel,
        out_shape=jax.ShapeDtypeStruct((N_NODES, D), jnp.float32),
    )(x, w_lin, b_lin.reshape(1, D))


def _prep_e(edge_attr, w_emb):
    BE = 16000
    zeros = jnp.zeros((1, D), jnp.float32)
    return pl.pallas_call(
        _matmul_t_kernel,
        grid=(N_EDGES // BE,),
        in_specs=[
            pl.BlockSpec((BE, D_EDGE), lambda i: (i, 0)),
            pl.BlockSpec((D, D_EDGE), lambda i: (0, 0)),
            pl.BlockSpec((1, D), lambda i: (0, 0)),
        ],
        out_specs=pl.BlockSpec((BE, D), lambda i: (i, 0)),
        out_shape=jax.ShapeDtypeStruct((N_EDGES, D), jnp.float32),
    )(edge_attr, w_emb, zeros)


def _sc_acc_body(y_hbm, src_hbm, dst_hbm, e_hbm, zrows_hbm, pacc_hbm,
                 s0, s1, s2, d0, d1, d2, d3, d4, d5,
                 g0, g1, g2, ev0, ev1,
                 acc_sh,
                 sl0, sl1, sl2, sg0, sg1, sg2, ss0, ss1, ss2):
    cid = lax.axis_index("c")
    sid = lax.axis_index("s")
    wid = cid * NS + sid
    ebase = wid * E_PER_W

    SRC = [s0, s1, s2]
    DST = [d0, d1, d2, d3, d4, d5]
    GR = [g0, g1, g2]
    EV = [ev0, ev1]
    SL = [sl0, sl1, sl2]
    SG = [sg0, sg1, sg2]
    SS = [ss0, ss1, ss2]

    def issue_loads(c, j3, j6, j2):
        base = ebase + c * KA
        pltpu.async_copy(src_hbm.at[pl.ds(base, KA)], SRC[j3], SL[j3])
        pltpu.async_copy(dst_hbm.at[pl.ds(base, KA)], DST[j6], SL[j3])
        pltpu.async_copy(e_hbm.at[pl.ds(base, KA)], EV[j2], SL[j3])

    def drain_loads(j3, j6, j2):
        pltpu.make_async_copy(src_hbm.at[pl.ds(0, KA)], SRC[j3], SL[j3]).wait()
        pltpu.make_async_copy(dst_hbm.at[pl.ds(0, KA)], DST[j6], SL[j3]).wait()
        pltpu.make_async_copy(e_hbm.at[pl.ds(0, KA)], EV[j2], SL[j3]).wait()

    def issue_gather(j3):
        pltpu.async_copy(y_hbm.at[SRC[j3]], GR[j3], SG[j3])

    def drain_gather(j3):
        pltpu.make_async_copy(y_hbm.at[SRC[j3]], GR[j3], SG[j3]).wait()

    def issue_scatter(j3, j6):
        pltpu.async_copy(GR[j3], acc_sh.at[DST[j6]], SS[j3], add=True)

    def drain_scatter(j3, j6):
        pltpu.make_async_copy(GR[j3], acc_sh.at[DST[j6]], SS[j3]).wait()

    def multiply(j3, j2):
        gv, ev = GR[j3], EV[j2]

        def _mul_row(r, _):
            for g in range(D // 16):
                s = pl.ds(g * 16, 16)
                gv[r, s] = gv[r, s] * ev[r, s]
            return 0
        lax.fori_loop(0, KA, _mul_row, 0)

    pltpu.sync_copy(zrows_hbm, g0)
    r0 = sid * ROWS_PER_SUB
    for j in range(ROWS_PER_SUB // KA):
        pltpu.sync_copy(g0, acc_sh.at[pl.ds(r0 + j * KA, KA)])

    plsc.subcore_barrier()

    issue_loads(0, 0, 0, 0)
    issue_loads(1, 1, 1, 1)
    drain_loads(0, 0, 0)
    issue_gather(0)

    def _six(j, _):
        for k in range(6):
            c = 6 * j + k
            b3, n3, f3 = k % 3, (k + 1) % 3, (k + 2) % 3
            b2, f2 = k % 2, k % 2
            b6, n6, f6 = k, (k + 1) % 6, (k + 2) % 6
            p6 = (k + 4) % 6
            pl.when((c >= 2) & (c < NCA))(lambda: drain_scatter(n3, p6))
            pl.when(c < NCA)(lambda: drain_gather(b3))

            def _advance():
                drain_loads(n3, n6, (k + 1) % 2)
                issue_gather(n3)
            pl.when(c + 1 < NCA)(_advance)
            pl.when(c < NCA)(lambda: multiply(b3, b2))
            pl.when(c < NCA)(lambda: issue_scatter(b3, b6))
            pl.when(c + 2 < NCA)(lambda: issue_loads(c + 2, f3, f6, f2))
        return 0
    lax.fori_loop(0, (NCA + 5) // 6, _six, 0)

    drain_scatter((NCA - 2) % 3, (NCA - 2) % 6)
    drain_scatter((NCA - 1) % 3, (NCA - 1) % 6)

    plsc.subcore_barrier()

    h0 = cid * N_PAD + r0
    for j in range(ROWS_PER_SUB // KA):
        pltpu.sync_copy(acc_sh.at[pl.ds(r0 + j * KA, KA)], g0)
        pltpu.sync_copy(g0, pacc_hbm.at[pl.ds(h0 + j * KA, KA)])


def _sc_acc(y, src, dst, e):
    mesh = plsc.VectorSubcoreMesh(core_axis_name="c", subcore_axis_name="s")
    fn = functools.partial(
        pl.kernel,
        out_type=jax.ShapeDtypeStruct((NC * N_PAD, D), jnp.float32),
        mesh=mesh,
        scratch_types=(
            [pltpu.VMEM((KA,), jnp.int32)] * 9
            + [pltpu.VMEM((KA, D), jnp.float32)] * 5
            + [pltpu.VMEM_SHARED((N_PAD, D), jnp.float32)]
            + [pltpu.SemaphoreType.DMA] * 9
        ),
    )(_sc_acc_body)
    zrows = jnp.zeros((KA, D), jnp.float32)
    return fn(y, src, dst, e, zrows)


def _sc_cnt_body(dst_hbm, ones_hbm, zcnt_hbm, pcnt_hbm,
                 dv0, dv1, ones_v, cstage_v, cnt_sh,
                 sld0, sld1, ssc0, ssc1):
    cid = lax.axis_index("c")
    sid = lax.axis_index("s")
    wid = cid * NS + sid
    ebase = wid * E_PER_W

    DV = [dv0, dv1]
    SLD = [sld0, sld1]
    SSC = [ssc0, ssc1]

    pltpu.sync_copy(ones_hbm, ones_v)
    pltpu.sync_copy(zcnt_hbm, cstage_v)
    r0 = sid * ROWS_PER_SUB
    for j in range(ROWS_PER_SUB // K):
        pltpu.sync_copy(cstage_v, cnt_sh.at[pl.ds(r0 + j * K, K)])

    plsc.subcore_barrier()

    pltpu.async_copy(dst_hbm.at[pl.ds(ebase, K)], DV[0], SLD[0])

    def _pair(j, _):
        for k in range(2):
            c = 2 * j + k
            p, q = k, 1 - k
            def _drain_prev():
                pltpu.make_async_copy(ones_v, cnt_sh.at[DV[q]], SSC[q]).wait()

            def _load_next():
                pltpu.async_copy(
                    dst_hbm.at[pl.ds(ebase + (c + 1) * K, K)], DV[q], SLD[q])

            def _drain_load():
                pltpu.make_async_copy(
                    dst_hbm.at[pl.ds(0, K)], DV[p], SLD[p]).wait()

            def _scatter():
                pltpu.async_copy(ones_v, cnt_sh.at[DV[p]], SSC[p], add=True)

            pl.when((c >= 1) & (c < N_CHUNKS))(_drain_prev)
            pl.when(c + 1 < N_CHUNKS)(_load_next)
            pl.when(c < N_CHUNKS)(_drain_load)
            pl.when(c < N_CHUNKS)(_scatter)
        return 0
    lax.fori_loop(0, (N_CHUNKS + 1) // 2, _pair, 0)

    pltpu.make_async_copy(
        ones_v, cnt_sh.at[DV[(N_CHUNKS - 1) % 2]],
        SSC[(N_CHUNKS - 1) % 2]).wait()

    plsc.subcore_barrier()

    h0 = cid * N_PAD + r0
    for j in range(ROWS_PER_SUB // K):
        pltpu.sync_copy(cnt_sh.at[pl.ds(r0 + j * K, K)], cstage_v)
        pltpu.sync_copy(cstage_v, pcnt_hbm.at[pl.ds(h0 + j * K, K)])


def _sc_cnt(dst):
    mesh = plsc.VectorSubcoreMesh(core_axis_name="c", subcore_axis_name="s")
    fn = functools.partial(
        pl.kernel,
        out_type=jax.ShapeDtypeStruct((NC * N_PAD, CW), jnp.float32),
        mesh=mesh,
        scratch_types=(
            [pltpu.VMEM((K,), jnp.int32)] * 2
            + [pltpu.VMEM((K, CW), jnp.float32)] * 2
            + [pltpu.VMEM_SHARED((N_PAD, CW), jnp.float32)]
            + [pltpu.SemaphoreType.DMA] * 4
        ),
    )(_sc_cnt_body)
    ones = jnp.ones((K, CW), jnp.float32)
    zcnt = jnp.zeros((K, CW), jnp.float32)
    return fn(dst, ones, zcnt)


def _combine_kernel(pacc_ref, pcnt_ref, o_ref):
    acc = pacc_ref[0] + pacc_ref[1]
    cnt = pcnt_ref[0, :, 0:1] + pcnt_ref[1, :, 0:1]
    o_ref[...] = acc / jnp.maximum(cnt, 1.0)


def _combine(pacc, pcnt):
    BN = 2560
    return pl.pallas_call(
        _combine_kernel,
        grid=(N_PAD // BN,),
        in_specs=[
            pl.BlockSpec((2, BN, D), lambda i: (0, i, 0)),
            pl.BlockSpec((2, BN, CW), lambda i: (0, i, 0)),
        ],
        out_specs=pl.BlockSpec((BN, D), lambda i: (i, 0)),
        out_shape=jax.ShapeDtypeStruct((N_NODES, D), jnp.float32),
    )(pacc, pcnt)


def kernel(x, edge_index, edge_attr, W_lin, b_lin, W_emb):
    src = edge_index[0]
    dst = edge_index[1]
    pcnt = _sc_cnt(dst)
    y = _prep_y(x, W_lin, b_lin)
    e = _prep_e(edge_attr, W_emb)
    pacc = _sc_acc(y, src, dst, e)
    return _combine(pacc.reshape(NC, N_PAD, D), pcnt.reshape(NC, N_PAD, CW))

# --- scband reference (transcript-rebuilt; emitter-appended) ---
"""Pipeline reference for scband-grapsule-net-60601988546906 (READ-ONLY COPY).

The authoritative reference and input builder live on the scoring server;
editing this copy changes nothing except your own understanding.
"""

import jax, jax.numpy as jnp
import numpy as np

N_NODES = 10000
N_EDGES = 320000
D_FEAT = 128
D_EDGE = 16


def setup_inputs(seed: int = 0) -> dict:
    key = jax.random.key(seed)
    ks = jax.random.split(key, 6)
    x = jax.random.normal(ks[0], (N_NODES, D_FEAT), dtype=jnp.float32)
    edge_index = jax.random.randint(ks[1], (2, N_EDGES), 0, N_NODES, dtype=jnp.int32)
    edge_attr = jax.random.normal(ks[2], (N_EDGES, D_EDGE), dtype=jnp.float32)
    # ConditionalLinear 'strong': linear(in=128,out=128) with bias, linear_embedding(cond=16,out=128) no bias
    W_lin = jax.random.normal(ks[3], (D_FEAT, D_FEAT), dtype=jnp.float32) * 0.05
    b_lin = jnp.zeros((D_FEAT,), dtype=jnp.float32)
    W_emb = jax.random.normal(ks[4], (D_FEAT, D_EDGE), dtype=jnp.float32) * 0.05
    return {"x": x, "edge_index": edge_index, "edge_attr": edge_attr,
            "W_lin": W_lin, "b_lin": b_lin, "W_emb": W_emb}


def reference(x, edge_index, edge_attr, W_lin, b_lin, W_emb):
    # PyG MessagePassing (flow=source_to_target): x_j = x[edge_index[0]], aggregate at edge_index[1]
    src = edge_index[0]
    dst = edge_index[1]
    x_j = jnp.take(x, src, axis=0)  # gather: [E, D]
    # message: use_x_i=False -> out = x_j; single ConditionalLinear('strong') layer (cond_depth=1):
    # out = linear(x_j) * linear_embedding(edge_attr)
    msg = (x_j @ W_lin.T + b_lin) * (edge_attr @ W_emb.T)  # [E, D]
    # aggr='mean' over destination nodes (nodes with no in-edges get 0, like PyG mean)
    summed = jax.ops.segment_sum(msg, dst, num_segments=N_NODES)
    cnt = jax.ops.segment_sum(jnp.ones((N_EDGES,), dtype=msg.dtype), dst, num_segments=N_NODES)
    out = summed / jnp.clip(cnt, 1.0)[:, None]
    return out

if __name__ == "__main__":
    import jax
    _d = setup_inputs()
    print(jax.jit(kernel)(*tuple(_d.values())))

</pallas_src>

<mosaic_0001>
#map = affine_map<(d0, d1) -> (0, 0)>
#map1 = affine_map<(d0, d1) -> (0)>
module attributes {stable_mosaic.version = 14 : i64} {
  func.func @_sc_acc_body(%arg0: i32, %arg1: i32, %arg2: memref<10000x128xf32, #tpu.memory_space<hbm>>, %arg3: memref<320000xi32, #tpu.memory_space<hbm>>, %arg4: memref<320000xi32, #tpu.memory_space<hbm>>, %arg5: memref<320000x128xf32, #tpu.memory_space<hbm>>, %arg6: memref<40x128xf32, #tpu.memory_space<hbm>>, %arg7: memref<20480x128xf32, #tpu.memory_space<hbm>>, %arg8: memref<40xi32, #tpu.memory_space<vmem>>, %arg9: memref<40xi32, #tpu.memory_space<vmem>>, %arg10: memref<40xi32, #tpu.memory_space<vmem>>, %arg11: memref<40xi32, #tpu.memory_space<vmem>>, %arg12: memref<40xi32, #tpu.memory_space<vmem>>, %arg13: memref<40xi32, #tpu.memory_space<vmem>>, %arg14: memref<40xi32, #tpu.memory_space<vmem>>, %arg15: memref<40xi32, #tpu.memory_space<vmem>>, %arg16: memref<40xi32, #tpu.memory_space<vmem>>, %arg17: memref<40x128xf32, #tpu.memory_space<vmem>>, %arg18: memref<40x128xf32, #tpu.memory_space<vmem>>, %arg19: memref<40x128xf32, #tpu.memory_space<vmem>>, %arg20: memref<40x128xf32, #tpu.memory_space<vmem>>, %arg21: memref<40x128xf32, #tpu.memory_space<vmem>>, %arg22: memref<10240x128xf32, #tpu.memory_space<vmem_shared>>, %arg23: memref<!tpu.dma_semaphore, #tpu.memory_space<semaphore_mem>>, %arg24: memref<!tpu.dma_semaphore, #tpu.memory_space<semaphore_mem>>, %arg25: memref<!tpu.dma_semaphore, #tpu.memory_space<semaphore_mem>>, %arg26: memref<!tpu.dma_semaphore, #tpu.memory_space<semaphore_mem>>, %arg27: memref<!tpu.dma_semaphore, #tpu.memory_space<semaphore_mem>>, %arg28: memref<!tpu.dma_semaphore, #tpu.memory_space<semaphore_mem>>, %arg29: memref<!tpu.dma_semaphore, #tpu.memory_space<semaphore_mem>>, %arg30: memref<!tpu.dma_semaphore, #tpu.memory_space<semaphore_mem>>, %arg31: memref<!tpu.dma_semaphore, #tpu.memory_space<semaphore_mem>>) attributes {dimension_semantics = [#tpu.dimension_semantics<core_parallel>, #tpu.dimension_semantics<subcore_parallel>], iteration_bounds = array<i64: 2, 16>, scalar_prefetch = 0 : i64, scratch_operands = 24 : i64, tpu.core_type = #tpu.core_type<sc_vector_subcore>, window_params = [{transform_indices = #map}, {transform_indices = #map1}, {transform_indices = #map1}, {transform_indices = #map}, {transform_indices = #map}, {transform_indices = #map}]} {
    %mul3A = arith.constant 16 : i32
    %mul3A_0 = arith.muli %arg0, %mul3A : i32
    %add3A = arith.addi %mul3A_0, %arg1 : i32
    %mul3A_1 = arith.constant 10000 : i32
    %mul3A_2 = arith.muli %add3A, %mul3A_1 : i32
    "tpu.region"() ({
      %run_scoped3A = tpu.sem_alloc : memref<!tpu.dma_semaphore, #tpu.memory_space<semaphore_mem>>
      tpu.enqueue_dma source(%arg6 : memref<40x128xf32, #tpu.memory_space<hbm>>) target(%arg17 : memref<40x128xf32, #tpu.memory_space<vmem>>) target_semaphore(%run_scoped3A : memref<!tpu.dma_semaphore, #tpu.memory_space<semaphore_mem>>)
      tpu.wait_dma2 semaphore(%run_scoped3A : memref<!tpu.dma_semaphore, #tpu.memory_space<semaphore_mem>>) src(%arg6 : memref<40x128xf32, #tpu.memory_space<hbm>>) dst(%arg17 : memref<40x128xf32, #tpu.memory_space<vmem>>)
      tpu.yield
    }) : () -> ()
    %mul3A_3 = arith.constant 640 : i32
    %mul3A_4 = arith.muli %arg1, %mul3A_3 : i32
    %add3A_5 = arith.constant 0 : i32
    %add3A_6 = arith.addi %mul3A_4, %add3A_5 : i32
    "tpu.region"() ({
      %run_scoped3A = tpu.sem_alloc : memref<!tpu.dma_semaphore, #tpu.memory_space<semaphore_mem>>
      %dma_start3A_152 = arith.constant 0 : i32
      %dma_start3A_153 = tpu.memref_slice %arg22[%add3A_6, %dma_start3A_152] : memref<10240x128xf32, #tpu.memory_space<vmem_shared>> -> memref<40x128xf32, #tpu.memory_space<vmem_shared>>
      %dma_start3A_154 = arith.constant 0 : i32
      %dma_start3A_155 = tpu.memref_slice %arg22[%add3A_6, %dma_start3A_154] : memref<10240x128xf32, #tpu.memory_space<vmem_shared>> -> memref<40x128xf32, #tpu.memory_space<vmem_shared>>
      tpu.enqueue_dma source(%arg17 : memref<40x128xf32, #tpu.memory_space<vmem>>) target(%dma_start3A_155 : memref<40x128xf32, #tpu.memory_space<vmem_shared>>) target_semaphore(%run_scoped3A : memref<!tpu.dma_semaphore, #tpu.memory_space<semaphore_mem>>)
      %dma_wait3A_156 = arith.constant 0 : i32
      %dma_wait3A_157 = tpu.memref_slice %arg22[%add3A_6, %dma_wait3A_156] : memref<10240x128xf32, #tpu.memory_space<vmem_shared>> -> memref<40x128xf32, #tpu.memory_space<vmem_shared>>
      %dma_wait3A_158 = arith.constant 0 : i32
      %dma_wait3A_159 = tpu.memref_slice %arg22[%add3A_6, %dma_wait3A_158] : memref<10240x128xf32, #tpu.memory_space<vmem_shared>> -> memref<40x128xf32, #tpu.memory_space<vmem_shared>>
      tpu.wait_dma2 semaphore(%run_scoped3A : memref<!tpu.dma_semaphore, #tpu.memory_space<semaphore_mem>>) src(%arg17 : memref<40x128xf32, #tpu.memory_space<vmem>>) dst(%dma_wait3A_159 : memref<40x128xf32, #tpu.memory_space<vmem_shared>>)
      tpu.yield
    }) : () -> ()
    %add3A_7 = arith.constant 40 : i32
    %add3A_8 = arith.addi %mul3A_4, %add3A_7 : i32
    "tpu.region"() ({
      %run_scoped3A = tpu.sem_alloc : memref<!tpu.dma_semaphore, #tpu.memory_space<semaphore_mem>>
      %dma_start3A_152 = arith.constant 0 : i32
      %dma_start3A_153 = tpu.memref_slice %arg22[%add3A_8, %dma_start3A_152] : memref<10240x128xf32, #tpu.memory_space<vmem_shared>> -> memref<40x128xf32, #tpu.memory_space<vmem_shared>>
      %dma_start3A_154 = arith.constant 0 : i32
      %dma_start3A_155 = tpu.memref_slice %arg22[%add3A_8, %dma_start3A_154] : memref<10240x128xf32, #tpu.memory_space<vmem_shared>> -> memref<40x128xf32, #tpu.memory_space<vmem_shared>>
      tpu.enqueue_dma source(%arg17 : memref<40x128xf32, #tpu.memory_space<vmem>>) target(%dma_start3A_155 : memref<40x128xf32, #tpu.memory_space<vmem_shared>>) target_semaphore(%run_scoped3A : memref<!tpu.dma_semaphore, #tpu.memory_space<semaphore_mem>>)
      %dma_wait3A_156 = arith.constant 0 : i32
      %dma_wait3A_157 = tpu.memref_slice %arg22[%add3A_8, %dma_wait3A_156] : memref<10240x128xf32, #tpu.memory_space<vmem_shared>> -> memref<40x128xf32, #tpu.memory_space<vmem_shared>>
      %dma_wait3A_158 = arith.constant 0 : i32
      %dma_wait3A_159 = tpu.memref_slice %arg22[%add3A_8, %dma_wait3A_158] : memref<10240x128xf32, #tpu.memory_space<vmem_shared>> -> memref<40x128xf32, #tpu.memory_space<vmem_shared>>
      tpu.wait_dma2 semaphore(%run_scoped3A : memref<!tpu.dma_semaphore, #tpu.memory_space<semaphore_mem>>) src(%arg17 : memref<40x128xf32, #tpu.memory_space<vmem>>) dst(%dma_wait3A_159 : memref<40x128xf32, #tpu.memory_space<vmem_shared>>)
      tpu.yield
    }) : () -> ()
    %add3A_9 = arith.constant 80 : i32
    %add3A_10 = arith.addi %mul3A_4, %add3A_9 : i32
    "tpu.region"() ({
      %run_scoped3A = tpu.sem_alloc : memref<!tpu.dma_semaphore, #tpu.memory_space<semaphore_mem>>
      %dma_start3A_152 = arith.constant 0 : i32
      %dma_start3A_153 = tpu.memref_slice %arg22[%add3A_10, %dma_start3A_152] : memref<10240x128xf32, #tpu.memory_space<vmem_shared>> -> memref<40x128xf32, #tpu.memory_space<vmem_shared>>
      %dma_start3A_154 = arith.constant 0 : i32
      %dma_start3A_155 = tpu.memref_slice %arg22[%add3A_10, %dma_start3A_154] : memref<10240x128xf32, #tpu.memory_space<vmem_shared>> -> memref<40x128xf32, #tpu.memory_space<vmem_shared>>
      tpu.enqueue_dma source(%arg17 : memref<40x128xf32, #tpu.memory_space<vmem>>) target(%dma_start3A_155 : memref<40x128xf32, #tpu.memory_space<vmem_shared>>) target_semaphore(%run_scoped3A : memref<!tpu.dma_semaphore, #tpu.memory_space<semaphore_mem>>)
      %dma_wait3A_156 = arith.constant 0 : i32
      %dma_wait3A_157 = tpu.memref_slice %arg22[%add3A_10, %dma_wait3A_156] : memref<10240x128xf32, #tpu.memory_space<vmem_shared>> -> memref<40x128xf32, #tpu.memory_space<vmem_shared>>
      %dma_wait3A_158 = arith.constant 0 : i32
      %dma_wait3A_159 = tpu.memref_slice %arg22[%add3A_10, %dma_wait3A_158] : memref<10240x128xf32, #tpu.memory_space<vmem_shared>> -> memref<40x128xf32, #tpu.memory_space<vmem_shared>>
      tpu.wait_dma2 semaphore(%run_scoped3A : memref<!tpu.dma_semaphore, #tpu.memory_space<semaphore_mem>>) src(%arg17 : memref<40x128xf32, #tpu.memory_space<vmem>>) dst(%dma_wait3A_159 : memref<40x128xf32, #tpu.memory_space<vmem_shared>>)
      tpu.yield
    }) : () -> ()
    %add3A_11 = arith.constant 120 : i32
    %add3A_12 = arith.addi %mul3A_4, %add3A_11 : i32
    "tpu.region"() ({
      %run_scoped3A = tpu.sem_alloc : memref<!tpu.dma_semaphore, #tpu.memory_space<semaphore_mem>>
      %dma_start3A_152 = arith.constant 0 : i32
      %dma_start3A_153 = tpu.memref_slice %arg22[%add3A_12, %dma_start3A_152] : memref<10240x128xf32, #tpu.memory_space<vmem_shared>> -> memref<40x128xf32, #tpu.memory_space<vmem_shared>>
      %dma_start3A_154 = arith.constant 0 : i32
      %dma_start3A_155 = tpu.memref_slice %arg22[%add3A_12, %dma_start3A_154] : memref<10240x128xf32, #tpu.memory_space<vmem_shared>> -> memref<40x128xf32, #tpu.memory_space<vmem_shared>>
      tpu.enqueue_dma source(%arg17 : memref<40x128xf32, #tpu.memory_space<vmem>>) target(%dma_start3A_155 : memref<40x128xf32, #tpu.memory_space<vmem_shared>>) target_semaphore(%run_scoped3A : memref<!tpu.dma_semaphore, #tpu.memory_space<semaphore_mem>>)
      %dma_wait3A_156 = arith.constant 0 : i32
      %dma_wait3A_157 = tpu.memref_slice %arg22[%add3A_12, %dma_wait3A_156] : memref<10240x128xf32, #tpu.memory_space<vmem_shared>> -> memref<40x128xf32, #tpu.memory_space<vmem_shared>>
      %dma_wait3A_158 = arith.constant 0 : i32
      %dma_wait3A_159 = tpu.memref_slice %arg22[%add3A_12, %dma_wait3A_158] : memref<10240x128xf32, #tpu.memory_space<vmem_shared>> -> memref<40x128xf32, #tpu.memory_space<vmem_shared>>
      tpu.wait_dma2 semaphore(%run_scoped3A : memref<!tpu.dma_semaphore, #tpu.memory_space<semaphore_mem>>) src(%arg17 : memref<40x128xf32, #tpu.memory_space<vmem>>) dst(%dma_wait3A_159 : memref<40x128xf32, #tpu.memory_space<vmem_shared>>)
      tpu.yield
    }) : () -> ()
    %add3A_13 = arith.constant 160 : i32
    %add3A_14 = arith.addi %mul3A_4, %add3A_13 : i32
    "tpu.region"() ({
      %run_scoped3A = tpu.sem_alloc : memref<!tpu.dma_semaphore, #tpu.memory_space<semaphore_mem>>
      %dma_start3A_152 = arith.constant 0 : i32
      %dma_start3A_153 = tpu.memref_slice %arg22[%add3A_14, %dma_start3A_152] : memref<10240x128xf32, #tpu.memory_space<vmem_shared>> -> memref<40x128xf32, #tpu.memory_space<vmem_shared>>
      %dma_start3A_154 = arith.constant 0 : i32
      %dma_start3A_155 = tpu.memref_slice %arg22[%add3A_14, %dma_start3A_154] : memref<10240x128xf32, #tpu.memory_space<vmem_shared>> -> memref<40x128xf32, #tpu.memory_space<vmem_shared>>
      tpu.enqueue_dma source(%arg17 : memref<40x128xf32, #tpu.memory_space<vmem>>) target(%dma_start3A_155 : memref<40x128xf32, #tpu.memory_space<vmem_shared>>) target_semaphore(%run_scoped3A : memref<!tpu.dma_semaphore, #tpu.memory_space<semaphore_mem>>)
      %dma_wait3A_156 = arith.constant 0 : i32
      %dma_wait3A_157 = tpu.memref_slice %arg22[%add3A_14, %dma_wait3A_156] : memref<10240x128xf32, #tpu.memory_space<vmem_shared>> -> memref<40x128xf32, #tpu.memory_space<vmem_shared>>
      %dma_wait3A_158 = arith.constant 0 : i32
      %dma_wait3A_159 = tpu.memref_slice %arg22[%add3A_14, %dma_wait3A_158] : memref<10240x128xf32, #tpu.memory_space<vmem_shared>> -> memref<40x128xf32, #tpu.memory_space<vmem_shared>>
      tpu.wait_dma2 semaphore(%run_scoped3A : memref<!tpu.dma_semaphore, #tpu.memory_space<semaphore_mem>>) src(%arg17 : memref<40x128xf32, #tpu.memory_space<vmem>>) dst(%dma_wait3A_159 : memref<40x128xf32, #tpu.memory_space<vmem_shared>>)
      tpu.yield
    }) : () -> ()
    %add3A_15 = arith.constant 200 : i32
    %add3A_16 = arith.addi %mul3A_4, %add3A_15 : i32
    "tpu.region"() ({
      %run_scoped3A = tpu.sem_alloc : memref<!tpu.dma_semaphore, #tpu.memory_space<semaphore_mem>>
      %dma_start3A_152 = arith.constant 0 : i32
      %dma_start3A_153 = tpu.memref_slice %arg22[%add3A_16, %dma_start3A_152] : memref<10240x128xf32, #tpu.memory_space<vmem_shared>> -> memref<40x128xf32, #tpu.memory_space<vmem_shared>>
      %dma_start3A_154 = arith.constant 0 : i32
      %dma_start3A_155 = tpu.memref_slice %arg22[%add3A_16, %dma_start3A_154] : memref<10240x128xf32, #tpu.memory_space<vmem_shared>> -> memref<40x128xf32, #tpu.memory_space<vmem_shared>>
      tpu.enqueue_dma source(%arg17 : memref<40x128xf32, #tpu.memory_space<vmem>>) target(%dma_start3A_155 : memref<40x128xf32, #tpu.memory_space<vmem_shared>>) target_semaphore(%run_scoped3A : memref<!tpu.dma_semaphore, #tpu.memory_space<semaphore_mem>>)
      %dma_wait3A_156 = arith.constant 0 : i32
      %dma_wait3A_157 = tpu.memref_slice %arg22[%add3A_16, %dma_wait3A_156] : memref<10240x128xf32, #tpu.memory_space<vmem_shared>> -> memref<40x128xf32, #tpu.memory_space<vmem_shared>>
      %dma_wait3A_158 = arith.constant 0 : i32
      %dma_wait3A_159 = tpu.memref_slice %arg22[%add3A_16, %dma_wait3A_158] : memref<10240x128xf32, #tpu.memory_space<vmem_shared>> -> memref<40x128xf32, #tpu.memory_space<vmem_shared>>
      tpu.wait_dma2 semaphore(%run_scoped3A : memref<!tpu.dma_semaphore, #tpu.memory_space<semaphore_mem>>) src(%arg17 : memref<40x128xf32, #tpu.memory_space<vmem>>) dst(%dma_wait3A_159 : memref<40x128xf32, #tpu.memory_space<vmem_shared>>)
      tpu.yield
    }) : () -> ()
    %add3A_17 = arith.constant 240 : i32
    %add3A_18 = arith.addi %mul3A_4, %add3A_17 : i32
    "tpu.region"() ({
      %run_scoped3A = tpu.sem_alloc : memref<!tpu.dma_semaphore, #tpu.memory_space<semaphore_mem>>
      %dma_start3A_152 = arith.constant 0 : i32
      %dma_start3A_153 = tpu.memref_slice %arg22[%add3A_18, %dma_start3A_152] : memref<10240x128xf32, #tpu.memory_space<vmem_shared>> -> memref<40x128xf32, #tpu.memory_space<vmem_shared>>
      %dma_start3A_154 = arith.constant 0 : i32
      %dma_start3A_155 = tpu.memref_slice %arg22[%add3A_18, %dma_start3A_154] : memref<10240x128xf32, #tpu.memory_space<vmem_shared>> -> memref<40x128xf32, #tpu.memory_space<vmem_shared>>
      tpu.enqueue_dma source(%arg17 : memref<40x128xf32, #tpu.memory_space<vmem>>) target(%dma_start3A_155 : memref<40x128xf32, #tpu.memory_space<vmem_shared>>) target_semaphore(%run_scoped3A : memref<!tpu.dma_semaphore, #tpu.memory_space<semaphore_mem>>)
      %dma_wait3A_156 = arith.constant 0 : i32
      %dma_wait3A_157 = tpu.memref_slice %arg22[%add3A_18, %dma_wait3A_156] : memref<10240x128xf32, #tpu.memory_space<vmem_shared>> -> memref<40x128xf32, #tpu.memory_space<vmem_shared>>
      %dma_wait3A_158 = arith.constant 0 : i32
      %dma_wait3A_159 = tpu.memref_slice %arg22[%add3A_18, %dma_wait3A_158] : memref<10240x128xf32, #tpu.memory_space<vmem_shared>> -> memref<40x128xf32, #tpu.memory_space<vmem_shared>>
      tpu.wait_dma2 semaphore(%run_scoped3A : memref<!tpu.dma_semaphore, #tpu.memory_space<semaphore_mem>>) src(%arg17 : memref<40x128xf32, #tpu.memory_space<vmem>>) dst(%dma_wait3A_159 : memref<40x128xf32, #tpu.memory_space<vmem_shared>>)
      tpu.yield
    }) : () -> ()
    %add3A_19 = arith.constant 280 : i32
    %add3A_20 = arith.addi %mul3A_4, %add3A_19 : i32
    "tpu.region"() ({
      %run_scoped3A = tpu.sem_alloc : memref<!tpu.dma_semaphore, #tpu.memory_space<semaphore_mem>>
      %dma_start3A_152 = arith.constant 0 : i32
      %dma_start3A_153 = tpu.memref_slice %arg22[%add3A_20, %dma_start3A_152] : memref<10240x128xf32, #tpu.memory_space<vmem_shared>> -> memref<40x128xf32, #tpu.memory_space<vmem_shared>>
      %dma_start3A_154 = arith.constant 0 : i32
      %dma_start3A_155 = tpu.memref_slice %arg22[%add3A_20, %dma_start3A_154] : memref<10240x128xf32, #tpu.memory_space<vmem_shared>> -> memref<40x128xf32, #tpu.memory_space<vmem_shared>>
      tpu.enqueue_dma source(%arg17 : memref<40x128xf32, #tpu.memory_space<vmem>>) target(%dma_start3A_155 : memref<40x128xf32, #tpu.memory_space<vmem_shared>>) target_semaphore(%run_scoped3A : memref<!tpu.dma_semaphore, #tpu.memory_space<semaphore_mem>>)
      %dma_wait3A_156 = arith.constant 0 : i32
      %dma_wait3A_157 = tpu.memref_slice %arg22[%add3A_20, %dma_wait3A_156] : memref<10240x128xf32, #tpu.memory_space<vmem_shared>> -> memref<40x128xf32, #tpu.memory_space<vmem_shared>>
      %dma_wait3A_158 = arith.constant 0 : i32
      %dma_wait3A_159 = tpu.memref_slice %arg22[%add3A_20, %dma_wait3A_158] : memref<10240x128xf32, #tpu.memory_space<vmem_shared>> -> memref<40x128xf32, #tpu.memory_space<vmem_shared>>
      tpu.wait_dma2 semaphore(%run_scoped3A : memref<!tpu.dma_semaphore, #tpu.memory_space<semaphore_mem>>) src(%arg17 : memref<40x128xf32, #tpu.memory_space<vmem>>) dst(%dma_wait3A_159 : memref<40x128xf32, #tpu.memory_space<vmem_shared>>)
      tpu.yield
    }) : () -> ()
    %add3A_21 = arith.constant 320 : i32
    %add3A_22 = arith.addi %mul3A_4, %add3A_21 : i32
    "tpu.region"() ({
      %run_scoped3A = tpu.sem_alloc : memref<!tpu.dma_semaphore, #tpu.memory_space<semaphore_mem>>
      %dma_start3A_152 = arith.constant 0 : i32
      %dma_start3A_153 = tpu.memref_slice %arg22[%add3A_22, %dma_start3A_152] : memref<10240x128xf32, #tpu.memory_space<vmem_shared>> -> memref<40x128xf32, #tpu.memory_space<vmem_shared>>
      %dma_start3A_154 = arith.constant 0 : i32
      %dma_start3A_155 = tpu.memref_slice %arg22[%add3A_22, %dma_start3A_154] : memref<10240x128xf32, #tpu.memory_space<vmem_shared>> -> memref<40x128xf32, #tpu.memory_space<vmem_shared>>
      tpu.enqueue_dma source(%arg17 : memref<40x128xf32, #tpu.memory_space<vmem>>) target(%dma_start3A_155 : memref<40x128xf32, #tpu.memory_space<vmem_shared>>) target_semaphore(%run_scoped3A : memref<!tpu.dma_semaphore, #tpu.memory_space<semaphore_mem>>)
      %dma_wait3A_156 = arith.constant 0 : i32
      %dma_wait3A_157 = tpu.memref_slice %arg22[%add3A_22, %dma_wait3A_156] : memref<10240x128xf32, #tpu.memory_space<vmem_shared>> -> memref<40x128xf32, #tpu.memory_space<vmem_shared>>
      %dma_wait3A_158 = arith.constant 0 : i32
      %dma_wait3A_159 = tpu.memref_slice %arg22[%add3A_22, %dma_wait3A_158] : memref<10240x128xf32, #tpu.memory_space<vmem_shared>> -> memref<40x128xf32, #tpu.memory_space<vmem_shared>>
      tpu.wait_dma2 semaphore(%run_scoped3A : memref<!tpu.dma_semaphore, #tpu.memory_space<semaphore_mem>>) src(%arg17 : memref<40x128xf32, #tpu.memory_space<vmem>>) dst(%dma_wait3A_159 : memref<40x128xf32, #tpu.memory_space<vmem_shared>>)
      tpu.yield
    }) : () -> ()
    %add3A_23 = arith.constant 360 : i32
    %add3A_24 = arith.addi %mul3A_4, %add3A_23 : i32
    "tpu.region"() ({
      %run_scoped3A = tpu.sem_alloc : memref<!tpu.dma_semaphore, #tpu.memory_space<semaphore_mem>>
      %dma_start3A_152 = arith.constant 0 : i32
      %dma_start3A_153 = tpu.memref_slice %arg22[%add3A_24, %dma_start3A_152] : memref<10240x128xf32, #tpu.memory_space<vmem_shared>> -> memref<40x128xf32, #tpu.memory_space<vmem_shared>>
      %dma_start3A_154 = arith.constant 0 : i32
      %dma_start3A_155 = tpu.memref_slice %arg22[%add3A_24, %dma_start3A_154] : memref<10240x128xf32, #tpu.memory_space<vmem_shared>> -> memref<40x128xf32, #tpu.memory_space<vmem_shared>>
      tpu.enqueue_dma source(%arg17 : memref<40x128xf32, #tpu.memory_space<vmem>>) target(%dma_start3A_155 : memref<40x128xf32, #tpu.memory_space<vmem_shared>>) target_semaphore(%run_scoped3A : memref<!tpu.dma_semaphore, #tpu.memory_space<semaphore_mem>>)
      %dma_wait3A_156 = arith.constant 0 : i32
      %dma_wait3A_157 = tpu.memref_slice %arg22[%add3A_24, %dma_wait3A_156] : memref<10240x128xf32, #tpu.memory_space<vmem_shared>> -> memref<40x128xf32, #tpu.memory_space<vmem_shared>>
      %dma_wait3A_158 = arith.constant 0 : i32
      %dma_wait3A_159 = tpu.memref_slice %arg22[%add3A_24, %dma_wait3A_158] : memref<10240x128xf32, #tpu.memory_space<vmem_shared>> -> memref<40x128xf32, #tpu.memory_space<vmem_shared>>
      tpu.wait_dma2 semaphore(%run_scoped3A : memref<!tpu.dma_semaphore, #tpu.memory_space<semaphore_mem>>) src(%arg17 : memref<40x128xf32, #tpu.memory_space<vmem>>) dst(%dma_wait3A_159 : memref<40x128xf32, #tpu.memory_space<vmem_shared>>)
      tpu.yield
    }) : () -> ()
    %add3A_25 = arith.constant 400 : i32
    %add3A_26 = arith.addi %mul3A_4, %add3A_25 : i32
    "tpu.region"() ({
      %run_scoped3A = tpu.sem_alloc : memref<!tpu.dma_semaphore, #tpu.memory_space<semaphore_mem>>
      %dma_start3A_152 = arith.constant 0 : i32
      %dma_start3A_153 = tpu.memref_slice %arg22[%add3A_26, %dma_start3A_152] : memref<10240x128xf32, #tpu.memory_space<vmem_shared>> -> memref<40x128xf32, #tpu.memory_space<vmem_shared>>
      %dma_start3A_154 = arith.constant 0 : i32
      %dma_start3A_155 = tpu.memref_slice %arg22[%add3A_26, %dma_start3A_154] : memref<10240x128xf32, #tpu.memory_space<vmem_shared>> -> memref<40x128xf32, #tpu.memory_space<vmem_shared>>
      tpu.enqueue_dma source(%arg17 : memref<40x128xf32, #tpu.memory_space<vmem>>) target(%dma_start3A_155 : memref<40x128xf32, #tpu.memory_space<vmem_shared>>) target_semaphore(%run_scoped3A : memref<!tpu.dma_semaphore, #tpu.memory_space<semaphore_mem>>)
      %dma_wait3A_156 = arith.constant 0 : i32
      %dma_wait3A_157 = tpu.memref_slice %arg22[%add3A_26, %dma_wait3A_156] : memref<10240x128xf32, #tpu.memory_space<vmem_shared>> -> memref<40x128xf32, #tpu.memory_space<vmem_shared>>
      %dma_wait3A_158 = arith.constant 0 : i32
      %dma_wait3A_159 = tpu.memref_slice %arg22[%add3A_26, %dma_wait3A_158] : memref<10240x128xf32, #tpu.memory_space<vmem_shared>> -> memref<40x128xf32, #tpu.memory_space<vmem_shared>>
      tpu.wait_dma2 semaphore(%run_scoped3A : memref<!tpu.dma_semaphore, #tpu.memory_space<semaphore_mem>>) src(%arg17 : memref<40x128xf32, #tpu.memory_space<vmem>>) dst(%dma_wait3A_159 : memref<40x128xf32, #tpu.memory_space<vmem_shared>>)
      tpu.yield
    }) : () -> ()
    %add3A_27 = arith.constant 440 : i32
    %add3A_28 = arith.addi %mul3A_4, %add3A_27 : i32
    "tpu.region"() ({
      %run_scoped3A = tpu.sem_alloc : memref<!tpu.dma_semaphore, #tpu.memory_space<semaphore_mem>>
      %dma_start3A_152 = arith.constant 0 : i32
      %dma_start3A_153 = tpu.memref_slice %arg22[%add3A_28, %dma_start3A_152] : memref<10240x128xf32, #tpu.memory_space<vmem_shared>> -> memref<40x128xf32, #tpu.memory_space<vmem_shared>>
      %dma_start3A_154 = arith.constant 0 : i32
      %dma_start3A_155 = tpu.memref_slice %arg22[%add3A_28, %dma_start3A_154] : memref<10240x128xf32, #tpu.memory_space<vmem_shared>> -> memref<40x128xf32, #tpu.memory_space<vmem_shared>>
      tpu.enqueue_dma source(%arg17 : memref<40x128xf32, #tpu.memory_space<vmem>>) target(%dma_start3A_155 : memref<40x128xf32, #tpu.memory_space<vmem_shared>>) target_semaphore(%run_scoped3A : memref<!tpu.dma_semaphore, #tpu.memory_space<semaphore_mem>>)
      %dma_wait3A_156 = arith.constant 0 : i32
      %dma_wait3A_157 = tpu.memref_slice %arg22[%add3A_28, %dma_wait3A_156] : memref<10240x128xf32, #tpu.memory_space<vmem_shared>> -> memref<40x128xf32, #tpu.memory_space<vmem_shared>>
      %dma_wait3A_158 = arith.constant 0 : i32
      %dma_wait3A_159 = tpu.memref_slice %arg22[%add3A_28, %dma_wait3A_158] : memref<10240x128xf32, #tpu.memory_space<vmem_shared>> -> memref<40x128xf32, #tpu.memory_space<vmem_shared>>
      tpu.wait_dma2 semaphore(%run_scoped3A : memref<!tpu.dma_semaphore, #tpu.memory_space<semaphore_mem>>) src(%arg17 : memref<40x128xf32, #tpu.memory_space<vmem>>) dst(%dma_wait3A_159 : memref<40x128xf32, #tpu.memory_space<vmem_shared>>)
      tpu.yield
    }) : () -> ()
    %add3A_29 = arith.constant 480 : i32
    %add3A_30 = arith.addi %mul3A_4, %add3A_29 : i32
    "tpu.region"() ({
      %run_scoped3A = tpu.sem_alloc : memref<!tpu.dma_semaphore, #tpu.memory_space<semaphore_mem>>
      %dma_start3A_152 = arith.constant 0 : i32
      %dma_start3A_153 = tpu.memref_slice %arg22[%add3A_30, %dma_start3A_152] : memref<10240x128xf32, #tpu.memory_space<vmem_shared>> -> memref<40x128xf32, #tpu.memory_space<vmem_shared>>
      %dma_start3A_154 = arith.constant 0 : i32
      %dma_start3A_155 = tpu.memref_slice %arg22[%add3A_30, %dma_start3A_154] : memref<10240x128xf32, #tpu.memory_space<vmem_shared>> -> memref<40x128xf32, #tpu.memory_space<vmem_shared>>
      tpu.enqueue_dma source(%arg17 : memref<40x128xf32, #tpu.memory_space<vmem>>) target(%dma_start3A_155 : memref<40x128xf32, #tpu.memory_space<vmem_shared>>) target_semaphore(%run_scoped3A : memref<!tpu.dma_semaphore, #tpu.memory_space<semaphore_mem>>)
      %dma_wait3A_156 = arith.constant 0 : i32
      %dma_wait3A_157 = tpu.memref_slice %arg22[%add3A_30, %dma_wait3A_156] : memref<10240x128xf32, #tpu.memory_space<vmem_shared>> -> memref<40x128xf32, #tpu.memory_space<vmem_shared>>
      %dma_wait3A_158 = arith.constant 0 : i32
      %dma_wait3A_159 = tpu.memref_slice %arg22[%add3A_30, %dma_wait3A_158] : memref<10240x128xf32, #tpu.memory_space<vmem_shared>> -> memref<40x128xf32, #tpu.memory_space<vmem_shared>>
      tpu.wait_dma2 semaphore(%run_scoped3A : memref<!tpu.dma_semaphore, #tpu.memory_space<semaphore_mem>>) src(%arg17 : memref<40x128xf32, #tpu.memory_space<vmem>>) dst(%dma_wait3A_159 : memref<40x128xf32, #tpu.memory_space<vmem_shared>>)
      tpu.yield
    }) : () -> ()
    %add3A_31 = arith.constant 520 : i32
    %add3A_32 = arith.addi %mul3A_4, %add3A_31 : i32
    "tpu.region"() ({
      %run_scoped3A = tpu.sem_alloc : memref<!tpu.dma_semaphore, #tpu.memory_space<semaphore_mem>>
      %dma_start3A_152 = arith.constant 0 : i32
      %dma_start3A_153 = tpu.memref_slice %arg22[%add3A_32, %dma_start3A_152] : memref<10240x128xf32, #tpu.memory_space<vmem_shared>> -> memref<40x128xf32, #tpu.memory_space<vmem_shared>>
      %dma_start3A_154 = arith.constant 0 : i32
      %dma_start3A_155 = tpu.memref_slice %arg22[%add3A_32, %dma_start3A_154] : memref<10240x128xf32, #tpu.memory_space<vmem_shared>> -> memref<40x128xf32, #tpu.memory_space<vmem_shared>>
      tpu.enqueue_dma source(%arg17 : memref<40x128xf32, #tpu.memory_space<vmem>>) target(%dma_start3A_155 : memref<40x128xf32, #tpu.memory_space<vmem_shared>>) target_semaphore(%run_scoped3A : memref<!tpu.dma_semaphore, #tpu.memory_space<semaphore_mem>>)
      %dma_wait3A_156 = arith.constant 0 : i32
      %dma_wait3A_157 = tpu.memref_slice %arg22[%add3A_32, %dma_wait3A_156] : memref<10240x128xf32, #tpu.memory_space<vmem_shared>> -> memref<40x128xf32, #tpu.memory_space<vmem_shared>>
      %dma_wait3A_158 = arith.constant 0 : i32
      %dma_wait3A_159 = tpu.memref_slice %arg22[%add3A_32, %dma_wait3A_158] : memref<10240x128xf32, #tpu.memory_space<vmem_shared>> -> memref<40x128xf32, #tpu.memory_space<vmem_shared>>
      tpu.wait_dma2 semaphore(%run_scoped3A : memref<!tpu.dma_semaphore, #tpu.memory_space<semaphore_mem>>) src(%arg17 : memref<40x128xf32, #tpu.memory_space<vmem>>) dst(%dma_wait3A_159 : memref<40x128xf32, #tpu.memory_space<vmem_shared>>)
      tpu.yield
    }) : () -> ()
    %add3A_33 = arith.constant 560 : i32
    %add3A_34 = arith.addi %mul3A_4, %add3A_33 : i32
    "tpu.region"() ({
      %run_scoped3A = tpu.sem_alloc : memref<!tpu.dma_semaphore, #tpu.memory_space<semaphore_mem>>
      %dma_start3A_152 = arith.constant 0 : i32
      %dma_start3A_153 = tpu.memref_slice %arg22[%add3A_34, %dma_start3A_152] : memref<10240x128xf32, #tpu.memory_space<vmem_shared>> -> memref<40x128xf32, #tpu.memory_space<vmem_shared>>
      %dma_start3A_154 = arith.constant 0 : i32
      %dma_start3A_155 = tpu.memref_slice %arg22[%add3A_34, %dma_start3A_154] : memref<10240x128xf32, #tpu.memory_space<vmem_shared>> -> memref<40x128xf32, #tpu.memory_space<vmem_shared>>
      tpu.enqueue_dma source(%arg17 : memref<40x128xf32, #tpu.memory_space<vmem>>) target(%dma_start3A_155 : memref<40x128xf32, #tpu.memory_space<vmem_shared>>) target_semaphore(%run_scoped3A : memref<!tpu.dma_semaphore, #tpu.memory_space<semaphore_mem>>)
      %dma_wait3A_156 = arith.constant 0 : i32
      %dma_wait3A_157 = tpu.memref_slice %arg22[%add3A_34, %dma_wait3A_156] : memref<10240x128xf32, #tpu.memory_space<vmem_shared>> -> memref<40x128xf32, #tpu.memory_space<vmem_shared>>
      %dma_wait3A_158 = arith.constant 0 : i32
      %dma_wait3A_159 = tpu.memref_slice %arg22[%add3A_34, %dma_wait3A_158] : memref<10240x128xf32, #tpu.memory_space<vmem_shared>> -> memref<40x128xf32, #tpu.memory_space<vmem_shared>>
      tpu.wait_dma2 semaphore(%run_scoped3A : memref<!tpu.dma_semaphore, #tpu.memory_space<semaphore_mem>>) src(%arg17 : memref<40x128xf32, #tpu.memory_space<vmem>>) dst(%dma_wait3A_159 : memref<40x128xf32, #tpu.memory_space<vmem_shared>>)
      tpu.yield
    }) : () -> ()
    %add3A_35 = arith.constant 600 : i32
    %add3A_36 = arith.addi %mul3A_4, %add3A_35 : i32
    "tpu.region"() ({
      %run_scoped3A = tpu.sem_alloc : memref<!tpu.dma_semaphore, #tpu.memory_space<semaphore_mem>>
      %dma_start3A_152 = arith.constant 0 : i32
      %dma_start3A_153 = tpu.memref_slice %arg22[%add3A_36, %dma_start3A_152] : memref<10240x128xf32, #tpu.memory_space<vmem_shared>> -> memref<40x128xf32, #tpu.memory_space<vmem_shared>>
      %dma_start3A_154 = arith.constant 0 : i32
      %dma_start3A_155 = tpu.memref_slice %arg22[%add3A_36, %dma_start3A_154] : memref<10240x128xf32, #tpu.memory_space<vmem_shared>> -> memref<40x128xf32, #tpu.memory_space<vmem_shared>>
      tpu.enqueue_dma source(%arg17 : memref<40x128xf32, #tpu.memory_space<vmem>>) target(%dma_start3A_155 : memref<40x128xf32, #tpu.memory_space<vmem_shared>>) target_semaphore(%run_scoped3A : memref<!tpu.dma_semaphore, #tpu.memory_space<semaphore_mem>>)
      %dma_wait3A_156 = arith.constant 0 : i32
      %dma_wait3A_157 = tpu.memref_slice %arg22[%add3A_36, %dma_wait3A_156] : memref<10240x128xf32, #tpu.memory_space<vmem_shared>> -> memref<40x128xf32, #tpu.memory_space<vmem_shared>>
      %dma_wait3A_158 = arith.constant 0 : i32
      %dma_wait3A_159 = tpu.memref_slice %arg22[%add3A_36, %dma_wait3A_158] : memref<10240x128xf32, #tpu.memory_space<vmem_shared>> -> memref<40x128xf32, #tpu.memory_space<vmem_shared>>
      tpu.wait_dma2 semaphore(%run_scoped3A : memref<!tpu.dma_semaphore, #tpu.memory_space<semaphore_mem>>) src(%arg17 : memref<40x128xf32, #tpu.memory_space<vmem>>) dst(%dma_wait3A_159 : memref<40x128xf32, #tpu.memory_space<vmem_shared>>)
      tpu.yield
    }) : () -> ()
    %barrier3A = arith.constant 0 : index
    tpu.barrier barrier_id(%barrier3A)
    %add3A_37 = arith.constant 0 : i32
    %add3A_38 = arith.addi %mul3A_2, %add3A_37 : i32
    %dma_start3A = tpu.memref_slice %arg3[%add3A_38] : memref<320000xi32, #tpu.memory_space<hbm>> -> memref<40xi32, #tpu.memory_space<hbm>>
    %dma_start3A_39 = tpu.memref_slice %arg3[%add3A_38] : memref<320000xi32, #tpu.memory_space<hbm>> -> memref<40xi32, #tpu.memory_space<hbm>>
    tpu.enqueue_dma source(%dma_start3A_39 : memref<40xi32, #tpu.memory_space<hbm>>) target(%arg8 : memref<40xi32, #tpu.memory_space<vmem>>) target_semaphore(%arg23 : memref<!tpu.dma_semaphore, #tpu.memory_space<semaphore_mem>>)
    %dma_start3A_40 = tpu.memref_slice %arg4[%add3A_38] : memref<320000xi32, #tpu.memory_space<hbm>> -> memref<40xi32, #tpu.memory_space<hbm>>
    %dma_start3A_41 = tpu.memref_slice %arg4[%add3A_38] : memref<320000xi32, #tpu.memory_space<hbm>> -> memref<40xi32, #tpu.memory_space<hbm>>
    tpu.enqueue_dma source(%dma_start3A_41 : memref<40xi32, #tpu.memory_space<hbm>>) target(%arg11 : memref<40xi32, #tpu.memory_space<vmem>>) target_semaphore(%arg23 : memref<!tpu.dma_semaphore, #tpu.memory_space<semaphore_mem>>)
    %dma_start3A_42 = arith.constant 0 : i32
    %dma_start3A_43 = tpu.memref_slice %arg5[%add3A_38, %dma_start3A_42] : memref<320000x128xf32, #tpu.memory_space<hbm>> -> memref<40x128xf32, #tpu.memory_space<hbm>>
    %dma_start3A_44 = arith.constant 0 : i32
    %dma_start3A_45 = tpu.memref_slice %arg5[%add3A_38, %dma_start3A_44] : memref<320000x128xf32, #tpu.memory_space<hbm>> -> memref<40x128xf32, #tpu.memory_space<hbm>>
    tpu.enqueue_dma source(%dma_start3A_45 : memref<40x128xf32, #tpu.memory_space<hbm>>) target(%arg20 : memref<40x128xf32, #tpu.memory_space<vmem>>) target_semaphore(%arg23 : memref<!tpu.dma_semaphore, #tpu.memory_space<semaphore_mem>>)
    %add3A_46 = arith.constant 40 : i32
    %add3A_47 = arith.addi %mul3A_2, %add3A_46 : i32
    %dma_start3A_48 = tpu.memref_slice %arg3[%add3A_47] : memref<320000xi32, #tpu.memory_space<hbm>> -> memref<40xi32, #tpu.memory_space<hbm>>
    %dma_start3A_49 = tpu.memref_slice %arg3[%add3A_47] : memref<320000xi32, #tpu.memory_space<hbm>> -> memref<40xi32, #tpu.memory_space<hbm>>
    tpu.enqueue_dma source(%dma_start3A_49 : memref<40xi32, #tpu.memory_space<hbm>>) target(%arg9 : memref<40xi32, #tpu.memory_space<vmem>>) target_semaphore(%arg24 : memref<!tpu.dma_semaphore, #tpu.memory_space<semaphore_mem>>)
    %dma_start3A_50 = tpu.memref_slice %arg4[%add3A_47] : memref<320000xi32, #tpu.memory_space<hbm>> -> memref<40xi32, #tpu.memory_space<hbm>>
    %dma_start3A_51 = tpu.memref_slice %arg4[%add3A_47] : memref<320000xi32, #tpu.memory_space<hbm>> -> memref<40xi32, #tpu.memory_space<hbm>>
    tpu.enqueue_dma source(%dma_start3A_51 : memref<40xi32, #tpu.memory_space<hbm>>) target(%arg12 : memref<40xi32, #tpu.memory_space<vmem>>) target_semaphore(%arg24 : memref<!tpu.dma_semaphore, #tpu.memory_space<semaphore_mem>>)
    %dma_start3A_52 = arith.constant 0 : i32
    %dma_start3A_53 = tpu.memref_slice %arg5[%add3A_47, %dma_start3A_52] : memref<320000x128xf32, #tpu.memory_space<hbm>> -> memref<40x128xf32, #tpu.memory_space<hbm>>
    %dma_start3A_54 = arith.constant 0 : i32
    %dma_start3A_55 = tpu.memref_slice %arg5[%add3A_47, %dma_start3A_54] : memref<320000x128xf32, #tpu.memory_space<hbm>> -> memref<40x128xf32, #tpu.memory_space<hbm>>
    tpu.enqueue_dma source(%dma_start3A_55 : memref<40x128xf32, #tpu.memory_space<hbm>>) target(%arg21 : memref<40x128xf32, #tpu.memory_space<vmem>>) target_semaphore(%arg24 : memref<!tpu.dma_semaphore, #tpu.memory_space<semaphore_mem>>)
    %dma_wait3A = arith.constant 0 : i32
    %dma_wait3A_56 = tpu.memref_slice %arg3[%dma_wait3A] : memref<320000xi32, #tpu.memory_space<hbm>> -> memref<40xi32, #tpu.memory_space<hbm>>
    %dma_wait3A_57 = arith.constant 0 : i32
    %dma_wait3A_58 = tpu.memref_slice %arg3[%dma_wait3A_57] : memref<320000xi32, #tpu.memory_space<hbm>> -> memref<40xi32, #tpu.memory_space<hbm>>
    tpu.wait_dma2 semaphore(%arg23 : memref<!tpu.dma_semaphore, #tpu.memory_space<semaphore_mem>>) src(%dma_wait3A_58 : memref<40xi32, #tpu.memory_space<hbm>>) dst(%arg8 : memref<40xi32, #tpu.memory_space<vmem>>)
    %dma_wait3A_59 = arith.constant 0 : i32
    %dma_wait3A_60 = tpu.memref_slice %arg4[%dma_wait3A_59] : memref<320000xi32, #tpu.memory_space<hbm>> -> memref<40xi32, #tpu.memory_space<hbm>>
    %dma_wait3A_61 = arith.constant 0 : i32
    %dma_wait3A_62 = tpu.memref_slice %arg4[%dma_wait3A_61] : memref<320000xi32, #tpu.memory_space<hbm>> -> memref<40xi32, #tpu.memory_space<hbm>>
    tpu.wait_dma2 semaphore(%arg23 : memref<!tpu.dma_semaphore, #tpu.memory_space<semaphore_mem>>) src(%dma_wait3A_62 : memref<40xi32, #tpu.memory_space<hbm>>) dst(%arg11 : memref<40xi32, #tpu.memory_space<vmem>>)
    %dma_wait3A_63 = arith.constant 0 : i32
    %dma_wait3A_64 = arith.constant 0 : i32
    %dma_wait3A_65 = tpu.memref_slice %arg5[%dma_wait3A_63, %dma_wait3A_64] : memref<320000x128xf32, #tpu.memory_space<hbm>> -> memref<40x128xf32, #tpu.memory_space<hbm>>
    %dma_wait3A_66 = arith.constant 0 : i32
    %dma_wait3A_67 = arith.constant 0 : i32
    %dma_wait3A_68 = tpu.memref_slice %arg5[%dma_wait3A_66, %dma_wait3A_67] : memref<320000x128xf32, #tpu.memory_space<hbm>> -> memref<40x128xf32, #tpu.memory_space<hbm>>
    tpu.wait_dma2 semaphore(%arg23 : memref<!tpu.dma_semaphore, #tpu.memory_space<semaphore_mem>>) src(%dma_wait3A_68 : memref<40x128xf32, #tpu.memory_space<hbm>>) dst(%arg20 : memref<40x128xf32, #tpu.memory_space<vmem>>)
    %dma_start3A_69 = arith.constant 0 : i32
    %dma_start3A_70 = arith.constant 0 : i32
    %dma_start3A_71 = tpu.memref_slice %arg2[%dma_start3A_69, %dma_start3A_70] : memref<10000x128xf32, #tpu.memory_space<hbm>> -> memref<10000x128xf32, #tpu.memory_space<hbm>>
    tpu.enqueue_indirect_dma source(%dma_start3A_71 : memref<10000x128xf32, #tpu.memory_space<hbm>>) target(%arg17 : memref<40x128xf32, #tpu.memory_space<vmem>>) offsets(%arg8 : memref<40xi32, #tpu.memory_space<vmem>>) semaphore(%arg26 : memref<!tpu.dma_semaphore, #tpu.memory_space<semaphore_mem>>)
    %scan3A = arith.constant 0 : i32
    %scan3A_72 = arith.constant 0 : i32
    %scan3A_73 = arith.constant 42 : i32
    %scan3A_74 = arith.addi %scan3A_72, %scan3A_73 : i32
    %scan3A_75 = arith.constant 1 : i32
    %scan3A_76 = scf.for %scan3A_152 = %scan3A_72 to %scan3A_74 step %scan3A_75 iter_args(%scan3A_153 = %scan3A) -> (i32)  : i32 {
      %mul3A_154 = arith.constant 6 : i32
      %mul3A_155 = arith.muli %mul3A_154, %scan3A_152 : i32
      %add3A_156 = arith.constant 0 : i32
      %add3A_157 = arith.addi %mul3A_155, %add3A_156 : i32
      %ge3A = arith.constant 2 : i32
      %ge3A_158 = arith.cmpi sge, %add3A_157, %ge3A : i32
      %lt3A = arith.constant 250 : i32
      %lt3A_159 = arith.cmpi slt, %add3A_157, %lt3A : i32
      %and3A = arith.andi %ge3A_158, %lt3A_159 : i1
      %convert_element_type3A = arith.extui %and3A : i1 to i32
      %cond3A = arith.constant 0 : i32
      %cond3A_160 = arith.cmpi ne, %convert_element_type3A, %cond3A : i32
      scf.if %cond3A_160 {
        %dma_wait3A_396 = arith.constant 0 : i32
        %dma_wait3A_397 = arith.constant 0 : i32
        %dma_wait3A_398 = tpu.memref_slice %arg22[%dma_wait3A_396, %dma_wait3A_397] : memref<10240x128xf32, #tpu.memory_space<vmem_shared>> -> memref<10240x128xf32, #tpu.memory_space<vmem_shared>>
        tpu.wait_indirect_dma semaphore(%arg30 : memref<!tpu.dma_semaphore, #tpu.memory_space<semaphore_mem>>) src(%arg18 : memref<40x128xf32, #tpu.memory_space<vmem>>) dst(%dma_wait3A_398 : memref<10240x128xf32, #tpu.memory_space<vmem_shared>>)
      } else {
      }
      %lt3A_161 = arith.constant 250 : i32
      %lt3A_162 = arith.cmpi slt, %add3A_157, %lt3A_161 : i32
      %convert_element_type3A_163 = arith.extui %lt3A_162 : i1 to i32
      %cond3A_164 = arith.constant 0 : i32
      %cond3A_165 = arith.cmpi ne, %convert_element_type3A_163, %cond3A_164 : i32
      scf.if %cond3A_165 {
        %dma_wait3A_396 = arith.constant 0 : i32
        %dma_wait3A_397 = arith.constant 0 : i32
        %dma_wait3A_398 = tpu.memref_slice %arg2[%dma_wait3A_396, %dma_wait3A_397] : memref<10000x128xf32, #tpu.memory_space<hbm>> -> memref<10000x128xf32, #tpu.memory_space<hbm>>
        tpu.wait_indirect_dma semaphore(%arg26 : memref<!tpu.dma_semaphore, #tpu.memory_space<semaphore_mem>>) src(%dma_wait3A_398 : memref<10000x128xf32, #tpu.memory_space<hbm>>) dst(%arg17 : memref<40x128xf32, #tpu.memory_space<vmem>>)
      } else {
      }
      %add3A_166 = arith.constant 1 : i32
      %add3A_167 = arith.addi %add3A_157, %add3A_166 : i32
      %lt3A_168 = arith.constant 250 : i32
      %lt3A_169 = arith.cmpi slt, %add3A_167, %lt3A_168 : i32
      %convert_element_type3A_170 = arith.extui %lt3A_169 : i1 to i32
      %cond3A_171 = arith.constant 0 : i32
      %cond3A_172 = arith.cmpi ne, %convert_element_type3A_170, %cond3A_171 : i32
      scf.if %cond3A_172 {
        %dma_wait3A_396 = arith.constant 0 : i32
        %dma_wait3A_397 = tpu.memref_slice %arg3[%dma_wait3A_396] : memref<320000xi32, #tpu.memory_space<hbm>> -> memref<40xi32, #tpu.memory_space<hbm>>
        %dma_wait3A_398 = arith.constant 0 : i32
        %dma_wait3A_399 = tpu.memref_slice %arg3[%dma_wait3A_398] : memref<320000xi32, #tpu.memory_space<hbm>> -> memref<40xi32, #tpu.memory_space<hbm>>
        tpu.wait_dma2 semaphore(%arg24 : memref<!tpu.dma_semaphore, #tpu.memory_space<semaphore_mem>>) src(%dma_wait3A_399 : memref<40xi32, #tpu.memory_space<hbm>>) dst(%arg9 : memref<40xi32, #tpu.memory_space<vmem>>)
        %dma_wait3A_400 = arith.constant 0 : i32
        %dma_wait3A_401 = tpu.memref_slice %arg4[%dma_wait3A_400] : memref<320000xi32, #tpu.memory_space<hbm>> -> memref<40xi32, #tpu.memory_space<hbm>>
        %dma_wait3A_402 = arith.constant 0 : i32
        %dma_wait3A_403 = tpu.memref_slice %arg4[%dma_wait3A_402] : memref<320000xi32, #tpu.memory_space<hbm>> -> memref<40xi32, #tpu.memory_space<hbm>>
        tpu.wait_dma2 semaphore(%arg24 : memref<!tpu.dma_semaphore, #tpu.memory_space<semaphore_mem>>) src(%dma_wait3A_403 : memref<40xi32, #tpu.memory_space<hbm>>) dst(%arg12 : memref<40xi32, #tpu.memory_space<vmem>>)
        %dma_wait3A_404 = arith.constant 0 : i32
        %dma_wait3A_405 = arith.constant 0 : i32
        %dma_wait3A_406 = tpu.memref_slice %arg5[%dma_wait3A_404, %dma_wait3A_405] : memref<320000x128xf32, #tpu.memory_space<hbm>> -> memref<40x128xf32, #tpu.memory_space<hbm>>
        %dma_wait3A_407 = arith.constant 0 : i32
        %dma_wait3A_408 = arith.constant 0 : i32
        %dma_wait3A_409 = tpu.memref_slice %arg5[%dma_wait3A_407, %dma_wait3A_408] : memref<320000x128xf32, #tpu.memory_space<hbm>> -> memref<40x128xf32, #tpu.memory_space<hbm>>
        tpu.wait_dma2 semaphore(%arg24 : memref<!tpu.dma_semaphore, #tpu.memory_space<semaphore_mem>>) src(%dma_wait3A_409 : memref<40x128xf32, #tpu.memory_space<hbm>>) dst(%arg21 : memref<40x128xf32, #tpu.memory_space<vmem>>)
        %dma_start3A_410 = arith.constant 0 : i32
        %dma_start3A_411 = arith.constant 0 : i32
        %dma_start3A_412 = tpu.memref_slice %arg2[%dma_start3A_410, %dma_start3A_411] : memref<10000x128xf32, #tpu.memory_space<hbm>> -> memref<10000x128xf32, #tpu.memory_space<hbm>>
        tpu.enqueue_indirect_dma source(%dma_start3A_412 : memref<10000x128xf32, #tpu.memory_space<hbm>>) target(%arg18 : memref<40x128xf32, #tpu.memory_space<vmem>>) offsets(%arg9 : memref<40xi32, #tpu.memory_space<vmem>>) semaphore(%arg27 : memref<!tpu.dma_semaphore, #tpu.memory_space<semaphore_mem>>)
      } else {
      }
      %lt3A_173 = arith.constant 250 : i32
      %lt3A_174 = arith.cmpi slt, %add3A_157, %lt3A_173 : i32
      %convert_element_type3A_175 = arith.extui %lt3A_174 : i1 to i32
      %cond3A_176 = arith.constant 0 : i32
      %cond3A_177 = arith.cmpi ne, %convert_element_type3A_175, %cond3A_176 : i32
      scf.if %cond3A_177 {
        %scan3A_396 = arith.constant 0 : i32
        %scan3A_397 = arith.constant 0 : i32
        %scan3A_398 = arith.constant 40 : i32
        %scan3A_399 = arith.addi %scan3A_397, %scan3A_398 : i32
        %scan3A_400 = arith.constant 1 : i32
        %scan3A_401 = scf.for %scan3A_403 = %scan3A_397 to %scan3A_399 step %scan3A_400 iter_args(%scan3A_404 = %scan3A_396) -> (i32)  : i32 {
          %get3A = arith.index_cast %scan3A_403 : i32 to index
          %get3A_405 = arith.constant 0 : index
          %get3A_406 = tpu.vector_load %arg17[%get3A, %get3A_405] {strides = array<i32>} : memref<40x128xf32, #tpu.memory_space<vmem>>, vector<1x16xf32>,
          %get3A_407 = vector.shape_cast %get3A_406 : vector<1x16xf32> to vector<16xf32>
          %get3A_408 = arith.index_cast %scan3A_403 : i32 to index
          %get3A_409 = arith.constant 0 : index
          %get3A_410 = tpu.vector_load %arg20[%get3A_408, %get3A_409] {strides = array<i32>} : memref<40x128xf32, #tpu.memory_space<vmem>>, vector<1x16xf32>,
          %get3A_411 = vector.shape_cast %get3A_410 : vector<1x16xf32> to vector<16xf32>
          %mul3A_412 = arith.mulf %get3A_407, %get3A_411 : vector<16xf32>
          %swap3A = arith.index_cast %scan3A_403 : i32 to index
          %swap3A_413 = arith.constant 0 : index
          %swap3A_414 = tpu.vector_load %arg17[%swap3A, %swap3A_413] {strides = array<i32>} : memref<40x128xf32, #tpu.memory_space<vmem>>, vector<1x16xf32>,
          %swap3A_415 = vector.shape_cast %swap3A_414 : vector<1x16xf32> to vector<16xf32>
          %swap3A_416 = vector.shape_cast %mul3A_412 : vector<16xf32> to vector<1x16xf32>
          tpu.vector_store %arg17[%swap3A, %swap3A_413], %swap3A_416 {strides = array<i32>} : memref<40x128xf32, #tpu.memory_space<vmem>>, vector<1x16xf32>,
          %get3A_417 = arith.index_cast %scan3A_403 : i32 to index
          %get3A_418 = arith.constant 16 : index
          %get3A_419 = tpu.vector_load %arg17[%get3A_417, %get3A_418] {strides = array<i32>} : memref<40x128xf32, #tpu.memory_space<vmem>>, vector<1x16xf32>,
          %get3A_420 = vector.shape_cast %get3A_419 : vector<1x16xf32> to vector<16xf32>
          %get3A_421 = arith.index_cast %scan3A_403 : i32 to index
          %get3A_422 = arith.constant 16 : index
          %get3A_423 = tpu.vector_load %arg20[%get3A_421, %get3A_422] {strides = array<i32>} : memref<40x128xf32, #tpu.memory_space<vmem>>, vector<1x16xf32>,
          %get3A_424 = vector.shape_cast %get3A_423 : vector<1x16xf32> to vector<16xf32>
          %mul3A_425 = arith.mulf %get3A_420, %get3A_424 : vector<16xf32>
          %swap3A_426 = arith.index_cast %scan3A_403 : i32 to index
          %swap3A_427 = arith.constant 16 : index
          %swap3A_428 = tpu.vector_load %arg17[%swap3A_426, %swap3A_427] {strides = array<i32>} : memref<40x128xf32, #tpu.memory_space<vmem>>, vector<1x16xf32>,
          %swap3A_429 = vector.shape_cast %swap3A_428 : vector<1x16xf32> to vector<16xf32>
          %swap3A_430 = vector.shape_cast %mul3A_425 : vector<16xf32> to vector<1x16xf32>
          tpu.vector_store %arg17[%swap3A_426, %swap3A_427], %swap3A_430 {strides = array<i32>} : memref<40x128xf32, #tpu.memory_space<vmem>>, vector<1x16xf32>,
          %get3A_431 = arith.index_cast %scan3A_403 : i32 to index
          %get3A_432 = arith.constant 32 : index
          %get3A_433 = tpu.vector_load %arg17[%get3A_431, %get3A_432] {strides = array<i32>} : memref<40x128xf32, #tpu.memory_space<vmem>>, vector<1x16xf32>,
          %get3A_434 = vector.shape_cast %get3A_433 : vector<1x16xf32> to vector<16xf32>
          %get3A_435 = arith.index_cast %scan3A_403 : i32 to index
          %get3A_436 = arith.constant 32 : index
          %get3A_437 = tpu.vector_load %arg20[%get3A_435, %get3A_436] {strides = array<i32>} : memref<40x128xf32, #tpu.memory_space<vmem>>, vector<1x16xf32>,
          %get3A_438 = vector.shape_cast %get3A_437 : vector<1x16xf32> to vector<16xf32>
          %mul3A_439 = arith.mulf %get3A_434, %get3A_438 : vector<16xf32>
          %swap3A_440 = arith.index_cast %scan3A_403 : i32 to index
          %swap3A_441 = arith.constant 32 : index
          %swap3A_442 = tpu.vector_load %arg17[%swap3A_440, %swap3A_441] {strides = array<i32>} : memref<40x128xf32, #tpu.memory_space<vmem>>, vector<1x16xf32>,
          %swap3A_443 = vector.shape_cast %swap3A_442 : vector<1x16xf32> to vector<16xf32>
          %swap3A_444 = vector.shape_cast %mul3A_439 : vector<16xf32> to vector<1x16xf32>
          tpu.vector_store %arg17[%swap3A_440, %swap3A_441], %swap3A_444 {strides = array<i32>} : memref<40x128xf32, #tpu.memory_space<vmem>>, vector<1x16xf32>,
          %get3A_445 = arith.index_cast %scan3A_403 : i32 to index
          %get3A_446 = arith.constant 48 : index
          %get3A_447 = tpu.vector_load %arg17[%get3A_445, %get3A_446] {strides = array<i32>} : memref<40x128xf32, #tpu.memory_space<vmem>>, vector<1x16xf32>,
          %get3A_448 = vector.shape_cast %get3A_447 : vector<1x16xf32> to vector<16xf32>
          %get3A_449 = arith.index_cast %scan3A_403 : i32 to index
          %get3A_450 = arith.constant 48 : index
          %get3A_451 = tpu.vector_load %arg20[%get3A_449, %get3A_450] {strides = array<i32>} : memref<40x128xf32, #tpu.memory_space<vmem>>, vector<1x16xf32>,
          %get3A_452 = vector.shape_cast %get3A_451 : vector<1x16xf32> to vector<16xf32>
          %mul3A_453 = arith.mulf %get3A_448, %get3A_452 : vector<16xf32>
          %swap3A_454 = arith.index_cast %scan3A_403 : i32 to index
          %swap3A_455 = arith.constant 48 : index
          %swap3A_456 = tpu.vector_load %arg17[%swap3A_454, %swap3A_455] {strides = array<i32>} : memref<40x128xf32, #tpu.memory_space<vmem>>, vector<1x16xf32>,
          %swap3A_457 = vector.shape_cast %swap3A_456 : vector<1x16xf32> to vector<16xf32>
          %swap3A_458 = vector.shape_cast %mul3A_453 : vector<16xf32> to vector<1x16xf32>
          tpu.vector_store %arg17[%swap3A_454, %swap3A_455], %swap3A_458 {strides = array<i32>} : memref<40x128xf32, #tpu.memory_space<vmem>>, vector<1x16xf32>,
          %get3A_459 = arith.index_cast %scan3A_403 : i32 to index
          %get3A_460 = arith.constant 64 : index
          %get3A_461 = tpu.vector_load %arg17[%get3A_459, %get3A_460] {strides = array<i32>} : memref<40x128xf32, #tpu.memory_space<vmem>>, vector<1x16xf32>,
          %get3A_462 = vector.shape_cast %get3A_461 : vector<1x16xf32> to vector<16xf32>
          %get3A_463 = arith.index_cast %scan3A_403 : i32 to index
          %get3A_464 = arith.constant 64 : index
          %get3A_465 = tpu.vector_load %arg20[%get3A_463, %get3A_464] {strides = array<i32>} : memref<40x128xf32, #tpu.memory_space<vmem>>, vector<1x16xf32>,
          %get3A_466 = vector.shape_cast %get3A_465 : vector<1x16xf32> to vector<16xf32>
          %mul3A_467 = arith.mulf %get3A_462, %get3A_466 : vector<16xf32>
          %swap3A_468 = arith.index_cast %scan3A_403 : i32 to index
          %swap3A_469 = arith.constant 64 : index
          %swap3A_470 = tpu.vector_load %arg17[%swap3A_468, %swap3A_469] {strides = array<i32>} : memref<40x128xf32, #tpu.memory_space<vmem>>, vector<1x16xf32>,
          %swap3A_471 = vector.shape_cast %swap3A_470 : vector<1x16xf32> to vector<16xf32>
          %swap3A_472 = vector.shape_cast %mul3A_467 : vector<16xf32> to vector<1x16xf32>
          tpu.vector_store %arg17[%swap3A_468, %swap3A_469], %swap3A_472 {strides = array<i32>} : memref<40x128xf32, #tpu.memory_space<vmem>>, vector<1x16xf32>,
          %get3A_473 = arith.index_cast %scan3A_403 : i32 to index
          %get3A_474 = arith.constant 80 : index
          %get3A_475 = tpu.vector_load %arg17[%get3A_473, %get3A_474] {strides = array<i32>} : memref<40x128xf32, #tpu.memory_space<vmem>>, vector<1x16xf32>,
          %get3A_476 = vector.shape_cast %get3A_475 : vector<1x16xf32> to vector<16xf32>
          %get3A_477 = arith.index_cast %scan3A_403 : i32 to index
          %get3A_478 = arith.constant 80 : index
          %get3A_479 = tpu.vector_load %arg20[%get3A_477, %get3A_478] {strides = array<i32>} : memref<40x128xf32, #tpu.memory_space<vmem>>, vector<1x16xf32>,
          %get3A_480 = vector.shape_cast %get3A_479 : vector<1x16xf32> to vector<16xf32>
          %mul3A_481 = arith.mulf %get3A_476, %get3A_480 : vector<16xf32>
          %swap3A_482 = arith.index_cast %scan3A_403 : i32 to index
          %swap3A_483 = arith.constant 80 : index
          %swap3A_484 = tpu.vector_load %arg17[%swap3A_482, %swap3A_483] {strides = array<i32>} : memref<40x128xf32, #tpu.memory_space<vmem>>, vector<1x16xf32>,
          %swap3A_485 = vector.shape_cast %swap3A_484 : vector<1x16xf32> to vector<16xf32>
          %swap3A_486 = vector.shape_cast %mul3A_481 : vector<16xf32> to vector<1x16xf32>
          tpu.vector_store %arg17[%swap3A_482, %swap3A_483], %swap3A_486 {strides = array<i32>} : memref<40x128xf32, #tpu.memory_space<vmem>>, vector<1x16xf32>,
          %get3A_487 = arith.index_cast %scan3A_403 : i32 to index
          %get3A_488 = arith.constant 96 : index
          %get3A_489 = tpu.vector_load %arg17[%get3A_487, %get3A_488] {strides = array<i32>} : memref<40x128xf32, #tpu.memory_space<vmem>>, vector<1x16xf32>,
          %get3A_490 = vector.shape_cast %get3A_489 : vector<1x16xf32> to vector<16xf32>
          %get3A_491 = arith.index_cast %scan3A_403 : i32 to index
          %get3A_492 = arith.constant 96 : index
          %get3A_493 = tpu.vector_load %arg20[%get3A_491, %get3A_492] {strides = array<i32>} : memref<40x128xf32, #tpu.memory_space<vmem>>, vector<1x16xf32>,
          %get3A_494 = vector.shape_cast %get3A_493 : vector<1x16xf32> to vector<16xf32>
          %mul3A_495 = arith.mulf %get3A_490, %get3A_494 : vector<16xf32>
          %swap3A_496 = arith.index_cast %scan3A_403 : i32 to index
          %swap3A_497 = arith.constant 96 : index
          %swap3A_498 = tpu.vector_load %arg17[%swap3A_496, %swap3A_497] {strides = array<i32>} : memref<40x128xf32, #tpu.memory_space<vmem>>, vector<1x16xf32>,
          %swap3A_499 = vector.shape_cast %swap3A_498 : vector<1x16xf32> to vector<16xf32>
          %swap3A_500 = vector.shape_cast %mul3A_495 : vector<16xf32> to vector<1x16xf32>
          tpu.vector_store %arg17[%swap3A_496, %swap3A_497], %swap3A_500 {strides = array<i32>} : memref<40x128xf32, #tpu.memory_space<vmem>>, vector<1x16xf32>,
          %get3A_501 = arith.index_cast %scan3A_403 : i32 to index
          %get3A_502 = arith.constant 112 : index
          %get3A_503 = tpu.vector_load %arg17[%get3A_501, %get3A_502] {strides = array<i32>} : memref<40x128xf32, #tpu.memory_space<vmem>>, vector<1x16xf32>,
          %get3A_504 = vector.shape_cast %get3A_503 : vector<1x16xf32> to vector<16xf32>
          %get3A_505 = arith.index_cast %scan3A_403 : i32 to index
          %get3A_506 = arith.constant 112 : index
          %get3A_507 = tpu.vector_load %arg20[%get3A_505, %get3A_506] {strides = array<i32>} : memref<40x128xf32, #tpu.memory_space<vmem>>, vector<1x16xf32>,
          %get3A_508 = vector.shape_cast %get3A_507 : vector<1x16xf32> to vector<16xf32>
          %mul3A_509 = arith.mulf %get3A_504, %get3A_508 : vector<16xf32>
          %swap3A_510 = arith.index_cast %scan3A_403 : i32 to index
          %swap3A_511 = arith.constant 112 : index
          %swap3A_512 = tpu.vector_load %arg17[%swap3A_510, %swap3A_511] {strides = array<i32>} : memref<40x128xf32, #tpu.memory_space<vmem>>, vector<1x16xf32>,
          %swap3A_513 = vector.shape_cast %swap3A_512 : vector<1x16xf32> to vector<16xf32>
          %swap3A_514 = vector.shape_cast %mul3A_509 : vector<16xf32> to vector<1x16xf32>
          tpu.vector_store %arg17[%swap3A_510, %swap3A_511], %swap3A_514 {strides = array<i32>} : memref<40x128xf32, #tpu.memory_space<vmem>>, vector<1x16xf32>,
          %scan3A_515 = arith.constant 0 : i32
          scf.yield %scan3A_515 : i32
        }
        %scan3A_402 = arith.constant 40 : i32
      } else {
      }
      %lt3A_178 = arith.constant 250 : i32
      %lt3A_179 = arith.cmpi slt, %add3A_157, %lt3A_178 : i32
      %convert_element_type3A_180 = arith.extui %lt3A_179 : i1 to i32
      %cond3A_181 = arith.constant 0 : i32
      %cond3A_182 = arith.cmpi ne, %convert_element_type3A_180, %cond3A_181 : i32
      scf.if %cond3A_182 {
        %dma_start3A_396 = arith.constant 0 : i32
        %dma_start3A_397 = arith.constant 0 : i32
        %dma_start3A_398 = tpu.memref_slice %arg22[%dma_start3A_396, %dma_start3A_397] : memref<10240x128xf32, #tpu.memory_space<vmem_shared>> -> memref<10240x128xf32, #tpu.memory_space<vmem_shared>>
        tpu.enqueue_indirect_dma source(%arg17 : memref<40x128xf32, #tpu.memory_space<vmem>>) target(%dma_start3A_398 : memref<10240x128xf32, #tpu.memory_space<vmem_shared>>) offsets(%arg11 : memref<40xi32, #tpu.memory_space<vmem>>) semaphore(%arg29 : memref<!tpu.dma_semaphore, #tpu.memory_space<semaphore_mem>>) {add = true}
      } else {
      }
      %add3A_183 = arith.constant 2 : i32
      %add3A_184 = arith.addi %add3A_157, %add3A_183 : i32
      %lt3A_185 = arith.constant 250 : i32
      %lt3A_186 = arith.cmpi slt, %add3A_184, %lt3A_185 : i32
      %convert_element_type3A_187 = arith.extui %lt3A_186 : i1 to i32
      %cond3A_188 = arith.constant 0 : i32
      %cond3A_189 = arith.cmpi ne, %convert_element_type3A_187, %cond3A_188 : i32
      scf.if %cond3A_189 {
        %add3A_396 = arith.constant 2 : i32
        %add3A_397 = arith.addi %add3A_157, %add3A_396 : i32
        %mul3A_398 = arith.constant 40 : i32
        %mul3A_399 = arith.muli %add3A_397, %mul3A_398 : i32
        %add3A_400 = arith.addi %mul3A_2, %mul3A_399 : i32
        %dma_start3A_401 = tpu.memref_slice %arg3[%add3A_400] : memref<320000xi32, #tpu.memory_space<hbm>> -> memref<40xi32, #tpu.memory_space<hbm>>
        %dma_start3A_402 = tpu.memref_slice %arg3[%add3A_400] : memref<320000xi32, #tpu.memory_space<hbm>> -> memref<40xi32, #tpu.memory_space<hbm>>
        tpu.enqueue_dma source(%dma_start3A_402 : memref<40xi32, #tpu.memory_space<hbm>>) target(%arg10 : memref<40xi32, #tpu.memory_space<vmem>>) target_semaphore(%arg25 : memref<!tpu.dma_semaphore, #tpu.memory_space<semaphore_mem>>)
        %dma_start3A_403 = tpu.memref_slice %arg4[%add3A_400] : memref<320000xi32, #tpu.memory_space<hbm>> -> memref<40xi32, #tpu.memory_space<hbm>>
        %dma_start3A_404 = tpu.memref_slice %arg4[%add3A_400] : memref<320000xi32, #tpu.memory_space<hbm>> -> memref<40xi32, #tpu.memory_space<hbm>>
        tpu.enqueue_dma source(%dma_start3A_404 : memref<40xi32, #tpu.memory_space<hbm>>) target(%arg13 : memref<40xi32, #tpu.memory_space<vmem>>) target_semaphore(%arg25 : memref<!tpu.dma_semaphore, #tpu.memory_space<semaphore_mem>>)
        %dma_start3A_405 = arith.constant 0 : i32
        %dma_start3A_406 = tpu.memref_slice %arg5[%add3A_400, %dma_start3A_405] : memref<320000x128xf32, #tpu.memory_space<hbm>> -> memref<40x128xf32, #tpu.memory_space<hbm>>
        %dma_start3A_407 = arith.constant 0 : i32
        %dma_start3A_408 = tpu.memref_slice %arg5[%add3A_400, %dma_start3A_407] : memref<320000x128xf32, #tpu.memory_space<hbm>> -> memref<40x128xf32, #tpu.memory_space<hbm>>
        tpu.enqueue_dma source(%dma_start3A_408 : memref<40x128xf32, #tpu.memory_space<hbm>>) target(%arg20 : memref<40x128xf32, #tpu.memory_space<vmem>>) target_semaphore(%arg25 : memref<!tpu.dma_semaphore, #tpu.memory_space<semaphore_mem>>)
      } else {
      }
      %mul3A_190 = arith.constant 6 : i32
      %mul3A_191 = arith.muli %mul3A_190, %scan3A_152 : i32
      %add3A_192 = arith.constant 1 : i32
      %add3A_193 = arith.addi %mul3A_191, %add3A_192 : i32
      %ge3A_194 = arith.constant 2 : i32
      %ge3A_195 = arith.cmpi sge, %add3A_193, %ge3A_194 : i32
      %lt3A_196 = arith.constant 250 : i32
      %lt3A_197 = arith.cmpi slt, %add3A_193, %lt3A_196 : i32
      %and3A_198 = arith.andi %ge3A_195, %lt3A_197 : i1
      %convert_element_type3A_199 = arith.extui %and3A_198 : i1 to i32
      %cond3A_200 = arith.constant 0 : i32
      %cond3A_201 = arith.cmpi ne, %convert_element_type3A_199, %cond3A_200 : i32
      scf.if %cond3A_201 {
        %dma_wait3A_396 = arith.constant 0 : i32
        %dma_wait3A_397 = arith.constant 0 : i32
        %dma_wait3A_398 = tpu.memref_slice %arg22[%dma_wait3A_396, %dma_wait3A_397] : memref<10240x128xf32, #tpu.memory_space<vmem_shared>> -> memref<10240x128xf32, #tpu.memory_space<vmem_shared>>
        tpu.wait_indirect_dma semaphore(%arg31 : memref<!tpu.dma_semaphore, #tpu.memory_space<semaphore_mem>>) src(%arg19 : memref<40x128xf32, #tpu.memory_space<vmem>>) dst(%dma_wait3A_398 : memref<10240x128xf32, #tpu.memory_space<vmem_shared>>)
      } else {
      }
      %lt3A_202 = arith.constant 250 : i32
      %lt3A_203 = arith.cmpi slt, %add3A_193, %lt3A_202 : i32
      %convert_element_type3A_204 = arith.extui %lt3A_203 : i1 to i32
      %cond3A_205 = arith.constant 0 : i32
      %cond3A_206 = arith.cmpi ne, %convert_element_type3A_204, %cond3A_205 : i32
      scf.if %cond3A_206 {
        %dma_wait3A_396 = arith.constant 0 : i32
        %dma_wait3A_397 = arith.constant 0 : i32
        %dma_wait3A_398 = tpu.memref_slice %arg2[%dma_wait3A_396, %dma_wait3A_397] : memref<10000x128xf32, #tpu.memory_space<hbm>> -> memref<10000x128xf32, #tpu.memory_space<hbm>>
        tpu.wait_indirect_dma semaphore(%arg27 : memref<!tpu.dma_semaphore, #tpu.memory_space<semaphore_mem>>) src(%dma_wait3A_398 : memref<10000x128xf32, #tpu.memory_space<hbm>>) dst(%arg18 : memref<40x128xf32, #tpu.memory_space<vmem>>)
      } else {
      }
      %add3A_207 = arith.constant 1 : i32
      %add3A_208 = arith.addi %add3A_193, %add3A_207 : i32
      %lt3A_209 = arith.constant 250 : i32
      %lt3A_210 = arith.cmpi slt, %add3A_208, %lt3A_209 : i32
      %convert_element_type3A_211 = arith.extui %lt3A_210 : i1 to i32
      %cond3A_212 = arith.constant 0 : i32
      %cond3A_213 = arith.cmpi ne, %convert_element_type3A_211, %cond3A_212 : i32
      scf.if %cond3A_213 {
        %dma_wait3A_396 = arith.constant 0 : i32
        %dma_wait3A_397 = tpu.memref_slice %arg3[%dma_wait3A_396] : memref<320000xi32, #tpu.memory_space<hbm>> -> memref<40xi32, #tpu.memory_space<hbm>>
        %dma_wait3A_398 = arith.constant 0 : i32
        %dma_wait3A_399 = tpu.memref_slice %arg3[%dma_wait3A_398] : memref<320000xi32, #tpu.memory_space<hbm>> -> memref<40xi32, #tpu.memory_space<hbm>>
        tpu.wait_dma2 semaphore(%arg25 : memref<!tpu.dma_semaphore, #tpu.memory_space<semaphore_mem>>) src(%dma_wait3A_399 : memref<40xi32, #tpu.memory_space<hbm>>) dst(%arg10 : memref<40xi32, #tpu.memory_space<vmem>>)
        %dma_wait3A_400 = arith.constant 0 : i32
        %dma_wait3A_401 = tpu.memref_slice %arg4[%dma_wait3A_400] : memref<320000xi32, #tpu.memory_space<hbm>> -> memref<40xi32, #tpu.memory_space<hbm>>
        %dma_wait3A_402 = arith.constant 0 : i32
        %dma_wait3A_403 = tpu.memref_slice %arg4[%dma_wait3A_402] : memref<320000xi32, #tpu.memory_space<hbm>> -> memref<40xi32, #tpu.memory_space<hbm>>
        tpu.wait_dma2 semaphore(%arg25 : memref<!tpu.dma_semaphore, #tpu.memory_space<semaphore_mem>>) src(%dma_wait3A_403 : memref<40xi32, #tpu.memory_space<hbm>>) dst(%arg13 : memref<40xi32, #tpu.memory_space<vmem>>)
        %dma_wait3A_404 = arith.constant 0 : i32
        %dma_wait3A_405 = arith.constant 0 : i32
        %dma_wait3A_406 = tpu.memref_slice %arg5[%dma_wait3A_404, %dma_wait3A_405] : memref<320000x128xf32, #tpu.memory_space<hbm>> -> memref<40x128xf32, #tpu.memory_space<hbm>>
        %dma_wait3A_407 = arith.constant 0 : i32
        %dma_wait3A_408 = arith.constant 0 : i32
        %dma_wait3A_409 = tpu.memref_slice %arg5[%dma_wait3A_407, %dma_wait3A_408] : memref<320000x128xf32, #tpu.memory_space<hbm>> -> memref<40x128xf32, #tpu.memory_space<hbm>>
        tpu.wait_dma2 semaphore(%arg25 : memref<!tpu.dma_semaphore, #tpu.memory_space<semaphore_mem>>) src(%dma_wait3A_409 : memref<40x128xf32, #tpu.memory_space<hbm>>) dst(%arg20 : memref<40x128xf32, #tpu.memory_space<vmem>>)
        %dma_start3A_410 = arith.constant 0 : i32
        %dma_start3A_411 = arith.constant 0 : i32
        %dma_start3A_412 = tpu.memref_slice %arg2[%dma_start3A_410, %dma_start3A_411] : memref<10000x128xf32, #tpu.memory_space<hbm>> -> memref<10000x128xf32, #tpu.memory_space<hbm>>
        tpu.enqueue_indirect_dma source(%dma_start3A_412 : memref<10000x128xf32, #tpu.memory_space<hbm>>) target(%arg19 : memref<40x128xf32, #tpu.memory_space<vmem>>) offsets(%arg10 : memref<40xi32, #tpu.memory_space<vmem>>) semaphore(%arg28 : memref<!tpu.dma_semaphore, #tpu.memory_space<semaphore_mem>>)
      } else {
      }
      %lt3A_214 = arith.constant 250 : i32
      %lt3A_215 = arith.cmpi slt, %add3A_193, %lt3A_214 : i32
      %convert_element_type3A_216 = arith.extui %lt3A_215 : i1 to i32
      %cond3A_217 = arith.constant 0 : i32
      %cond3A_218 = arith.cmpi ne, %convert_element_type3A_216, %cond3A_217 : i32
      scf.if %cond3A_218 {
        %scan3A_396 = arith.constant 0 : i32
        %scan3A_397 = arith.constant 0 : i32
        %scan3A_398 = arith.constant 40 : i32
        %scan3A_399 = arith.addi %scan3A_397, %scan3A_398 : i32
        %scan3A_400 = arith.constant 1 : i32
        %scan3A_401 = scf.for %scan3A_403 = %scan3A_397 to %scan3A_399 step %scan3A_400 iter_args(%scan3A_404 = %scan3A_396) -> (i32)  : i32 {
          %get3A = arith.index_cast %scan3A_403 : i32 to index
          %get3A_405 = arith.constant 0 : index
          %get3A_406 = tpu.vector_load %arg18[%get3A, %get3A_405] {strides = array<i32>} : memref<40x128xf32, #tpu.memory_space<vmem>>, vector<1x16xf32>,
          %get3A_407 = vector.shape_cast %get3A_406 : vector<1x16xf32> to vector<16xf32>
          %get3A_408 = arith.index_cast %scan3A_403 : i32 to index
          %get3A_409 = arith.constant 0 : index
          %get3A_410 = tpu.vector_load %arg21[%get3A_408, %get3A_409] {strides = array<i32>} : memref<40x128xf32, #tpu.memory_space<vmem>>, vector<1x16xf32>,
          %get3A_411 = vector.shape_cast %get3A_410 : vector<1x16xf32> to vector<16xf32>
          %mul3A_412 = arith.mulf %get3A_407, %get3A_411 : vector<16xf32>
          %swap3A = arith.index_cast %scan3A_403 : i32 to index
          %swap3A_413 = arith.constant 0 : index
          %swap3A_414 = tpu.vector_load %arg18[%swap3A, %swap3A_413] {strides = array<i32>} : memref<40x128xf32, #tpu.memory_space<vmem>>, vector<1x16xf32>,
          %swap3A_415 = vector.shape_cast %swap3A_414 : vector<1x16xf32> to vector<16xf32>
          %swap3A_416 = vector.shape_cast %mul3A_412 : vector<16xf32> to vector<1x16xf32>
          tpu.vector_store %arg18[%swap3A, %swap3A_413], %swap3A_416 {strides = array<i32>} : memref<40x128xf32, #tpu.memory_space<vmem>>, vector<1x16xf32>,
          %get3A_417 = arith.index_cast %scan3A_403 : i32 to index
          %get3A_418 = arith.constant 16 : index
          %get3A_419 = tpu.vector_load %arg18[%get3A_417, %get3A_418] {strides = array<i32>} : memref<40x128xf32, #tpu.memory_space<vmem>>, vector<1x16xf32>,
          %get3A_420 = vector.shape_cast %get3A_419 : vector<1x16xf32> to vector<16xf32>
          %get3A_421 = arith.index_cast %scan3A_403 : i32 to index
          %get3A_422 = arith.constant 16 : index
          %get3A_423 = tpu.vector_load %arg21[%get3A_421, %get3A_422] {strides = array<i32>} : memref<40x128xf32, #tpu.memory_space<vmem>>, vector<1x16xf32>,
          %get3A_424 = vector.shape_cast %get3A_423 : vector<1x16xf32> to vector<16xf32>
          %mul3A_425 = arith.mulf %get3A_420, %get3A_424 : vector<16xf32>
          %swap3A_426 = arith.index_cast %scan3A_403 : i32 to index
          %swap3A_427 = arith.constant 16 : index
          %swap3A_428 = tpu.vector_load %arg18[%swap3A_426, %swap3A_427] {strides = array<i32>} : memref<40x128xf32, #tpu.memory_space<vmem>>, vector<1x16xf32>,
          %swap3A_429 = vector.shape_cast %swap3A_428 : vector<1x16xf32> to vector<16xf32>
          %swap3A_430 = vector.shape_cast %mul3A_425 : vector<16xf32> to vector<1x16xf32>
          tpu.vector_store %arg18[%swap3A_426, %swap3A_427], %swap3A_430 {strides = array<i32>} : memref<40x128xf32, #tpu.memory_space<vmem>>, vector<1x16xf32>,
          %get3A_431 = arith.index_cast %scan3A_403 : i32 to index
          %get3A_432 = arith.constant 32 : index
          %get3A_433 = tpu.vector_load %arg18[%get3A_431, %get3A_432] {strides = array<i32>} : memref<40x128xf32, #tpu.memory_space<vmem>>, vector<1x16xf32>,
          %get3A_434 = vector.shape_cast %get3A_433 : vector<1x16xf32> to vector<16xf32>
          %get3A_435 = arith.index_cast %scan3A_403 : i32 to index
          %get3A_436 = arith.constant 32 : index
          %get3A_437 = tpu.vector_load %arg21[%get3A_435, %get3A_436] {strides = array<i32>} : memref<40x128xf32, #tpu.memory_space<vmem>>, vector<1x16xf32>,
          %get3A_438 = vector.shape_cast %get3A_437 : vector<1x16xf32> to vector<16xf32>
          %mul3A_439 = arith.mulf %get3A_434, %get3A_438 : vector<16xf32>
          %swap3A_440 = arith.index_cast %scan3A_403 : i32 to index
          %swap3A_441 = arith.constant 32 : index
          %swap3A_442 = tpu.vector_load %arg18[%swap3A_440, %swap3A_441] {strides = array<i32>} : memref<40x128xf32, #tpu.memory_space<vmem>>, vector<1x16xf32>,
          %swap3A_443 = vector.shape_cast %swap3A_442 : vector<1x16xf32> to vector<16xf32>
          %swap3A_444 = vector.shape_cast %mul3A_439 : vector<16xf32> to vector<1x16xf32>
          tpu.vector_store %arg18[%swap3A_440, %swap3A_441], %swap3A_444 {strides = array<i32>} : memref<40x128xf32, #tpu.memory_space<vmem>>, vector<1x16xf32>,
          %get3A_445 = arith.index_cast %scan3A_403 : i32 to index
          %get3A_446 = arith.constant 48 : index
          %get3A_447 = tpu.vector_load %arg18[%get3A_445, %get3A_446] {strides = array<i32>} : memref<40x128xf32, #tpu.memory_space<vmem>>, vector<1x16xf32>,
          %get3A_448 = vector.shape_cast %get3A_447 : vector<1x16xf32> to vector<16xf32>
          %get3A_449 = arith.index_cast %scan3A_403 : i32 to index
          %get3A_450 = arith.constant 48 : index
          %get3A_451 = tpu.vector_load %arg21[%get3A_449, %get3A_450] {strides = array<i32>} : memref<40x128xf32, #tpu.memory_space<vmem>>, vector<1x16xf32>,
          %get3A_452 = vector.shape_cast %get3A_451 : vector<1x16xf32> to vector<16xf32>
          %mul3A_453 = arith.mulf %get3A_448, %get3A_452 : vector<16xf32>
          %swap3A_454 = arith.index_cast %scan3A_403 : i32 to index
          %swap3A_455 = arith.constant 48 : index
          %swap3A_456 = tpu.vector_load %arg18[%swap3A_454, %swap3A_455] {strides = array<i32>} : memref<40x128xf32, #tpu.memory_space<vmem>>, vector<1x16xf32>,
          %swap3A_457 = vector.shape_cast %swap3A_456 : vector<1x16xf32> to vector<16xf32>
          %swap3A_458 = vector.shape_cast %mul3A_453 : vector<16xf32> to vector<1x16xf32>
          tpu.vector_store %arg18[%swap3A_454, %swap3A_455], %swap3A_458 {strides = array<i32>} : memref<40x128xf32, #tpu.memory_space<vmem>>, vector<1x16xf32>,
          %get3A_459 = arith.index_cast %scan3A_403 : i32 to index
          %get3A_460 = arith.constant 64 : index
          %get3A_461 = tpu.vector_load %arg18[%get3A_459, %get3A_460] {strides = array<i32>} : memref<40x128xf32, #tpu.memory_space<vmem>>, vector<1x16xf32>,
          %get3A_462 = vector.shape_cast %get3A_461 : vector<1x16xf32> to vector<16xf32>
          %get3A_463 = arith.index_cast %scan3A_403 : i32 to index
          %get3A_464 = arith.constant 64 : index
          %get3A_465 = tpu.vector_load %arg21[%get3A_463, %get3A_464] {strides = array<i32>} : memref<40x128xf32, #tpu.memory_space<vmem>>, vector<1x16xf32>,
          %get3A_466 = vector.shape_cast %get3A_465 : vector<1x16xf32> to vector<16xf32>
          %mul3A_467 = arith.mulf %get3A_462, %get3A_466 : vector<16xf32>
          %swap3A_468 = arith.index_cast %scan3A_403 : i32 to index
          %swap3A_469 = arith.constant 64 : index
          %swap3A_470 = tpu.vector_load %arg18[%swap3A_468, %swap3A_469] {strides = array<i32>} : memref<40x128xf32, #tpu.memory_space<vmem>>, vector<1x16xf32>,
          %swap3A_471 = vector.shape_cast %swap3A_470 : vector<1x16xf32> to vector<16xf32>
          %swap3A_472 = vector.shape_cast %mul3A_467 : vector<16xf32> to vector<1x16xf32>
          tpu.vector_store %arg18[%swap3A_468, %swap3A_469], %swap3A_472 {strides = array<i32>} : memref<40x128xf32, #tpu.memory_space<vmem>>, vector<1x16xf32>,
          %get3A_473 = arith.index_cast %scan3A_403 : i32 to index
          %get3A_474 = arith.constant 80 : index
          %get3A_475 = tpu.vector_load %arg18[%get3A_473, %get3A_474] {strides = array<i32>} : memref<40x128xf32, #tpu.memory_space<vmem>>, vector<1x16xf32>,
          %get3A_476 = vector.shape_cast %get3A_475 : vector<1x16xf32> to vector<16xf32>
          %get3A_477 = arith.index_cast %scan3A_403 : i32 to index
          %get3A_478 = arith.constant 80 : index
          %get3A_479 = tpu.vector_load %arg21[%get3A_477, %get3A_478] {strides = array<i32>} : memref<40x128xf32, #tpu.memory_space<vmem>>, vector<1x16xf32>,
          %get3A_480 = vector.shape_cast %get3A_479 : vector<1x16xf32> to vector<16xf32>
          %mul3A_481 = arith.mulf %get3A_476, %get3A_480 : vector<16xf32>
          %swap3A_482 = arith.index_cast %scan3A_403 : i32 to index
          %swap3A_483 = arith.constant 80 : index
          %swap3A_484 = tpu.vector_load %arg18[%swap3A_482, %swap3A_483] {strides = array<i32>} : memref<40x128xf32, #tpu.memory_space<vmem>>, vector<1x16xf32>,
          %swap3A_485 = vector.shape_cast %swap3A_484 : vector<1x16xf32> to vector<16xf32>
          %swap3A_486 = vector.shape_cast %mul3A_481 : vector<16xf32> to vector<1x16xf32>
          tpu.vector_store %arg18[%swap3A_482, %swap3A_483], %swap3A_486 {strides = array<i32>} : memref<40x128xf32, #tpu.memory_space<vmem>>, vector<1x16xf32>,
          %get3A_487 = arith.index_cast %scan3A_403 : i32 to index
          %get3A_488 = arith.constant 96 : index
          %get3A_489 = tpu.vector_load %arg18[%get3A_487, %get3A_488] {strides = array<i32>} : memref<40x128xf32, #tpu.memory_space<vmem>>, vector<1x16xf32>,
          %get3A_490 = vector.shape_cast %get3A_489 : vector<1x16xf32> to vector<16xf32>
          %get3A_491 = arith.index_cast %scan3A_403 : i32 to index
          %get3A_492 = arith.constant 96 : index
          %get3A_493 = tpu.vector_load %arg21[%get3A_491, %get3A_492] {strides = array<i32>} : memref<40x128xf32, #tpu.memory_space<vmem>>, vector<1x16xf32>,
          %get3A_494 = vector.shape_cast %get3A_493 : vector<1x16xf32> to vector<16xf32>
          %mul3A_495 = arith.mulf %get3A_490, %get3A_494 : vector<16xf32>
          %swap3A_496 = arith.index_cast %scan3A_403 : i32 to index
          %swap3A_497 = arith.constant 96 : index
          %swap3A_498 = tpu.vector_load %arg18[%swap3A_496, %swap3A_497] {strides = array<i32>} : memref<40x128xf32, #tpu.memory_space<vmem>>, vector<1x16xf32>,
          %swap3A_499 = vector.shape_cast %swap3A_498 : vector<1x16xf32> to vector<16xf32>
          %swap3A_500 = vector.shape_cast %mul3A_495 : vector<16xf32> to vector<1x16xf32>
          tpu.vector_store %arg18[%swap3A_496, %swap3A_497], %swap3A_500 {strides = array<i32>} : memref<40x128xf32, #tpu.memory_space<vmem>>, vector<1x16xf32>,
          %get3A_501 = arith.index_cast %scan3A_403 : i32 to index
          %get3A_502 = arith.constant 112 : index
          %get3A_503 = tpu.vector_load %arg18[%get3A_501, %get3A_502] {strides = array<i32>} : memref<40x128xf32, #tpu.memory_space<vmem>>, vector<1x16xf32>,
          %get3A_504 = vector.shape_cast %get3A_503 : vector<1x16xf32> to vector<16xf32>
          %get3A_505 = arith.index_cast %scan3A_403 : i32 to index
          %get3A_506 = arith.constant 112 : index
          %get3A_507 = tpu.vector_load %arg21[%get3A_505, %get3A_506] {strides = array<i32>} : memref<40x128xf32, #tpu.memory_space<vmem>>, vector<1x16xf32>,
          %get3A_508 = vector.shape_cast %get3A_507 : vector<1x16xf32> to vector<16xf32>
          %mul3A_509 = arith.mulf %get3A_504, %get3A_508 : vector<16xf32>
          %swap3A_510 = arith.index_cast %scan3A_403 : i32 to index
          %swap3A_511 = arith.constant 112 : index
          %swap3A_512 = tpu.vector_load %arg18[%swap3A_510, %swap3A_511] {strides = array<i32>} : memref<40x128xf32, #tpu.memory_space<vmem>>, vector<1x16xf32>,
          %swap3A_513 = vector.shape_cast %swap3A_512 : vector<1x16xf32> to vector<16xf32>
          %swap3A_514 = vector.shape_cast %mul3A_509 : vector<16xf32> to vector<1x16xf32>
          tpu.vector_store %arg18[%swap3A_510, %swap3A_511], %swap3A_514 {strides = array<i32>} : memref<40x128xf32, #tpu.memory_space<vmem>>, vector<1x16xf32>,
          %scan3A_515 = arith.constant 0 : i32
          scf.yield %scan3A_515 : i32
        }
        %scan3A_402 = arith.constant 40 : i32
      } else {
      }
      %lt3A_219 = arith.constant 250 : i32
      %lt3A_220 = arith.cmpi slt, %add3A_193, %lt3A_219 : i32
      %convert_element_type3A_221 = arith.extui %lt3A_220 : i1 to i32
      %cond3A_222 = arith.constant 0 : i32
      %cond3A_223 = arith.cmpi ne, %convert_element_type3A_221, %cond3A_222 : i32
      scf.if %cond3A_223 {
        %dma_start3A_396 = arith.constant 0 : i32
        %dma_start3A_397 = arith.constant 0 : i32
        %dma_start3A_398 = tpu.memref_slice %arg22[%dma_start3A_396, %dma_start3A_397] : memref<10240x128xf32, #tpu.memory_space<vmem_shared>> -> memref<10240x128xf32, #tpu.memory_space<vmem_shared>>
        tpu.enqueue_indirect_dma source(%arg18 : memref<40x128xf32, #tpu.memory_space<vmem>>) target(%dma_start3A_398 : memref<10240x128xf32, #tpu.memory_space<vmem_shared>>) offsets(%arg12 : memref<40xi32, #tpu.memory_space<vmem>>) semaphore(%arg30 : memref<!tpu.dma_semaphore, #tpu.memory_space<semaphore_mem>>) {add = true}
      } else {
      }
      %add3A_224 = arith.constant 2 : i32
      %add3A_225 = arith.addi %add3A_193, %add3A_224 : i32
      %lt3A_226 = arith.constant 250 : i32
      %lt3A_227 = arith.cmpi slt, %add3A_225, %lt3A_226 : i32
      %convert_element_type3A_228 = arith.extui %lt3A_227 : i1 to i32
      %cond3A_229 = arith.constant 0 : i32
      %cond3A_230 = arith.cmpi ne, %convert_element_type3A_228, %cond3A_229 : i32
      scf.if %cond3A_230 {
        %add3A_396 = arith.constant 2 : i32
        %add3A_397 = arith.addi %add3A_193, %add3A_396 : i32
        %mul3A_398 = arith.constant 40 : i32
        %mul3A_399 = arith.muli %add3A_397, %mul3A_398 : i32
        %add3A_400 = arith.addi %mul3A_2, %mul3A_399 : i32
        %dma_start3A_401 = tpu.memref_slice %arg3[%add3A_400] : memref<320000xi32, #tpu.memory_space<hbm>> -> memref<40xi32, #tpu.memory_space<hbm>>
        %dma_start3A_402 = tpu.memref_slice %arg3[%add3A_400] : memref<320000xi32, #tpu.memory_space<hbm>> -> memref<40xi32, #tpu.memory_space<hbm>>
        tpu.enqueue_dma source(%dma_start3A_402 : memref<40xi32, #tpu.memory_space<hbm>>) target(%arg8 : memref<40xi32, #tpu.memory_space<vmem>>) target_semaphore(%arg23 : memref<!tpu.dma_semaphore, #tpu.memory_space<semaphore_mem>>)
        %dma_start3A_403 = tpu.memref_slice %arg4[%add3A_400] : memref<320000xi32, #tpu.memory_space<hbm>> -> memref<40xi32, #tpu.memory_space<hbm>>
        %dma_start3A_404 = tpu.memref_slice %arg4[%add3A_400] : memref<320000xi32, #tpu.memory_space<hbm>> -> memref<40xi32, #tpu.memory_space<hbm>>
        tpu.enqueue_dma source(%dma_start3A_404 : memref<40xi32, #tpu.memory_space<hbm>>) target(%arg14 : memref<40xi32, #tpu.memory_space<vmem>>) target_semaphore(%arg23 : memref<!tpu.dma_semaphore, #tpu.memory_space<semaphore_mem>>)
        %dma_start3A_405 = arith.constant 0 : i32
        %dma_start3A_406 = tpu.memref_slice %arg5[%add3A_400, %dma_start3A_405] : memref<320000x128xf32, #tpu.memory_space<hbm>> -> memref<40x128xf32, #tpu.memory_space<hbm>>
        %dma_start3A_407 = arith.constant 0 : i32
        %dma_start3A_408 = tpu.memref_slice %arg5[%add3A_400, %dma_start3A_407] : memref<320000x128xf32, #tpu.memory_space<hbm>> -> memref<40x128xf32, #tpu.memory_space<hbm>>
        tpu.enqueue_dma source(%dma_start3A_408 : memref<40x128xf32, #tpu.memory_space<hbm>>) target(%arg21 : memref<40x128xf32, #tpu.memory_space<vmem>>) target_semaphore(%arg23 : memref<!tpu.dma_semaphore, #tpu.memory_space<semaphore_mem>>)
      } else {
      }
      %mul3A_231 = arith.constant 6 : i32
      %mul3A_232 = arith.muli %mul3A_231, %scan3A_152 : i32
      %add3A_233 = arith.constant 2 : i32
      %add3A_234 = arith.addi %mul3A_232, %add3A_233 : i32
      %ge3A_235 = arith.constant 2 : i32
      %ge3A_236 = arith.cmpi sge, %add3A_234, %ge3A_235 : i32
      %lt3A_237 = arith.constant 250 : i32
      %lt3A_238 = arith.cmpi slt, %add3A_234, %lt3A_237 : i32
      %and3A_239 = arith.andi %ge3A_236, %lt3A_238 : i1
      %convert_element_type3A_240 = arith.extui %and3A_239 : i1 to i32
      %cond3A_241 = arith.constant 0 : i32
      %cond3A_242 = arith.cmpi ne, %convert_element_type3A_240, %cond3A_241 : i32
      scf.if %cond3A_242 {
        %dma_wait3A_396 = arith.constant 0 : i32
        %dma_wait3A_397 = arith.constant 0 : i32
        %dma_wait3A_398 = tpu.memref_slice %arg22[%dma_wait3A_396, %dma_wait3A_397] : memref<10240x128xf32, #tpu.memory_space<vmem_shared>> -> memref<10240x128xf32, #tpu.memory_space<vmem_shared>>
        tpu.wait_indirect_dma semaphore(%arg29 : memref<!tpu.dma_semaphore, #tpu.memory_space<semaphore_mem>>) src(%arg17 : memref<40x128xf32, #tpu.memory_space<vmem>>) dst(%dma_wait3A_398 : memref<10240x128xf32, #tpu.memory_space<vmem_shared>>)
      } else {
      }
      %lt3A_243 = arith.constant 250 : i32
      %lt3A_244 = arith.cmpi slt, %add3A_234, %lt3A_243 : i32
      %convert_element_type3A_245 = arith.extui %lt3A_244 : i1 to i32
      %cond3A_246 = arith.constant 0 : i32
      %cond3A_247 = arith.cmpi ne, %convert_element_type3A_245, %cond3A_246 : i32
      scf.if %cond3A_247 {
        %dma_wait3A_396 = arith.constant 0 : i32
        %dma_wait3A_397 = arith.constant 0 : i32
        %dma_wait3A_398 = tpu.memref_slice %arg2[%dma_wait3A_396, %dma_wait3A_397] : memref<10000x128xf32, #tpu.memory_space<hbm>> -> memref<10000x128xf32, #tpu.memory_space<hbm>>
        tpu.wait_indirect_dma semaphore(%arg28 : memref<!tpu.dma_semaphore, #tpu.memory_space<semaphore_mem>>) src(%dma_wait3A_398 : memref<10000x128xf32, #tpu.memory_space<hbm>>) dst(%arg19 : memref<40x128xf32, #tpu.memory_space<vmem>>)
      } else {
      }
      %add3A_248 = arith.constant 1 : i32
      %add3A_249 = arith.addi %add3A_234, %add3A_248 : i32
      %lt3A_250 = arith.constant 250 : i32
      %lt3A_251 = arith.cmpi slt, %add3A_249, %lt3A_250 : i32
      %convert_element_type3A_252 = arith.extui %lt3A_251 : i1 to i32
      %cond3A_253 = arith.constant 0 : i32
      %cond3A_254 = arith.cmpi ne, %convert_element_type3A_252, %cond3A_253 : i32
      scf.if %cond3A_254 {
        %dma_wait3A_396 = arith.constant 0 : i32
        %dma_wait3A_397 = tpu.memref_slice %arg3[%dma_wait3A_396] : memref<320000xi32, #tpu.memory_space<hbm>> -> memref<40xi32, #tpu.memory_space<hbm>>
        %dma_wait3A_398 = arith.constant 0 : i32
        %dma_wait3A_399 = tpu.memref_slice %arg3[%dma_wait3A_398] : memref<320000xi32, #tpu.memory_space<hbm>> -> memref<40xi32, #tpu.memory_space<hbm>>
        tpu.wait_dma2 semaphore(%arg23 : memref<!tpu.dma_semaphore, #tpu.memory_space<semaphore_mem>>) src(%dma_wait3A_399 : memref<40xi32, #tpu.memory_space<hbm>>) dst(%arg8 : memref<40xi32, #tpu.memory_space<vmem>>)
        %dma_wait3A_400 = arith.constant 0 : i32
        %dma_wait3A_401 = tpu.memref_slice %arg4[%dma_wait3A_400] : memref<320000xi32, #tpu.memory_space<hbm>> -> memref<40xi32, #tpu.memory_space<hbm>>
        %dma_wait3A_402 = arith.constant 0 : i32
        %dma_wait3A_403 = tpu.memref_slice %arg4[%dma_wait3A_402] : memref<320000xi32, #tpu.memory_space<hbm>> -> memref<40xi32, #tpu.memory_space<hbm>>
        tpu.wait_dma2 semaphore(%arg23 : memref<!tpu.dma_semaphore, #tpu.memory_space<semaphore_mem>>) src(%dma_wait3A_403 : memref<40xi32, #tpu.memory_space<hbm>>) dst(%arg14 : memref<40xi32, #tpu.memory_space<vmem>>)
        %dma_wait3A_404 = arith.constant 0 : i32
        %dma_wait3A_405 = arith.constant 0 : i32
        %dma_wait3A_406 = tpu.memref_slice %arg5[%dma_wait3A_404, %dma_wait3A_405] : memref<320000x128xf32, #tpu.memory_space<hbm>> -> memref<40x128xf32, #tpu.memory_space<hbm>>
        %dma_wait3A_407 = arith.constant 0 : i32
        %dma_wait3A_408 = arith.constant 0 : i32
        %dma_wait3A_409 = tpu.memref_slice %arg5[%dma_wait3A_407, %dma_wait3A_408] : memref<320000x128xf32, #tpu.memory_space<hbm>> -> memref<40x128xf32, #tpu.memory_space<hbm>>
        tpu.wait_dma2 semaphore(%arg23 : memref<!tpu.dma_semaphore, #tpu.memory_space<semaphore_mem>>) src(%dma_wait3A_409 : memref<40x128xf32, #tpu.memory_space<hbm>>) dst(%arg21 : memref<40x128xf32, #tpu.memory_space<vmem>>)
        %dma_start3A_410 = arith.constant 0 : i32
        %dma_start3A_411 = arith.constant 0 : i32
        %dma_start3A_412 = tpu.memref_slice %arg2[%dma_start3A_410, %dma_start3A_411] : memref<10000x128xf32, #tpu.memory_space<hbm>> -> memref<10000x128xf32, #tpu.memory_space<hbm>>
        tpu.enqueue_indirect_dma source(%dma_start3A_412 : memref<10000x128xf32, #tpu.memory_space<hbm>>) target(%arg17 : memref<40x128xf32, #tpu.memory_space<vmem>>) offsets(%arg8 : memref<40xi32, #tpu.memory_space<vmem>>) semaphore(%arg26 : memref<!tpu.dma_semaphore, #tpu.memory_space<semaphore_mem>>)
      } else {
      }
      %lt3A_255 = arith.constant 250 : i32
      %lt3A_256 = arith.cmpi slt, %add3A_234, %lt3A_255 : i32
      %convert_element_type3A_257 = arith.extui %lt3A_256 : i1 to i32
      %cond3A_258 = arith.constant 0 : i32
      %cond3A_259 = arith.cmpi ne, %convert_element_type3A_257, %cond3A_258 : i32
      scf.if %cond3A_259 {
        %scan3A_396 = arith.constant 0 : i32
        %scan3A_397 = arith.constant 0 : i32
        %scan3A_398 = arith.constant 40 : i32
        %scan3A_399 = arith.addi %scan3A_397, %scan3A_398 : i32
        %scan3A_400 = arith.constant 1 : i32
        %scan3A_401 = scf.for %scan3A_403 = %scan3A_397 to %scan3A_399 step %scan3A_400 iter_args(%scan3A_404 = %scan3A_396) -> (i32)  : i32 {
          %get3A = arith.index_cast %scan3A_403 : i32 to index
          %get3A_405 = arith.constant 0 : index
          %get3A_406 = tpu.vector_load %arg19[%get3A, %get3A_405] {strides = array<i32>} : memref<40x128xf32, #tpu.memory_space<vmem>>, vector<1x16xf32>,
          %get3A_407 = vector.shape_cast %get3A_406 : vector<1x16xf32> to vector<16xf32>
          %get3A_408 = arith.index_cast %scan3A_403 : i32 to index
          %get3A_409 = arith.constant 0 : index
          %get3A_410 = tpu.vector_load %arg20[%get3A_408, %get3A_409] {strides = array<i32>} : memref<40x128xf32, #tpu.memory_space<vmem>>, vector<1x16xf32>,
          %get3A_411 = vector.shape_cast %get3A_410 : vector<1x16xf32> to vector<16xf32>
          %mul3A_412 = arith.mulf %get3A_407, %get3A_411 : vector<16xf32>
          %swap3A = arith.index_cast %scan3A_403 : i32 to index
          %swap3A_413 = arith.constant 0 : index
          %swap3A_414 = tpu.vector_load %arg19[%swap3A, %swap3A_413] {strides = array<i32>} : memref<40x128xf32, #tpu.memory_space<vmem>>, vector<1x16xf32>,
          %swap3A_415 = vector.shape_cast %swap3A_414 : vector<1x16xf32> to vector<16xf32>
          %swap3A_416 = vector.shape_cast %mul3A_412 : vector<16xf32> to vector<1x16xf32>
          tpu.vector_store %arg19[%swap3A, %swap3A_413], %swap3A_416 {strides = array<i32>} : memref<40x128xf32, #tpu.memory_space<vmem>>, vector<1x16xf32>,
          %get3A_417 = arith.index_cast %scan3A_403 : i32 to index
          %get3A_418 = arith.constant 16 : index
          %get3A_419 = tpu.vector_load %arg19[%get3A_417, %get3A_418] {strides = array<i32>} : memref<40x128xf32, #tpu.memory_space<vmem>>, vector<1x16xf32>,
          %get3A_420 = vector.shape_cast %get3A_419 : vector<1x16xf32> to vector<16xf32>
          %get3A_421 = arith.index_cast %scan3A_403 : i32 to index
          %get3A_422 = arith.constant 16 : index
          %get3A_423 = tpu.vector_load %arg20[%get3A_421, %get3A_422] {strides = array<i32>} : memref<40x128xf32, #tpu.memory_space<vmem>>, vector<1x16xf32>,
          %get3A_424 = vector.shape_cast %get3A_423 : vector<1x16xf32> to vector<16xf32>
          %mul3A_425 = arith.mulf %get3A_420, %get3A_424 : vector<16xf32>
          %swap3A_426 = arith.index_cast %scan3A_403 : i32 to index
          %swap3A_427 = arith.constant 16 : index
          %swap3A_428 = tpu.vector_load %arg19[%swap3A_426, %swap3A_427] {strides = array<i32>} : memref<40x128xf32, #tpu.memory_space<vmem>>, vector<1x16xf32>,
          %swap3A_429 = vector.shape_cast %swap3A_428 : vector<1x16xf32> to vector<16xf32>
          %swap3A_430 = vector.shape_cast %mul3A_425 : vector<16xf32> to vector<1x16xf32>
          tpu.vector_store %arg19[%swap3A_426, %swap3A_427], %swap3A_430 {strides = array<i32>} : memref<40x128xf32, #tpu.memory_space<vmem>>, vector<1x16xf32>,
          %get3A_431 = arith.index_cast %scan3A_403 : i32 to index
          %get3A_432 = arith.constant 32 : index
          %get3A_433 = tpu.vector_load %arg19[%get3A_431, %get3A_432] {strides = array<i32>} : memref<40x128xf32, #tpu.memory_space<vmem>>, vector<1x16xf32>,
          %get3A_434 = vector.shape_cast %get3A_433 : vector<1x16xf32> to vector<16xf32>
          %get3A_435 = arith.index_cast %scan3A_403 : i32 to index
          %get3A_436 = arith.constant 32 : index
          %get3A_437 = tpu.vector_load %arg20[%get3A_435, %get3A_436] {strides = array<i32>} : memref<40x128xf32, #tpu.memory_space<vmem>>, vector<1x16xf32>,
          %get3A_438 = vector.shape_cast %get3A_437 : vector<1x16xf32> to vector<16xf32>
          %mul3A_439 = arith.mulf %get3A_434, %get3A_438 : vector<16xf32>
          %swap3A_440 = arith.index_cast %scan3A_403 : i32 to index
          %swap3A_441 = arith.constant 32 : index
          %swap3A_442 = tpu.vector_load %arg19[%swap3A_440, %swap3A_441] {strides = array<i32>} : memref<40x128xf32, #tpu.memory_space<vmem>>, vector<1x16xf32>,
          %swap3A_443 = vector.shape_cast %swap3A_442 : vector<1x16xf32> to vector<16xf32>
          %swap3A_444 = vector.shape_cast %mul3A_439 : vector<16xf32> to vector<1x16xf32>
          tpu.vector_store %arg19[%swap3A_440, %swap3A_441], %swap3A_444 {strides = array<i32>} : memref<40x128xf32, #tpu.memory_space<vmem>>, vector<1x16xf32>,
          %get3A_445 = arith.index_cast %scan3A_403 : i32 to index
          %get3A_446 = arith.constant 48 : index
          %get3A_447 = tpu.vector_load %arg19[%get3A_445, %get3A_446] {strides = array<i32>} : memref<40x128xf32, #tpu.memory_space<vmem>>, vector<1x16xf32>,
          %get3A_448 = vector.shape_cast %get3A_447 : vector<1x16xf32> to vector<16xf32>
          %get3A_449 = arith.index_cast %scan3A_403 : i32 to index
          %get3A_450 = arith.constant 48 : index
          %get3A_451 = tpu.vector_load %arg20[%get3A_449, %get3A_450] {strides = array<i32>} : memref<40x128xf32, #tpu.memory_space<vmem>>, vector<1x16xf32>,
          %get3A_452 = vector.shape_cast %get3A_451 : vector<1x16xf32> to vector<16xf32>
          %mul3A_453 = arith.mulf %get3A_448, %get3A_452 : vector<16xf32>
          %swap3A_454 = arith.index_cast %scan3A_403 : i32 to index
          %swap3A_455 = arith.constant 48 : index
          %swap3A_456 = tpu.vector_load %arg19[%swap3A_454, %swap3A_455] {strides = array<i32>} : memref<40x128xf32, #tpu.memory_space<vmem>>, vector<1x16xf32>,
          %swap3A_457 = vector.shape_cast %swap3A_456 : vector<1x16xf32> to vector<16xf32>
          %swap3A_458 = vector.shape_cast %mul3A_453 : vector<16xf32> to vector<1x16xf32>
          tpu.vector_store %arg19[%swap3A_454, %swap3A_455], %swap3A_458 {strides = array<i32>} : memref<40x128xf32, #tpu.memory_space<vmem>>, vector<1x16xf32>,
          %get3A_459 = arith.index_cast %scan3A_403 : i32 to index
          %get3A_460 = arith.constant 64 : index
          %get3A_461 = tpu.vector_load %arg19[%get3A_459, %get3A_460] {strides = array<i32>} : memref<40x128xf32, #tpu.memory_space<vmem>>, vector<1x16xf32>,
          %get3A_462 = vector.shape_cast %get3A_461 : vector<1x16xf32> to vector<16xf32>
          %get3A_463 = arith.index_cast %scan3A_403 : i32 to index
          %get3A_464 = arith.constant 64 : index
          %get3A_465 = tpu.vector_load %arg20[%get3A_463, %get3A_464] {strides = array<i32>} : memref<40x128xf32, #tpu.memory_space<vmem>>, vector<1x16xf32>,
          %get3A_466 = vector.shape_cast %get3A_465 : vector<1x16xf32> to vector<16xf32>
          %mul3A_467 = arith.mulf %get3A_462, %get3A_466 : vector<16xf32>
          %swap3A_468 = arith.index_cast %scan3A_403 : i32 to index
          %swap3A_469 = arith.constant 64 : index
          %swap3A_470 = tpu.vector_load %arg19[%swap3A_468, %swap3A_469] {strides = array<i32>} : memref<40x128xf32, #tpu.memory_space<vmem>>, vector<1x16xf32>,
          %swap3A_471 = vector.shape_cast %swap3A_470 : vector<1x16xf32> to vector<16xf32>
          %swap3A_472 = vector.shape_cast %mul3A_467 : vector<16xf32> to vector<1x16xf32>
          tpu.vector_store %arg19[%swap3A_468, %swap3A_469], %swap3A_472 {strides = array<i32>} : memref<40x128xf32, #tpu.memory_space<vmem>>, vector<1x16xf32>,
          %get3A_473 = arith.index_cast %scan3A_403 : i32 to index
          %get3A_474 = arith.constant 80 : index
          %get3A_475 = tpu.vector_load %arg19[%get3A_473, %get3A_474] {strides = array<i32>} : memref<40x128xf32, #tpu.memory_space<vmem>>, vector<1x16xf32>,
          %get3A_476 = vector.shape_cast %get3A_475 : vector<1x16xf32> to vector<16xf32>
          %get3A_477 = arith.index_cast %scan3A_403 : i32 to index
          %get3A_478 = arith.constant 80 : index
          %get3A_479 = tpu.vector_load %arg20[%get3A_477, %get3A_478] {strides = array<i32>} : memref<40x128xf32, #tpu.memory_space<vmem>>, vector<1x16xf32>,
          %get3A_480 = vector.shape_cast %get3A_479 : vector<1x16xf32> to vector<16xf32>
          %mul3A_481 = arith.mulf %get3A_476, %get3A_480 : vector<16xf32>
          %swap3A_482 = arith.index_cast %scan3A_403 : i32 to index
          %swap3A_483 = arith.constant 80 : index
          %swap3A_484 = tpu.vector_load %arg19[%swap3A_482, %swap3A_483] {strides = array<i32>} : memref<40x128xf32, #tpu.memory_space<vmem>>, vector<1x16xf32>,
          %swap3A_485 = vector.shape_cast %swap3A_484 : vector<1x16xf32> to vector<16xf32>
          %swap3A_486 = vector.shape_cast %mul3A_481 : vector<16xf32> to vector<1x16xf32>
          tpu.vector_store %arg19[%swap3A_482, %swap3A_483], %swap3A_486 {strides = array<i32>} : memref<40x128xf32, #tpu.memory_space<vmem>>, vector<1x16xf32>,
          %get3A_487 = arith.index_cast %scan3A_403 : i32 to index
          %get3A_488 = arith.constant 96 : index
          %get3A_489 = tpu.vector_load %arg19[%get3A_487, %get3A_488] {strides = array<i32>} : memref<40x128xf32, #tpu.memory_space<vmem>>, vector<1x16xf32>,
          %get3A_490 = vector.shape_cast %get3A_489 : vector<1x16xf32> to vector<16xf32>
          %get3A_491 = arith.index_cast %scan3A_403 : i32 to index
          %get3A_492 = arith.constant 96 : index
          %get3A_493 = tpu.vector_load %arg20[%get3A_491, %get3A_492] {strides = array<i32>} : memref<40x128xf32, #tpu.memory_space<vmem>>, vector<1x16xf32>,
          %get3A_494 = vector.shape_cast %get3A_493 : vector<1x16xf32> to vector<16xf32>
          %mul3A_495 = arith.mulf %get3A_490, %get3A_494 : vector<16xf32>
          %swap3A_496 = arith.index_cast %scan3A_403 : i32 to index
          %swap3A_497 = arith.constant 96 : index
          %swap3A_498 = tpu.vector_load %arg19[%swap3A_496, %swap3A_497] {strides = array<i32>} : memref<40x128xf32, #tpu.memory_space<vmem>>, vector<1x16xf32>,
          %swap3A_499 = vector.shape_cast %swap3A_498 : vector<1x16xf32> to vector<16xf32>
          %swap3A_500 = vector.shape_cast %mul3A_495 : vector<16xf32> to vector<1x16xf32>
          tpu.vector_store %arg19[%swap3A_496, %swap3A_497], %swap3A_500 {strides = array<i32>} : memref<40x128xf32, #tpu.memory_space<vmem>>, vector<1x16xf32>,
          %get3A_501 = arith.index_cast %scan3A_403 : i32 to index
          %get3A_502 = arith.constant 112 : index
          %get3A_503 = tpu.vector_load %arg19[%get3A_501, %get3A_502] {strides = array<i32>} : memref<40x128xf32, #tpu.memory_space<vmem>>, vector<1x16xf32>,
          %get3A_504 = vector.shape_cast %get3A_503 : vector<1x16xf32> to vector<16xf32>
          %get3A_505 = arith.index_cast %scan3A_403 : i32 to index
          %get3A_506 = arith.constant 112 : index
          %get3A_507 = tpu.vector_load %arg20[%get3A_505, %get3A_506] {strides = array<i32>} : memref<40x128xf32, #tpu.memory_space<vmem>>, vector<1x16xf32>,
          %get3A_508 = vector.shape_cast %get3A_507 : vector<1x16xf32> to vector<16xf32>
          %mul3A_509 = arith.mulf %get3A_504, %get3A_508 : vector<16xf32>
          %swap3A_510 = arith.index_cast %scan3A_403 : i32 to index
          %swap3A_511 = arith.constant 112 : index
          %swap3A_512 = tpu.vector_load %arg19[%swap3A_510, %swap3A_511] {strides = array<i32>} : memref<40x128xf32, #tpu.memory_space<vmem>>, vector<1x16xf32>,
          %swap3A_513 = vector.shape_cast %swap3A_512 : vector<1x16xf32> to vector<16xf32>
          %swap3A_514 = vector.shape_cast %mul3A_509 : vector<16xf32> to vector<1x16xf32>
          tpu.vector_store %arg19[%swap3A_510, %swap3A_511], %swap3A_514 {strides = array<i32>} : memref<40x128xf32, #tpu.memory_space<vmem>>, vector<1x16xf32>,
          %scan3A_515 = arith.constant 0 : i32
          scf.yield %scan3A_515 : i32
        }
        %scan3A_402 = arith.constant 40 : i32
      } else {
      }
      %lt3A_260 = arith.constant 250 : i32
      %lt3A_261 = arith.cmpi slt, %add3A_234, %lt3A_260 : i32
      %convert_element_type3A_262 = arith.extui %lt3A_261 : i1 to i32
      %cond3A_263 = arith.constant 0 : i32
      %cond3A_264 = arith.cmpi ne, %convert_element_type3A_262, %cond3A_263 : i32
      scf.if %cond3A_264 {
        %dma_start3A_396 = arith.constant 0 : i32
        %dma_start3A_397 = arith.constant 0 : i32
        %dma_start3A_398 = tpu.memref_slice %arg22[%dma_start3A_396, %dma_start3A_397] : memref<10240x128xf32, #tpu.memory_space<vmem_shared>> -> memref<10240x128xf32, #tpu.memory_space<vmem_shared>>
        tpu.enqueue_indirect_dma source(%arg19 : memref<40x128xf32, #tpu.memory_space<vmem>>) target(%dma_start3A_398 : memref<10240x128xf32, #tpu.memory_space<vmem_shared>>) offsets(%arg13 : memref<40xi32, #tpu.memory_space<vmem>>) semaphore(%arg31 : memref<!tpu.dma_semaphore, #tpu.memory_space<semaphore_mem>>) {add = true}
      } else {
      }
      %add3A_265 = arith.constant 2 : i32
      %add3A_266 = arith.addi %add3A_234, %add3A_265 : i32
      %lt3A_267 = arith.constant 250 : i32
      %lt3A_268 = arith.cmpi slt, %add3A_266, %lt3A_267 : i32
      %convert_element_type3A_269 = arith.extui %lt3A_268 : i1 to i32
      %cond3A_270 = arith.constant 0 : i32
      %cond3A_271 = arith.cmpi ne, %convert_element_type3A_269, %cond3A_270 : i32
      scf.if %cond3A_271 {
        %add3A_396 = arith.constant 2 : i32
        %add3A_397 = arith.addi %add3A_234, %add3A_396 : i32
        %mul3A_398 = arith.constant 40 : i32
        %mul3A_399 = arith.muli %add3A_397, %mul3A_398 : i32
        %add3A_400 = arith.addi %mul3A_2, %mul3A_399 : i32
        %dma_start3A_401 = tpu.memref_slice %arg3[%add3A_400] : memref<320000xi32, #tpu.memory_space<hbm>> -> memref<40xi32, #tpu.memory_space<hbm>>
        %dma_start3A_402 = tpu.memref_slice %arg3[%add3A_400] : memref<320000xi32, #tpu.memory_space<hbm>> -> memref<40xi32, #tpu.memory_space<hbm>>
        tpu.enqueue_dma source(%dma_start3A_402 : memref<40xi32, #tpu.memory_space<hbm>>) target(%arg9 : memref<40xi32, #tpu.memory_space<vmem>>) target_semaphore(%arg24 : memref<!tpu.dma_semaphore, #tpu.memory_space<semaphore_mem>>)
        %dma_start3A_403 = tpu.memref_slice %arg4[%add3A_400] : memref<320000xi32, #tpu.memory_space<hbm>> -> memref<40xi32, #tpu.memory_space<hbm>>
        %dma_start3A_404 = tpu.memref_slice %arg4[%add3A_400] : memref<320000xi32, #tpu.memory_space<hbm>> -> memref<40xi32, #tpu.memory_space<hbm>>
        tpu.enqueue_dma source(%dma_start3A_404 : memref<40xi32, #tpu.memory_space<hbm>>) target(%arg15 : memref<40xi32, #tpu.memory_space<vmem>>) target_semaphore(%arg24 : memref<!tpu.dma_semaphore, #tpu.memory_space<semaphore_mem>>)
        %dma_start3A_405 = arith.constant 0 : i32
        %dma_start3A_406 = tpu.memref_slice %arg5[%add3A_400, %dma_start3A_405] : memref<320000x128xf32, #tpu.memory_space<hbm>> -> memref<40x128xf32, #tpu.memory_space<hbm>>
        %dma_start3A_407 = arith.constant 0 : i32
        %dma_start3A_408 = tpu.memref_slice %arg5[%add3A_400, %dma_start3A_407] : memref<320000x128xf32, #tpu.memory_space<hbm>> -> memref<40x128xf32, #tpu.memory_space<hbm>>
        tpu.enqueue_dma source(%dma_start3A_408 : memref<40x128xf32, #tpu.memory_space<hbm>>) target(%arg20 : memref<40x128xf32, #tpu.memory_space<vmem>>) target_semaphore(%arg24 : memref<!tpu.dma_semaphore, #tpu.memory_space<semaphore_mem>>)
      } else {
      }
      %mul3A_272 = arith.constant 6 : i32
      %mul3A_273 = arith.muli %mul3A_272, %scan3A_152 : i32
      %add3A_274 = arith.constant 3 : i32
      %add3A_275 = arith.addi %mul3A_273, %add3A_274 : i32
      %ge3A_276 = arith.constant 2 : i32
      %ge3A_277 = arith.cmpi sge, %add3A_275, %ge3A_276 : i32
      %lt3A_278 = arith.constant 250 : i32
      %lt3A_279 = arith.cmpi slt, %add3A_275, %lt3A_278 : i32
      %and3A_280 = arith.andi %ge3A_277, %lt3A_279 : i1
      %convert_element_type3A_281 = arith.extui %and3A_280 : i1 to i32
      %cond3A_282 = arith.constant 0 : i32
      %cond3A_283 = arith.cmpi ne, %convert_element_type3A_281, %cond3A_282 : i32
      scf.if %cond3A_283 {
        %dma_wait3A_396 = arith.constant 0 : i32
        %dma_wait3A_397 = arith.constant 0 : i32
        %dma_wait3A_398 = tpu.memref_slice %arg22[%dma_wait3A_396, %dma_wait3A_397] : memref<10240x128xf32, #tpu.memory_space<vmem_shared>> -> memref<10240x128xf32, #tpu.memory_space<vmem_shared>>
        tpu.wait_indirect_dma semaphore(%arg30 : memref<!tpu.dma_semaphore, #tpu.memory_space<semaphore_mem>>) src(%arg18 : memref<40x128xf32, #tpu.memory_space<vmem>>) dst(%dma_wait3A_398 : memref<10240x128xf32, #tpu.memory_space<vmem_shared>>)
      } else {
      }
      %lt3A_284 = arith.constant 250 : i32
      %lt3A_285 = arith.cmpi slt, %add3A_275, %lt3A_284 : i32
      %convert_element_type3A_286 = arith.extui %lt3A_285 : i1 to i32
      %cond3A_287 = arith.constant 0 : i32
      %cond3A_288 = arith.cmpi ne, %convert_element_type3A_286, %cond3A_287 : i32
      scf.if %cond3A_288 {
        %dma_wait3A_396 = arith.constant 0 : i32
        %dma_wait3A_397 = arith.constant 0 : i32
        %dma_wait3A_398 = tpu.memref_slice %arg2[%dma_wait3A_396, %dma_wait3A_397] : memref<10000x128xf32, #tpu.memory_space<hbm>> -> memref<10000x128xf32, #tpu.memory_space<hbm>>
        tpu.wait_indirect_dma semaphore(%arg26 : memref<!tpu.dma_semaphore, #tpu.memory_space<semaphore_mem>>) src(%dma_wait3A_398 : memref<10000x128xf32, #tpu.memory_space<hbm>>) dst(%arg17 : memref<40x128xf32, #tpu.memory_space<vmem>>)
      } else {
      }
      %add3A_289 = arith.constant 1 : i32
      %add3A_290 = arith.addi %add3A_275, %add3A_289 : i32
      %lt3A_291 = arith.constant 250 : i32
      %lt3A_292 = arith.cmpi slt, %add3A_290, %lt3A_291 : i32
      %convert_element_type3A_293 = arith.extui %lt3A_292 : i1 to i32
      %cond3A_294 = arith.constant 0 : i32
      %cond3A_295 = arith.cmpi ne, %convert_element_type3A_293, %cond3A_294 : i32
      scf.if %cond3A_295 {
        %dma_wait3A_396 = arith.constant 0 : i32
        %dma_wait3A_397 = tpu.memref_slice %arg3[%dma_wait3A_396] : memref<320000xi32, #tpu.memory_space<hbm>> -> memref<40xi32, #tpu.memory_space<hbm>>
        %dma_wait3A_398 = arith.constant 0 : i32
        %dma_wait3A_399 = tpu.memref_slice %arg3[%dma_wait3A_398] : memref<320000xi32, #tpu.memory_space<hbm>> -> memref<40xi32, #tpu.memory_space<hbm>>
        tpu.wait_dma2 semaphore(%arg24 : memref<!tpu.dma_semaphore, #tpu.memory_space<semaphore_mem>>) src(%dma_wait3A_399 : memref<40xi32, #tpu.memory_space<hbm>>) dst(%arg9 : memref<40xi32, #tpu.memory_space<vmem>>)
        %dma_wait3A_400 = arith.constant 0 : i32
        %dma_wait3A_401 = tpu.memref_slice %arg4[%dma_wait3A_400] : memref<320000xi32, #tpu.memory_space<hbm>> -> memref<40xi32, #tpu.memory_space<hbm>>
        %dma_wait3A_402 = arith.constant 0 : i32
        %dma_wait3A_403 = tpu.memref_slice %arg4[%dma_wait3A_402] : memref<320000xi32, #tpu.memory_space<hbm>> -> memref<40xi32, #tpu.memory_space<hbm>>
        tpu.wait_dma2 semaphore(%arg24 : memref<!tpu.dma_semaphore, #tpu.memory_space<semaphore_mem>>) src(%dma_wait3A_403 : memref<40xi32, #tpu.memory_space<hbm>>) dst(%arg15 : memref<40xi32, #tpu.memory_space<vmem>>)
        %dma_wait3A_404 = arith.constant 0 : i32
        %dma_wait3A_405 = arith.constant 0 : i32
        %dma_wait3A_406 = tpu.memref_slice %arg5[%dma_wait3A_404, %dma_wait3A_405] : memref<320000x128xf32, #tpu.memory_space<hbm>> -> memref<40x128xf32, #tpu.memory_space<hbm>>
        %dma_wait3A_407 = arith.constant 0 : i32
        %dma_wait3A_408 = arith.constant 0 : i32
        %dma_wait3A_409 = tpu.memref_slice %arg5[%dma_wait3A_407, %dma_wait3A_408] : memref<320000x128xf32, #tpu.memory_space<hbm>> -> memref<40x128xf32, #tpu.memory_space<hbm>>
        tpu.wait_dma2 semaphore(%arg24 : memref<!tpu.dma_semaphore, #tpu.memory_space<semaphore_mem>>) src(%dma_wait3A_409 : memref<40x128xf32, #tpu.memory_space<hbm>>) dst(%arg20 : memref<40x128xf32, #tpu.memory_space<vmem>>)
        %dma_start3A_410 = arith.constant 0 : i32
        %dma_start3A_411 = arith.constant 0 : i32
        %dma_start3A_412 = tpu.memref_slice %arg2[%dma_start3A_410, %dma_start3A_411] : memref<10000x128xf32, #tpu.memory_space<hbm>> -> memref<10000x128xf32, #tpu.memory_space<hbm>>
        tpu.enqueue_indirect_dma source(%dma_start3A_412 : memref<10000x128xf32, #tpu.memory_space<hbm>>) target(%arg18 : memref<40x128xf32, #tpu.memory_space<vmem>>) offsets(%arg9 : memref<40xi32, #tpu.memory_space<vmem>>) semaphore(%arg27 : memref<!tpu.dma_semaphore, #tpu.memory_space<semaphore_mem>>)
      } else {
      }
      %lt3A_296 = arith.constant 250 : i32
      %lt3A_297 = arith.cmpi slt, %add3A_275, %lt3A_296 : i32
      %convert_element_type3A_298 = arith.extui %lt3A_297 : i1 to i32
      %cond3A_299 = arith.constant 0 : i32
      %cond3A_300 = arith.cmpi ne, %convert_element_type3A_298, %cond3A_299 : i32
      scf.if %cond3A_300 {
        %scan3A_396 = arith.constant 0 : i32
        %scan3A_397 = arith.constant 0 : i32
        %scan3A_398 = arith.constant 40 : i32
        %scan3A_399 = arith.addi %scan3A_397, %scan3A_398 : i32
        %scan3A_400 = arith.constant 1 : i32
        %scan3A_401 = scf.for %scan3A_403 = %scan3A_397 to %scan3A_399 step %scan3A_400 iter_args(%scan3A_404 = %scan3A_396) -> (i32)  : i32 {
          %get3A = arith.index_cast %scan3A_403 : i32 to index
          %get3A_405 = arith.constant 0 : index
          %get3A_406 = tpu.vector_load %arg17[%get3A, %get3A_405] {strides = array<i32>} : memref<40x128xf32, #tpu.memory_space<vmem>>, vector<1x16xf32>,
          %get3A_407 = vector.shape_cast %get3A_406 : vector<1x16xf32> to vector<16xf32>
          %get3A_408 = arith.index_cast %scan3A_403 : i32 to index
          %get3A_409 = arith.constant 0 : index
          %get3A_410 = tpu.vector_load %arg21[%get3A_408, %get3A_409] {strides = array<i32>} : memref<40x128xf32, #tpu.memory_space<vmem>>, vector<1x16xf32>,
          %get3A_411 = vector.shape_cast %get3A_410 : vector<1x16xf32> to vector<16xf32>
          %mul3A_412 = arith.mulf %get3A_407, %get3A_411 : vector<16xf32>
          %swap3A = arith.index_cast %scan3A_403 : i32 to index
          %swap3A_413 = arith.constant 0 : index
          %swap3A_414 = tpu.vector_load %arg17[%swap3A, %swap3A_413] {strides = array<i32>} : memref<40x128xf32, #tpu.memory_space<vmem>>, vector<1x16xf32>,
          %swap3A_415 = vector.shape_cast %swap3A_414 : vector<1x16xf32> to vector<16xf32>
          %swap3A_416 = vector.shape_cast %mul3A_412 : vector<16xf32> to vector<1x16xf32>
          tpu.vector_store %arg17[%swap3A, %swap3A_413], %swap3A_416 {strides = array<i32>} : memref<40x128xf32, #tpu.memory_space<vmem>>, vector<1x16xf32>,
          %get3A_417 = arith.index_cast %scan3A_403 : i32 to index
          %get3A_418 = arith.constant 16 : index
          %get3A_419 = tpu.vector_load %arg17[%get3A_417, %get3A_418] {strides = array<i32>} : memref<40x128xf32, #tpu.memory_space<vmem>>, vector<1x16xf32>,
          %get3A_420 = vector.shape_cast %get3A_419 : vector<1x16xf32> to vector<16xf32>
          %get3A_421 = arith.index_cast %scan3A_403 : i32 to index
          %get3A_422 = arith.constant 16 : index
          %get3A_423 = tpu.vector_load %arg21[%get3A_421, %get3A_422] {strides = array<i32>} : memref<40x128xf32, #tpu.memory_space<vmem>>, vector<1x16xf32>,
          %get3A_424 = vector.shape_cast %get3A_423 : vector<1x16xf32> to vector<16xf32>
          %mul3A_425 = arith.mulf %get3A_420, %get3A_424 : vector<16xf32>
          %swap3A_426 = arith.index_cast %scan3A_403 : i32 to index
          %swap3A_427 = arith.constant 16 : index
          %swap3A_428 = tpu.vector_load %arg17[%swap3A_426, %swap3A_427] {strides = array<i32>} : memref<40x128xf32, #tpu.memory_space<vmem>>, vector<1x16xf32>,
          %swap3A_429 = vector.shape_cast %swap3A_428 : vector<1x16xf32> to vector<16xf32>
          %swap3A_430 = vector.shape_cast %mul3A_425 : vector<16xf32> to vector<1x16xf32>
          tpu.vector_store %arg17[%swap3A_426, %swap3A_427], %swap3A_430 {strides = array<i32>} : memref<40x128xf32, #tpu.memory_space<vmem>>, vector<1x16xf32>,
          %get3A_431 = arith.index_cast %scan3A_403 : i32 to index
          %get3A_432 = arith.constant 32 : index
          %get3A_433 = tpu.vector_load %arg17[%get3A_431, %get3A_432] {strides = array<i32>} : memref<40x128xf32, #tpu.memory_space<vmem>>, vector<1x16xf32>,
          %get3A_434 = vector.shape_cast %get3A_433 : vector<1x16xf32> to vector<16xf32>
          %get3A_435 = arith.index_cast %scan3A_403 : i32 to index
          %get3A_436 = arith.constant 32 : index
          %get3A_437 = tpu.vector_load %arg21[%get3A_435, %get3A_436] {strides = array<i32>} : memref<40x128xf32, #tpu.memory_space<vmem>>, vector<1x16xf32>,
          %get3A_438 = vector.shape_cast %get3A_437 : vector<1x16xf32> to vector<16xf32>
          %mul3A_439 = arith.mulf %get3A_434, %get3A_438 : vector<16xf32>
          %swap3A_440 = arith.index_cast %scan3A_403 : i32 to index
          %swap3A_441 = arith.constant 32 : index
          %swap3A_442 = tpu.vector_load %arg17[%swap3A_440, %swap3A_441] {strides = array<i32>} : memref<40x128xf32, #tpu.memory_space<vmem>>, vector<1x16xf32>,
          %swap3A_443 = vector.shape_cast %swap3A_442 : vector<1x16xf32> to vector<16xf32>
          %swap3A_444 = vector.shape_cast %mul3A_439 : vector<16xf32> to vector<1x16xf32>
          tpu.vector_store %arg17[%swap3A_440, %swap3A_441], %swap3A_444 {strides = array<i32>} : memref<40x128xf32, #tpu.memory_space<vmem>>, vector<1x16xf32>,
          %get3A_445 = arith.index_cast %scan3A_403 : i32 to index
          %get3A_446 = arith.constant 48 : index
          %get3A_447 = tpu.vector_load %arg17[%get3A_445, %get3A_446] {strides = array<i32>} : memref<40x128xf32, #tpu.memory_space<vmem>>, vector<1x16xf32>,
          %get3A_448 = vector.shape_cast %get3A_447 : vector<1x16xf32> to vector<16xf32>
          %get3A_449 = arith.index_cast %scan3A_403 : i32 to index
          %get3A_450 = arith.constant 48 : index
          %get3A_451 = tpu.vector_load %arg21[%get3A_449, %get3A_450] {strides = array<i32>} : memref<40x128xf32, #tpu.memory_space<vmem>>, vector<1x16xf32>,
          %get3A_452 = vector.shape_cast %get3A_451 : vector<1x16xf32> to vector<16xf32>
          %mul3A_453 = arith.mulf %get3A_448, %get3A_452 : vector<16xf32>
          %swap3A_454 = arith.index_cast %scan3A_403 : i32 to index
          %swap3A_455 = arith.constant 48 : index
          %swap3A_456 = tpu.vector_load %arg17[%swap3A_454, %swap3A_455] {strides = array<i32>} : memref<40x128xf32, #tpu.memory_space<vmem>>, vector<1x16xf32>,
          %swap3A_457 = vector.shape_cast %swap3A_456 : vector<1x16xf32> to vector<16xf32>
          %swap3A_458 = vector.shape_cast %mul3A_453 : vector<16xf32> to vector<1x16xf32>
          tpu.vector_store %arg17[%swap3A_454, %swap3A_455], %swap3A_458 {strides = array<i32>} : memref<40x128xf32, #tpu.memory_space<vmem>>, vector<1x16xf32>,
          %get3A_459 = arith.index_cast %scan3A_403 : i32 to index
          %get3A_460 = arith.constant 64 : index
          %get3A_461 = tpu.vector_load %arg17[%get3A_459, %get3A_460] {strides = array<i32>} : memref<40x128xf32, #tpu.memory_space<vmem>>, vector<1x16xf32>,
          %get3A_462 = vector.shape_cast %get3A_461 : vector<1x16xf32> to vector<16xf32>
          %get3A_463 = arith.index_cast %scan3A_403 : i32 to index
          %get3A_464 = arith.constant 64 : index
          %get3A_465 = tpu.vector_load %arg21[%get3A_463, %get3A_464] {strides = array<i32>} : memref<40x128xf32, #tpu.memory_space<vmem>>, vector<1x16xf32>,
          %get3A_466 = vector.shape_cast %get3A_465 : vector<1x16xf32> to vector<16xf32>
          %mul3A_467 = arith.mulf %get3A_462, %get3A_466 : vector<16xf32>
          %swap3A_468 = arith.index_cast %scan3A_403 : i32 to index
          %swap3A_469 = arith.constant 64 : index
          %swap3A_470 = tpu.vector_load %arg17[%swap3A_468, %swap3A_469] {strides = array<i32>} : memref<40x128xf32, #tpu.memory_space<vmem>>, vector<1x16xf32>,
          %swap3A_471 = vector.shape_cast %swap3A_470 : vector<1x16xf32> to vector<16xf32>
          %swap3A_472 = vector.shape_cast %mul3A_467 : vector<16xf32> to vector<1x16xf32>
          tpu.vector_store %arg17[%swap3A_468, %swap3A_469], %swap3A_472 {strides = array<i32>} : memref<40x128xf32, #tpu.memory_space<vmem>>, vector<1x16xf32>,
          %get3A_473 = arith.index_cast %scan3A_403 : i32 to index
          %get3A_474 = arith.constant 80 : index
          %get3A_475 = tpu.vector_load %arg17[%get3A_473, %get3A_474] {strides = array<i32>} : memref<40x128xf32, #tpu.memory_space<vmem>>, vector<1x16xf32>,
          %get3A_476 = vector.shape_cast %get3A_475 : vector<1x16xf32> to vector<16xf32>
          %get3A_477 = arith.index_cast %scan3A_403 : i32 to index
          %get3A_478 = arith.constant 80 : index
          %get3A_479 = tpu.vector_load %arg21[%get3A_477, %get3A_478] {strides = array<i32>} : memref<40x128xf32, #tpu.memory_space<vmem>>, vector<1x16xf32>,
          %get3A_480 = vector.shape_cast %get3A_479 : vector<1x16xf32> to vector<16xf32>
          %mul3A_481 = arith.mulf %get3A_476, %get3A_480 : vector<16xf32>
          %swap3A_482 = arith.index_cast %scan3A_403 : i32 to index
          %swap3A_483 = arith.constant 80 : index
          %swap3A_484 = tpu.vector_load %arg17[%swap3A_482, %swap3A_483] {strides = array<i32>} : memref<40x128xf32, #tpu.memory_space<vmem>>, vector<1x16xf32>,
          %swap3A_485 = vector.shape_cast %swap3A_484 : vector<1x16xf32> to vector<16xf32>
          %swap3A_486 = vector.shape_cast %mul3A_481 : vector<16xf32> to vector<1x16xf32>
          tpu.vector_store %arg17[%swap3A_482, %swap3A_483], %swap3A_486 {strides = array<i32>} : memref<40x128xf32, #tpu.memory_space<vmem>>, vector<1x16xf32>,
          %get3A_487 = arith.index_cast %scan3A_403 : i32 to index
          %get3A_488 = arith.constant 96 : index
          %get3A_489 = tpu.vector_load %arg17[%get3A_487, %get3A_488] {strides = array<i32>} : memref<40x128xf32, #tpu.memory_space<vmem>>, vector<1x16xf32>,
          %get3A_490 = vector.shape_cast %get3A_489 : vector<1x16xf32> to vector<16xf32>
          %get3A_491 = arith.index_cast %scan3A_403 : i32 to index
          %get3A_492 = arith.constant 96 : index
          %get3A_493 = tpu.vector_load %arg21[%get3A_491, %get3A_492] {strides = array<i32>} : memref<40x128xf32, #tpu.memory_space<vmem>>, vector<1x16xf32>,
          %get3A_494 = vector.shape_cast %get3A_493 : vector<1x16xf32> to vector<16xf32>
          %mul3A_495 = arith.mulf %get3A_490, %get3A_494 : vector<16xf32>
          %swap3A_496 = arith.index_cast %scan3A_403 : i32 to index
          %swap3A_497 = arith.constant 96 : index
          %swap3A_498 = tpu.vector_load %arg17[%swap3A_496, %swap3A_497] {strides = array<i32>} : memref<40x128xf32, #tpu.memory_space<vmem>>, vector<1x16xf32>,
          %swap3A_499 = vector.shape_cast %swap3A_498 : vector<1x16xf32> to vector<16xf32>
          %swap3A_500 = vector.shape_cast %mul3A_495 : vector<16xf32> to vector<1x16xf32>
          tpu.vector_store %arg17[%swap3A_496, %swap3A_497], %swap3A_500 {strides = array<i32>} : memref<40x128xf32, #tpu.memory_space<vmem>>, vector<1x16xf32>,
          %get3A_501 = arith.index_cast %scan3A_403 : i32 to index
          %get3A_502 = arith.constant 112 : index
          %get3A_503 = tpu.vector_load %arg17[%get3A_501, %get3A_502] {strides = array<i32>} : memref<40x128xf32, #tpu.memory_space<vmem>>, vector<1x16xf32>,
          %get3A_504 = vector.shape_cast %get3A_503 : vector<1x16xf32> to vector<16xf32>
          %get3A_505 = arith.index_cast %scan3A_403 : i32 to index
          %get3A_506 = arith.constant 112 : index
          %get3A_507 = tpu.vector_load %arg21[%get3A_505, %get3A_506] {strides = array<i32>} : memref<40x128xf32, #tpu.memory_space<vmem>>, vector<1x16xf32>,
          %get3A_508 = vector.shape_cast %get3A_507 : vector<1x16xf32> to vector<16xf32>
          %mul3A_509 = arith.mulf %get3A_504, %get3A_508 : vector<16xf32>
          %swap3A_510 = arith.index_cast %scan3A_403 : i32 to index
          %swap3A_511 = arith.constant 112 : index
          %swap3A_512 = tpu.vector_load %arg17[%swap3A_510, %swap3A_511] {strides = array<i32>} : memref<40x128xf32, #tpu.memory_space<vmem>>, vector<1x16xf32>,
          %swap3A_513 = vector.shape_cast %swap3A_512 : vector<1x16xf32> to vector<16xf32>
          %swap3A_514 = vector.shape_cast %mul3A_509 : vector<16xf32> to vector<1x16xf32>
          tpu.vector_store %arg17[%swap3A_510, %swap3A_511], %swap3A_514 {strides = array<i32>} : memref<40x128xf32, #tpu.memory_space<vmem>>, vector<1x16xf32>,
          %scan3A_515 = arith.constant 0 : i32
          scf.yield %scan3A_515 : i32
        }
        %scan3A_402 = arith.constant 40 : i32
      } else {
      }
      %lt3A_301 = arith.constant 250 : i32
      %lt3A_302 = arith.cmpi slt, %add3A_275, %lt3A_301 : i32
      %convert_element_type3A_303 = arith.extui %lt3A_302 : i1 to i32
      %cond3A_304 = arith.constant 0 : i32
      %cond3A_305 = arith.cmpi ne, %convert_element_type3A_303, %cond3A_304 : i32
      scf.if %cond3A_305 {
        %dma_start3A_396 = arith.constant 0 : i32
        %dma_start3A_397 = arith.constant 0 : i32
        %dma_start3A_398 = tpu.memref_slice %arg22[%dma_start3A_396, %dma_start3A_397] : memref<10240x128xf32, #tpu.memory_space<vmem_shared>> -> memref<10240x128xf32, #tpu.memory_space<vmem_shared>>
        tpu.enqueue_indirect_dma source(%arg17 : memref<40x128xf32, #tpu.memory_space<vmem>>) target(%dma_start3A_398 : memref<10240x128xf32, #tpu.memory_space<vmem_shared>>) offsets(%arg14 : memref<40xi32, #tpu.memory_space<vmem>>) semaphore(%arg29 : memref<!tpu.dma_semaphore, #tpu.memory_space<semaphore_mem>>) {add = true}
      } else {
      }
      %add3A_306 = arith.constant 2 : i32
      %add3A_307 = arith.addi %add3A_275, %add3A_306 : i32
      %lt3A_308 = arith.constant 250 : i32
      %lt3A_309 = arith.cmpi slt, %add3A_307, %lt3A_308 : i32
      %convert_element_type3A_310 = arith.extui %lt3A_309 : i1 to i32
      %cond3A_311 = arith.constant 0 : i32
      %cond3A_312 = arith.cmpi ne, %convert_element_type3A_310, %cond3A_311 : i32
      scf.if %cond3A_312 {
        %add3A_396 = arith.constant 2 : i32
        %add3A_397 = arith.addi %add3A_275, %add3A_396 : i32
        %mul3A_398 = arith.constant 40 : i32
        %mul3A_399 = arith.muli %add3A_397, %mul3A_398 : i32
        %add3A_400 = arith.addi %mul3A_2, %mul3A_399 : i32
        %dma_start3A_401 = tpu.memref_slice %arg3[%add3A_400] : memref<320000xi32, #tpu.memory_space<hbm>> -> memref<40xi32, #tpu.memory_space<hbm>>
        %dma_start3A_402 = tpu.memref_slice %arg3[%add3A_400] : memref<320000xi32, #tpu.memory_space<hbm>> -> memref<40xi32, #tpu.memory_space<hbm>>
        tpu.enqueue_dma source(%dma_start3A_402 : memref<40xi32, #tpu.memory_space<hbm>>) target(%arg10 : memref<40xi32, #tpu.memory_space<vmem>>) target_semaphore(%arg25 : memref<!tpu.dma_semaphore, #tpu.memory_space<semaphore_mem>>)
        %dma_start3A_403 = tpu.memref_slice %arg4[%add3A_400] : memref<320000xi32, #tpu.memory_space<hbm>> -> memref<40xi32, #tpu.memory_space<hbm>>
        %dma_start3A_404 = tpu.memref_slice %arg4[%add3A_400] : memref<320000xi32, #tpu.memory_space<hbm>> -> memref<40xi32, #tpu.memory_space<hbm>>
        tpu.enqueue_dma source(%dma_start3A_404 : memref<40xi32, #tpu.memory_space<hbm>>) target(%arg16 : memref<40xi32, #tpu.memory_space<vmem>>) target_semaphore(%arg25 : memref<!tpu.dma_semaphore, #tpu.memory_space<semaphore_mem>>)
        %dma_start3A_405 = arith.constant 0 : i32
        %dma_start3A_406 = tpu.memref_slice %arg5[%add3A_400, %dma_start3A_405] : memref<320000x128xf32, #tpu.memory_space<hbm>> -> memref<40x128xf32, #tpu.memory_space<hbm>>
        %dma_start3A_407 = arith.constant 0 : i32
        %dma_start3A_408 = tpu.memref_slice %arg5[%add3A_400, %dma_start3A_407] : memref<320000x128xf32, #tpu.memory_space<hbm>> -> memref<40x128xf32, #tpu.memory_space<hbm>>
        tpu.enqueue_dma source(%dma_start3A_408 : memref<40x128xf32, #tpu.memory_space<hbm>>) target(%arg21 : memref<40x128xf32, #tpu.memory_space<vmem>>) target_semaphore(%arg25 : memref<!tpu.dma_semaphore, #tpu.memory_space<semaphore_mem>>)
      } else {
      }
      %mul3A_313 = arith.constant 6 : i32
      %mul3A_314 = arith.muli %mul3A_313, %scan3A_152 : i32
      %add3A_315 = arith.constant 4 : i32
      %add3A_316 = arith.addi %mul3A_314, %add3A_315 : i32
      %ge3A_317 = arith.constant 2 : i32
      %ge3A_318 = arith.cmpi sge, %add3A_316, %ge3A_317 : i32
      %lt3A_319 = arith.constant 250 : i32
      %lt3A_320 = arith.cmpi slt, %add3A_316, %lt3A_319 : i32
      %and3A_321 = arith.andi %ge3A_318, %lt3A_320 : i1
      %convert_element_type3A_322 = arith.extui %and3A_321 : i1 to i32
      %cond3A_323 = arith.constant 0 : i32
      %cond3A_324 = arith.cmpi ne, %convert_element_type3A_322, %cond3A_323 : i32
      scf.if %cond3A_324 {
        %dma_wait3A_396 = arith.constant 0 : i32
        %dma_wait3A_397 = arith.constant 0 : i32
        %dma_wait3A_398 = tpu.memref_slice %arg22[%dma_wait3A_396, %dma_wait3A_397] : memref<10240x128xf32, #tpu.memory_space<vmem_shared>> -> memref<10240x128xf32, #tpu.memory_space<vmem_shared>>
        tpu.wait_indirect_dma semaphore(%arg31 : memref<!tpu.dma_semaphore, #tpu.memory_space<semaphore_mem>>) src(%arg19 : memref<40x128xf32, #tpu.memory_space<vmem>>) dst(%dma_wait3A_398 : memref<10240x128xf32, #tpu.memory_space<vmem_shared>>)
      } else {
      }
      %lt3A_325 = arith.constant 250 : i32
      %lt3A_326 = arith.cmpi slt, %add3A_316, %lt3A_325 : i32
      %convert_element_type3A_327 = arith.extui %lt3A_326 : i1 to i32
      %cond3A_328 = arith.constant 0 : i32
      %cond3A_329 = arith.cmpi ne, %convert_element_type3A_327, %cond3A_328 : i32
      scf.if %cond3A_329 {
        %dma_wait3A_396 = arith.constant 0 : i32
        %dma_wait3A_397 = arith.constant 0 : i32
        %dma_wait3A_398 = tpu.memref_slice %arg2[%dma_wait3A_396, %dma_wait3A_397] : memref<10000x128xf32, #tpu.memory_space<hbm>> -> memref<10000x128xf32, #tpu.memory_space<hbm>>
        tpu.wait_indirect_dma semaphore(%arg27 : memref<!tpu.dma_semaphore, #tpu.memory_space<semaphore_mem>>) src(%dma_wait3A_398 : memref<10000x128xf32, #tpu.memory_space<hbm>>) dst(%arg18 : memref<40x128xf32, #tpu.memory_space<vmem>>)
      } else {
      }
      %add3A_330 = arith.constant 1 : i32
      %add3A_331 = arith.addi %add3A_316, %add3A_330 : i32
      %lt3A_332 = arith.constant 250 : i32
      %lt3A_333 = arith.cmpi slt, %add3A_331, %lt3A_332 : i32
      %convert_element_type3A_334 = arith.extui %lt3A_333 : i1 to i32
      %cond3A_335 = arith.constant 0 : i32
      %cond3A_336 = arith.cmpi ne, %convert_element_type3A_334, %cond3A_335 : i32
      scf.if %cond3A_336 {
        %dma_wait3A_396 = arith.constant 0 : i32
        %dma_wait3A_397 = tpu.memref_slice %arg3[%dma_wait3A_396] : memref<320000xi32, #tpu.memory_space<hbm>> -> memref<40xi32, #tpu.memory_space<hbm>>
        %dma_wait3A_398 = arith.constant 0 : i32
        %dma_wait3A_399 = tpu.memref_slice %arg3[%dma_wait3A_398] : memref<320000xi32, #tpu.memory_space<hbm>> -> memref<40xi32, #tpu.memory_space<hbm>>
        tpu.wait_dma2 semaphore(%arg25 : memref<!tpu.dma_semaphore, #tpu.memory_space<semaphore_mem>>) src(%dma_wait3A_399 : memref<40xi32, #tpu.memory_space<hbm>>) dst(%arg10 : memref<40xi32, #tpu.memory_space<vmem>>)
        %dma_wait3A_400 = arith.constant 0 : i32
        %dma_wait3A_401 = tpu.memref_slice %arg4[%dma_wait3A_400] : memref<320000xi32, #tpu.memory_space<hbm>> -> memref<40xi32, #tpu.memory_space<hbm>>
        %dma_wait3A_402 = arith.constant 0 : i32
        %dma_wait3A_403 = tpu.memref_slice %arg4[%dma_wait3A_402] : memref<320000xi32, #tpu.memory_space<hbm>> -> memref<40xi32, #tpu.memory_space<hbm>>
        tpu.wait_dma2 semaphore(%arg25 : memref<!tpu.dma_semaphore, #tpu.memory_space<semaphore_mem>>) src(%dma_wait3A_403 : memref<40xi32, #tpu.memory_space<hbm>>) dst(%arg16 : memref<40xi32, #tpu.memory_space<vmem>>)
        %dma_wait3A_404 = arith.constant 0 : i32
        %dma_wait3A_405 = arith.constant 0 : i32
        %dma_wait3A_406 = tpu.memref_slice %arg5[%dma_wait3A_404, %dma_wait3A_405] : memref<320000x128xf32, #tpu.memory_space<hbm>> -> memref<40x128xf32, #tpu.memory_space<hbm>>
        %dma_wait3A_407 = arith.constant 0 : i32
        %dma_wait3A_408 = arith.constant 0 : i32
        %dma_wait3A_409 = tpu.memref_slice %arg5[%dma_wait3A_407, %dma_wait3A_408] : memref<320000x128xf32, #tpu.memory_space<hbm>> -> memref<40x128xf32, #tpu.memory_space<hbm>>
        tpu.wait_dma2 semaphore(%arg25 : memref<!tpu.dma_semaphore, #tpu.memory_space<semaphore_mem>>) src(%dma_wait3A_409 : memref<40x128xf32, #tpu.memory_space<hbm>>) dst(%arg21 : memref<40x128xf32, #tpu.memory_space<vmem>>)
        %dma_start3A_410 = arith.constant 0 : i32
        %dma_start3A_411 = arith.constant 0 : i32
        %dma_start3A_412 = tpu.memref_slice %arg2[%dma_start3A_410, %dma_start3A_411] : memref<10000x128xf32, #tpu.memory_space<hbm>> -> memref<10000x128xf32, #tpu.memory_space<hbm>>
        tpu.enqueue_indirect_dma source(%dma_start3A_412 : memref<10000x128xf32, #tpu.memory_space<hbm>>) target(%arg19 : memref<40x128xf32, #tpu.memory_space<vmem>>) offsets(%arg10 : memref<40xi32, #tpu.memory_space<vmem>>) semaphore(%arg28 : memref<!tpu.dma_semaphore, #tpu.memory_space<semaphore_mem>>)
      } else {
      }
      %lt3A_337 = arith.constant 250 : i32
      %lt3A_338 = arith.cmpi slt, %add3A_316, %lt3A_337 : i32
      %convert_element_type3A_339 = arith.extui %lt3A_338 : i1 to i32
      %cond3A_340 = arith.constant 0 : i32
      %cond3A_341 = arith.cmpi ne, %convert_element_type3A_339, %cond3A_340 : i32
      scf.if %cond3A_341 {
        %scan3A_396 = arith.constant 0 : i32
        %scan3A_397 = arith.constant 0 : i32
        %scan3A_398 = arith.constant 40 : i32
        %scan3A_399 = arith.addi %scan3A_397, %scan3A_398 : i32
        %scan3A_400 = arith.constant 1 : i32
        %scan3A_401 = scf.for %scan3A_403 = %scan3A_397 to %scan3A_399 step %scan3A_400 iter_args(%scan3A_404 = %scan3A_396) -> (i32)  : i32 {
          %get3A = arith.index_cast %scan3A_403 : i32 to index
          %get3A_405 = arith.constant 0 : index
          %get3A_406 = tpu.vector_load %arg18[%get3A, %get3A_405] {strides = array<i32>} : memref<40x128xf32, #tpu.memory_space<vmem>>, vector<1x16xf32>,
          %get3A_407 = vector.shape_cast %get3A_406 : vector<1x16xf32> to vector<16xf32>
          %get3A_408 = arith.index_cast %scan3A_403 : i32 to index
          %get3A_409 = arith.constant 0 : index
          %get3A_410 = tpu.vector_load %arg20[%get3A_408, %get3A_409] {strides = array<i32>} : memref<40x128xf32, #tpu.memory_space<vmem>>, vector<1x16xf32>,
          %get3A_411 = vector.shape_cast %get3A_410 : vector<1x16xf32> to vector<16xf32>
          %mul3A_412 = arith.mulf %get3A_407, %get3A_411 : vector<16xf32>
          %swap3A = arith.index_cast %scan3A_403 : i32 to index
          %swap3A_413 = arith.constant 0 : index
          %swap3A_414 = tpu.vector_load %arg18[%swap3A, %swap3A_413] {strides = array<i32>} : memref<40x128xf32, #tpu.memory_space<vmem>>, vector<1x16xf32>,
          %swap3A_415 = vector.shape_cast %swap3A_414 : vector<1x16xf32> to vector<16xf32>
          %swap3A_416 = vector.shape_cast %mul3A_412 : vector<16xf32> to vector<1x16xf32>
          tpu.vector_store %arg18[%swap3A, %swap3A_413], %swap3A_416 {strides = array<i32>} : memref<40x128xf32, #tpu.memory_space<vmem>>, vector<1x16xf32>,
          %get3A_417 = arith.index_cast %scan3A_403 : i32 to index
          %get3A_418 = arith.constant 16 : index
          %get3A_419 = tpu.vector_load %arg18[%get3A_417, %get3A_418] {strides = array<i32>} : memref<40x128xf32, #tpu.memory_space<vmem>>, vector<1x16xf32>,
          %get3A_420 = vector.shape_cast %get3A_419 : vector<1x16xf32> to vector<16xf32>
          %get3A_421 = arith.index_cast %scan3A_403 : i32 to index
          %get3A_422 = arith.constant 16 : index
          %get3A_423 = tpu.vector_load %arg20[%get3A_421, %get3A_422] {strides = array<i32>} : memref<40x128xf32, #tpu.memory_space<vmem>>, vector<1x16xf32>,
          %get3A_424 = vector.shape_cast %get3A_423 : vector<1x16xf32> to vector<16xf32>
          %mul3A_425 = arith.mulf %get3A_420, %get3A_424 : vector<16xf32>
          %swap3A_426 = arith.index_cast %scan3A_403 : i32 to index
          %swap3A_427 = arith.constant 16 : index
          %swap3A_428 = tpu.vector_load %arg18[%swap3A_426, %swap3A_427] {strides = array<i32>} : memref<40x128xf32, #tpu.memory_space<vmem>>, vector<1x16xf32>,
          %swap3A_429 = vector.shape_cast %swap3A_428 : vector<1x16xf32> to vector<16xf32>
          %swap3A_430 = vector.shape_cast %mul3A_425 : vector<16xf32> to vector<1x16xf32>
          tpu.vector_store %arg18[%swap3A_426, %swap3A_427], %swap3A_430 {strides = array<i32>} : memref<40x128xf32, #tpu.memory_space<vmem>>, vector<1x16xf32>,
          %get3A_431 = arith.index_cast %scan3A_403 : i32 to index
          %get3A_432 = arith.constant 32 : index
          %get3A_433 = tpu.vector_load %arg18[%get3A_431, %get3A_432] {strides = array<i32>} : memref<40x128xf32, #tpu.memory_space<vmem>>, vector<1x16xf32>,
          %get3A_434 = vector.shape_cast %get3A_433 : vector<1x16xf32> to vector<16xf32>
          %get3A_435 = arith.index_cast %scan3A_403 : i32 to index
          %get3A_436 = arith.constant 32 : index
          %get3A_437 = tpu.vector_load %arg20[%get3A_435, %get3A_436] {strides = array<i32>} : memref<40x128xf32, #tpu.memory_space<vmem>>, vector<1x16xf32>,
          %get3A_438 = vector.shape_cast %get3A_437 : vector<1x16xf32> to vector<16xf32>
          %mul3A_439 = arith.mulf %get3A_434, %get3A_438 : vector<16xf32>
          %swap3A_440 = arith.index_cast %scan3A_403 : i32 to index
          %swap3A_441 = arith.constant 32 : index
          %swap3A_442 = tpu.vector_load %arg18[%swap3A_440, %swap3A_441] {strides = array<i32>} : memref<40x128xf32, #tpu.memory_space<vmem>>, vector<1x16xf32>,
          %swap3A_443 = vector.shape_cast %swap3A_442 : vector<1x16xf32> to vector<16xf32>
          %swap3A_444 = vector.shape_cast %mul3A_439 : vector<16xf32> to vector<1x16xf32>
          tpu.vector_store %arg18[%swap3A_440, %swap3A_441], %swap3A_444 {strides = array<i32>} : memref<40x128xf32, #tpu.memory_space<vmem>>, vector<1x16xf32>,
          %get3A_445 = arith.index_cast %scan3A_403 : i32 to index
          %get3A_446 = arith.constant 48 : index
          %get3A_447 = tpu.vector_load %arg18[%get3A_445, %get3A_446] {strides = array<i32>} : memref<40x128xf32, #tpu.memory_space<vmem>>, vector<1x16xf32>,
          %get3A_448 = vector.shape_cast %get3A_447 : vector<1x16xf32> to vector<16xf32>
          %get3A_449 = arith.index_cast %scan3A_403 : i32 to index
          %get3A_450 = arith.constant 48 : index
          %get3A_451 = tpu.vector_load %arg20[%get3A_449, %get3A_450] {strides = array<i32>} : memref<40x128xf32, #tpu.memory_space<vmem>>, vector<1x16xf32>,
          %get3A_452 = vector.shape_cast %get3A_451 : vector<1x16xf32> to vector<16xf32>
          %mul3A_453 = arith.mulf %get3A_448, %get3A_452 : vector<16xf32>
          %swap3A_454 = arith.index_cast %scan3A_403 : i32 to index
          %swap3A_455 = arith.constant 48 : index
          %swap3A_456 = tpu.vector_load %arg18[%swap3A_454, %swap3A_455] {strides = array<i32>} : memref<40x128xf32, #tpu.memory_space<vmem>>, vector<1x16xf32>,
          %swap3A_457 = vector.shape_cast %swap3A_456 : vector<1x16xf32> to vector<16xf32>
          %swap3A_458 = vector.shape_cast %mul3A_453 : vector<16xf32> to vector<1x16xf32>
          tpu.vector_store %arg18[%swap3A_454, %swap3A_455], %swap3A_458 {strides = array<i32>} : memref<40x128xf32, #tpu.memory_space<vmem>>, vector<1x16xf32>,
          %get3A_459 = arith.index_cast %scan3A_403 : i32 to index
          %get3A_460 = arith.constant 64 : index
          %get3A_461 = tpu.vector_load %arg18[%get3A_459, %get3A_460] {strides = array<i32>} : memref<40x128xf32, #tpu.memory_space<vmem>>, vector<1x16xf32>,
          %get3A_462 = vector.shape_cast %get3A_461 : vector<1x16xf32> to vector<16xf32>
          %get3A_463 = arith.index_cast %scan3A_403 : i32 to index
          %get3A_464 = arith.constant 64 : index
          %get3A_465 = tpu.vector_load %arg20[%get3A_463, %get3A_464] {strides = array<i32>} : memref<40x128xf32, #tpu.memory_space<vmem>>, vector<1x16xf32>,
          %get3A_466 = vector.shape_cast %get3A_465 : vector<1x16xf32> to vector<16xf32>
          %mul3A_467 = arith.mulf %get3A_462, %get3A_466 : vector<16xf32>
          %swap3A_468 = arith.index_cast %scan3A_403 : i32 to index
          %swap3A_469 = arith.constant 64 : index
          %swap3A_470 = tpu.vector_load %arg18[%swap3A_468, %swap3A_469] {strides = array<i32>} : memref<40x128xf32, #tpu.memory_space<vmem>>, vector<1x16xf32>,
          %swap3A_471 = vector.shape_cast %swap3A_470 : vector<1x16xf32> to vector<16xf32>
          %swap3A_472 = vector.shape_cast %mul3A_467 : vector<16xf32> to vector<1x16xf32>
          tpu.vector_store %arg18[%swap3A_468, %swap3A_469], %swap3A_472 {strides = array<i32>} : memref<40x128xf32, #tpu.memory_space<vmem>>, vector<1x16xf32>,
          %get3A_473 = arith.index_cast %scan3A_403 : i32 to index
          %get3A_474 = arith.constant 80 : index
          %get3A_475 = tpu.vector_load %arg18[%get3A_473, %get3A_474] {strides = array<i32>} : memref<40x128xf32, #tpu.memory_space<vmem>>, vector<1x16xf32>,
          %get3A_476 = vector.shape_cast %get3A_475 : vector<1x16xf32> to vector<16xf32>
          %get3A_477 = arith.index_cast %scan3A_403 : i32 to index
          %get3A_478 = arith.constant 80 : index
          %get3A_479 = tpu.vector_load %arg20[%get3A_477, %get3A_478] {strides = array<i32>} : memref<40x128xf32, #tpu.memory_space<vmem>>, vector<1x16xf32>,
          %get3A_480 = vector.shape_cast %get3A_479 : vector<1x16xf32> to vector<16xf32>
          %mul3A_481 = arith.mulf %get3A_476, %get3A_480 : vector<16xf32>
          %swap3A_482 = arith.index_cast %scan3A_403 : i32 to index
          %swap3A_483 = arith.constant 80 : index
          %swap3A_484 = tpu.vector_load %arg18[%swap3A_482, %swap3A_483] {strides = array<i32>} : memref<40x128xf32, #tpu.memory_space<vmem>>, vector<1x16xf32>,
          %swap3A_485 = vector.shape_cast %swap3A_484 : vector<1x16xf32> to vector<16xf32>
          %swap3A_486 = vector.shape_cast %mul3A_481 : vector<16xf32> to vector<1x16xf32>
          tpu.vector_store %arg18[%swap3A_482, %swap3A_483], %swap3A_486 {strides = array<i32>} : memref<40x128xf32, #tpu.memory_space<vmem>>, vector<1x16xf32>,
          %get3A_487 = arith.index_cast %scan3A_403 : i32 to index
          %get3A_488 = arith.constant 96 : index
          %get3A_489 = tpu.vector_load %arg18[%get3A_487, %get3A_488] {strides = array<i32>} : memref<40x128xf32, #tpu.memory_space<vmem>>, vector<1x16xf32>,
          %get3A_490 = vector.shape_cast %get3A_489 : vector<1x16xf32> to vector<16xf32>
          %get3A_491 = arith.index_cast %scan3A_403 : i32 to index
          %get3A_492 = arith.constant 96 : index
          %get3A_493 = tpu.vector_load %arg20[%get3A_491, %get3A_492] {strides = array<i32>} : memref<40x128xf32, #tpu.memory_space<vmem>>, vector<1x16xf32>,
          %get3A_494 = vector.shape_cast %get3A_493 : vector<1x16xf32> to vector<16xf32>
          %mul3A_495 = arith.mulf %get3A_490, %get3A_494 : vector<16xf32>
          %swap3A_496 = arith.index_cast %scan3A_403 : i32 to index
          %swap3A_497 = arith.constant 96 : index
          %swap3A_498 = tpu.vector_load %arg18[%swap3A_496, %swap3A_497] {strides = array<i32>} : memref<40x128xf32, #tpu.memory_space<vmem>>, vector<1x16xf32>,
          %swap3A_499 = vector.shape_cast %swap3A_498 : vector<1x16xf32> to vector<16xf32>
          %swap3A_500 = vector.shape_cast %mul3A_495 : vector<16xf32> to vector<1x16xf32>
          tpu.vector_store %arg18[%swap3A_496, %swap3A_497], %swap3A_500 {strides = array<i32>} : memref<40x128xf32, #tpu.memory_space<vmem>>, vector<1x16xf32>,
          %get3A_501 = arith.index_cast %scan3A_403 : i32 to index
          %get3A_502 = arith.constant 112 : index
          %get3A_503 = tpu.vector_load %arg18[%get3A_501, %get3A_502] {strides = array<i32>} : memref<40x128xf32, #tpu.memory_space<vmem>>, vector<1x16xf32>,
          %get3A_504 = vector.shape_cast %get3A_503 : vector<1x16xf32> to vector<16xf32>
          %get3A_505 = arith.index_cast %scan3A_403 : i32 to index
          %get3A_506 = arith.constant 112 : index
          %get3A_507 = tpu.vector_load %arg20[%get3A_505, %get3A_506] {strides = array<i32>} : memref<40x128xf32, #tpu.memory_space<vmem>>, vector<1x16xf32>,
          %get3A_508 = vector.shape_cast %get3A_507 : vector<1x16xf32> to vector<16xf32>
          %mul3A_509 = arith.mulf %get3A_504, %get3A_508 : vector<16xf32>
          %swap3A_510 = arith.index_cast %scan3A_403 : i32 to index
          %swap3A_511 = arith.constant 112 : index
          %swap3A_512 = tpu.vector_load %arg18[%swap3A_510, %swap3A_511] {strides = array<i32>} : memref<40x128xf32, #tpu.memory_space<vmem>>, vector<1x16xf32>,
          %swap3A_513 = vector.shape_cast %swap3A_512 : vector<1x16xf32> to vector<16xf32>
          %swap3A_514 = vector.shape_cast %mul3A_509 : vector<16xf32> to vector<1x16xf32>
          tpu.vector_store %arg18[%swap3A_510, %swap3A_511], %swap3A_514 {strides = array<i32>} : memref<40x128xf32, #tpu.memory_space<vmem>>, vector<1x16xf32>,
          %scan3A_515 = arith.constant 0 : i32
          scf.yield %scan3A_515 : i32
        }
        %scan3A_402 = arith.constant 40 : i32
      } else {
      }
      %lt3A_342 = arith.constant 250 : i32
      %lt3A_343 = arith.cmpi slt, %add3A_316, %lt3A_342 : i32
      %convert_element_type3A_344 = arith.extui %lt3A_343 : i1 to i32
      %cond3A_345 = arith.constant 0 : i32
      %cond3A_346 = arith.cmpi ne, %convert_element_type3A_344, %cond3A_345 : i32
      scf.if %cond3A_346 {
        %dma_start3A_396 = arith.constant 0 : i32
        %dma_start3A_397 = arith.constant 0 : i32
        %dma_start3A_398 = tpu.memref_slice %arg22[%dma_start3A_396, %dma_start3A_397] : memref<10240x128xf32, #tpu.memory_space<vmem_shared>> -> memref<10240x128xf32, #tpu.memory_space<vmem_shared>>
        tpu.enqueue_indirect_dma source(%arg18 : memref<40x128xf32, #tpu.memory_space<vmem>>) target(%dma_start3A_398 : memref<10240x128xf32, #tpu.memory_space<vmem_shared>>) offsets(%arg15 : memref<40xi32, #tpu.memory_space<vmem>>) semaphore(%arg30 : memref<!tpu.dma_semaphore, #tpu.memory_space<semaphore_mem>>) {add = true}
      } else {
      }
      %add3A_347 = arith.constant 2 : i32
      %add3A_348 = arith.addi %add3A_316, %add3A_347 : i32
      %lt3A_349 = arith.constant 250 : i32
      %lt3A_350 = arith.cmpi slt, %add3A_348, %lt3A_349 : i32
      %convert_element_type3A_351 = arith.extui %lt3A_350 : i1 to i32
      %cond3A_352 = arith.constant 0 : i32
      %cond3A_353 = arith.cmpi ne, %convert_element_type3A_351, %cond3A_352 : i32
      scf.if %cond3A_353 {
        %add3A_396 = arith.constant 2 : i32
        %add3A_397 = arith.addi %add3A_316, %add3A_396 : i32
        %mul3A_398 = arith.constant 40 : i32
        %mul3A_399 = arith.muli %add3A_397, %mul3A_398 : i32
        %add3A_400 = arith.addi %mul3A_2, %mul3A_399 : i32
        %dma_start3A_401 = tpu.memref_slice %arg3[%add3A_400] : memref<320000xi32, #tpu.memory_space<hbm>> -> memref<40xi32, #tpu.memory_space<hbm>>
        %dma_start3A_402 = tpu.memref_slice %arg3[%add3A_400] : memref<320000xi32, #tpu.memory_space<hbm>> -> memref<40xi32, #tpu.memory_space<hbm>>
        tpu.enqueue_dma source(%dma_start3A_402 : memref<40xi32, #tpu.memory_space<hbm>>) target(%arg8 : memref<40xi32, #tpu.memory_space<vmem>>) target_semaphore(%arg23 : memref<!tpu.dma_semaphore, #tpu.memory_space<semaphore_mem>>)
        %dma_start3A_403 = tpu.memref_slice %arg4[%add3A_400] : memref<320000xi32, #tpu.memory_space<hbm>> -> memref<40xi32, #tpu.memory_space<hbm>>
        %dma_start3A_404 = tpu.memref_slice %arg4[%add3A_400] : memref<320000xi32, #tpu.memory_space<hbm>> -> memref<40xi32, #tpu.memory_space<hbm>>
        tpu.enqueue_dma source(%dma_start3A_404 : memref<40xi32, #tpu.memory_space<hbm>>) target(%arg11 : memref<40xi32, #tpu.memory_space<vmem>>) target_semaphore(%arg23 : memref<!tpu.dma_semaphore, #tpu.memory_space<semaphore_mem>>)
        %dma_start3A_405 = arith.constant 0 : i32
        %dma_start3A_406 = tpu.memref_slice %arg5[%add3A_400, %dma_start3A_405] : memref<320000x128xf32, #tpu.memory_space<hbm>> -> memref<40x128xf32, #tpu.memory_space<hbm>>
        %dma_start3A_407 = arith.constant 0 : i32
        %dma_start3A_408 = tpu.memref_slice %arg5[%add3A_400, %dma_start3A_407] : memref<320000x128xf32, #tpu.memory_space<hbm>> -> memref<40x128xf32, #tpu.memory_space<hbm>>
        tpu.enqueue_dma source(%dma_start3A_408 : memref<40x128xf32, #tpu.memory_space<hbm>>) target(%arg20 : memref<40x128xf32, #tpu.memory_space<vmem>>) target_semaphore(%arg23 : memref<!tpu.dma_semaphore, #tpu.memory_space<semaphore_mem>>)
      } else {
      }
      %mul3A_354 = arith.constant 6 : i32
      %mul3A_355 = arith.muli %mul3A_354, %scan3A_152 : i32
      %add3A_356 = arith.constant 5 : i32
      %add3A_357 = arith.addi %mul3A_355, %add3A_356 : i32
      %ge3A_358 = arith.constant 2 : i32
      %ge3A_359 = arith.cmpi sge, %add3A_357, %ge3A_358 : i32
      %lt3A_360 = arith.constant 250 : i32
      %lt3A_361 = arith.cmpi slt, %add3A_357, %lt3A_360 : i32
      %and3A_362 = arith.andi %ge3A_359, %lt3A_361 : i1
      %convert_element_type3A_363 = arith.extui %and3A_362 : i1 to i32
      %cond3A_364 = arith.constant 0 : i32
      %cond3A_365 = arith.cmpi ne, %convert_element_type3A_363, %cond3A_364 : i32
      scf.if %cond3A_365 {
        %dma_wait3A_396 = arith.constant 0 : i32
        %dma_wait3A_397 = arith.constant 0 : i32
        %dma_wait3A_398 = tpu.memref_slice %arg22[%dma_wait3A_396, %dma_wait3A_397] : memref<10240x128xf32, #tpu.memory_space<vmem_shared>> -> memref<10240x128xf32, #tpu.memory_space<vmem_shared>>
        tpu.wait_indirect_dma semaphore(%arg29 : memref<!tpu.dma_semaphore, #tpu.memory_space<semaphore_mem>>) src(%arg17 : memref<40x128xf32, #tpu.memory_space<vmem>>) dst(%dma_wait3A_398 : memref<10240x128xf32, #tpu.memory_space<vmem_shared>>)
      } else {
      }
      %lt3A_366 = arith.constant 250 : i32
      %lt3A_367 = arith.cmpi slt, %add3A_357, %lt3A_366 : i32
      %convert_element_type3A_368 = arith.extui %lt3A_367 : i1 to i32
      %cond3A_369 = arith.constant 0 : i32
      %cond3A_370 = arith.cmpi ne, %convert_element_type3A_368, %cond3A_369 : i32
      scf.if %cond3A_370 {
        %dma_wait3A_396 = arith.constant 0 : i32
        %dma_wait3A_397 = arith.constant 0 : i32
        %dma_wait3A_398 = tpu.memref_slice %arg2[%dma_wait3A_396, %dma_wait3A_397] : memref<10000x128xf32, #tpu.memory_space<hbm>> -> memref<10000x128xf32, #tpu.memory_space<hbm>>
        tpu.wait_indirect_dma semaphore(%arg28 : memref<!tpu.dma_semaphore, #tpu.memory_space<semaphore_mem>>) src(%dma_wait3A_398 : memref<10000x128xf32, #tpu.memory_space<hbm>>) dst(%arg19 : memref<40x128xf32, #tpu.memory_space<vmem>>)
      } else {
      }
      %add3A_371 = arith.constant 1 : i32
      %add3A_372 = arith.addi %add3A_357, %add3A_371 : i32
      %lt3A_373 = arith.constant 250 : i32
      %lt3A_374 = arith.cmpi slt, %add3A_372, %lt3A_373 : i32
      %convert_element_type3A_375 = arith.extui %lt3A_374 : i1 to i32
      %cond3A_376 = arith.constant 0 : i32
      %cond3A_377 = arith.cmpi ne, %convert_element_type3A_375, %cond3A_376 : i32
      scf.if %cond3A_377 {
        %dma_wait3A_396 = arith.constant 0 : i32
        %dma_wait3A_397 = tpu.memref_slice %arg3[%dma_wait3A_396] : memref<320000xi32, #tpu.memory_space<hbm>> -> memref<40xi32, #tpu.memory_space<hbm>>
        %dma_wait3A_398 = arith.constant 0 : i32
        %dma_wait3A_399 = tpu.memref_slice %arg3[%dma_wait3A_398] : memref<320000xi32, #tpu.memory_space<hbm>> -> memref<40xi32, #tpu.memory_space<hbm>>
        tpu.wait_dma2 semaphore(%arg23 : memref<!tpu.dma_semaphore, #tpu.memory_space<semaphore_mem>>) src(%dma_wait3A_399 : memref<40xi32, #tpu.memory_space<hbm>>) dst(%arg8 : memref<40xi32, #tpu.memory_space<vmem>>)
        %dma_wait3A_400 = arith.constant 0 : i32
        %dma_wait3A_401 = tpu.memref_slice %arg4[%dma_wait3A_400] : memref<320000xi32, #tpu.memory_space<hbm>> -> memref<40xi32, #tpu.memory_space<hbm>>
        %dma_wait3A_402 = arith.constant 0 : i32
        %dma_wait3A_403 = tpu.memref_slice %arg4[%dma_wait3A_402] : memref<320000xi32, #tpu.memory_space<hbm>> -> memref<40xi32, #tpu.memory_space<hbm>>
        tpu.wait_dma2 semaphore(%arg23 : memref<!tpu.dma_semaphore, #tpu.memory_space<semaphore_mem>>) src(%dma_wait3A_403 : memref<40xi32, #tpu.memory_space<hbm>>) dst(%arg11 : memref<40xi32, #tpu.memory_space<vmem>>)
        %dma_wait3A_404 = arith.constant 0 : i32
        %dma_wait3A_405 = arith.constant 0 : i32
        %dma_wait3A_406 = tpu.memref_slice %arg5[%dma_wait3A_404, %dma_wait3A_405] : memref<320000x128xf32, #tpu.memory_space<hbm>> -> memref<40x128xf32, #tpu.memory_space<hbm>>
        %dma_wait3A_407 = arith.constant 0 : i32
        %dma_wait3A_408 = arith.constant 0 : i32
        %dma_wait3A_409 = tpu.memref_slice %arg5[%dma_wait3A_407, %dma_wait3A_408] : memref<320000x128xf32, #tpu.memory_space<hbm>> -> memref<40x128xf32, #tpu.memory_space<hbm>>
        tpu.wait_dma2 semaphore(%arg23 : memref<!tpu.dma_semaphore, #tpu.memory_space<semaphore_mem>>) src(%dma_wait3A_409 : memref<40x128xf32, #tpu.memory_space<hbm>>) dst(%arg20 : memref<40x128xf32, #tpu.memory_space<vmem>>)
        %dma_start3A_410 = arith.constant 0 : i32
        %dma_start3A_411 = arith.constant 0 : i32
        %dma_start3A_412 = tpu.memref_slice %arg2[%dma_start3A_410, %dma_start3A_411] : memref<10000x128xf32, #tpu.memory_space<hbm>> -> memref<10000x128xf32, #tpu.memory_space<hbm>>
        tpu.enqueue_indirect_dma source(%dma_start3A_412 : memref<10000x128xf32, #tpu.memory_space<hbm>>) target(%arg17 : memref<40x128xf32, #tpu.memory_space<vmem>>) offsets(%arg8 : memref<40xi32, #tpu.memory_space<vmem>>) semaphore(%arg26 : memref<!tpu.dma_semaphore, #tpu.memory_space<semaphore_mem>>)
      } else {
      }
      %lt3A_378 = arith.constant 250 : i32
      %lt3A_379 = arith.cmpi slt, %add3A_357, %lt3A_378 : i32
      %convert_element_type3A_380 = arith.extui %lt3A_379 : i1 to i32
      %cond3A_381 = arith.constant 0 : i32
      %cond3A_382 = arith.cmpi ne, %convert_element_type3A_380, %cond3A_381 : i32
      scf.if %cond3A_382 {
        %scan3A_396 = arith.constant 0 : i32
        %scan3A_397 = arith.constant 0 : i32
        %scan3A_398 = arith.constant 40 : i32
        %scan3A_399 = arith.addi %scan3A_397, %scan3A_398 : i32
        %scan3A_400 = arith.constant 1 : i32
        %scan3A_401 = scf.for %scan3A_403 = %scan3A_397 to %scan3A_399 step %scan3A_400 iter_args(%scan3A_404 = %scan3A_396) -> (i32)  : i32 {
          %get3A = arith.index_cast %scan3A_403 : i32 to index
          %get3A_405 = arith.constant 0 : index
          %get3A_406 = tpu.vector_load %arg19[%get3A, %get3A_405] {strides = array<i32>} : memref<40x128xf32, #tpu.memory_space<vmem>>, vector<1x16xf32>,
          %get3A_407 = vector.shape_cast %get3A_406 : vector<1x16xf32> to vector<16xf32>
          %get3A_408 = arith.index_cast %scan3A_403 : i32 to index
          %get3A_409 = arith.constant 0 : index
          %get3A_410 = tpu.vector_load %arg21[%get3A_408, %get3A_409] {strides = array<i32>} : memref<40x128xf32, #tpu.memory_space<vmem>>, vector<1x16xf32>,
          %get3A_411 = vector.shape_cast %get3A_410 : vector<1x16xf32> to vector<16xf32>
          %mul3A_412 = arith.mulf %get3A_407, %get3A_411 : vector<16xf32>
          %swap3A = arith.index_cast %scan3A_403 : i32 to index
          %swap3A_413 = arith.constant 0 : index
          %swap3A_414 = tpu.vector_load %arg19[%swap3A, %swap3A_413] {strides = array<i32>} : memref<40x128xf32, #tpu.memory_space<vmem>>, vector<1x16xf32>,
          %swap3A_415 = vector.shape_cast %swap3A_414 : vector<1x16xf32> to vector<16xf32>
          %swap3A_416 = vector.shape_cast %mul3A_412 : vector<16xf32> to vector<1x16xf32>
          tpu.vector_store %arg19[%swap3A, %swap3A_413], %swap3A_416 {strides = array<i32>} : memref<40x128xf32, #tpu.memory_space<vmem>>, vector<1x16xf32>,
          %get3A_417 = arith.index_cast %scan3A_403 : i32 to index
          %get3A_418 = arith.constant 16 : index
          %get3A_419 = tpu.vector_load %arg19[%get3A_417, %get3A_418] {strides = array<i32>} : memref<40x128xf32, #tpu.memory_space<vmem>>, vector<1x16xf32>,
          %get3A_420 = vector.shape_cast %get3A_419 : vector<1x16xf32> to vector<16xf32>
          %get3A_421 = arith.index_cast %scan3A_403 : i32 to index
          %get3A_422 = arith.constant 16 : index
          %get3A_423 = tpu.vector_load %arg21[%get3A_421, %get3A_422] {strides = array<i32>} : memref<40x128xf32, #tpu.memory_space<vmem>>, vector<1x16xf32>,
          %get3A_424 = vector.shape_cast %get3A_423 : vector<1x16xf32> to vector<16xf32>
          %mul3A_425 = arith.mulf %get3A_420, %get3A_424 : vector<16xf32>
          %swap3A_426 = arith.index_cast %scan3A_403 : i32 to index
          %swap3A_427 = arith.constant 16 : index
          %swap3A_428 = tpu.vector_load %arg19[%swap3A_426, %swap3A_427] {strides = array<i32>} : memref<40x128xf32, #tpu.memory_space<vmem>>, vector<1x16xf32>,
          %swap3A_429 = vector.shape_cast %swap3A_428 : vector<1x16xf32> to vector<16xf32>
          %swap3A_430 = vector.shape_cast %mul3A_425 : vector<16xf32> to vector<1x16xf32>
          tpu.vector_store %arg19[%swap3A_426, %swap3A_427], %swap3A_430 {strides = array<i32>} : memref<40x128xf32, #tpu.memory_space<vmem>>, vector<1x16xf32>,
          %get3A_431 = arith.index_cast %scan3A_403 : i32 to index
          %get3A_432 = arith.constant 32 : index
          %get3A_433 = tpu.vector_load %arg19[%get3A_431, %get3A_432] {strides = array<i32>} : memref<40x128xf32, #tpu.memory_space<vmem>>, vector<1x16xf32>,
          %get3A_434 = vector.shape_cast %get3A_433 : vector<1x16xf32> to vector<16xf32>
          %get3A_435 = arith.index_cast %scan3A_403 : i32 to index
          %get3A_436 = arith.constant 32 : index
          %get3A_437 = tpu.vector_load %arg21[%get3A_435, %get3A_436] {strides = array<i32>} : memref<40x128xf32, #tpu.memory_space<vmem>>, vector<1x16xf32>,
          %get3A_438 = vector.shape_cast %get3A_437 : vector<1x16xf32> to vector<16xf32>
          %mul3A_439 = arith.mulf %get3A_434, %get3A_438 : vector<16xf32>
          %swap3A_440 = arith.index_cast %scan3A_403 : i32 to index
          %swap3A_441 = arith.constant 32 : index
          %swap3A_442 = tpu.vector_load %arg19[%swap3A_440, %swap3A_441] {strides = array<i32>} : memref<40x128xf32, #tpu.memory_space<vmem>>, vector<1x16xf32>,
          %swap3A_443 = vector.shape_cast %swap3A_442 : vector<1x16xf32> to vector<16xf32>
          %swap3A_444 = vector.shape_cast %mul3A_439 : vector<16xf32> to vector<1x16xf32>
          tpu.vector_store %arg19[%swap3A_440, %swap3A_441], %swap3A_444 {strides = array<i32>} : memref<40x128xf32, #tpu.memory_space<vmem>>, vector<1x16xf32>,
          %get3A_445 = arith.index_cast %scan3A_403 : i32 to index
          %get3A_446 = arith.constant 48 : index
          %get3A_447 = tpu.vector_load %arg19[%get3A_445, %get3A_446] {strides = array<i32>} : memref<40x128xf32, #tpu.memory_space<vmem>>, vector<1x16xf32>,
          %get3A_448 = vector.shape_cast %get3A_447 : vector<1x16xf32> to vector<16xf32>
          %get3A_449 = arith.index_cast %scan3A_403 : i32 to index
          %get3A_450 = arith.constant 48 : index
          %get3A_451 = tpu.vector_load %arg21[%get3A_449, %get3A_450] {strides = array<i32>} : memref<40x128xf32, #tpu.memory_space<vmem>>, vector<1x16xf32>,
          %get3A_452 = vector.shape_cast %get3A_451 : vector<1x16xf32> to vector<16xf32>
          %mul3A_453 = arith.mulf %get3A_448, %get3A_452 : vector<16xf32>
          %swap3A_454 = arith.index_cast %scan3A_403 : i32 to index
          %swap3A_455 = arith.constant 48 : index
          %swap3A_456 = tpu.vector_load %arg19[%swap3A_454, %swap3A_455] {strides = array<i32>} : memref<40x128xf32, #tpu.memory_space<vmem>>, vector<1x16xf32>,
          %swap3A_457 = vector.shape_cast %swap3A_456 : vector<1x16xf32> to vector<16xf32>
          %swap3A_458 = vector.shape_cast %mul3A_453 : vector<16xf32> to vector<1x16xf32>
          tpu.vector_store %arg19[%swap3A_454, %swap3A_455], %swap3A_458 {strides = array<i32>} : memref<40x128xf32, #tpu.memory_space<vmem>>, vector<1x16xf32>,
          %get3A_459 = arith.index_cast %scan3A_403 : i32 to index
          %get3A_460 = arith.constant 64 : index
          %get3A_461 = tpu.vector_load %arg19[%get3A_459, %get3A_460] {strides = array<i32>} : memref<40x128xf32, #tpu.memory_space<vmem>>, vector<1x16xf32>,
          %get3A_462 = vector.shape_cast %get3A_461 : vector<1x16xf32> to vector<16xf32>
          %get3A_463 = arith.index_cast %scan3A_403 : i32 to index
          %get3A_464 = arith.constant 64 : index
          %get3A_465 = tpu.vector_load %arg21[%get3A_463, %get3A_464] {strides = array<i32>} : memref<40x128xf32, #tpu.memory_space<vmem>>, vector<1x16xf32>,
          %get3A_466 = vector.shape_cast %get3A_465 : vector<1x16xf32> to vector<16xf32>
          %mul3A_467 = arith.mulf %get3A_462, %get3A_466 : vector<16xf32>
          %swap3A_468 = arith.index_cast %scan3A_403 : i32 to index
          %swap3A_469 = arith.constant 64 : index
          %swap3A_470 = tpu.vector_load %arg19[%swap3A_468, %swap3A_469] {strides = array<i32>} : memref<40x128xf32, #tpu.memory_space<vmem>>, vector<1x16xf32>,
          %swap3A_471 = vector.shape_cast %swap3A_470 : vector<1x16xf32> to vector<16xf32>
          %swap3A_472 = vector.shape_cast %mul3A_467 : vector<16xf32> to vector<1x16xf32>
          tpu.vector_store %arg19[%swap3A_468, %swap3A_469], %swap3A_472 {strides = array<i32>} : memref<40x128xf32, #tpu.memory_space<vmem>>, vector<1x16xf32>,
          %get3A_473 = arith.index_cast %scan3A_403 : i32 to index
          %get3A_474 = arith.constant 80 : index
          %get3A_475 = tpu.vector_load %arg19[%get3A_473, %get3A_474] {strides = array<i32>} : memref<40x128xf32, #tpu.memory_space<vmem>>, vector<1x16xf32>,
          %get3A_476 = vector.shape_cast %get3A_475 : vector<1x16xf32> to vector<16xf32>
          %get3A_477 = arith.index_cast %scan3A_403 : i32 to index
          %get3A_478 = arith.constant 80 : index
          %get3A_479 = tpu.vector_load %arg21[%get3A_477, %get3A_478] {strides = array<i32>} : memref<40x128xf32, #tpu.memory_space<vmem>>, vector<1x16xf32>,
          %get3A_480 = vector.shape_cast %get3A_479 : vector<1x16xf32> to vector<16xf32>
          %mul3A_481 = arith.mulf %get3A_476, %get3A_480 : vector<16xf32>
          %swap3A_482 = arith.index_cast %scan3A_403 : i32 to index
          %swap3A_483 = arith.constant 80 : index
          %swap3A_484 = tpu.vector_load %arg19[%swap3A_482, %swap3A_483] {strides = array<i32>} : memref<40x128xf32, #tpu.memory_space<vmem>>, vector<1x16xf32>,
          %swap3A_485 = vector.shape_cast %swap3A_484 : vector<1x16xf32> to vector<16xf32>
          %swap3A_486 = vector.shape_cast %mul3A_481 : vector<16xf32> to vector<1x16xf32>
          tpu.vector_store %arg19[%swap3A_482, %swap3A_483], %swap3A_486 {strides = array<i32>} : memref<40x128xf32, #tpu.memory_space<vmem>>, vector<1x16xf32>,
          %get3A_487 = arith.index_cast %scan3A_403 : i32 to index
          %get3A_488 = arith.constant 96 : index
          %get3A_489 = tpu.vector_load %arg19[%get3A_487, %get3A_488] {strides = array<i32>} : memref<40x128xf32, #tpu.memory_space<vmem>>, vector<1x16xf32>,
          %get3A_490 = vector.shape_cast %get3A_489 : vector<1x16xf32> to vector<16xf32>
          %get3A_491 = arith.index_cast %scan3A_403 : i32 to index
          %get3A_492 = arith.constant 96 : index
          %get3A_493 = tpu.vector_load %arg21[%get3A_491, %get3A_492] {strides = array<i32>} : memref<40x128xf32, #tpu.memory_space<vmem>>, vector<1x16xf32>,
          %get3A_494 = vector.shape_cast %get3A_493 : vector<1x16xf32> to vector<16xf32>
          %mul3A_495 = arith.mulf %get3A_490, %get3A_494 : vector<16xf32>
          %swap3A_496 = arith.index_cast %scan3A_403 : i32 to index
          %swap3A_497 = arith.constant 96 : index
          %swap3A_498 = tpu.vector_load %arg19[%swap3A_496, %swap3A_497] {strides = array<i32>} : memref<40x128xf32, #tpu.memory_space<vmem>>, vector<1x16xf32>,
          %swap3A_499 = vector.shape_cast %swap3A_498 : vector<1x16xf32> to vector<16xf32>
          %swap3A_500 = vector.shape_cast %mul3A_495 : vector<16xf32> to vector<1x16xf32>
          tpu.vector_store %arg19[%swap3A_496, %swap3A_497], %swap3A_500 {strides = array<i32>} : memref<40x128xf32, #tpu.memory_space<vmem>>, vector<1x16xf32>,
          %get3A_501 = arith.index_cast %scan3A_403 : i32 to index
          %get3A_502 = arith.constant 112 : index
          %get3A_503 = tpu.vector_load %arg19[%get3A_501, %get3A_502] {strides = array<i32>} : memref<40x128xf32, #tpu.memory_space<vmem>>, vector<1x16xf32>,
          %get3A_504 = vector.shape_cast %get3A_503 : vector<1x16xf32> to vector<16xf32>
          %get3A_505 = arith.index_cast %scan3A_403 : i32 to index
          %get3A_506 = arith.constant 112 : index
          %get3A_507 = tpu.vector_load %arg21[%get3A_505, %get3A_506] {strides = array<i32>} : memref<40x128xf32, #tpu.memory_space<vmem>>, vector<1x16xf32>,
          %get3A_508 = vector.shape_cast %get3A_507 : vector<1x16xf32> to vector<16xf32>
          %mul3A_509 = arith.mulf %get3A_504, %get3A_508 : vector<16xf32>
          %swap3A_510 = arith.index_cast %scan3A_403 : i32 to index
          %swap3A_511 = arith.constant 112 : index
          %swap3A_512 = tpu.vector_load %arg19[%swap3A_510, %swap3A_511] {strides = array<i32>} : memref<40x128xf32, #tpu.memory_space<vmem>>, vector<1x16xf32>,
          %swap3A_513 = vector.shape_cast %swap3A_512 : vector<1x16xf32> to vector<16xf32>
          %swap3A_514 = vector.shape_cast %mul3A_509 : vector<16xf32> to vector<1x16xf32>
          tpu.vector_store %arg19[%swap3A_510, %swap3A_511], %swap3A_514 {strides = array<i32>} : memref<40x128xf32, #tpu.memory_space<vmem>>, vector<1x16xf32>,
          %scan3A_515 = arith.constant 0 : i32
          scf.yield %scan3A_515 : i32
        }
        %scan3A_402 = arith.constant 40 : i32
      } else {
      }
      %lt3A_383 = arith.constant 250 : i32
      %lt3A_384 = arith.cmpi slt, %add3A_357, %lt3A_383 : i32
      %convert_element_type3A_385 = arith.extui %lt3A_384 : i1 to i32
      %cond3A_386 = arith.constant 0 : i32
      %cond3A_387 = arith.cmpi ne, %convert_element_type3A_385, %cond3A_386 : i32
      scf.if %cond3A_387 {
        %dma_start3A_396 = arith.constant 0 : i32
        %dma_start3A_397 = arith.constant 0 : i32
        %dma_start3A_398 = tpu.memref_slice %arg22[%dma_start3A_396, %dma_start3A_397] : memref<10240x128xf32, #tpu.memory_space<vmem_shared>> -> memref<10240x128xf32, #tpu.memory_space<vmem_shared>>
        tpu.enqueue_indirect_dma source(%arg19 : memref<40x128xf32, #tpu.memory_space<vmem>>) target(%dma_start3A_398 : memref<10240x128xf32, #tpu.memory_space<vmem_shared>>) offsets(%arg16 : memref<40xi32, #tpu.memory_space<vmem>>) semaphore(%arg31 : memref<!tpu.dma_semaphore, #tpu.memory_space<semaphore_mem>>) {add = true}
      } else {
      }
      %add3A_388 = arith.constant 2 : i32
      %add3A_389 = arith.addi %add3A_357, %add3A_388 : i32
      %lt3A_390 = arith.constant 250 : i32
      %lt3A_391 = arith.cmpi slt, %add3A_389, %lt3A_390 : i32
      %convert_element_type3A_392 = arith.extui %lt3A_391 : i1 to i32
      %cond3A_393 = arith.constant 0 : i32
      %cond3A_394 = arith.cmpi ne, %convert_element_type3A_392, %cond3A_393 : i32
      scf.if %cond3A_394 {
        %add3A_396 = arith.constant 2 : i32
        %add3A_397 = arith.addi %add3A_357, %add3A_396 : i32
        %mul3A_398 = arith.constant 40 : i32
        %mul3A_399 = arith.muli %add3A_397, %mul3A_398 : i32
        %add3A_400 = arith.addi %mul3A_2, %mul3A_399 : i32
        %dma_start3A_401 = tpu.memref_slice %arg3[%add3A_400] : memref<320000xi32, #tpu.memory_space<hbm>> -> memref<40xi32, #tpu.memory_space<hbm>>
        %dma_start3A_402 = tpu.memref_slice %arg3[%add3A_400] : memref<320000xi32, #tpu.memory_space<hbm>> -> memref<40xi32, #tpu.memory_space<hbm>>
        tpu.enqueue_dma source(%dma_start3A_402 : memref<40xi32, #tpu.memory_space<hbm>>) target(%arg9 : memref<40xi32, #tpu.memory_space<vmem>>) target_semaphore(%arg24 : memref<!tpu.dma_semaphore, #tpu.memory_space<semaphore_mem>>)
        %dma_start3A_403 = tpu.memref_slice %arg4[%add3A_400] : memref<320000xi32, #tpu.memory_space<hbm>> -> memref<40xi32, #tpu.memory_space<hbm>>
        %dma_start3A_404 = tpu.memref_slice %arg4[%add3A_400] : memref<320000xi32, #tpu.memory_space<hbm>> -> memref<40xi32, #tpu.memory_space<hbm>>
        tpu.enqueue_dma source(%dma_start3A_404 : memref<40xi32, #tpu.memory_space<hbm>>) target(%arg12 : memref<40xi32, #tpu.memory_space<vmem>>) target_semaphore(%arg24 : memref<!tpu.dma_semaphore, #tpu.memory_space<semaphore_mem>>)
        %dma_start3A_405 = arith.constant 0 : i32
        %dma_start3A_406 = tpu.memref_slice %arg5[%add3A_400, %dma_start3A_405] : memref<320000x128xf32, #tpu.memory_space<hbm>> -> memref<40x128xf32, #tpu.memory_space<hbm>>
        %dma_start3A_407 = arith.constant 0 : i32
        %dma_start3A_408 = tpu.memref_slice %arg5[%add3A_400, %dma_start3A_407] : memref<320000x128xf32, #tpu.memory_space<hbm>> -> memref<40x128xf32, #tpu.memory_space<hbm>>
        tpu.enqueue_dma source(%dma_start3A_408 : memref<40x128xf32, #tpu.memory_space<hbm>>) target(%arg21 : memref<40x128xf32, #tpu.memory_space<vmem>>) target_semaphore(%arg24 : memref<!tpu.dma_semaphore, #tpu.memory_space<semaphore_mem>>)
      } else {
      }
      %scan3A_395 = arith.constant 0 : i32
      scf.yield %scan3A_395 : i32
    }
    %scan3A_77 = arith.constant 42 : i32
    %dma_wait3A_78 = arith.constant 0 : i32
    %dma_wait3A_79 = arith.constant 0 : i32
    %dma_wait3A_80 = tpu.memref_slice %arg22[%dma_wait3A_78, %dma_wait3A_79] : memref<10240x128xf32, #tpu.memory_space<vmem_shared>> -> memref<10240x128xf32, #tpu.memory_space<vmem_shared>>
    tpu.wait_indirect_dma semaphore(%arg31 : memref<!tpu.dma_semaphore, #tpu.memory_space<semaphore_mem>>) src(%arg19 : memref<40x128xf32, #tpu.memory_space<vmem>>) dst(%dma_wait3A_80 : memref<10240x128xf32, #tpu.memory_space<vmem_shared>>)
    %dma_wait3A_81 = arith.constant 0 : i32
    %dma_wait3A_82 = arith.constant 0 : i32
    %dma_wait3A_83 = tpu.memref_slice %arg22[%dma_wait3A_81, %dma_wait3A_82] : memref<10240x128xf32, #tpu.memory_space<vmem_shared>> -> memref<10240x128xf32, #tpu.memory_space<vmem_shared>>
    tpu.wait_indirect_dma semaphore(%arg29 : memref<!tpu.dma_semaphore, #tpu.memory_space<semaphore_mem>>) src(%arg17 : memref<40x128xf32, #tpu.memory_space<vmem>>) dst(%dma_wait3A_83 : memref<10240x128xf32, #tpu.memory_space<vmem_shared>>)
    %barrier3A_84 = arith.constant 0 : index
    tpu.barrier barrier_id(%barrier3A_84)
    %mul3A_85 = arith.constant 10240 : i32
    %mul3A_86 = arith.muli %arg0, %mul3A_85 : i32
    %add3A_87 = arith.addi %mul3A_86, %mul3A_4 : i32
    %add3A_88 = arith.constant 0 : i32
    %add3A_89 = arith.addi %mul3A_4, %add3A_88 : i32
    "tpu.region"() ({
      %run_scoped3A = tpu.sem_alloc : memref<!tpu.dma_semaphore, #tpu.memory_space<semaphore_mem>>
      %dma_start3A_152 = arith.constant 0 : i32
      %dma_start3A_153 = tpu.memref_slice %arg22[%add3A_89, %dma_start3A_152] : memref<10240x128xf32, #tpu.memory_space<vmem_shared>> -> memref<40x128xf32, #tpu.memory_space<vmem_shared>>
      %dma_start3A_154 = arith.constant 0 : i32
      %dma_start3A_155 = tpu.memref_slice %arg22[%add3A_89, %dma_start3A_154] : memref<10240x128xf32, #tpu.memory_space<vmem_shared>> -> memref<40x128xf32, #tpu.memory_space<vmem_shared>>
      tpu.enqueue_dma source(%dma_start3A_155 : memref<40x128xf32, #tpu.memory_space<vmem_shared>>) target(%arg17 : memref<40x128xf32, #tpu.memory_space<vmem>>) target_semaphore(%run_scoped3A : memref<!tpu.dma_semaphore, #tpu.memory_space<semaphore_mem>>)
      %dma_wait3A_156 = arith.constant 0 : i32
      %dma_wait3A_157 = tpu.memref_slice %arg22[%add3A_89, %dma_wait3A_156] : memref<10240x128xf32, #tpu.memory_space<vmem_shared>> -> memref<40x128xf32, #tpu.memory_space<vmem_shared>>
      %dma_wait3A_158 = arith.constant 0 : i32
      %dma_wait3A_159 = tpu.memref_slice %arg22[%add3A_89, %dma_wait3A_158] : memref<10240x128xf32, #tpu.memory_space<vmem_shared>> -> memref<40x128xf32, #tpu.memory_space<vmem_shared>>
      tpu.wait_dma2 semaphore(%run_scoped3A : memref<!tpu.dma_semaphore, #tpu.memory_space<semaphore_mem>>) src(%dma_wait3A_159 : memref<40x128xf32, #tpu.memory_space<vmem_shared>>) dst(%arg17 : memref<40x128xf32, #tpu.memory_space<vmem>>)
      tpu.yield
    }) : () -> ()
    %add3A_90 = arith.constant 0 : i32
    %add3A_91 = arith.addi %add3A_87, %add3A_90 : i32
    "tpu.region"() ({
      %run_scoped3A = tpu.sem_alloc : memref<!tpu.dma_semaphore, #tpu.memory_space<semaphore_mem>>
      %dma_start3A_152 = arith.constant 0 : i32
      %dma_start3A_153 = tpu.memref_slice %arg7[%add3A_91, %dma_start3A_152] : memref<20480x128xf32, #tpu.memory_space<hbm>> -> memref<40x128xf32, #tpu.memory_space<hbm>>
      %dma_start3A_154 = arith.constant 0 : i32
      %dma_start3A_155 = tpu.memref_slice %arg7[%add3A_91, %dma_start3A_154] : memref<20480x128xf32, #tpu.memory_space<hbm>> -> memref<40x128xf32, #tpu.memory_space<hbm>>
      tpu.enqueue_dma source(%arg17 : memref<40x128xf32, #tpu.memory_space<vmem>>) target(%dma_start3A_155 : memref<40x128xf32, #tpu.memory_space<hbm>>) target_semaphore(%run_scoped3A : memref<!tpu.dma_semaphore, #tpu.memory_space<semaphore_mem>>)
      %dma_wait3A_156 = arith.constant 0 : i32
      %dma_wait3A_157 = tpu.memref_slice %arg7[%add3A_91, %dma_wait3A_156] : memref<20480x128xf32, #tpu.memory_space<hbm>> -> memref<40x128xf32, #tpu.memory_space<hbm>>
      %dma_wait3A_158 = arith.constant 0 : i32
      %dma_wait3A_159 = tpu.memref_slice %arg7[%add3A_91, %dma_wait3A_158] : memref<20480x128xf32, #tpu.memory_space<hbm>> -> memref<40x128xf32, #tpu.memory_space<hbm>>
      tpu.wait_dma2 semaphore(%run_scoped3A : memref<!tpu.dma_semaphore, #tpu.memory_space<semaphore_mem>>) src(%arg17 : memref<40x128xf32, #tpu.memory_space<vmem>>) dst(%dma_wait3A_159 : memref<40x128xf32, #tpu.memory_space<hbm>>)
      tpu.yield
    }) : () -> ()
    %add3A_92 = arith.constant 40 : i32
    %add3A_93 = arith.addi %mul3A_4, %add3A_92 : i32
    "tpu.region"() ({
      %run_scoped3A = tpu.sem_alloc : memref<!tpu.dma_semaphore, #tpu.memory_space<semaphore_mem>>
      %dma_start3A_152 = arith.constant 0 : i32
      %dma_start3A_153 = tpu.memref_slice %arg22[%add3A_93, %dma_start3A_152] : memref<10240x128xf32, #tpu.memory_space<vmem_shared>> -> memref<40x128xf32, #tpu.memory_space<vmem_shared>>
      %dma_start3A_154 = arith.constant 0 : i32
      %dma_start3A_155 = tpu.memref_slice %arg22[%add3A_93, %dma_start3A_154] : memref<10240x128xf32, #tpu.memory_space<vmem_shared>> -> memref<40x128xf32, #tpu.memory_space<vmem_shared>>
      tpu.enqueue_dma source(%dma_start3A_155 : memref<40x128xf32, #tpu.memory_space<vmem_shared>>) target(%arg17 : memref<40x128xf32, #tpu.memory_space<vmem>>) target_semaphore(%run_scoped3A : memref<!tpu.dma_semaphore, #tpu.memory_space<semaphore_mem>>)
      %dma_wait3A_156 = arith.constant 0 : i32
      %dma_wait3A_157 = tpu.memref_slice %arg22[%add3A_93, %dma_wait3A_156] : memref<10240x128xf32, #tpu.memory_space<vmem_shared>> -> memref<40x128xf32, #tpu.memory_space<vmem_shared>>
      %dma_wait3A_158 = arith.constant 0 : i32
      %dma_wait3A_159 = tpu.memref_slice %arg22[%add3A_93, %dma_wait3A_158] : memref<10240x128xf32, #tpu.memory_space<vmem_shared>> -> memref<40x128xf32, #tpu.memory_space<vmem_shared>>
      tpu.wait_dma2 semaphore(%run_scoped3A : memref<!tpu.dma_semaphore, #tpu.memory_space<semaphore_mem>>) src(%dma_wait3A_159 : memref<40x128xf32, #tpu.memory_space<vmem_shared>>) dst(%arg17 : memref<40x128xf32, #tpu.memory_space<vmem>>)
      tpu.yield
    }) : () -> ()
    %add3A_94 = arith.constant 40 : i32
    %add3A_95 = arith.addi %add3A_87, %add3A_94 : i32
    "tpu.region"() ({
      %run_scoped3A = tpu.sem_alloc : memref<!tpu.dma_semaphore, #tpu.memory_space<semaphore_mem>>
      %dma_start3A_152 = arith.constant 0 : i32
      %dma_start3A_153 = tpu.memref_slice %arg7[%add3A_95, %dma_start3A_152] : memref<20480x128xf32, #tpu.memory_space<hbm>> -> memref<40x128xf32, #tpu.memory_space<hbm>>
      %dma_start3A_154 = arith.constant 0 : i32
      %dma_start3A_155 = tpu.memref_slice %arg7[%add3A_95, %dma_start3A_154] : memref<20480x128xf32, #tpu.memory_space<hbm>> -> memref<40x128xf32, #tpu.memory_space<hbm>>
      tpu.enqueue_dma source(%arg17 : memref<40x128xf32, #tpu.memory_space<vmem>>) target(%dma_start3A_155 : memref<40x128xf32, #tpu.memory_space<hbm>>) target_semaphore(%run_scoped3A : memref<!tpu.dma_semaphore, #tpu.memory_space<semaphore_mem>>)
      %dma_wait3A_156 = arith.constant 0 : i32
      %dma_wait3A_157 = tpu.memref_slice %arg7[%add3A_95, %dma_wait3A_156] : memref<20480x128xf32, #tpu.memory_space<hbm>> -> memref<40x128xf32, #tpu.memory_space<hbm>>
      %dma_wait3A_158 = arith.constant 0 : i32
      %dma_wait3A_159 = tpu.memref_slice %arg7[%add3A_95, %dma_wait3A_158] : memref<20480x128xf32, #tpu.memory_space<hbm>> -> memref<40x128xf32, #tpu.memory_space<hbm>>
      tpu.wait_dma2 semaphore(%run_scoped3A : memref<!tpu.dma_semaphore, #tpu.memory_space<semaphore_mem>>) src(%arg17 : memref<40x128xf32, #tpu.memory_space<vmem>>) dst(%dma_wait3A_159 : memref<40x128xf32, #tpu.memory_space<hbm>>)
      tpu.yield
    }) : () -> ()
    %add3A_96 = arith.constant 80 : i32
    %add3A_97 = arith.addi %mul3A_4, %add3A_96 : i32
    "tpu.region"() ({
      %run_scoped3A = tpu.sem_alloc : memref<!tpu.dma_semaphore, #tpu.memory_space<semaphore_mem>>
      %dma_start3A_152 = arith.constant 0 : i32
      %dma_start3A_153 = tpu.memref_slice %arg22[%add3A_97, %dma_start3A_152] : memref<10240x128xf32, #tpu.memory_space<vmem_shared>> -> memref<40x128xf32, #tpu.memory_space<vmem_shared>>
      %dma_start3A_154 = arith.constant 0 : i32
      %dma_start3A_155 = tpu.memref_slice %arg22[%add3A_97, %dma_start3A_154] : memref<10240x128xf32, #tpu.memory_space<vmem_shared>> -> memref<40x128xf32, #tpu.memory_space<vmem_shared>>
      tpu.enqueue_dma source(%dma_start3A_155 : memref<40x128xf32, #tpu.memory_space<vmem_shared>>) target(%arg17 : memref<40x128xf32, #tpu.memory_space<vmem>>) target_semaphore(%run_scoped3A : memref<!tpu.dma_semaphore, #tpu.memory_space<semaphore_mem>>)
      %dma_wait3A_156 = arith.constant 0 : i32
      %dma_wait3A_157 = tpu.memref_slice %arg22[%add3A_97, %dma_wait3A_156] : memref<10240x128xf32, #tpu.memory_space<vmem_shared>> -> memref<40x128xf32, #tpu.memory_space<vmem_shared>>
      %dma_wait3A_158 = arith.constant 0 : i32
      %dma_wait3A_159 = tpu.memref_slice %arg22[%add3A_97, %dma_wait3A_158] : memref<10240x128xf32, #tpu.memory_space<vmem_shared>> -> memref<40x128xf32, #tpu.memory_space<vmem_shared>>
      tpu.wait_dma2 semaphore(%run_scoped3A : memref<!tpu.dma_semaphore, #tpu.memory_space<semaphore_mem>>) src(%dma_wait3A_159 : memref<40x128xf32, #tpu.memory_space<vmem_shared>>) dst(%arg17 : memref<40x128xf32, #tpu.memory_space<vmem>>)
      tpu.yield
    }) : () -> ()
    %add3A_98 = arith.constant 80 : i32
    %add3A_99 = arith.addi %add3A_87, %add3A_98 : i32
    "tpu.region"() ({
      %run_scoped3A = tpu.sem_alloc : memref<!tpu.dma_semaphore, #tpu.memory_space<semaphore_mem>>
      %dma_start3A_152 = arith.constant 0 : i32
      %dma_start3A_153 = tpu.memref_slice %arg7[%add3A_99, %dma_start3A_152] : memref<20480x128xf32, #tpu.memory_space<hbm>> -> memref<40x128xf32, #tpu.memory_space<hbm>>
      %dma_start3A_154 = arith.constant 0 : i32
      %dma_start3A_155 = tpu.memref_slice %arg7[%add3A_99, %dma_start3A_154] : memref<20480x128xf32, #tpu.memory_space<hbm>> -> memref<40x128xf32, #tpu.memory_space<hbm>>
      tpu.enqueue_dma source(%arg17 : memref<40x128xf32, #tpu.memory_space<vmem>>) target(%dma_start3A_155 : memref<40x128xf32, #tpu.memory_space<hbm>>) target_semaphore(%run_scoped3A : memref<!tpu.dma_semaphore, #tpu.memory_space<semaphore_mem>>)
      %dma_wait3A_156 = arith.constant 0 : i32
      %dma_wait3A_157 = tpu.memref_slice %arg7[%add3A_99, %dma_wait3A_156] : memref<20480x128xf32, #tpu.memory_space<hbm>> -> memref<40x128xf32, #tpu.memory_space<hbm>>
      %dma_wait3A_158 = arith.constant 0 : i32
      %dma_wait3A_159 = tpu.memref_slice %arg7[%add3A_99, %dma_wait3A_158] : memref<20480x128xf32, #tpu.memory_space<hbm>> -> memref<40x128xf32, #tpu.memory_space<hbm>>
      tpu.wait_dma2 semaphore(%run_scoped3A : memref<!tpu.dma_semaphore, #tpu.memory_space<semaphore_mem>>) src(%arg17 : memref<40x128xf32, #tpu.memory_space<vmem>>) dst(%dma_wait3A_159 : memref<40x128xf32, #tpu.memory_space<hbm>>)
      tpu.yield
    }) : () -> ()
    %add3A_100 = arith.constant 120 : i32
    %add3A_101 = arith.addi %mul3A_4, %add3A_100 : i32
    "tpu.region"() ({
      %run_scoped3A = tpu.sem_alloc : memref<!tpu.dma_semaphore, #tpu.memory_space<semaphore_mem>>
      %dma_start3A_152 = arith.constant 0 : i32
      %dma_start3A_153 = tpu.memref_slice %arg22[%add3A_101, %dma_start3A_152] : memref<10240x128xf32, #tpu.memory_space<vmem_shared>> -> memref<40x128xf32, #tpu.memory_space<vmem_shared>>
      %dma_start3A_154 = arith.constant 0 : i32
      %dma_start3A_155 = tpu.memref_slice %arg22[%add3A_101, %dma_start3A_154] : memref<10240x128xf32, #tpu.memory_space<vmem_shared>> -> memref<40x128xf32, #tpu.memory_space<vmem_shared>>
      tpu.enqueue_dma source(%dma_start3A_155 : memref<40x128xf32, #tpu.memory_space<vmem_shared>>) target(%arg17 : memref<40x128xf32, #tpu.memory_space<vmem>>) target_semaphore(%run_scoped3A : memref<!tpu.dma_semaphore, #tpu.memory_space<semaphore_mem>>)
      %dma_wait3A_156 = arith.constant 0 : i32
      %dma_wait3A_157 = tpu.memref_slice %arg22[%add3A_101, %dma_wait3A_156] : memref<10240x128xf32, #tpu.memory_space<vmem_shared>> -> memref<40x128xf32, #tpu.memory_space<vmem_shared>>
      %dma_wait3A_158 = arith.constant 0 : i32
      %dma_wait3A_159 = tpu.memref_slice %arg22[%add3A_101, %dma_wait3A_158] : memref<10240x128xf32, #tpu.memory_space<vmem_shared>> -> memref<40x128xf32, #tpu.memory_space<vmem_shared>>
      tpu.wait_dma2 semaphore(%run_scoped3A : memref<!tpu.dma_semaphore, #tpu.memory_space<semaphore_mem>>) src(%dma_wait3A_159 : memref<40x128xf32, #tpu.memory_space<vmem_shared>>) dst(%arg17 : memref<40x128xf32, #tpu.memory_space<vmem>>)
      tpu.yield
    }) : () -> ()
    %add3A_102 = arith.constant 120 : i32
    %add3A_103 = arith.addi %add3A_87, %add3A_102 : i32
    "tpu.region"() ({
      %run_scoped3A = tpu.sem_alloc : memref<!tpu.dma_semaphore, #tpu.memory_space<semaphore_mem>>
      %dma_start3A_152 = arith.constant 0 : i32
      %dma_start3A_153 = tpu.memref_slice %arg7[%add3A_103, %dma_start3A_152] : memref<20480x128xf32, #tpu.memory_space<hbm>> -> memref<40x128xf32, #tpu.memory_space<hbm>>
      %dma_start3A_154 = arith.constant 0 : i32
      %dma_start3A_155 = tpu.memref_slice %arg7[%add3A_103, %dma_start3A_154] : memref<20480x128xf32, #tpu.memory_space<hbm>> -> memref<40x128xf32, #tpu.memory_space<hbm>>
      tpu.enqueue_dma source(%arg17 : memref<40x128xf32, #tpu.memory_space<vmem>>) target(%dma_start3A_155 : memref<40x128xf32, #tpu.memory_space<hbm>>) target_semaphore(%run_scoped3A : memref<!tpu.dma_semaphore, #tpu.memory_space<semaphore_mem>>)
      %dma_wait3A_156 = arith.constant 0 : i32
      %dma_wait3A_157 = tpu.memref_slice %arg7[%add3A_103, %dma_wait3A_156] : memref<20480x128xf32, #tpu.memory_space<hbm>> -> memref<40x128xf32, #tpu.memory_space<hbm>>
      %dma_wait3A_158 = arith.constant 0 : i32
      %dma_wait3A_159 = tpu.memref_slice %arg7[%add3A_103, %dma_wait3A_158] : memref<20480x128xf32, #tpu.memory_space<hbm>> -> memref<40x128xf32, #tpu.memory_space<hbm>>
      tpu.wait_dma2 semaphore(%run_scoped3A : memref<!tpu.dma_semaphore, #tpu.memory_space<semaphore_mem>>) src(%arg17 : memref<40x128xf32, #tpu.memory_space<vmem>>) dst(%dma_wait3A_159 : memref<40x128xf32, #tpu.memory_space<hbm>>)
      tpu.yield
    }) : () -> ()
    %add3A_104 = arith.constant 160 : i32
    %add3A_105 = arith.addi %mul3A_4, %add3A_104 : i32
    "tpu.region"() ({
      %run_scoped3A = tpu.sem_alloc : memref<!tpu.dma_semaphore, #tpu.memory_space<semaphore_mem>>
      %dma_start3A_152 = arith.constant 0 : i32
      %dma_start3A_153 = tpu.memref_slice %arg22[%add3A_105, %dma_start3A_152] : memref<10240x128xf32, #tpu.memory_space<vmem_shared>> -> memref<40x128xf32, #tpu.memory_space<vmem_shared>>
      %dma_start3A_154 = arith.constant 0 : i32
      %dma_start3A_155 = tpu.memref_slice %arg22[%add3A_105, %dma_start3A_154] : memref<10240x128xf32, #tpu.memory_space<vmem_shared>> -> memref<40x128xf32, #tpu.memory_space<vmem_shared>>
      tpu.enqueue_dma source(%dma_start3A_155 : memref<40x128xf32, #tpu.memory_space<vmem_shared>>) target(%arg17 : memref<40x128xf32, #tpu.memory_space<vmem>>) target_semaphore(%run_scoped3A : memref<!tpu.dma_semaphore, #tpu.memory_space<semaphore_mem>>)
      %dma_wait3A_156 = arith.constant 0 : i32
      %dma_wait3A_157 = tpu.memref_slice %arg22[%add3A_105, %dma_wait3A_156] : memref<10240x128xf32, #tpu.memory_space<vmem_shared>> -> memref<40x128xf32, #tpu.memory_space<vmem_shared>>
      %dma_wait3A_158 = arith.constant 0 : i32
      %dma_wait3A_159 = tpu.memref_slice %arg22[%add3A_105, %dma_wait3A_158] : memref<10240x128xf32, #tpu.memory_space<vmem_shared>> -> memref<40x128xf32, #tpu.memory_space<vmem_shared>>
      tpu.wait_dma2 semaphore(%run_scoped3A : memref<!tpu.dma_semaphore, #tpu.memory_space<semaphore_mem>>) src(%dma_wait3A_159 : memref<40x128xf32, #tpu.memory_space<vmem_shared>>) dst(%arg17 : memref<40x128xf32, #tpu.memory_space<vmem>>)
      tpu.yield
    }) : () -> ()
    %add3A_106 = arith.constant 160 : i32
    %add3A_107 = arith.addi %add3A_87, %add3A_106 : i32
    "tpu.region"() ({
      %run_scoped3A = tpu.sem_alloc : memref<!tpu.dma_semaphore, #tpu.memory_space<semaphore_mem>>
      %dma_start3A_152 = arith.constant 0 : i32
      %dma_start3A_153 = tpu.memref_slice %arg7[%add3A_107, %dma_start3A_152] : memref<20480x128xf32, #tpu.memory_space<hbm>> -> memref<40x128xf32, #tpu.memory_space<hbm>>
      %dma_start3A_154 = arith.constant 0 : i32
      %dma_start3A_155 = tpu.memref_slice %arg7[%add3A_107, %dma_start3A_154] : memref<20480x128xf32, #tpu.memory_space<hbm>> -> memref<40x128xf32, #tpu.memory_space<hbm>>
      tpu.enqueue_dma source(%arg17 : memref<40x128xf32, #tpu.memory_space<vmem>>) target(%dma_start3A_155 : memref<40x128xf32, #tpu.memory_space<hbm>>) target_semaphore(%run_scoped3A : memref<!tpu.dma_semaphore, #tpu.memory_space<semaphore_mem>>)
      %dma_wait3A_156 = arith.constant 0 : i32
      %dma_wait3A_157 = tpu.memref_slice %arg7[%add3A_107, %dma_wait3A_156] : memref<20480x128xf32, #tpu.memory_space<hbm>> -> memref<40x128xf32, #tpu.memory_space<hbm>>
      %dma_wait3A_158 = arith.constant 0 : i32
      %dma_wait3A_159 = tpu.memref_slice %arg7[%add3A_107, %dma_wait3A_158] : memref<20480x128xf32, #tpu.memory_space<hbm>> -> memref<40x128xf32, #tpu.memory_space<hbm>>
      tpu.wait_dma2 semaphore(%run_scoped3A : memref<!tpu.dma_semaphore, #tpu.memory_space<semaphore_mem>>) src(%arg17 : memref<40x128xf32, #tpu.memory_space<vmem>>) dst(%dma_wait3A_159 : memref<40x128xf32, #tpu.memory_space<hbm>>)
      tpu.yield
    }) : () -> ()
    %add3A_108 = arith.constant 200 : i32
    %add3A_109 = arith.addi %mul3A_4, %add3A_108 : i32
    "tpu.region"() ({
      %run_scoped3A = tpu.sem_alloc : memref<!tpu.dma_semaphore, #tpu.memory_space<semaphore_mem>>
      %dma_start3A_152 = arith.constant 0 : i32
      %dma_start3A_153 = tpu.memref_slice %arg22[%add3A_109, %dma_start3A_152] : memref<10240x128xf32, #tpu.memory_space<vmem_shared>> -> memref<40x128xf32, #tpu.memory_space<vmem_shared>>
      %dma_start3A_154 = arith.constant 0 : i32
      %dma_start3A_155 = tpu.memref_slice %arg22[%add3A_109, %dma_start3A_154] : memref<10240x128xf32, #tpu.memory_space<vmem_shared>> -> memref<40x128xf32, #tpu.memory_space<vmem_shared>>
      tpu.enqueue_dma source(%dma_start3A_155 : memref<40x128xf32, #tpu.memory_space<vmem_shared>>) target(%arg17 : memref<40x128xf32, #tpu.memory_space<vmem>>) target_semaphore(%run_scoped3A : memref<!tpu.dma_semaphore, #tpu.memory_space<semaphore_mem>>)
      %dma_wait3A_156 = arith.constant 0 : i32
      %dma_wait3A_157 = tpu.memref_slice %arg22[%add3A_109, %dma_wait3A_156] : memref<10240x128xf32, #tpu.memory_space<vmem_shared>> -> memref<40x128xf32, #tpu.memory_space<vmem_shared>>
      %dma_wait3A_158 = arith.constant 0 : i32
      %dma_wait3A_159 = tpu.memref_slice %arg22[%add3A_109, %dma_wait3A_158] : memref<10240x128xf32, #tpu.memory_space<vmem_shared>> -> memref<40x128xf32, #tpu.memory_space<vmem_shared>>
      tpu.wait_dma2 semaphore(%run_scoped3A : memref<!tpu.dma_semaphore, #tpu.memory_space<semaphore_mem>>) src(%dma_wait3A_159 : memref<40x128xf32, #tpu.memory_space<vmem_shared>>) dst(%arg17 : memref<40x128xf32, #tpu.memory_space<vmem>>)
      tpu.yield
    }) : () -> ()
    %add3A_110 = arith.constant 200 : i32
    %add3A_111 = arith.addi %add3A_87, %add3A_110 : i32
    "tpu.region"() ({
      %run_scoped3A = tpu.sem_alloc : memref<!tpu.dma_semaphore, #tpu.memory_space<semaphore_mem>>
      %dma_start3A_152 = arith.constant 0 : i32
      %dma_start3A_153 = tpu.memref_slice %arg7[%add3A_111, %dma_start3A_152] : memref<20480x128xf32, #tpu.memory_space<hbm>> -> memref<40x128xf32, #tpu.memory_space<hbm>>
      %dma_start3A_154 = arith.constant 0 : i32
      %dma_start3A_155 = tpu.memref_slice %arg7[%add3A_111, %dma_start3A_154] : memref<20480x128xf32, #tpu.memory_space<hbm>> -> memref<40x128xf32, #tpu.memory_space<hbm>>
      tpu.enqueue_dma source(%arg17 : memref<40x128xf32, #tpu.memory_space<vmem>>) target(%dma_start3A_155 : memref<40x128xf32, #tpu.memory_space<hbm>>) target_semaphore(%run_scoped3A : memref<!tpu.dma_semaphore, #tpu.memory_space<semaphore_mem>>)
      %dma_wait3A_156 = arith.constant 0 : i32
      %dma_wait3A_157 = tpu.memref_slice %arg7[%add3A_111, %dma_wait3A_156] : memref<20480x128xf32, #tpu.memory_space<hbm>> -> memref<40x128xf32, #tpu.memory_space<hbm>>
      %dma_wait3A_158 = arith.constant 0 : i32
      %dma_wait3A_159 = tpu.memref_slice %arg7[%add3A_111, %dma_wait3A_158] : memref<20480x128xf32, #tpu.memory_space<hbm>> -> memref<40x128xf32, #tpu.memory_space<hbm>>
      tpu.wait_dma2 semaphore(%run_scoped3A : memref<!tpu.dma_semaphore, #tpu.memory_space<semaphore_mem>>) src(%arg17 : memref<40x128xf32, #tpu.memory_space<vmem>>) dst(%dma_wait3A_159 : memref<40x128xf32, #tpu.memory_space<hbm>>)
      tpu.yield
    }) : () -> ()
    %add3A_112 = arith.constant 240 : i32
    %add3A_113 = arith.addi %mul3A_4, %add3A_112 : i32
    "tpu.region"() ({
      %run_scoped3A = tpu.sem_alloc : memref<!tpu.dma_semaphore, #tpu.memory_space<semaphore_mem>>
      %dma_start3A_152 = arith.constant 0 : i32
      %dma_start3A_153 = tpu.memref_slice %arg22[%add3A_113, %dma_start3A_152] : memref<10240x128xf32, #tpu.memory_space<vmem_shared>> -> memref<40x128xf32, #tpu.memory_space<vmem_shared>>
      %dma_start3A_154 = arith.constant 0 : i32
      %dma_start3A_155 = tpu.memref_slice %arg22[%add3A_113, %dma_start3A_154] : memref<10240x128xf32, #tpu.memory_space<vmem_shared>> -> memref<40x128xf32, #tpu.memory_space<vmem_shared>>
      tpu.enqueue_dma source(%dma_start3A_155 : memref<40x128xf32, #tpu.memory_space<vmem_shared>>) target(%arg17 : memref<40x128xf32, #tpu.memory_space<vmem>>) target_semaphore(%run_scoped3A : memref<!tpu.dma_semaphore, #tpu.memory_space<semaphore_mem>>)
      %dma_wait3A_156 = arith.constant 0 : i32
      %dma_wait3A_157 = tpu.memref_slice %arg22[%add3A_113, %dma_wait3A_156] : memref<10240x128xf32, #tpu.memory_space<vmem_shared>> -> memref<40x128xf32, #tpu.memory_space<vmem_shared>>
      %dma_wait3A_158 = arith.constant 0 : i32
      %dma_wait3A_159 = tpu.memref_slice %arg22[%add3A_113, %dma_wait3A_158] : memref<10240x128xf32, #tpu.memory_space<vmem_shared>> -> memref<40x128xf32, #tpu.memory_space<vmem_shared>>
      tpu.wait_dma2 semaphore(%run_scoped3A : memref<!tpu.dma_semaphore, #tpu.memory_space<semaphore_mem>>) src(%dma_wait3A_159 : memref<40x128xf32, #tpu.memory_space<vmem_shared>>) dst(%arg17 : memref<40x128xf32, #tpu.memory_space<vmem>>)
      tpu.yield
    }) : () -> ()
    %add3A_114 = arith.constant 240 : i32
    %add3A_115 = arith.addi %add3A_87, %add3A_114 : i32
    "tpu.region"() ({
      %run_scoped3A = tpu.sem_alloc : memref<!tpu.dma_semaphore, #tpu.memory_space<semaphore_mem>>
      %dma_start3A_152 = arith.constant 0 : i32
      %dma_start3A_153 = tpu.memref_slice %arg7[%add3A_115, %dma_start3A_152] : memref<20480x128xf32, #tpu.memory_space<hbm>> -> memref<40x128xf32, #tpu.memory_space<hbm>>
      %dma_start3A_154 = arith.constant 0 : i32
      %dma_start3A_155 = tpu.memref_slice %arg7[%add3A_115, %dma_start3A_154] : memref<20480x128xf32, #tpu.memory_space<hbm>> -> memref<40x128xf32, #tpu.memory_space<hbm>>
      tpu.enqueue_dma source(%arg17 : memref<40x128xf32, #tpu.memory_space<vmem>>) target(%dma_start3A_155 : memref<40x128xf32, #tpu.memory_space<hbm>>) target_semaphore(%run_scoped3A : memref<!tpu.dma_semaphore, #tpu.memory_space<semaphore_mem>>)
      %dma_wait3A_156 = arith.constant 0 : i32
      %dma_wait3A_157 = tpu.memref_slice %arg7[%add3A_115, %dma_wait3A_156] : memref<20480x128xf32, #tpu.memory_space<hbm>> -> memref<40x128xf32, #tpu.memory_space<hbm>>
      %dma_wait3A_158 = arith.constant 0 : i32
      %dma_wait3A_159 = tpu.memref_slice %arg7[%add3A_115, %dma_wait3A_158] : memref<20480x128xf32, #tpu.memory_space<hbm>> -> memref<40x128xf32, #tpu.memory_space<hbm>>
      tpu.wait_dma2 semaphore(%run_scoped3A : memref<!tpu.dma_semaphore, #tpu.memory_space<semaphore_mem>>) src(%arg17 : memref<40x128xf32, #tpu.memory_space<vmem>>) dst(%dma_wait3A_159 : memref<40x128xf32, #tpu.memory_space<hbm>>)
      tpu.yield
    }) : () -> ()
    %add3A_116 = arith.constant 280 : i32
    %add3A_117 = arith.addi %mul3A_4, %add3A_116 : i32
    "tpu.region"() ({
      %run_scoped3A = tpu.sem_alloc : memref<!tpu.dma_semaphore, #tpu.memory_space<semaphore_mem>>
      %dma_start3A_152 = arith.constant 0 : i32
      %dma_start3A_153 = tpu.memref_slice %arg22[%add3A_117, %dma_start3A_152] : memref<10240x128xf32, #tpu.memory_space<vmem_shared>> -> memref<40x128xf32, #tpu.memory_space<vmem_shared>>
      %dma_start3A_154 = arith.constant 0 : i32
      %dma_start3A_155 = tpu.memref_slice %arg22[%add3A_117, %dma_start3A_154] : memref<10240x128xf32, #tpu.memory_space<vmem_shared>> -> memref<40x128xf32, #tpu.memory_space<vmem_shared>>
      tpu.enqueue_dma source(%dma_start3A_155 : memref<40x128xf32, #tpu.memory_space<vmem_shared>>) target(%arg17 : memref<40x128xf32, #tpu.memory_space<vmem>>) target_semaphore(%run_scoped3A : memref<!tpu.dma_semaphore, #tpu.memory_space<semaphore_mem>>)
      %dma_wait3A_156 = arith.constant 0 : i32
      %dma_wait3A_157 = tpu.memref_slice %arg22[%add3A_117, %dma_wait3A_156] : memref<10240x128xf32, #tpu.memory_space<vmem_shared>> -> memref<40x128xf32, #tpu.memory_space<vmem_shared>>
      %dma_wait3A_158 = arith.constant 0 : i32
      %dma_wait3A_159 = tpu.memref_slice %arg22[%add3A_117, %dma_wait3A_158] : memref<10240x128xf32, #tpu.memory_space<vmem_shared>> -> memref<40x128xf32, #tpu.memory_space<vmem_shared>>
      tpu.wait_dma2 semaphore(%run_scoped3A : memref<!tpu.dma_semaphore, #tpu.memory_space<semaphore_mem>>) src(%dma_wait3A_159 : memref<40x128xf32, #tpu.memory_space<vmem_shared>>) dst(%arg17 : memref<40x128xf32, #tpu.memory_space<vmem>>)
      tpu.yield
    }) : () -> ()
    %add3A_118 = arith.constant 280 : i32
    %add3A_119 = arith.addi %add3A_87, %add3A_118 : i32
    "tpu.region"() ({
      %run_scoped3A = tpu.sem_alloc : memref<!tpu.dma_semaphore, #tpu.memory_space<semaphore_mem>>
      %dma_start3A_152 = arith.constant 0 : i32
      %dma_start3A_153 = tpu.memref_slice %arg7[%add3A_119, %dma_start3A_152] : memref<20480x128xf32, #tpu.memory_space<hbm>> -> memref<40x128xf32, #tpu.memory_space<hbm>>
      %dma_start3A_154 = arith.constant 0 : i32
      %dma_start3A_155 = tpu.memref_slice %arg7[%add3A_119, %dma_start3A_154] : memref<20480x128xf32, #tpu.memory_space<hbm>> -> memref<40x128xf32, #tpu.memory_space<hbm>>
      tpu.enqueue_dma source(%arg17 : memref<40x128xf32, #tpu.memory_space<vmem>>) target(%dma_start3A_155 : memref<40x128xf32, #tpu.memory_space<hbm>>) target_semaphore(%run_scoped3A : memref<!tpu.dma_semaphore, #tpu.memory_space<semaphore_mem>>)
      %dma_wait3A_156 = arith.constant 0 : i32
      %dma_wait3A_157 = tpu.memref_slice %arg7[%add3A_119, %dma_wait3A_156] : memref<20480x128xf32, #tpu.memory_space<hbm>> -> memref<40x128xf32, #tpu.memory_space<hbm>>
      %dma_wait3A_158 = arith.constant 0 : i32
      %dma_wait3A_159 = tpu.memref_slice %arg7[%add3A_119, %dma_wait3A_158] : memref<20480x128xf32, #tpu.memory_space<hbm>> -> memref<40x128xf32, #tpu.memory_space<hbm>>
      tpu.wait_dma2 semaphore(%run_scoped3A : memref<!tpu.dma_semaphore, #tpu.memory_space<semaphore_mem>>) src(%arg17 : memref<40x128xf32, #tpu.memory_space<vmem>>) dst(%dma_wait3A_159 : memref<40x128xf32, #tpu.memory_space<hbm>>)
      tpu.yield
    }) : () -> ()
    %add3A_120 = arith.constant 320 : i32
    %add3A_121 = arith.addi %mul3A_4, %add3A_120 : i32
    "tpu.region"() ({
      %run_scoped3A = tpu.sem_alloc : memref<!tpu.dma_semaphore, #tpu.memory_space<semaphore_mem>>
      %dma_start3A_152 = arith.constant 0 : i32
      %dma_start3A_153 = tpu.memref_slice %arg22[%add3A_121, %dma_start3A_152] : memref<10240x128xf32, #tpu.memory_space<vmem_shared>> -> memref<40x128xf32, #tpu.memory_space<vmem_shared>>
      %dma_start3A_154 = arith.constant 0 : i32
      %dma_start3A_155 = tpu.memref_slice %arg22[%add3A_121, %dma_start3A_154] : memref<10240x128xf32, #tpu.memory_space<vmem_shared>> -> memref<40x128xf32, #tpu.memory_space<vmem_shared>>
      tpu.enqueue_dma source(%dma_start3A_155 : memref<40x128xf32, #tpu.memory_space<vmem_shared>>) target(%arg17 : memref<40x128xf32, #tpu.memory_space<vmem>>) target_semaphore(%run_scoped3A : memref<!tpu.dma_semaphore, #tpu.memory_space<semaphore_mem>>)
      %dma_wait3A_156 = arith.constant 0 : i32
      %dma_wait3A_157 = tpu.memref_slice %arg22[%add3A_121, %dma_wait3A_156] : memref<10240x128xf32, #tpu.memory_space<vmem_shared>> -> memref<40x128xf32, #tpu.memory_space<vmem_shared>>
      %dma_wait3A_158 = arith.constant 0 : i32
      %dma_wait3A_159 = tpu.memref_slice %arg22[%add3A_121, %dma_wait3A_158] : memref<10240x128xf32, #tpu.memory_space<vmem_shared>> -> memref<40x128xf32, #tpu.memory_space<vmem_shared>>
      tpu.wait_dma2 semaphore(%run_scoped3A : memref<!tpu.dma_semaphore, #tpu.memory_space<semaphore_mem>>) src(%dma_wait3A_159 : memref<40x128xf32, #tpu.memory_space<vmem_shared>>) dst(%arg17 : memref<40x128xf32, #tpu.memory_space<vmem>>)
      tpu.yield
    }) : () -> ()
    %add3A_122 = arith.constant 320 : i32
    %add3A_123 = arith.addi %add3A_87, %add3A_122 : i32
    "tpu.region"() ({
      %run_scoped3A = tpu.sem_alloc : memref<!tpu.dma_semaphore, #tpu.memory_space<semaphore_mem>>
      %dma_start3A_152 = arith.constant 0 : i32
      %dma_start3A_153 = tpu.memref_slice %arg7[%add3A_123, %dma_start3A_152] : memref<20480x128xf32, #tpu.memory_space<hbm>> -> memref<40x128xf32, #tpu.memory_space<hbm>>
      %dma_start3A_154 = arith.constant 0 : i32
      %dma_start3A_155 = tpu.memref_slice %arg7[%add3A_123, %dma_start3A_154] : memref<20480x128xf32, #tpu.memory_space<hbm>> -> memref<40x128xf32, #tpu.memory_space<hbm>>
      tpu.enqueue_dma source(%arg17 : memref<40x128xf32, #tpu.memory_space<vmem>>) target(%dma_start3A_155 : memref<40x128xf32, #tpu.memory_space<hbm>>) target_semaphore(%run_scoped3A : memref<!tpu.dma_semaphore, #tpu.memory_space<semaphore_mem>>)
      %dma_wait3A_156 = arith.constant 0 : i32
      %dma_wait3A_157 = tpu.memref_slice %arg7[%add3A_123, %dma_wait3A_156] : memref<20480x128xf32, #tpu.memory_space<hbm>> -> memref<40x128xf32, #tpu.memory_space<hbm>>
      %dma_wait3A_158 = arith.constant 0 : i32
      %dma_wait3A_159 = tpu.memref_slice %arg7[%add3A_123, %dma_wait3A_158] : memref<20480x128xf32, #tpu.memory_space<hbm>> -> memref<40x128xf32, #tpu.memory_space<hbm>>
      tpu.wait_dma2 semaphore(%run_scoped3A : memref<!tpu.dma_semaphore, #tpu.memory_space<semaphore_mem>>) src(%arg17 : memref<40x128xf32, #tpu.memory_space<vmem>>) dst(%dma_wait3A_159 : memref<40x128xf32, #tpu.memory_space<hbm>>)
      tpu.yield
    }) : () -> ()
    %add3A_124 = arith.constant 360 : i32
    %add3A_125 = arith.addi %mul3A_4, %add3A_124 : i32
    "tpu.region"() ({
      %run_scoped3A = tpu.sem_alloc : memref<!tpu.dma_semaphore, #tpu.memory_space<semaphore_mem>>
      %dma_start3A_152 = arith.constant 0 : i32
      %dma_start3A_153 = tpu.memref_slice %arg22[%add3A_125, %dma_start3A_152] : memref<10240x128xf32, #tpu.memory_space<vmem_shared>> -> memref<40x128xf32, #tpu.memory_space<vmem_shared>>
      %dma_start3A_154 = arith.constant 0 : i32
      %dma_start3A_155 = tpu.memref_slice %arg22[%add3A_125, %dma_start3A_154] : memref<10240x128xf32, #tpu.memory_space<vmem_shared>> -> memref<40x128xf32, #tpu.memory_space<vmem_shared>>
      tpu.enqueue_dma source(%dma_start3A_155 : memref<40x128xf32, #tpu.memory_space<vmem_shared>>) target(%arg17 : memref<40x128xf32, #tpu.memory_space<vmem>>) target_semaphore(%run_scoped3A : memref<!tpu.dma_semaphore, #tpu.memory_space<semaphore_mem>>)
      %dma_wait3A_156 = arith.constant 0 : i32
      %dma_wait3A_157 = tpu.memref_slice %arg22[%add3A_125, %dma_wait3A_156] : memref<10240x128xf32, #tpu.memory_space<vmem_shared>> -> memref<40x128xf32, #tpu.memory_space<vmem_shared>>
      %dma_wait3A_158 = arith.constant 0 : i32
      %dma_wait3A_159 = tpu.memref_slice %arg22[%add3A_125, %dma_wait3A_158] : memref<10240x128xf32, #tpu.memory_space<vmem_shared>> -> memref<40x128xf32, #tpu.memory_space<vmem_shared>>
      tpu.wait_dma2 semaphore(%run_scoped3A : memref<!tpu.dma_semaphore, #tpu.memory_space<semaphore_mem>>) src(%dma_wait3A_159 : memref<40x128xf32, #tpu.memory_space<vmem_shared>>) dst(%arg17 : memref<40x128xf32, #tpu.memory_space<vmem>>)
      tpu.yield
    }) : () -> ()
    %add3A_126 = arith.constant 360 : i32
    %add3A_127 = arith.addi %add3A_87, %add3A_126 : i32
    "tpu.region"() ({
      %run_scoped3A = tpu.sem_alloc : memref<!tpu.dma_semaphore, #tpu.memory_space<semaphore_mem>>
      %dma_start3A_152 = arith.constant 0 : i32
      %dma_start3A_153 = tpu.memref_slice %arg7[%add3A_127, %dma_start3A_152] : memref<20480x128xf32, #tpu.memory_space<hbm>> -> memref<40x128xf32, #tpu.memory_space<hbm>>
      %dma_start3A_154 = arith.constant 0 : i32
      %dma_start3A_155 = tpu.memref_slice %arg7[%add3A_127, %dma_start3A_154] : memref<20480x128xf32, #tpu.memory_space<hbm>> -> memref<40x128xf32, #tpu.memory_space<hbm>>
      tpu.enqueue_dma source(%arg17 : memref<40x128xf32, #tpu.memory_space<vmem>>) target(%dma_start3A_155 : memref<40x128xf32, #tpu.memory_space<hbm>>) target_semaphore(%run_scoped3A : memref<!tpu.dma_semaphore, #tpu.memory_space<semaphore_mem>>)
      %dma_wait3A_156 = arith.constant 0 : i32
      %dma_wait3A_157 = tpu.memref_slice %arg7[%add3A_127, %dma_wait3A_156] : memref<20480x128xf32, #tpu.memory_space<hbm>> -> memref<40x128xf32, #tpu.memory_space<hbm>>
      %dma_wait3A_158 = arith.constant 0 : i32
      %dma_wait3A_159 = tpu.memref_slice %arg7[%add3A_127, %dma_wait3A_158] : memref<20480x128xf32, #tpu.memory_space<hbm>> -> memref<40x128xf32, #tpu.memory_space<hbm>>
      tpu.wait_dma2 semaphore(%run_scoped3A : memref<!tpu.dma_semaphore, #tpu.memory_space<semaphore_mem>>) src(%arg17 : memref<40x128xf32, #tpu.memory_space<vmem>>) dst(%dma_wait3A_159 : memref<40x128xf32, #tpu.memory_space<hbm>>)
      tpu.yield
    }) : () -> ()
    %add3A_128 = arith.constant 400 : i32
    %add3A_129 = arith.addi %mul3A_4, %add3A_128 : i32
    "tpu.region"() ({
      %run_scoped3A = tpu.sem_alloc : memref<!tpu.dma_semaphore, #tpu.memory_space<semaphore_mem>>
      %dma_start3A_152 = arith.constant 0 : i32
      %dma_start3A_153 = tpu.memref_slice %arg22[%add3A_129, %dma_start3A_152] : memref<10240x128xf32, #tpu.memory_space<vmem_shared>> -> memref<40x128xf32, #tpu.memory_space<vmem_shared>>
      %dma_start3A_154 = arith.constant 0 : i32
      %dma_start3A_155 = tpu.memref_slice %arg22[%add3A_129, %dma_start3A_154] : memref<10240x128xf32, #tpu.memory_space<vmem_shared>> -> memref<40x128xf32, #tpu.memory_space<vmem_shared>>
      tpu.enqueue_dma source(%dma_start3A_155 : memref<40x128xf32, #tpu.memory_space<vmem_shared>>) target(%arg17 : memref<40x128xf32, #tpu.memory_space<vmem>>) target_semaphore(%run_scoped3A : memref<!tpu.dma_semaphore, #tpu.memory_space<semaphore_mem>>)
      %dma_wait3A_156 = arith.constant 0 : i32
      %dma_wait3A_157 = tpu.memref_slice %arg22[%add3A_129, %dma_wait3A_156] : memref<10240x128xf32, #tpu.memory_space<vmem_shared>> -> memref<40x128xf32, #tpu.memory_space<vmem_shared>>
      %dma_wait3A_158 = arith.constant 0 : i32
      %dma_wait3A_159 = tpu.memref_slice %arg22[%add3A_129, %dma_wait3A_158] : memref<10240x128xf32, #tpu.memory_space<vmem_shared>> -> memref<40x128xf32, #tpu.memory_space<vmem_shared>>
      tpu.wait_dma2 semaphore(%run_scoped3A : memref<!tpu.dma_semaphore, #tpu.memory_space<semaphore_mem>>) src(%dma_wait3A_159 : memref<40x128xf32, #tpu.memory_space<vmem_shared>>) dst(%arg17 : memref<40x128xf32, #tpu.memory_space<vmem>>)
      tpu.yield
    }) : () -> ()
    %add3A_130 = arith.constant 400 : i32
    %add3A_131 = arith.addi %add3A_87, %add3A_130 : i32
    "tpu.region"() ({
      %run_scoped3A = tpu.sem_alloc : memref<!tpu.dma_semaphore, #tpu.memory_space<semaphore_mem>>
      %dma_start3A_152 = arith.constant 0 : i32
      %dma_start3A_153 = tpu.memref_slice %arg7[%add3A_131, %dma_start3A_152] : memref<20480x128xf32, #tpu.memory_space<hbm>> -> memref<40x128xf32, #tpu.memory_space<hbm>>
      %dma_start3A_154 = arith.constant 0 : i32
      %dma_start3A_155 = tpu.memref_slice %arg7[%add3A_131, %dma_start3A_154] : memref<20480x128xf32, #tpu.memory_space<hbm>> -> memref<40x128xf32, #tpu.memory_space<hbm>>
      tpu.enqueue_dma source(%arg17 : memref<40x128xf32, #tpu.memory_space<vmem>>) target(%dma_start3A_155 : memref<40x128xf32, #tpu.memory_space<hbm>>) target_semaphore(%run_scoped3A : memref<!tpu.dma_semaphore, #tpu.memory_space<semaphore_mem>>)
      %dma_wait3A_156 = arith.constant 0 : i32
      %dma_wait3A_157 = tpu.memref_slice %arg7[%add3A_131, %dma_wait3A_156] : memref<20480x128xf32, #tpu.memory_space<hbm>> -> memref<40x128xf32, #tpu.memory_space<hbm>>
      %dma_wait3A_158 = arith.constant 0 : i32
      %dma_wait3A_159 = tpu.memref_slice %arg7[%add3A_131, %dma_wait3A_158] : memref<20480x128xf32, #tpu.memory_space<hbm>> -> memref<40x128xf32, #tpu.memory_space<hbm>>
      tpu.wait_dma2 semaphore(%run_scoped3A : memref<!tpu.dma_semaphore, #tpu.memory_space<semaphore_mem>>) src(%arg17 : memref<40x128xf32, #tpu.memory_space<vmem>>) dst(%dma_wait3A_159 : memref<40x128xf32, #tpu.memory_space<hbm>>)
      tpu.yield
    }) : () -> ()
    %add3A_132 = arith.constant 440 : i32
    %add3A_133 = arith.addi %mul3A_4, %add3A_132 : i32
    "tpu.region"() ({
      %run_scoped3A = tpu.sem_alloc : memref<!tpu.dma_semaphore, #tpu.memory_space<semaphore_mem>>
      %dma_start3A_152 = arith.constant 0 : i32
      %dma_start3A_153 = tpu.memref_slice %arg22[%add3A_133, %dma_start3A_152] : memref<10240x128xf32, #tpu.memory_space<vmem_shared>> -> memref<40x128xf32, #tpu.memory_space<vmem_shared>>
      %dma_start3A_154 = arith.constant 0 : i32
      %dma_start3A_155 = tpu.memref_slice %arg22[%add3A_133, %dma_start3A_154] : memref<10240x128xf32, #tpu.memory_space<vmem_shared>> -> memref<40x128xf32, #tpu.memory_space<vmem_shared>>
      tpu.enqueue_dma source(%dma_start3A_155 : memref<40x128xf32, #tpu.memory_space<vmem_shared>>) target(%arg17 : memref<40x128xf32, #tpu.memory_space<vmem>>) target_semaphore(%run_scoped3A : memref<!tpu.dma_semaphore, #tpu.memory_space<semaphore_mem>>)
      %dma_wait3A_156 = arith.constant 0 : i32
      %dma_wait3A_157 = tpu.memref_slice %arg22[%add3A_133, %dma_wait3A_156] : memref<10240x128xf32, #tpu.memory_space<vmem_shared>> -> memref<40x128xf32, #tpu.memory_space<vmem_shared>>
      %dma_wait3A_158 = arith.constant 0 : i32
      %dma_wait3A_159 = tpu.memref_slice %arg22[%add3A_133, %dma_wait3A_158] : memref<10240x128xf32, #tpu.memory_space<vmem_shared>> -> memref<40x128xf32, #tpu.memory_space<vmem_shared>>
      tpu.wait_dma2 semaphore(%run_scoped3A : memref<!tpu.dma_semaphore, #tpu.memory_space<semaphore_mem>>) src(%dma_wait3A_159 : memref<40x128xf32, #tpu.memory_space<vmem_shared>>) dst(%arg17 : memref<40x128xf32, #tpu.memory_space<vmem>>)
      tpu.yield
    }) : () -> ()
    %add3A_134 = arith.constant 440 : i32
    %add3A_135 = arith.addi %add3A_87, %add3A_134 : i32
    "tpu.region"() ({
      %run_scoped3A = tpu.sem_alloc : memref<!tpu.dma_semaphore, #tpu.memory_space<semaphore_mem>>
      %dma_start3A_152 = arith.constant 0 : i32
      %dma_start3A_153 = tpu.memref_slice %arg7[%add3A_135, %dma_start3A_152] : memref<20480x128xf32, #tpu.memory_space<hbm>> -> memref<40x128xf32, #tpu.memory_space<hbm>>
      %dma_start3A_154 = arith.constant 0 : i32
      %dma_start3A_155 = tpu.memref_slice %arg7[%add3A_135, %dma_start3A_154] : memref<20480x128xf32, #tpu.memory_space<hbm>> -> memref<40x128xf32, #tpu.memory_space<hbm>>
      tpu.enqueue_dma source(%arg17 : memref<40x128xf32, #tpu.memory_space<vmem>>) target(%dma_start3A_155 : memref<40x128xf32, #tpu.memory_space<hbm>>) target_semaphore(%run_scoped3A : memref<!tpu.dma_semaphore, #tpu.memory_space<semaphore_mem>>)
      %dma_wait3A_156 = arith.constant 0 : i32
      %dma_wait3A_157 = tpu.memref_slice %arg7[%add3A_135, %dma_wait3A_156] : memref<20480x128xf32, #tpu.memory_space<hbm>> -> memref<40x128xf32, #tpu.memory_space<hbm>>
      %dma_wait3A_158 = arith.constant 0 : i32
      %dma_wait3A_159 = tpu.memref_slice %arg7[%add3A_135, %dma_wait3A_158] : memref<20480x128xf32, #tpu.memory_space<hbm>> -> memref<40x128xf32, #tpu.memory_space<hbm>>
      tpu.wait_dma2 semaphore(%run_scoped3A : memref<!tpu.dma_semaphore, #tpu.memory_space<semaphore_mem>>) src(%arg17 : memref<40x128xf32, #tpu.memory_space<vmem>>) dst(%dma_wait3A_159 : memref<40x128xf32, #tpu.memory_space<hbm>>)
      tpu.yield
    }) : () -> ()
    %add3A_136 = arith.constant 480 : i32
    %add3A_137 = arith.addi %mul3A_4, %add3A_136 : i32
    "tpu.region"() ({
      %run_scoped3A = tpu.sem_alloc : memref<!tpu.dma_semaphore, #tpu.memory_space<semaphore_mem>>
      %dma_start3A_152 = arith.constant 0 : i32
      %dma_start3A_153 = tpu.memref_slice %arg22[%add3A_137, %dma_start3A_152] : memref<10240x128xf32, #tpu.memory_space<vmem_shared>> -> memref<40x128xf32, #tpu.memory_space<vmem_shared>>
      %dma_start3A_154 = arith.constant 0 : i32
      %dma_start3A_155 = tpu.memref_slice %arg22[%add3A_137, %dma_start3A_154] : memref<10240x128xf32, #tpu.memory_space<vmem_shared>> -> memref<40x128xf32, #tpu.memory_space<vmem_shared>>
      tpu.enqueue_dma source(%dma_start3A_155 : memref<40x128xf32, #tpu.memory_space<vmem_shared>>) target(%arg17 : memref<40x128xf32, #tpu.memory_space<vmem>>) target_semaphore(%run_scoped3A : memref<!tpu.dma_semaphore, #tpu.memory_space<semaphore_mem>>)
      %dma_wait3A_156 = arith.constant 0 : i32
      %dma_wait3A_157 = tpu.memref_slice %arg22[%add3A_137, %dma_wait3A_156] : memref<10240x128xf32, #tpu.memory_space<vmem_shared>> -> memref<40x128xf32, #tpu.memory_space<vmem_shared>>
      %dma_wait3A_158 = arith.constant 0 : i32
      %dma_wait3A_159 = tpu.memref_slice %arg22[%add3A_137, %dma_wait3A_158] : memref<10240x128xf32, #tpu.memory_space<vmem_shared>> -> memref<40x128xf32, #tpu.memory_space<vmem_shared>>
      tpu.wait_dma2 semaphore(%run_scoped3A : memref<!tpu.dma_semaphore, #tpu.memory_space<semaphore_mem>>) src(%dma_wait3A_159 : memref<40x128xf32, #tpu.memory_space<vmem_shared>>) dst(%arg17 : memref<40x128xf32, #tpu.memory_space<vmem>>)
      tpu.yield
    }) : () -> ()
    %add3A_138 = arith.constant 480 : i32
    %add3A_139 = arith.addi %add3A_87, %add3A_138 : i32
    "tpu.region"() ({
      %run_scoped3A = tpu.sem_alloc : memref<!tpu.dma_semaphore, #tpu.memory_space<semaphore_mem>>
      %dma_start3A_152 = arith.constant 0 : i32
      %dma_start3A_153 = tpu.memref_slice %arg7[%add3A_139, %dma_start3A_152] : memref<20480x128xf32, #tpu.memory_space<hbm>> -> memref<40x128xf32, #tpu.memory_space<hbm>>
      %dma_start3A_154 = arith.constant 0 : i32
      %dma_start3A_155 = tpu.memref_slice %arg7[%add3A_139, %dma_start3A_154] : memref<20480x128xf32, #tpu.memory_space<hbm>> -> memref<40x128xf32, #tpu.memory_space<hbm>>
      tpu.enqueue_dma source(%arg17 : memref<40x128xf32, #tpu.memory_space<vmem>>) target(%dma_start3A_155 : memref<40x128xf32, #tpu.memory_space<hbm>>) target_semaphore(%run_scoped3A : memref<!tpu.dma_semaphore, #tpu.memory_space<semaphore_mem>>)
      %dma_wait3A_156 = arith.constant 0 : i32
      %dma_wait3A_157 = tpu.memref_slice %arg7[%add3A_139, %dma_wait3A_156] : memref<20480x128xf32, #tpu.memory_space<hbm>> -> memref<40x128xf32, #tpu.memory_space<hbm>>
      %dma_wait3A_158 = arith.constant 0 : i32
      %dma_wait3A_159 = tpu.memref_slice %arg7[%add3A_139, %dma_wait3A_158] : memref<20480x128xf32, #tpu.memory_space<hbm>> -> memref<40x128xf32, #tpu.memory_space<hbm>>
      tpu.wait_dma2 semaphore(%run_scoped3A : memref<!tpu.dma_semaphore, #tpu.memory_space<semaphore_mem>>) src(%arg17 : memref<40x128xf32, #tpu.memory_space<vmem>>) dst(%dma_wait3A_159 : memref<40x128xf32, #tpu.memory_space<hbm>>)
      tpu.yield
    }) : () -> ()
    %add3A_140 = arith.constant 520 : i32
    %add3A_141 = arith.addi %mul3A_4, %add3A_140 : i32
    "tpu.region"() ({
      %run_scoped3A = tpu.sem_alloc : memref<!tpu.dma_semaphore, #tpu.memory_space<semaphore_mem>>
      %dma_start3A_152 = arith.constant 0 : i32
      %dma_start3A_153 = tpu.memref_slice %arg22[%add3A_141, %dma_start3A_152] : memref<10240x128xf32, #tpu.memory_space<vmem_shared>> -> memref<40x128xf32, #tpu.memory_space<vmem_shared>>
      %dma_start3A_154 = arith.constant 0 : i32
      %dma_start3A_155 = tpu.memref_slice %arg22[%add3A_141, %dma_start3A_154] : memref<10240x128xf32, #tpu.memory_space<vmem_shared>> -> memref<40x128xf32, #tpu.memory_space<vmem_shared>>
      tpu.enqueue_dma source(%dma_start3A_155 : memref<40x128xf32, #tpu.memory_space<vmem_shared>>) target(%arg17 : memref<40x128xf32, #tpu.memory_space<vmem>>) target_semaphore(%run_scoped3A : memref<!tpu.dma_semaphore, #tpu.memory_space<semaphore_mem>>)
      %dma_wait3A_156 = arith.constant 0 : i32
      %dma_wait3A_157 = tpu.memref_slice %arg22[%add3A_141, %dma_wait3A_156] : memref<10240x128xf32, #tpu.memory_space<vmem_shared>> -> memref<40x128xf32, #tpu.memory_space<vmem_shared>>
      %dma_wait3A_158 = arith.constant 0 : i32
      %dma_wait3A_159 = tpu.memref_slice %arg22[%add3A_141, %dma_wait3A_158] : memref<10240x128xf32, #tpu.memory_space<vmem_shared>> -> memref<40x128xf32, #tpu.memory_space<vmem_shared>>
      tpu.wait_dma2 semaphore(%run_scoped3A : memref<!tpu.dma_semaphore, #tpu.memory_space<semaphore_mem>>) src(%dma_wait3A_159 : memref<40x128xf32, #tpu.memory_space<vmem_shared>>) dst(%arg17 : memref<40x128xf32, #tpu.memory_space<vmem>>)
      tpu.yield
    }) : () -> ()
    %add3A_142 = arith.constant 520 : i32
    %add3A_143 = arith.addi %add3A_87, %add3A_142 : i32
    "tpu.region"() ({
      %run_scoped3A = tpu.sem_alloc : memref<!tpu.dma_semaphore, #tpu.memory_space<semaphore_mem>>
      %dma_start3A_152 = arith.constant 0 : i32
      %dma_start3A_153 = tpu.memref_slice %arg7[%add3A_143, %dma_start3A_152] : memref<20480x128xf32, #tpu.memory_space<hbm>> -> memref<40x128xf32, #tpu.memory_space<hbm>>
      %dma_start3A_154 = arith.constant 0 : i32
      %dma_start3A_155 = tpu.memref_slice %arg7[%add3A_143, %dma_start3A_154] : memref<20480x128xf32, #tpu.memory_space<hbm>> -> memref<40x128xf32, #tpu.memory_space<hbm>>
      tpu.enqueue_dma source(%arg17 : memref<40x128xf32, #tpu.memory_space<vmem>>) target(%dma_start3A_155 : memref<40x128xf32, #tpu.memory_space<hbm>>) target_semaphore(%run_scoped3A : memref<!tpu.dma_semaphore, #tpu.memory_space<semaphore_mem>>)
      %dma_wait3A_156 = arith.constant 0 : i32
      %dma_wait3A_157 = tpu.memref_slice %arg7[%add3A_143, %dma_wait3A_156] : memref<20480x128xf32, #tpu.memory_space<hbm>> -> memref<40x128xf32, #tpu.memory_space<hbm>>
      %dma_wait3A_158 = arith.constant 0 : i32
      %dma_wait3A_159 = tpu.memref_slice %arg7[%add3A_143, %dma_wait3A_158] : memref<20480x128xf32, #tpu.memory_space<hbm>> -> memref<40x128xf32, #tpu.memory_space<hbm>>
      tpu.wait_dma2 semaphore(%run_scoped3A : memref<!tpu.dma_semaphore, #tpu.memory_space<semaphore_mem>>) src(%arg17 : memref<40x128xf32, #tpu.memory_space<vmem>>) dst(%dma_wait3A_159 : memref<40x128xf32, #tpu.memory_space<hbm>>)
      tpu.yield
    }) : () -> ()
    %add3A_144 = arith.constant 560 : i32
    %add3A_145 = arith.addi %mul3A_4, %add3A_144 : i32
    "tpu.region"() ({
      %run_scoped3A = tpu.sem_alloc : memref<!tpu.dma_semaphore, #tpu.memory_space<semaphore_mem>>
      %dma_start3A_152 = arith.constant 0 : i32
      %dma_start3A_153 = tpu.memref_slice %arg22[%add3A_145, %dma_start3A_152] : memref<10240x128xf32, #tpu.memory_space<vmem_shared>> -> memref<40x128xf32, #tpu.memory_space<vmem_shared>>
      %dma_start3A_154 = arith.constant 0 : i32
      %dma_start3A_155 = tpu.memref_slice %arg22[%add3A_145, %dma_start3A_154] : memref<10240x128xf32, #tpu.memory_space<vmem_shared>> -> memref<40x128xf32, #tpu.memory_space<vmem_shared>>
      tpu.enqueue_dma source(%dma_start3A_155 : memref<40x128xf32, #tpu.memory_space<vmem_shared>>) target(%arg17 : memref<40x128xf32, #tpu.memory_space<vmem>>) target_semaphore(%run_scoped3A : memref<!tpu.dma_semaphore, #tpu.memory_space<semaphore_mem>>)
      %dma_wait3A_156 = arith.constant 0 : i32
      %dma_wait3A_157 = tpu.memref_slice %arg22[%add3A_145, %dma_wait3A_156] : memref<10240x128xf32, #tpu.memory_space<vmem_shared>> -> memref<40x128xf32, #tpu.memory_space<vmem_shared>>
      %dma_wait3A_158 = arith.constant 0 : i32
      %dma_wait3A_159 = tpu.memref_slice %arg22[%add3A_145, %dma_wait3A_158] : memref<10240x128xf32, #tpu.memory_space<vmem_shared>> -> memref<40x128xf32, #tpu.memory_space<vmem_shared>>
      tpu.wait_dma2 semaphore(%run_scoped3A : memref<!tpu.dma_semaphore, #tpu.memory_space<semaphore_mem>>) src(%dma_wait3A_159 : memref<40x128xf32, #tpu.memory_space<vmem_shared>>) dst(%arg17 : memref<40x128xf32, #tpu.memory_space<vmem>>)
      tpu.yield
    }) : () -> ()
    %add3A_146 = arith.constant 560 : i32
    %add3A_147 = arith.addi %add3A_87, %add3A_146 : i32
    "tpu.region"() ({
      %run_scoped3A = tpu.sem_alloc : memref<!tpu.dma_semaphore, #tpu.memory_space<semaphore_mem>>
      %dma_start3A_152 = arith.constant 0 : i32
      %dma_start3A_153 = tpu.memref_slice %arg7[%add3A_147, %dma_start3A_152] : memref<20480x128xf32, #tpu.memory_space<hbm>> -> memref<40x128xf32, #tpu.memory_space<hbm>>
      %dma_start3A_154 = arith.constant 0 : i32
      %dma_start3A_155 = tpu.memref_slice %arg7[%add3A_147, %dma_start3A_154] : memref<20480x128xf32, #tpu.memory_space<hbm>> -> memref<40x128xf32, #tpu.memory_space<hbm>>
      tpu.enqueue_dma source(%arg17 : memref<40x128xf32, #tpu.memory_space<vmem>>) target(%dma_start3A_155 : memref<40x128xf32, #tpu.memory_space<hbm>>) target_semaphore(%run_scoped3A : memref<!tpu.dma_semaphore, #tpu.memory_space<semaphore_mem>>)
      %dma_wait3A_156 = arith.constant 0 : i32
      %dma_wait3A_157 = tpu.memref_slice %arg7[%add3A_147, %dma_wait3A_156] : memref<20480x128xf32, #tpu.memory_space<hbm>> -> memref<40x128xf32, #tpu.memory_space<hbm>>
      %dma_wait3A_158 = arith.constant 0 : i32
      %dma_wait3A_159 = tpu.memref_slice %arg7[%add3A_147, %dma_wait3A_158] : memref<20480x128xf32, #tpu.memory_space<hbm>> -> memref<40x128xf32, #tpu.memory_space<hbm>>
      tpu.wait_dma2 semaphore(%run_scoped3A : memref<!tpu.dma_semaphore, #tpu.memory_space<semaphore_mem>>) src(%arg17 : memref<40x128xf32, #tpu.memory_space<vmem>>) dst(%dma_wait3A_159 : memref<40x128xf32, #tpu.memory_space<hbm>>)
      tpu.yield
    }) : () -> ()
    %add3A_148 = arith.constant 600 : i32
    %add3A_149 = arith.addi %mul3A_4, %add3A_148 : i32
    "tpu.region"() ({
      %run_scoped3A = tpu.sem_alloc : memref<!tpu.dma_semaphore, #tpu.memory_space<semaphore_mem>>
      %dma_start3A_152 = arith.constant 0 : i32
      %dma_start3A_153 = tpu.memref_slice %arg22[%add3A_149, %dma_start3A_152] : memref<10240x128xf32, #tpu.memory_space<vmem_shared>> -> memref<40x128xf32, #tpu.memory_space<vmem_shared>>
      %dma_start3A_154 = arith.constant 0 : i32
      %dma_start3A_155 = tpu.memref_slice %arg22[%add3A_149, %dma_start3A_154] : memref<10240x128xf32, #tpu.memory_space<vmem_shared>> -> memref<40x128xf32, #tpu.memory_space<vmem_shared>>
      tpu.enqueue_dma source(%dma_start3A_155 : memref<40x128xf32, #tpu.memory_space<vmem_shared>>) target(%arg17 : memref<40x128xf32, #tpu.memory_space<vmem>>) target_semaphore(%run_scoped3A : memref<!tpu.dma_semaphore, #tpu.memory_space<semaphore_mem>>)
      %dma_wait3A_156 = arith.constant 0 : i32
      %dma_wait3A_157 = tpu.memref_slice %arg22[%add3A_149, %dma_wait3A_156] : memref<10240x128xf32, #tpu.memory_space<vmem_shared>> -> memref<40x128xf32, #tpu.memory_space<vmem_shared>>
      %dma_wait3A_158 = arith.constant 0 : i32
      %dma_wait3A_159 = tpu.memref_slice %arg22[%add3A_149, %dma_wait3A_158] : memref<10240x128xf32, #tpu.memory_space<vmem_shared>> -> memref<40x128xf32, #tpu.memory_space<vmem_shared>>
      tpu.wait_dma2 semaphore(%run_scoped3A : memref<!tpu.dma_semaphore, #tpu.memory_space<semaphore_mem>>) src(%dma_wait3A_159 : memref<40x128xf32, #tpu.memory_space<vmem_shared>>) dst(%arg17 : memref<40x128xf32, #tpu.memory_space<vmem>>)
      tpu.yield
    }) : () -> ()
    %add3A_150 = arith.constant 600 : i32
    %add3A_151 = arith.addi %add3A_87, %add3A_150 : i32
    "tpu.region"() ({
      %run_scoped3A = tpu.sem_alloc : memref<!tpu.dma_semaphore, #tpu.memory_space<semaphore_mem>>
      %dma_start3A_152 = arith.constant 0 : i32
      %dma_start3A_153 = tpu.memref_slice %arg7[%add3A_151, %dma_start3A_152] : memref<20480x128xf32, #tpu.memory_space<hbm>> -> memref<40x128xf32, #tpu.memory_space<hbm>>
      %dma_start3A_154 = arith.constant 0 : i32
      %dma_start3A_155 = tpu.memref_slice %arg7[%add3A_151, %dma_start3A_154] : memref<20480x128xf32, #tpu.memory_space<hbm>> -> memref<40x128xf32, #tpu.memory_space<hbm>>
      tpu.enqueue_dma source(%arg17 : memref<40x128xf32, #tpu.memory_space<vmem>>) target(%dma_start3A_155 : memref<40x128xf32, #tpu.memory_space<hbm>>) target_semaphore(%run_scoped3A : memref<!tpu.dma_semaphore, #tpu.memory_space<semaphore_mem>>)
      %dma_wait3A_156 = arith.constant 0 : i32
      %dma_wait3A_157 = tpu.memref_slice %arg7[%add3A_151, %dma_wait3A_156] : memref<20480x128xf32, #tpu.memory_space<hbm>> -> memref<40x128xf32, #tpu.memory_space<hbm>>
      %dma_wait3A_158 = arith.constant 0 : i32
      %dma_wait3A_159 = tpu.memref_slice %arg7[%add3A_151, %dma_wait3A_158] : memref<20480x128xf32, #tpu.memory_space<hbm>> -> memref<40x128xf32, #tpu.memory_space<hbm>>
      tpu.wait_dma2 semaphore(%run_scoped3A : memref<!tpu.dma_semaphore, #tpu.memory_space<semaphore_mem>>) src(%arg17 : memref<40x128xf32, #tpu.memory_space<vmem>>) dst(%dma_wait3A_159 : memref<40x128xf32, #tpu.memory_space<hbm>>)
      tpu.yield
    }) : () -> ()
    return
  }
}

#map = affine_map<(d0, d1) -> (0)>
#map1 = affine_map<(d0, d1) -> (0, 0)>
module attributes {stable_mosaic.version = 14 : i64} {
  func.func @_sc_cnt_body(%arg0: i32, %arg1: i32, %arg2: memref<320000xi32, #tpu.memory_space<hbm>>, %arg3: memref<80x128xf32, #tpu.memory_space<hbm>>, %arg4: memref<80x128xf32, #tpu.memory_space<hbm>>, %arg5: memref<20480x128xf32, #tpu.memory_space<hbm>>, %arg6: memref<80xi32, #tpu.memory_space<vmem>>, %arg7: memref<80xi32, #tpu.memory_space<vmem>>, %arg8: memref<80x128xf32, #tpu.memory_space<vmem>>, %arg9: memref<80x128xf32, #tpu.memory_space<vmem>>, %arg10: memref<10240x128xf32, #tpu.memory_space<vmem_shared>>, %arg11: memref<!tpu.dma_semaphore, #tpu.memory_space<semaphore_mem>>, %arg12: memref<!tpu.dma_semaphore, #tpu.memory_space<semaphore_mem>>, %arg13: memref<!tpu.dma_semaphore, #tpu.memory_space<semaphore_mem>>, %arg14: memref<!tpu.dma_semaphore, #tpu.memory_space<semaphore_mem>>) attributes {dimension_semantics = [#tpu.dimension_semantics<core_parallel>, #tpu.dimension_semantics<subcore_parallel>], iteration_bounds = array<i64: 2, 16>, scalar_prefetch = 0 : i64, scratch_operands = 9 : i64, tpu.core_type = #tpu.core_type<sc_vector_subcore>, window_params = [{transform_indices = #map}, {transform_indices = #map1}, {transform_indices = #map1}, {transform_indices = #map1}]} {
    %mul3A = arith.constant 16 : i32
    %mul3A_0 = arith.muli %arg0, %mul3A : i32
    %add3A = arith.addi %mul3A_0, %arg1 : i32
    %mul3A_1 = arith.constant 10000 : i32
    %mul3A_2 = arith.muli %add3A, %mul3A_1 : i32
    "tpu.region"() ({
      %run_scoped3A = tpu.sem_alloc : memref<!tpu.dma_semaphore, #tpu.memory_space<semaphore_mem>>
      tpu.enqueue_dma source(%arg3 : memref<80x128xf32, #tpu.memory_space<hbm>>) target(%arg8 : memref<80x128xf32, #tpu.memory_space<vmem>>) target_semaphore(%run_scoped3A : memref<!tpu.dma_semaphore, #tpu.memory_space<semaphore_mem>>)
      tpu.wait_dma2 semaphore(%run_scoped3A : memref<!tpu.dma_semaphore, #tpu.memory_space<semaphore_mem>>) src(%arg3 : memref<80x128xf32, #tpu.memory_space<hbm>>) dst(%arg8 : memref<80x128xf32, #tpu.memory_space<vmem>>)
      tpu.yield
    }) : () -> ()
    "tpu.region"() ({
      %run_scoped3A = tpu.sem_alloc : memref<!tpu.dma_semaphore, #tpu.memory_space<semaphore_mem>>
      tpu.enqueue_dma source(%arg4 : memref<80x128xf32, #tpu.memory_space<hbm>>) target(%arg9 : memref<80x128xf32, #tpu.memory_space<vmem>>) target_semaphore(%run_scoped3A : memref<!tpu.dma_semaphore, #tpu.memory_space<semaphore_mem>>)
      tpu.wait_dma2 semaphore(%run_scoped3A : memref<!tpu.dma_semaphore, #tpu.memory_space<semaphore_mem>>) src(%arg4 : memref<80x128xf32, #tpu.memory_space<hbm>>) dst(%arg9 : memref<80x128xf32, #tpu.memory_space<vmem>>)
      tpu.yield
    }) : () -> ()
    %mul3A_3 = arith.constant 640 : i32
    %mul3A_4 = arith.muli %arg1, %mul3A_3 : i32
    %add3A_5 = arith.constant 0 : i32
    %add3A_6 = arith.addi %mul3A_4, %add3A_5 : i32
    "tpu.region"() ({
      %run_scoped3A = tpu.sem_alloc : memref<!tpu.dma_semaphore, #tpu.memory_space<semaphore_mem>>
      %dma_start3A_66 = arith.constant 0 : i32
      %dma_start3A_67 = tpu.memref_slice %arg10[%add3A_6, %dma_start3A_66] : memref<10240x128xf32, #tpu.memory_space<vmem_shared>> -> memref<80x128xf32, #tpu.memory_space<vmem_shared>>
      %dma_start3A_68 = arith.constant 0 : i32
      %dma_start3A_69 = tpu.memref_slice %arg10[%add3A_6, %dma_start3A_68] : memref<10240x128xf32, #tpu.memory_space<vmem_shared>> -> memref<80x128xf32, #tpu.memory_space<vmem_shared>>
      tpu.enqueue_dma source(%arg9 : memref<80x128xf32, #tpu.memory_space<vmem>>) target(%dma_start3A_69 : memref<80x128xf32, #tpu.memory_space<vmem_shared>>) target_semaphore(%run_scoped3A : memref<!tpu.dma_semaphore, #tpu.memory_space<semaphore_mem>>)
      %dma_wait3A_70 = arith.constant 0 : i32
      %dma_wait3A_71 = tpu.memref_slice %arg10[%add3A_6, %dma_wait3A_70] : memref<10240x128xf32, #tpu.memory_space<vmem_shared>> -> memref<80x128xf32, #tpu.memory_space<vmem_shared>>
      %dma_wait3A_72 = arith.constant 0 : i32
      %dma_wait3A_73 = tpu.memref_slice %arg10[%add3A_6, %dma_wait3A_72] : memref<10240x128xf32, #tpu.memory_space<vmem_shared>> -> memref<80x128xf32, #tpu.memory_space<vmem_shared>>
      tpu.wait_dma2 semaphore(%run_scoped3A : memref<!tpu.dma_semaphore, #tpu.memory_space<semaphore_mem>>) src(%arg9 : memref<80x128xf32, #tpu.memory_space<vmem>>) dst(%dma_wait3A_73 : memref<80x128xf32, #tpu.memory_space<vmem_shared>>)
      tpu.yield
    }) : () -> ()
    %add3A_7 = arith.constant 80 : i32
    %add3A_8 = arith.addi %mul3A_4, %add3A_7 : i32
    "tpu.region"() ({
      %run_scoped3A = tpu.sem_alloc : memref<!tpu.dma_semaphore, #tpu.memory_space<semaphore_mem>>
      %dma_start3A_66 = arith.constant 0 : i32
      %dma_start3A_67 = tpu.memref_slice %arg10[%add3A_8, %dma_start3A_66] : memref<10240x128xf32, #tpu.memory_space<vmem_shared>> -> memref<80x128xf32, #tpu.memory_space<vmem_shared>>
      %dma_start3A_68 = arith.constant 0 : i32
      %dma_start3A_69 = tpu.memref_slice %arg10[%add3A_8, %dma_start3A_68] : memref<10240x128xf32, #tpu.memory_space<vmem_shared>> -> memref<80x128xf32, #tpu.memory_space<vmem_shared>>
      tpu.enqueue_dma source(%arg9 : memref<80x128xf32, #tpu.memory_space<vmem>>) target(%dma_start3A_69 : memref<80x128xf32, #tpu.memory_space<vmem_shared>>) target_semaphore(%run_scoped3A : memref<!tpu.dma_semaphore, #tpu.memory_space<semaphore_mem>>)
      %dma_wait3A_70 = arith.constant 0 : i32
      %dma_wait3A_71 = tpu.memref_slice %arg10[%add3A_8, %dma_wait3A_70] : memref<10240x128xf32, #tpu.memory_space<vmem_shared>> -> memref<80x128xf32, #tpu.memory_space<vmem_shared>>
      %dma_wait3A_72 = arith.constant 0 : i32
      %dma_wait3A_73 = tpu.memref_slice %arg10[%add3A_8, %dma_wait3A_72] : memref<10240x128xf32, #tpu.memory_space<vmem_shared>> -> memref<80x128xf32, #tpu.memory_space<vmem_shared>>
      tpu.wait_dma2 semaphore(%run_scoped3A : memref<!tpu.dma_semaphore, #tpu.memory_space<semaphore_mem>>) src(%arg9 : memref<80x128xf32, #tpu.memory_space<vmem>>) dst(%dma_wait3A_73 : memref<80x128xf32, #tpu.memory_space<vmem_shared>>)
      tpu.yield
    }) : () -> ()
    %add3A_9 = arith.constant 160 : i32
    %add3A_10 = arith.addi %mul3A_4, %add3A_9 : i32
    "tpu.region"() ({
      %run_scoped3A = tpu.sem_alloc : memref<!tpu.dma_semaphore, #tpu.memory_space<semaphore_mem>>
      %dma_start3A_66 = arith.constant 0 : i32
      %dma_start3A_67 = tpu.memref_slice %arg10[%add3A_10, %dma_start3A_66] : memref<10240x128xf32, #tpu.memory_space<vmem_shared>> -> memref<80x128xf32, #tpu.memory_space<vmem_shared>>
      %dma_start3A_68 = arith.constant 0 : i32
      %dma_start3A_69 = tpu.memref_slice %arg10[%add3A_10, %dma_start3A_68] : memref<10240x128xf32, #tpu.memory_space<vmem_shared>> -> memref<80x128xf32, #tpu.memory_space<vmem_shared>>
      tpu.enqueue_dma source(%arg9 : memref<80x128xf32, #tpu.memory_space<vmem>>) target(%dma_start3A_69 : memref<80x128xf32, #tpu.memory_space<vmem_shared>>) target_semaphore(%run_scoped3A : memref<!tpu.dma_semaphore, #tpu.memory_space<semaphore_mem>>)
      %dma_wait3A_70 = arith.constant 0 : i32
      %dma_wait3A_71 = tpu.memref_slice %arg10[%add3A_10, %dma_wait3A_70] : memref<10240x128xf32, #tpu.memory_space<vmem_shared>> -> memref<80x128xf32, #tpu.memory_space<vmem_shared>>
      %dma_wait3A_72 = arith.constant 0 : i32
      %dma_wait3A_73 = tpu.memref_slice %arg10[%add3A_10, %dma_wait3A_72] : memref<10240x128xf32, #tpu.memory_space<vmem_shared>> -> memref<80x128xf32, #tpu.memory_space<vmem_shared>>
      tpu.wait_dma2 semaphore(%run_scoped3A : memref<!tpu.dma_semaphore, #tpu.memory_space<semaphore_mem>>) src(%arg9 : memref<80x128xf32, #tpu.memory_space<vmem>>) dst(%dma_wait3A_73 : memref<80x128xf32, #tpu.memory_space<vmem_shared>>)
      tpu.yield
    }) : () -> ()
    %add3A_11 = arith.constant 240 : i32
    %add3A_12 = arith.addi %mul3A_4, %add3A_11 : i32
    "tpu.region"() ({
      %run_scoped3A = tpu.sem_alloc : memref<!tpu.dma_semaphore, #tpu.memory_space<semaphore_mem>>
      %dma_start3A_66 = arith.constant 0 : i32
      %dma_start3A_67 = tpu.memref_slice %arg10[%add3A_12, %dma_start3A_66] : memref<10240x128xf32, #tpu.memory_space<vmem_shared>> -> memref<80x128xf32, #tpu.memory_space<vmem_shared>>
      %dma_start3A_68 = arith.constant 0 : i32
      %dma_start3A_69 = tpu.memref_slice %arg10[%add3A_12, %dma_start3A_68] : memref<10240x128xf32, #tpu.memory_space<vmem_shared>> -> memref<80x128xf32, #tpu.memory_space<vmem_shared>>
      tpu.enqueue_dma source(%arg9 : memref<80x128xf32, #tpu.memory_space<vmem>>) target(%dma_start3A_69 : memref<80x128xf32, #tpu.memory_space<vmem_shared>>) target_semaphore(%run_scoped3A : memref<!tpu.dma_semaphore, #tpu.memory_space<semaphore_mem>>)
      %dma_wait3A_70 = arith.constant 0 : i32
      %dma_wait3A_71 = tpu.memref_slice %arg10[%add3A_12, %dma_wait3A_70] : memref<10240x128xf32, #tpu.memory_space<vmem_shared>> -> memref<80x128xf32, #tpu.memory_space<vmem_shared>>
      %dma_wait3A_72 = arith.constant 0 : i32
      %dma_wait3A_73 = tpu.memref_slice %arg10[%add3A_12, %dma_wait3A_72] : memref<10240x128xf32, #tpu.memory_space<vmem_shared>> -> memref<80x128xf32, #tpu.memory_space<vmem_shared>>
      tpu.wait_dma2 semaphore(%run_scoped3A : memref<!tpu.dma_semaphore, #tpu.memory_space<semaphore_mem>>) src(%arg9 : memref<80x128xf32, #tpu.memory_space<vmem>>) dst(%dma_wait3A_73 : memref<80x128xf32, #tpu.memory_space<vmem_shared>>)
      tpu.yield
    }) : () -> ()
    %add3A_13 = arith.constant 320 : i32
    %add3A_14 = arith.addi %mul3A_4, %add3A_13 : i32
    "tpu.region"() ({
      %run_scoped3A = tpu.sem_alloc : memref<!tpu.dma_semaphore, #tpu.memory_space<semaphore_mem>>
      %dma_start3A_66 = arith.constant 0 : i32
      %dma_start3A_67 = tpu.memref_slice %arg10[%add3A_14, %dma_start3A_66] : memref<10240x128xf32, #tpu.memory_space<vmem_shared>> -> memref<80x128xf32, #tpu.memory_space<vmem_shared>>
      %dma_start3A_68 = arith.constant 0 : i32
      %dma_start3A_69 = tpu.memref_slice %arg10[%add3A_14, %dma_start3A_68] : memref<10240x128xf32, #tpu.memory_space<vmem_shared>> -> memref<80x128xf32, #tpu.memory_space<vmem_shared>>
      tpu.enqueue_dma source(%arg9 : memref<80x128xf32, #tpu.memory_space<vmem>>) target(%dma_start3A_69 : memref<80x128xf32, #tpu.memory_space<vmem_shared>>) target_semaphore(%run_scoped3A : memref<!tpu.dma_semaphore, #tpu.memory_space<semaphore_mem>>)
      %dma_wait3A_70 = arith.constant 0 : i32
      %dma_wait3A_71 = tpu.memref_slice %arg10[%add3A_14, %dma_wait3A_70] : memref<10240x128xf32, #tpu.memory_space<vmem_shared>> -> memref<80x128xf32, #tpu.memory_space<vmem_shared>>
      %dma_wait3A_72 = arith.constant 0 : i32
      %dma_wait3A_73 = tpu.memref_slice %arg10[%add3A_14, %dma_wait3A_72] : memref<10240x128xf32, #tpu.memory_space<vmem_shared>> -> memref<80x128xf32, #tpu.memory_space<vmem_shared>>
      tpu.wait_dma2 semaphore(%run_scoped3A : memref<!tpu.dma_semaphore, #tpu.memory_space<semaphore_mem>>) src(%arg9 : memref<80x128xf32, #tpu.memory_space<vmem>>) dst(%dma_wait3A_73 : memref<80x128xf32, #tpu.memory_space<vmem_shared>>)
      tpu.yield
    }) : () -> ()
    %add3A_15 = arith.constant 400 : i32
    %add3A_16 = arith.addi %mul3A_4, %add3A_15 : i32
    "tpu.region"() ({
      %run_scoped3A = tpu.sem_alloc : memref<!tpu.dma_semaphore, #tpu.memory_space<semaphore_mem>>
      %dma_start3A_66 = arith.constant 0 : i32
      %dma_start3A_67 = tpu.memref_slice %arg10[%add3A_16, %dma_start3A_66] : memref<10240x128xf32, #tpu.memory_space<vmem_shared>> -> memref<80x128xf32, #tpu.memory_space<vmem_shared>>
      %dma_start3A_68 = arith.constant 0 : i32
      %dma_start3A_69 = tpu.memref_slice %arg10[%add3A_16, %dma_start3A_68] : memref<10240x128xf32, #tpu.memory_space<vmem_shared>> -> memref<80x128xf32, #tpu.memory_space<vmem_shared>>
      tpu.enqueue_dma source(%arg9 : memref<80x128xf32, #tpu.memory_space<vmem>>) target(%dma_start3A_69 : memref<80x128xf32, #tpu.memory_space<vmem_shared>>) target_semaphore(%run_scoped3A : memref<!tpu.dma_semaphore, #tpu.memory_space<semaphore_mem>>)
      %dma_wait3A_70 = arith.constant 0 : i32
      %dma_wait3A_71 = tpu.memref_slice %arg10[%add3A_16, %dma_wait3A_70] : memref<10240x128xf32, #tpu.memory_space<vmem_shared>> -> memref<80x128xf32, #tpu.memory_space<vmem_shared>>
      %dma_wait3A_72 = arith.constant 0 : i32
      %dma_wait3A_73 = tpu.memref_slice %arg10[%add3A_16, %dma_wait3A_72] : memref<10240x128xf32, #tpu.memory_space<vmem_shared>> -> memref<80x128xf32, #tpu.memory_space<vmem_shared>>
      tpu.wait_dma2 semaphore(%run_scoped3A : memref<!tpu.dma_semaphore, #tpu.memory_space<semaphore_mem>>) src(%arg9 : memref<80x128xf32, #tpu.memory_space<vmem>>) dst(%dma_wait3A_73 : memref<80x128xf32, #tpu.memory_space<vmem_shared>>)
      tpu.yield
    }) : () -> ()
    %add3A_17 = arith.constant 480 : i32
    %add3A_18 = arith.addi %mul3A_4, %add3A_17 : i32
    "tpu.region"() ({
      %run_scoped3A = tpu.sem_alloc : memref<!tpu.dma_semaphore, #tpu.memory_space<semaphore_mem>>
      %dma_start3A_66 = arith.constant 0 : i32
      %dma_start3A_67 = tpu.memref_slice %arg10[%add3A_18, %dma_start3A_66] : memref<10240x128xf32, #tpu.memory_space<vmem_shared>> -> memref<80x128xf32, #tpu.memory_space<vmem_shared>>
      %dma_start3A_68 = arith.constant 0 : i32
      %dma_start3A_69 = tpu.memref_slice %arg10[%add3A_18, %dma_start3A_68] : memref<10240x128xf32, #tpu.memory_space<vmem_shared>> -> memref<80x128xf32, #tpu.memory_space<vmem_shared>>
      tpu.enqueue_dma source(%arg9 : memref<80x128xf32, #tpu.memory_space<vmem>>) target(%dma_start3A_69 : memref<80x128xf32, #tpu.memory_space<vmem_shared>>) target_semaphore(%run_scoped3A : memref<!tpu.dma_semaphore, #tpu.memory_space<semaphore_mem>>)
      %dma_wait3A_70 = arith.constant 0 : i32
      %dma_wait3A_71 = tpu.memref_slice %arg10[%add3A_18, %dma_wait3A_70] : memref<10240x128xf32, #tpu.memory_space<vmem_shared>> -> memref<80x128xf32, #tpu.memory_space<vmem_shared>>
      %dma_wait3A_72 = arith.constant 0 : i32
      %dma_wait3A_73 = tpu.memref_slice %arg10[%add3A_18, %dma_wait3A_72] : memref<10240x128xf32, #tpu.memory_space<vmem_shared>> -> memref<80x128xf32, #tpu.memory_space<vmem_shared>>
      tpu.wait_dma2 semaphore(%run_scoped3A : memref<!tpu.dma_semaphore, #tpu.memory_space<semaphore_mem>>) src(%arg9 : memref<80x128xf32, #tpu.memory_space<vmem>>) dst(%dma_wait3A_73 : memref<80x128xf32, #tpu.memory_space<vmem_shared>>)
      tpu.yield
    }) : () -> ()
    %add3A_19 = arith.constant 560 : i32
    %add3A_20 = arith.addi %mul3A_4, %add3A_19 : i32
    "tpu.region"() ({
      %run_scoped3A = tpu.sem_alloc : memref<!tpu.dma_semaphore, #tpu.memory_space<semaphore_mem>>
      %dma_start3A_66 = arith.constant 0 : i32
      %dma_start3A_67 = tpu.memref_slice %arg10[%add3A_20, %dma_start3A_66] : memref<10240x128xf32, #tpu.memory_space<vmem_shared>> -> memref<80x128xf32, #tpu.memory_space<vmem_shared>>
      %dma_start3A_68 = arith.constant 0 : i32
      %dma_start3A_69 = tpu.memref_slice %arg10[%add3A_20, %dma_start3A_68] : memref<10240x128xf32, #tpu.memory_space<vmem_shared>> -> memref<80x128xf32, #tpu.memory_space<vmem_shared>>
      tpu.enqueue_dma source(%arg9 : memref<80x128xf32, #tpu.memory_space<vmem>>) target(%dma_start3A_69 : memref<80x128xf32, #tpu.memory_space<vmem_shared>>) target_semaphore(%run_scoped3A : memref<!tpu.dma_semaphore, #tpu.memory_space<semaphore_mem>>)
      %dma_wait3A_70 = arith.constant 0 : i32
      %dma_wait3A_71 = tpu.memref_slice %arg10[%add3A_20, %dma_wait3A_70] : memref<10240x128xf32, #tpu.memory_space<vmem_shared>> -> memref<80x128xf32, #tpu.memory_space<vmem_shared>>
      %dma_wait3A_72 = arith.constant 0 : i32
      %dma_wait3A_73 = tpu.memref_slice %arg10[%add3A_20, %dma_wait3A_72] : memref<10240x128xf32, #tpu.memory_space<vmem_shared>> -> memref<80x128xf32, #tpu.memory_space<vmem_shared>>
      tpu.wait_dma2 semaphore(%run_scoped3A : memref<!tpu.dma_semaphore, #tpu.memory_space<semaphore_mem>>) src(%arg9 : memref<80x128xf32, #tpu.memory_space<vmem>>) dst(%dma_wait3A_73 : memref<80x128xf32, #tpu.memory_space<vmem_shared>>)
      tpu.yield
    }) : () -> ()
    %barrier3A = arith.constant 0 : index
    tpu.barrier barrier_id(%barrier3A)
    %dma_start3A = tpu.memref_slice %arg2[%mul3A_2] : memref<320000xi32, #tpu.memory_space<hbm>> -> memref<80xi32, #tpu.memory_space<hbm>>
    %dma_start3A_21 = tpu.memref_slice %arg2[%mul3A_2] : memref<320000xi32, #tpu.memory_space<hbm>> -> memref<80xi32, #tpu.memory_space<hbm>>
    tpu.enqueue_dma source(%dma_start3A_21 : memref<80xi32, #tpu.memory_space<hbm>>) target(%arg6 : memref<80xi32, #tpu.memory_space<vmem>>) target_semaphore(%arg11 : memref<!tpu.dma_semaphore, #tpu.memory_space<semaphore_mem>>)
    %scan3A = arith.constant 0 : i32
    %scan3A_22 = arith.constant 0 : i32
    %scan3A_23 = arith.constant 63 : i32
    %scan3A_24 = arith.addi %scan3A_22, %scan3A_23 : i32
    %scan3A_25 = arith.constant 1 : i32
    %scan3A_26 = scf.for %scan3A_66 = %scan3A_22 to %scan3A_24 step %scan3A_25 iter_args(%scan3A_67 = %scan3A) -> (i32)  : i32 {
      %mul3A_68 = arith.constant 2 : i32
      %mul3A_69 = arith.muli %mul3A_68, %scan3A_66 : i32
      %add3A_70 = arith.constant 0 : i32
      %add3A_71 = arith.addi %mul3A_69, %add3A_70 : i32
      %ge3A = arith.constant 1 : i32
      %ge3A_72 = arith.cmpi sge, %add3A_71, %ge3A : i32
      %lt3A = arith.constant 125 : i32
      %lt3A_73 = arith.cmpi slt, %add3A_71, %lt3A : i32
      %and3A = arith.andi %ge3A_72, %lt3A_73 : i1
      %convert_element_type3A = arith.extui %and3A : i1 to i32
      %cond3A = arith.constant 0 : i32
      %cond3A_74 = arith.cmpi ne, %convert_element_type3A, %cond3A : i32
      scf.if %cond3A_74 {
        %dma_wait3A_122 = arith.constant 0 : i32
        %dma_wait3A_123 = arith.constant 0 : i32
        %dma_wait3A_124 = tpu.memref_slice %arg10[%dma_wait3A_122, %dma_wait3A_123] : memref<10240x128xf32, #tpu.memory_space<vmem_shared>> -> memref<10240x128xf32, #tpu.memory_space<vmem_shared>>
        tpu.wait_indirect_dma semaphore(%arg14 : memref<!tpu.dma_semaphore, #tpu.memory_space<semaphore_mem>>) src(%arg8 : memref<80x128xf32, #tpu.memory_space<vmem>>) dst(%dma_wait3A_124 : memref<10240x128xf32, #tpu.memory_space<vmem_shared>>)
      } else {
      }
      %add3A_75 = arith.constant 1 : i32
      %add3A_76 = arith.addi %add3A_71, %add3A_75 : i32
      %lt3A_77 = arith.constant 125 : i32
      %lt3A_78 = arith.cmpi slt, %add3A_76, %lt3A_77 : i32
      %convert_element_type3A_79 = arith.extui %lt3A_78 : i1 to i32
      %cond3A_80 = arith.constant 0 : i32
      %cond3A_81 = arith.cmpi ne, %convert_element_type3A_79, %cond3A_80 : i32
      scf.if %cond3A_81 {
        %add3A_122 = arith.constant 1 : i32
        %add3A_123 = arith.addi %add3A_71, %add3A_122 : i32
        %mul3A_124 = arith.constant 80 : i32
        %mul3A_125 = arith.muli %add3A_123, %mul3A_124 : i32
        %add3A_126 = arith.addi %mul3A_2, %mul3A_125 : i32
        %dma_start3A_127 = tpu.memref_slice %arg2[%add3A_126] : memref<320000xi32, #tpu.memory_space<hbm>> -> memref<80xi32, #tpu.memory_space<hbm>>
        %dma_start3A_128 = tpu.memref_slice %arg2[%add3A_126] : memref<320000xi32, #tpu.memory_space<hbm>> -> memref<80xi32, #tpu.memory_space<hbm>>
        tpu.enqueue_dma source(%dma_start3A_128 : memref<80xi32, #tpu.memory_space<hbm>>) target(%arg7 : memref<80xi32, #tpu.memory_space<vmem>>) target_semaphore(%arg12 : memref<!tpu.dma_semaphore, #tpu.memory_space<semaphore_mem>>)
      } else {
      }
      %lt3A_82 = arith.constant 125 : i32
      %lt3A_83 = arith.cmpi slt, %add3A_71, %lt3A_82 : i32
      %convert_element_type3A_84 = arith.extui %lt3A_83 : i1 to i32
      %cond3A_85 = arith.constant 0 : i32
      %cond3A_86 = arith.cmpi ne, %convert_element_type3A_84, %cond3A_85 : i32
      scf.if %cond3A_86 {
        %dma_wait3A_122 = arith.constant 0 : i32
        %dma_wait3A_123 = tpu.memref_slice %arg2[%dma_wait3A_122] : memref<320000xi32, #tpu.memory_space<hbm>> -> memref<80xi32, #tpu.memory_space<hbm>>
        %dma_wait3A_124 = arith.constant 0 : i32
        %dma_wait3A_125 = tpu.memref_slice %arg2[%dma_wait3A_124] : memref<320000xi32, #tpu.memory_space<hbm>> -> memref<80xi32, #tpu.memory_space<hbm>>
        tpu.wait_dma2 semaphore(%arg11 : memref<!tpu.dma_semaphore, #tpu.memory_space<semaphore_mem>>) src(%dma_wait3A_125 : memref<80xi32, #tpu.memory_space<hbm>>) dst(%arg6 : memref<80xi32, #tpu.memory_space<vmem>>)
      } else {
      }
      %lt3A_87 = arith.constant 125 : i32
      %lt3A_88 = arith.cmpi slt, %add3A_71, %lt3A_87 : i32
      %convert_element_type3A_89 = arith.extui %lt3A_88 : i1 to i32
      %cond3A_90 = arith.constant 0 : i32
      %cond3A_91 = arith.cmpi ne, %convert_element_type3A_89, %cond3A_90 : i32
      scf.if %cond3A_91 {
        %dma_start3A_122 = arith.constant 0 : i32
        %dma_start3A_123 = arith.constant 0 : i32
        %dma_start3A_124 = tpu.memref_slice %arg10[%dma_start3A_122, %dma_start3A_123] : memref<10240x128xf32, #tpu.memory_space<vmem_shared>> -> memref<10240x128xf32, #tpu.memory_space<vmem_shared>>
        tpu.enqueue_indirect_dma source(%arg8 : memref<80x128xf32, #tpu.memory_space<vmem>>) target(%dma_start3A_124 : memref<10240x128xf32, #tpu.memory_space<vmem_shared>>) offsets(%arg6 : memref<80xi32, #tpu.memory_space<vmem>>) semaphore(%arg13 : memref<!tpu.dma_semaphore, #tpu.memory_space<semaphore_mem>>) {add = true}
      } else {
      }
      %mul3A_92 = arith.constant 2 : i32
      %mul3A_93 = arith.muli %mul3A_92, %scan3A_66 : i32
      %add3A_94 = arith.constant 1 : i32
      %add3A_95 = arith.addi %mul3A_93, %add3A_94 : i32
      %ge3A_96 = arith.constant 1 : i32
      %ge3A_97 = arith.cmpi sge, %add3A_95, %ge3A_96 : i32
      %lt3A_98 = arith.constant 125 : i32
      %lt3A_99 = arith.cmpi slt, %add3A_95, %lt3A_98 : i32
      %and3A_100 = arith.andi %ge3A_97, %lt3A_99 : i1
      %convert_element_type3A_101 = arith.extui %and3A_100 : i1 to i32
      %cond3A_102 = arith.constant 0 : i32
      %cond3A_103 = arith.cmpi ne, %convert_element_type3A_101, %cond3A_102 : i32
      scf.if %cond3A_103 {
        %dma_wait3A_122 = arith.constant 0 : i32
        %dma_wait3A_123 = arith.constant 0 : i32
        %dma_wait3A_124 = tpu.memref_slice %arg10[%dma_wait3A_122, %dma_wait3A_123] : memref<10240x128xf32, #tpu.memory_space<vmem_shared>> -> memref<10240x128xf32, #tpu.memory_space<vmem_shared>>
        tpu.wait_indirect_dma semaphore(%arg13 : memref<!tpu.dma_semaphore, #tpu.memory_space<semaphore_mem>>) src(%arg8 : memref<80x128xf32, #tpu.memory_space<vmem>>) dst(%dma_wait3A_124 : memref<10240x128xf32, #tpu.memory_space<vmem_shared>>)
      } else {
      }
      %add3A_104 = arith.constant 1 : i32
      %add3A_105 = arith.addi %add3A_95, %add3A_104 : i32
      %lt3A_106 = arith.constant 125 : i32
      %lt3A_107 = arith.cmpi slt, %add3A_105, %lt3A_106 : i32
      %convert_element_type3A_108 = arith.extui %lt3A_107 : i1 to i32
      %cond3A_109 = arith.constant 0 : i32
      %cond3A_110 = arith.cmpi ne, %convert_element_type3A_108, %cond3A_109 : i32
      scf.if %cond3A_110 {
        %add3A_122 = arith.constant 1 : i32
        %add3A_123 = arith.addi %add3A_95, %add3A_122 : i32
        %mul3A_124 = arith.constant 80 : i32
        %mul3A_125 = arith.muli %add3A_123, %mul3A_124 : i32
        %add3A_126 = arith.addi %mul3A_2, %mul3A_125 : i32
        %dma_start3A_127 = tpu.memref_slice %arg2[%add3A_126] : memref<320000xi32, #tpu.memory_space<hbm>> -> memref<80xi32, #tpu.memory_space<hbm>>
        %dma_start3A_128 = tpu.memref_slice %arg2[%add3A_126] : memref<320000xi32, #tpu.memory_space<hbm>> -> memref<80xi32, #tpu.memory_space<hbm>>
        tpu.enqueue_dma source(%dma_start3A_128 : memref<80xi32, #tpu.memory_space<hbm>>) target(%arg6 : memref<80xi32, #tpu.memory_space<vmem>>) target_semaphore(%arg11 : memref<!tpu.dma_semaphore, #tpu.memory_space<semaphore_mem>>)
      } else {
      }
      %lt3A_111 = arith.constant 125 : i32
      %lt3A_112 = arith.cmpi slt, %add3A_95, %lt3A_111 : i32
      %convert_element_type3A_113 = arith.extui %lt3A_112 : i1 to i32
      %cond3A_114 = arith.constant 0 : i32
      %cond3A_115 = arith.cmpi ne, %convert_element_type3A_113, %cond3A_114 : i32
      scf.if %cond3A_115 {
        %dma_wait3A_122 = arith.constant 0 : i32
        %dma_wait3A_123 = tpu.memref_slice %arg2[%dma_wait3A_122] : memref<320000xi32, #tpu.memory_space<hbm>> -> memref<80xi32, #tpu.memory_space<hbm>>
        %dma_wait3A_124 = arith.constant 0 : i32
        %dma_wait3A_125 = tpu.memref_slice %arg2[%dma_wait3A_124] : memref<320000xi32, #tpu.memory_space<hbm>> -> memref<80xi32, #tpu.memory_space<hbm>>
        tpu.wait_dma2 semaphore(%arg12 : memref<!tpu.dma_semaphore, #tpu.memory_space<semaphore_mem>>) src(%dma_wait3A_125 : memref<80xi32, #tpu.memory_space<hbm>>) dst(%arg7 : memref<80xi32, #tpu.memory_space<vmem>>)
      } else {
      }
      %lt3A_116 = arith.constant 125 : i32
      %lt3A_117 = arith.cmpi slt, %add3A_95, %lt3A_116 : i32
      %convert_element_type3A_118 = arith.extui %lt3A_117 : i1 to i32
      %cond3A_119 = arith.constant 0 : i32
      %cond3A_120 = arith.cmpi ne, %convert_element_type3A_118, %cond3A_119 : i32
      scf.if %cond3A_120 {
        %dma_start3A_122 = arith.constant 0 : i32
        %dma_start3A_123 = arith.constant 0 : i32
        %dma_start3A_124 = tpu.memref_slice %arg10[%dma_start3A_122, %dma_start3A_123] : memref<10240x128xf32, #tpu.memory_space<vmem_shared>> -> memref<10240x128xf32, #tpu.memory_space<vmem_shared>>
        tpu.enqueue_indirect_dma source(%arg8 : memref<80x128xf32, #tpu.memory_space<vmem>>) target(%dma_start3A_124 : memref<10240x128xf32, #tpu.memory_space<vmem_shared>>) offsets(%arg7 : memref<80xi32, #tpu.memory_space<vmem>>) semaphore(%arg14 : memref<!tpu.dma_semaphore, #tpu.memory_space<semaphore_mem>>) {add = true}
      } else {
      }
      %scan3A_121 = arith.constant 0 : i32
      scf.yield %scan3A_121 : i32
    }
    %scan3A_27 = arith.constant 63 : i32
    %dma_wait3A = arith.constant 0 : i32
    %dma_wait3A_28 = arith.constant 0 : i32
    %dma_wait3A_29 = tpu.memref_slice %arg10[%dma_wait3A, %dma_wait3A_28] : memref<10240x128xf32, #tpu.memory_space<vmem_shared>> -> memref<10240x128xf32, #tpu.memory_space<vmem_shared>>
    tpu.wait_indirect_dma semaphore(%arg13 : memref<!tpu.dma_semaphore, #tpu.memory_space<semaphore_mem>>) src(%arg8 : memref<80x128xf32, #tpu.memory_space<vmem>>) dst(%dma_wait3A_29 : memref<10240x128xf32, #tpu.memory_space<vmem_shared>>)
    %barrier3A_30 = arith.constant 0 : index
    tpu.barrier barrier_id(%barrier3A_30)
    %mul3A_31 = arith.constant 10240 : i32
    %mul3A_32 = arith.muli %arg0, %mul3A_31 : i32
    %add3A_33 = arith.addi %mul3A_32, %mul3A_4 : i32
    %add3A_34 = arith.constant 0 : i32
    %add3A_35 = arith.addi %mul3A_4, %add3A_34 : i32
    "tpu.region"() ({
      %run_scoped3A = tpu.sem_alloc : memref<!tpu.dma_semaphore, #tpu.memory_space<semaphore_mem>>
      %dma_start3A_66 = arith.constant 0 : i32
      %dma_start3A_67 = tpu.memref_slice %arg10[%add3A_35, %dma_start3A_66] : memref<10240x128xf32, #tpu.memory_space<vmem_shared>> -> memref<80x128xf32, #tpu.memory_space<vmem_shared>>
      %dma_start3A_68 = arith.constant 0 : i32
      %dma_start3A_69 = tpu.memref_slice %arg10[%add3A_35, %dma_start3A_68] : memref<10240x128xf32, #tpu.memory_space<vmem_shared>> -> memref<80x128xf32, #tpu.memory_space<vmem_shared>>
      tpu.enqueue_dma source(%dma_start3A_69 : memref<80x128xf32, #tpu.memory_space<vmem_shared>>) target(%arg9 : memref<80x128xf32, #tpu.memory_space<vmem>>) target_semaphore(%run_scoped3A : memref<!tpu.dma_semaphore, #tpu.memory_space<semaphore_mem>>)
      %dma_wait3A_70 = arith.constant 0 : i32
      %dma_wait3A_71 = tpu.memref_slice %arg10[%add3A_35, %dma_wait3A_70] : memref<10240x128xf32, #tpu.memory_space<vmem_shared>> -> memref<80x128xf32, #tpu.memory_space<vmem_shared>>
      %dma_wait3A_72 = arith.constant 0 : i32
      %dma_wait3A_73 = tpu.memref_slice %arg10[%add3A_35, %dma_wait3A_72] : memref<10240x128xf32, #tpu.memory_space<vmem_shared>> -> memref<80x128xf32, #tpu.memory_space<vmem_shared>>
      tpu.wait_dma2 semaphore(%run_scoped3A : memref<!tpu.dma_semaphore, #tpu.memory_space<semaphore_mem>>) src(%dma_wait3A_73 : memref<80x128xf32, #tpu.memory_space<vmem_shared>>) dst(%arg9 : memref<80x128xf32, #tpu.memory_space<vmem>>)
      tpu.yield
    }) : () -> ()
    %add3A_36 = arith.constant 0 : i32
    %add3A_37 = arith.addi %add3A_33, %add3A_36 : i32
    "tpu.region"() ({
      %run_scoped3A = tpu.sem_alloc : memref<!tpu.dma_semaphore, #tpu.memory_space<semaphore_mem>>
      %dma_start3A_66 = arith.constant 0 : i32
      %dma_start3A_67 = tpu.memref_slice %arg5[%add3A_37, %dma_start3A_66] : memref<20480x128xf32, #tpu.memory_space<hbm>> -> memref<80x128xf32, #tpu.memory_space<hbm>>
      %dma_start3A_68 = arith.constant 0 : i32
      %dma_start3A_69 = tpu.memref_slice %arg5[%add3A_37, %dma_start3A_68] : memref<20480x128xf32, #tpu.memory_space<hbm>> -> memref<80x128xf32, #tpu.memory_space<hbm>>
      tpu.enqueue_dma source(%arg9 : memref<80x128xf32, #tpu.memory_space<vmem>>) target(%dma_start3A_69 : memref<80x128xf32, #tpu.memory_space<hbm>>) target_semaphore(%run_scoped3A : memref<!tpu.dma_semaphore, #tpu.memory_space<semaphore_mem>>)
      %dma_wait3A_70 = arith.constant 0 : i32
      %dma_wait3A_71 = tpu.memref_slice %arg5[%add3A_37, %dma_wait3A_70] : memref<20480x128xf32, #tpu.memory_space<hbm>> -> memref<80x128xf32, #tpu.memory_space<hbm>>
      %dma_wait3A_72 = arith.constant 0 : i32
      %dma_wait3A_73 = tpu.memref_slice %arg5[%add3A_37, %dma_wait3A_72] : memref<20480x128xf32, #tpu.memory_space<hbm>> -> memref<80x128xf32, #tpu.memory_space<hbm>>
      tpu.wait_dma2 semaphore(%run_scoped3A : memref<!tpu.dma_semaphore, #tpu.memory_space<semaphore_mem>>) src(%arg9 : memref<80x128xf32, #tpu.memory_space<vmem>>) dst(%dma_wait3A_73 : memref<80x128xf32, #tpu.memory_space<hbm>>)
      tpu.yield
    }) : () -> ()
    %add3A_38 = arith.constant 80 : i32
    %add3A_39 = arith.addi %mul3A_4, %add3A_38 : i32
    "tpu.region"() ({
      %run_scoped3A = tpu.sem_alloc : memref<!tpu.dma_semaphore, #tpu.memory_space<semaphore_mem>>
      %dma_start3A_66 = arith.constant 0 : i32
      %dma_start3A_67 = tpu.memref_slice %arg10[%add3A_39, %dma_start3A_66] : memref<10240x128xf32, #tpu.memory_space<vmem_shared>> -> memref<80x128xf32, #tpu.memory_space<vmem_shared>>
      %dma_start3A_68 = arith.constant 0 : i32
      %dma_start3A_69 = tpu.memref_slice %arg10[%add3A_39, %dma_start3A_68] : memref<10240x128xf32, #tpu.memory_space<vmem_shared>> -> memref<80x128xf32, #tpu.memory_space<vmem_shared>>
      tpu.enqueue_dma source(%dma_start3A_69 : memref<80x128xf32, #tpu.memory_space<vmem_shared>>) target(%arg9 : memref<80x128xf32, #tpu.memory_space<vmem>>) target_semaphore(%run_scoped3A : memref<!tpu.dma_semaphore, #tpu.memory_space<semaphore_mem>>)
      %dma_wait3A_70 = arith.constant 0 : i32
      %dma_wait3A_71 = tpu.memref_slice %arg10[%add3A_39, %dma_wait3A_70] : memref<10240x128xf32, #tpu.memory_space<vmem_shared>> -> memref<80x128xf32, #tpu.memory_space<vmem_shared>>
      %dma_wait3A_72 = arith.constant 0 : i32
      %dma_wait3A_73 = tpu.memref_slice %arg10[%add3A_39, %dma_wait3A_72] : memref<10240x128xf32, #tpu.memory_space<vmem_shared>> -> memref<80x128xf32, #tpu.memory_space<vmem_shared>>
      tpu.wait_dma2 semaphore(%run_scoped3A : memref<!tpu.dma_semaphore, #tpu.memory_space<semaphore_mem>>) src(%dma_wait3A_73 : memref<80x128xf32, #tpu.memory_space<vmem_shared>>) dst(%arg9 : memref<80x128xf32, #tpu.memory_space<vmem>>)
      tpu.yield
    }) : () -> ()
    %add3A_40 = arith.constant 80 : i32
    %add3A_41 = arith.addi %add3A_33, %add3A_40 : i32
    "tpu.region"() ({
      %run_scoped3A = tpu.sem_alloc : memref<!tpu.dma_semaphore, #tpu.memory_space<semaphore_mem>>
      %dma_start3A_66 = arith.constant 0 : i32
      %dma_start3A_67 = tpu.memref_slice %arg5[%add3A_41, %dma_start3A_66] : memref<20480x128xf32, #tpu.memory_space<hbm>> -> memref<80x128xf32, #tpu.memory_space<hbm>>
      %dma_start3A_68 = arith.constant 0 : i32
      %dma_start3A_69 = tpu.memref_slice %arg5[%add3A_41, %dma_start3A_68] : memref<20480x128xf32, #tpu.memory_space<hbm>> -> memref<80x128xf32, #tpu.memory_space<hbm>>
      tpu.enqueue_dma source(%arg9 : memref<80x128xf32, #tpu.memory_space<vmem>>) target(%dma_start3A_69 : memref<80x128xf32, #tpu.memory_space<hbm>>) target_semaphore(%run_scoped3A : memref<!tpu.dma_semaphore, #tpu.memory_space<semaphore_mem>>)
      %dma_wait3A_70 = arith.constant 0 : i32
      %dma_wait3A_71 = tpu.memref_slice %arg5[%add3A_41, %dma_wait3A_70] : memref<20480x128xf32, #tpu.memory_space<hbm>> -> memref<80x128xf32, #tpu.memory_space<hbm>>
      %dma_wait3A_72 = arith.constant 0 : i32
      %dma_wait3A_73 = tpu.memref_slice %arg5[%add3A_41, %dma_wait3A_72] : memref<20480x128xf32, #tpu.memory_space<hbm>> -> memref<80x128xf32, #tpu.memory_space<hbm>>
      tpu.wait_dma2 semaphore(%run_scoped3A : memref<!tpu.dma_semaphore, #tpu.memory_space<semaphore_mem>>) src(%arg9 : memref<80x128xf32, #tpu.memory_space<vmem>>) dst(%dma_wait3A_73 : memref<80x128xf32, #tpu.memory_space<hbm>>)
      tpu.yield
    }) : () -> ()
    %add3A_42 = arith.constant 160 : i32
    %add3A_43 = arith.addi %mul3A_4, %add3A_42 : i32
    "tpu.region"() ({
      %run_scoped3A = tpu.sem_alloc : memref<!tpu.dma_semaphore, #tpu.memory_space<semaphore_mem>>
      %dma_start3A_66 = arith.constant 0 : i32
      %dma_start3A_67 = tpu.memref_slice %arg10[%add3A_43, %dma_start3A_66] : memref<10240x128xf32, #tpu.memory_space<vmem_shared>> -> memref<80x128xf32, #tpu.memory_space<vmem_shared>>
      %dma_start3A_68 = arith.constant 0 : i32
      %dma_start3A_69 = tpu.memref_slice %arg10[%add3A_43, %dma_start3A_68] : memref<10240x128xf32, #tpu.memory_space<vmem_shared>> -> memref<80x128xf32, #tpu.memory_space<vmem_shared>>
      tpu.enqueue_dma source(%dma_start3A_69 : memref<80x128xf32, #tpu.memory_space<vmem_shared>>) target(%arg9 : memref<80x128xf32, #tpu.memory_space<vmem>>) target_semaphore(%run_scoped3A : memref<!tpu.dma_semaphore, #tpu.memory_space<semaphore_mem>>)
      %dma_wait3A_70 = arith.constant 0 : i32
      %dma_wait3A_71 = tpu.memref_slice %arg10[%add3A_43, %dma_wait3A_70] : memref<10240x128xf32, #tpu.memory_space<vmem_shared>> -> memref<80x128xf32, #tpu.memory_space<vmem_shared>>
      %dma_wait3A_72 = arith.constant 0 : i32
      %dma_wait3A_73 = tpu.memref_slice %arg10[%add3A_43, %dma_wait3A_72] : memref<10240x128xf32, #tpu.memory_space<vmem_shared>> -> memref<80x128xf32, #tpu.memory_space<vmem_shared>>
      tpu.wait_dma2 semaphore(%run_scoped3A : memref<!tpu.dma_semaphore, #tpu.memory_space<semaphore_mem>>) src(%dma_wait3A_73 : memref<80x128xf32, #tpu.memory_space<vmem_shared>>) dst(%arg9 : memref<80x128xf32, #tpu.memory_space<vmem>>)
      tpu.yield
    }) : () -> ()
    %add3A_44 = arith.constant 160 : i32
    %add3A_45 = arith.addi %add3A_33, %add3A_44 : i32
    "tpu.region"() ({
      %run_scoped3A = tpu.sem_alloc : memref<!tpu.dma_semaphore, #tpu.memory_space<semaphore_mem>>
      %dma_start3A_66 = arith.constant 0 : i32
      %dma_start3A_67 = tpu.memref_slice %arg5[%add3A_45, %dma_start3A_66] : memref<20480x128xf32, #tpu.memory_space<hbm>> -> memref<80x128xf32, #tpu.memory_space<hbm>>
      %dma_start3A_68 = arith.constant 0 : i32
      %dma_start3A_69 = tpu.memref_slice %arg5[%add3A_45, %dma_start3A_68] : memref<20480x128xf32, #tpu.memory_space<hbm>> -> memref<80x128xf32, #tpu.memory_space<hbm>>
      tpu.enqueue_dma source(%arg9 : memref<80x128xf32, #tpu.memory_space<vmem>>) target(%dma_start3A_69 : memref<80x128xf32, #tpu.memory_space<hbm>>) target_semaphore(%run_scoped3A : memref<!tpu.dma_semaphore, #tpu.memory_space<semaphore_mem>>)
      %dma_wait3A_70 = arith.constant 0 : i32
      %dma_wait3A_71 = tpu.memref_slice %arg5[%add3A_45, %dma_wait3A_70] : memref<20480x128xf32, #tpu.memory_space<hbm>> -> memref<80x128xf32, #tpu.memory_space<hbm>>
      %dma_wait3A_72 = arith.constant 0 : i32
      %dma_wait3A_73 = tpu.memref_slice %arg5[%add3A_45, %dma_wait3A_72] : memref<20480x128xf32, #tpu.memory_space<hbm>> -> memref<80x128xf32, #tpu.memory_space<hbm>>
      tpu.wait_dma2 semaphore(%run_scoped3A : memref<!tpu.dma_semaphore, #tpu.memory_space<semaphore_mem>>) src(%arg9 : memref<80x128xf32, #tpu.memory_space<vmem>>) dst(%dma_wait3A_73 : memref<80x128xf32, #tpu.memory_space<hbm>>)
      tpu.yield
    }) : () -> ()
    %add3A_46 = arith.constant 240 : i32
    %add3A_47 = arith.addi %mul3A_4, %add3A_46 : i32
    "tpu.region"() ({
      %run_scoped3A = tpu.sem_alloc : memref<!tpu.dma_semaphore, #tpu.memory_space<semaphore_mem>>
      %dma_start3A_66 = arith.constant 0 : i32
      %dma_start3A_67 = tpu.memref_slice %arg10[%add3A_47, %dma_start3A_66] : memref<10240x128xf32, #tpu.memory_space<vmem_shared>> -> memref<80x128xf32, #tpu.memory_space<vmem_shared>>
      %dma_start3A_68 = arith.constant 0 : i32
      %dma_start3A_69 = tpu.memref_slice %arg10[%add3A_47, %dma_start3A_68] : memref<10240x128xf32, #tpu.memory_space<vmem_shared>> -> memref<80x128xf32, #tpu.memory_space<vmem_shared>>
      tpu.enqueue_dma source(%dma_start3A_69 : memref<80x128xf32, #tpu.memory_space<vmem_shared>>) target(%arg9 : memref<80x128xf32, #tpu.memory_space<vmem>>) target_semaphore(%run_scoped3A : memref<!tpu.dma_semaphore, #tpu.memory_space<semaphore_mem>>)
      %dma_wait3A_70 = arith.constant 0 : i32
      %dma_wait3A_71 = tpu.memref_slice %arg10[%add3A_47, %dma_wait3A_70] : memref<10240x128xf32, #tpu.memory_space<vmem_shared>> -> memref<80x128xf32, #tpu.memory_space<vmem_shared>>
      %dma_wait3A_72 = arith.constant 0 : i32
      %dma_wait3A_73 = tpu.memref_slice %arg10[%add3A_47, %dma_wait3A_72] : memref<10240x128xf32, #tpu.memory_space<vmem_shared>> -> memref<80x128xf32, #tpu.memory_space<vmem_shared>>
      tpu.wait_dma2 semaphore(%run_scoped3A : memref<!tpu.dma_semaphore, #tpu.memory_space<semaphore_mem>>) src(%dma_wait3A_73 : memref<80x128xf32, #tpu.memory_space<vmem_shared>>) dst(%arg9 : memref<80x128xf32, #tpu.memory_space<vmem>>)
      tpu.yield
    }) : () -> ()
    %add3A_48 = arith.constant 240 : i32
    %add3A_49 = arith.addi %add3A_33, %add3A_48 : i32
    "tpu.region"() ({
      %run_scoped3A = tpu.sem_alloc : memref<!tpu.dma_semaphore, #tpu.memory_space<semaphore_mem>>
      %dma_start3A_66 = arith.constant 0 : i32
      %dma_start3A_67 = tpu.memref_slice %arg5[%add3A_49, %dma_start3A_66] : memref<20480x128xf32, #tpu.memory_space<hbm>> -> memref<80x128xf32, #tpu.memory_space<hbm>>
      %dma_start3A_68 = arith.constant 0 : i32
      %dma_start3A_69 = tpu.memref_slice %arg5[%add3A_49, %dma_start3A_68] : memref<20480x128xf32, #tpu.memory_space<hbm>> -> memref<80x128xf32, #tpu.memory_space<hbm>>
      tpu.enqueue_dma source(%arg9 : memref<80x128xf32, #tpu.memory_space<vmem>>) target(%dma_start3A_69 : memref<80x128xf32, #tpu.memory_space<hbm>>) target_semaphore(%run_scoped3A : memref<!tpu.dma_semaphore, #tpu.memory_space<semaphore_mem>>)
      %dma_wait3A_70 = arith.constant 0 : i32
      %dma_wait3A_71 = tpu.memref_slice %arg5[%add3A_49, %dma_wait3A_70] : memref<20480x128xf32, #tpu.memory_space<hbm>> -> memref<80x128xf32, #tpu.memory_space<hbm>>
      %dma_wait3A_72 = arith.constant 0 : i32
      %dma_wait3A_73 = tpu.memref_slice %arg5[%add3A_49, %dma_wait3A_72] : memref<20480x128xf32, #tpu.memory_space<hbm>> -> memref<80x128xf32, #tpu.memory_space<hbm>>
      tpu.wait_dma2 semaphore(%run_scoped3A : memref<!tpu.dma_semaphore, #tpu.memory_space<semaphore_mem>>) src(%arg9 : memref<80x128xf32, #tpu.memory_space<vmem>>) dst(%dma_wait3A_73 : memref<80x128xf32, #tpu.memory_space<hbm>>)
      tpu.yield
    }) : () -> ()
    %add3A_50 = arith.constant 320 : i32
    %add3A_51 = arith.addi %mul3A_4, %add3A_50 : i32
    "tpu.region"() ({
      %run_scoped3A = tpu.sem_alloc : memref<!tpu.dma_semaphore, #tpu.memory_space<semaphore_mem>>
      %dma_start3A_66 = arith.constant 0 : i32
      %dma_start3A_67 = tpu.memref_slice %arg10[%add3A_51, %dma_start3A_66] : memref<10240x128xf32, #tpu.memory_space<vmem_shared>> -> memref<80x128xf32, #tpu.memory_space<vmem_shared>>
      %dma_start3A_68 = arith.constant 0 : i32
      %dma_start3A_69 = tpu.memref_slice %arg10[%add3A_51, %dma_start3A_68] : memref<10240x128xf32, #tpu.memory_space<vmem_shared>> -> memref<80x128xf32, #tpu.memory_space<vmem_shared>>
      tpu.enqueue_dma source(%dma_start3A_69 : memref<80x128xf32, #tpu.memory_space<vmem_shared>>) target(%arg9 : memref<80x128xf32, #tpu.memory_space<vmem>>) target_semaphore(%run_scoped3A : memref<!tpu.dma_semaphore, #tpu.memory_space<semaphore_mem>>)
      %dma_wait3A_70 = arith.constant 0 : i32
      %dma_wait3A_71 = tpu.memref_slice %arg10[%add3A_51, %dma_wait3A_70] : memref<10240x128xf32, #tpu.memory_space<vmem_shared>> -> memref<80x128xf32, #tpu.memory_space<vmem_shared>>
      %dma_wait3A_72 = arith.constant 0 : i32
      %dma_wait3A_73 = tpu.memref_slice %arg10[%add3A_51, %dma_wait3A_72] : memref<10240x128xf32, #tpu.memory_space<vmem_shared>> -> memref<80x128xf32, #tpu.memory_space<vmem_shared>>
      tpu.wait_dma2 semaphore(%run_scoped3A : memref<!tpu.dma_semaphore, #tpu.memory_space<semaphore_mem>>) src(%dma_wait3A_73 : memref<80x128xf32, #tpu.memory_space<vmem_shared>>) dst(%arg9 : memref<80x128xf32, #tpu.memory_space<vmem>>)
      tpu.yield
    }) : () -> ()
    %add3A_52 = arith.constant 320 : i32
    %add3A_53 = arith.addi %add3A_33, %add3A_52 : i32
    "tpu.region"() ({
      %run_scoped3A = tpu.sem_alloc : memref<!tpu.dma_semaphore, #tpu.memory_space<semaphore_mem>>
      %dma_start3A_66 = arith.constant 0 : i32
      %dma_start3A_67 = tpu.memref_slice %arg5[%add3A_53, %dma_start3A_66] : memref<20480x128xf32, #tpu.memory_space<hbm>> -> memref<80x128xf32, #tpu.memory_space<hbm>>
      %dma_start3A_68 = arith.constant 0 : i32
      %dma_start3A_69 = tpu.memref_slice %arg5[%add3A_53, %dma_start3A_68] : memref<20480x128xf32, #tpu.memory_space<hbm>> -> memref<80x128xf32, #tpu.memory_space<hbm>>
      tpu.enqueue_dma source(%arg9 : memref<80x128xf32, #tpu.memory_space<vmem>>) target(%dma_start3A_69 : memref<80x128xf32, #tpu.memory_space<hbm>>) target_semaphore(%run_scoped3A : memref<!tpu.dma_semaphore, #tpu.memory_space<semaphore_mem>>)
      %dma_wait3A_70 = arith.constant 0 : i32
      %dma_wait3A_71 = tpu.memref_slice %arg5[%add3A_53, %dma_wait3A_70] : memref<20480x128xf32, #tpu.memory_space<hbm>> -> memref<80x128xf32, #tpu.memory_space<hbm>>
      %dma_wait3A_72 = arith.constant 0 : i32
      %dma_wait3A_73 = tpu.memref_slice %arg5[%add3A_53, %dma_wait3A_72] : memref<20480x128xf32, #tpu.memory_space<hbm>> -> memref<80x128xf32, #tpu.memory_space<hbm>>
      tpu.wait_dma2 semaphore(%run_scoped3A : memref<!tpu.dma_semaphore, #tpu.memory_space<semaphore_mem>>) src(%arg9 : memref<80x128xf32, #tpu.memory_space<vmem>>) dst(%dma_wait3A_73 : memref<80x128xf32, #tpu.memory_space<hbm>>)
      tpu.yield
    }) : () -> ()
    %add3A_54 = arith.constant 400 : i32
    %add3A_55 = arith.addi %mul3A_4, %add3A_54 : i32
    "tpu.region"() ({
      %run_scoped3A = tpu.sem_alloc : memref<!tpu.dma_semaphore, #tpu.memory_space<semaphore_mem>>
      %dma_start3A_66 = arith.constant 0 : i32
      %dma_start3A_67 = tpu.memref_slice %arg10[%add3A_55, %dma_start3A_66] : memref<10240x128xf32, #tpu.memory_space<vmem_shared>> -> memref<80x128xf32, #tpu.memory_space<vmem_shared>>
      %dma_start3A_68 = arith.constant 0 : i32
      %dma_start3A_69 = tpu.memref_slice %arg10[%add3A_55, %dma_start3A_68] : memref<10240x128xf32, #tpu.memory_space<vmem_shared>> -> memref<80x128xf32, #tpu.memory_space<vmem_shared>>
      tpu.enqueue_dma source(%dma_start3A_69 : memref<80x128xf32, #tpu.memory_space<vmem_shared>>) target(%arg9 : memref<80x128xf32, #tpu.memory_space<vmem>>) target_semaphore(%run_scoped3A : memref<!tpu.dma_semaphore, #tpu.memory_space<semaphore_mem>>)
      %dma_wait3A_70 = arith.constant 0 : i32
      %dma_wait3A_71 = tpu.memref_slice %arg10[%add3A_55, %dma_wait3A_70] : memref<10240x128xf32, #tpu.memory_space<vmem_shared>> -> memref<80x128xf32, #tpu.memory_space<vmem_shared>>
      %dma_wait3A_72 = arith.constant 0 : i32
      %dma_wait3A_73 = tpu.memref_slice %arg10[%add3A_55, %dma_wait3A_72] : memref<10240x128xf32, #tpu.memory_space<vmem_shared>> -> memref<80x128xf32, #tpu.memory_space<vmem_shared>>
      tpu.wait_dma2 semaphore(%run_scoped3A : memref<!tpu.dma_semaphore, #tpu.memory_space<semaphore_mem>>) src(%dma_wait3A_73 : memref<80x128xf32, #tpu.memory_space<vmem_shared>>) dst(%arg9 : memref<80x128xf32, #tpu.memory_space<vmem>>)
      tpu.yield
    }) : () -> ()
    %add3A_56 = arith.constant 400 : i32
    %add3A_57 = arith.addi %add3A_33, %add3A_56 : i32
    "tpu.region"() ({
      %run_scoped3A = tpu.sem_alloc : memref<!tpu.dma_semaphore, #tpu.memory_space<semaphore_mem>>
      %dma_start3A_66 = arith.constant 0 : i32
      %dma_start3A_67 = tpu.memref_slice %arg5[%add3A_57, %dma_start3A_66] : memref<20480x128xf32, #tpu.memory_space<hbm>> -> memref<80x128xf32, #tpu.memory_space<hbm>>
      %dma_start3A_68 = arith.constant 0 : i32
      %dma_start3A_69 = tpu.memref_slice %arg5[%add3A_57, %dma_start3A_68] : memref<20480x128xf32, #tpu.memory_space<hbm>> -> memref<80x128xf32, #tpu.memory_space<hbm>>
      tpu.enqueue_dma source(%arg9 : memref<80x128xf32, #tpu.memory_space<vmem>>) target(%dma_start3A_69 : memref<80x128xf32, #tpu.memory_space<hbm>>) target_semaphore(%run_scoped3A : memref<!tpu.dma_semaphore, #tpu.memory_space<semaphore_mem>>)
      %dma_wait3A_70 = arith.constant 0 : i32
      %dma_wait3A_71 = tpu.memref_slice %arg5[%add3A_57, %dma_wait3A_70] : memref<20480x128xf32, #tpu.memory_space<hbm>> -> memref<80x128xf32, #tpu.memory_space<hbm>>
      %dma_wait3A_72 = arith.constant 0 : i32
      %dma_wait3A_73 = tpu.memref_slice %arg5[%add3A_57, %dma_wait3A_72] : memref<20480x128xf32, #tpu.memory_space<hbm>> -> memref<80x128xf32, #tpu.memory_space<hbm>>
      tpu.wait_dma2 semaphore(%run_scoped3A : memref<!tpu.dma_semaphore, #tpu.memory_space<semaphore_mem>>) src(%arg9 : memref<80x128xf32, #tpu.memory_space<vmem>>) dst(%dma_wait3A_73 : memref<80x128xf32, #tpu.memory_space<hbm>>)
      tpu.yield
    }) : () -> ()
    %add3A_58 = arith.constant 480 : i32
    %add3A_59 = arith.addi %mul3A_4, %add3A_58 : i32
    "tpu.region"() ({
      %run_scoped3A = tpu.sem_alloc : memref<!tpu.dma_semaphore, #tpu.memory_space<semaphore_mem>>
      %dma_start3A_66 = arith.constant 0 : i32
      %dma_start3A_67 = tpu.memref_slice %arg10[%add3A_59, %dma_start3A_66] : memref<10240x128xf32, #tpu.memory_space<vmem_shared>> -> memref<80x128xf32, #tpu.memory_space<vmem_shared>>
      %dma_start3A_68 = arith.constant 0 : i32
      %dma_start3A_69 = tpu.memref_slice %arg10[%add3A_59, %dma_start3A_68] : memref<10240x128xf32, #tpu.memory_space<vmem_shared>> -> memref<80x128xf32, #tpu.memory_space<vmem_shared>>
      tpu.enqueue_dma source(%dma_start3A_69 : memref<80x128xf32, #tpu.memory_space<vmem_shared>>) target(%arg9 : memref<80x128xf32, #tpu.memory_space<vmem>>) target_semaphore(%run_scoped3A : memref<!tpu.dma_semaphore, #tpu.memory_space<semaphore_mem>>)
      %dma_wait3A_70 = arith.constant 0 : i32
      %dma_wait3A_71 = tpu.memref_slice %arg10[%add3A_59, %dma_wait3A_70] : memref<10240x128xf32, #tpu.memory_space<vmem_shared>> -> memref<80x128xf32, #tpu.memory_space<vmem_shared>>
      %dma_wait3A_72 = arith.constant 0 : i32
      %dma_wait3A_73 = tpu.memref_slice %arg10[%add3A_59, %dma_wait3A_72] : memref<10240x128xf32, #tpu.memory_space<vmem_shared>> -> memref<80x128xf32, #tpu.memory_space<vmem_shared>>
      tpu.wait_dma2 semaphore(%run_scoped3A : memref<!tpu.dma_semaphore, #tpu.memory_space<semaphore_mem>>) src(%dma_wait3A_73 : memref<80x128xf32, #tpu.memory_space<vmem_shared>>) dst(%arg9 : memref<80x128xf32, #tpu.memory_space<vmem>>)
      tpu.yield
    }) : () -> ()
    %add3A_60 = arith.constant 480 : i32
    %add3A_61 = arith.addi %add3A_33, %add3A_60 : i32
    "tpu.region"() ({
      %run_scoped3A = tpu.sem_alloc : memref<!tpu.dma_semaphore, #tpu.memory_space<semaphore_mem>>
      %dma_start3A_66 = arith.constant 0 : i32
      %dma_start3A_67 = tpu.memref_slice %arg5[%add3A_61, %dma_start3A_66] : memref<20480x128xf32, #tpu.memory_space<hbm>> -> memref<80x128xf32, #tpu.memory_space<hbm>>
      %dma_start3A_68 = arith.constant 0 : i32
      %dma_start3A_69 = tpu.memref_slice %arg5[%add3A_61, %dma_start3A_68] : memref<20480x128xf32, #tpu.memory_space<hbm>> -> memref<80x128xf32, #tpu.memory_space<hbm>>
      tpu.enqueue_dma source(%arg9 : memref<80x128xf32, #tpu.memory_space<vmem>>) target(%dma_start3A_69 : memref<80x128xf32, #tpu.memory_space<hbm>>) target_semaphore(%run_scoped3A : memref<!tpu.dma_semaphore, #tpu.memory_space<semaphore_mem>>)
      %dma_wait3A_70 = arith.constant 0 : i32
      %dma_wait3A_71 = tpu.memref_slice %arg5[%add3A_61, %dma_wait3A_70] : memref<20480x128xf32, #tpu.memory_space<hbm>> -> memref<80x128xf32, #tpu.memory_space<hbm>>
      %dma_wait3A_72 = arith.constant 0 : i32
      %dma_wait3A_73 = tpu.memref_slice %arg5[%add3A_61, %dma_wait3A_72] : memref<20480x128xf32, #tpu.memory_space<hbm>> -> memref<80x128xf32, #tpu.memory_space<hbm>>
      tpu.wait_dma2 semaphore(%run_scoped3A : memref<!tpu.dma_semaphore, #tpu.memory_space<semaphore_mem>>) src(%arg9 : memref<80x128xf32, #tpu.memory_space<vmem>>) dst(%dma_wait3A_73 : memref<80x128xf32, #tpu.memory_space<hbm>>)
      tpu.yield
    }) : () -> ()
    %add3A_62 = arith.constant 560 : i32
    %add3A_63 = arith.addi %mul3A_4, %add3A_62 : i32
    "tpu.region"() ({
      %run_scoped3A = tpu.sem_alloc : memref<!tpu.dma_semaphore, #tpu.memory_space<semaphore_mem>>
      %dma_start3A_66 = arith.constant 0 : i32
      %dma_start3A_67 = tpu.memref_slice %arg10[%add3A_63, %dma_start3A_66] : memref<10240x128xf32, #tpu.memory_space<vmem_shared>> -> memref<80x128xf32, #tpu.memory_space<vmem_shared>>
      %dma_start3A_68 = arith.constant 0 : i32
      %dma_start3A_69 = tpu.memref_slice %arg10[%add3A_63, %dma_start3A_68] : memref<10240x128xf32, #tpu.memory_space<vmem_shared>> -> memref<80x128xf32, #tpu.memory_space<vmem_shared>>
      tpu.enqueue_dma source(%dma_start3A_69 : memref<80x128xf32, #tpu.memory_space<vmem_shared>>) target(%arg9 : memref<80x128xf32, #tpu.memory_space<vmem>>) target_semaphore(%run_scoped3A : memref<!tpu.dma_semaphore, #tpu.memory_space<semaphore_mem>>)
      %dma_wait3A_70 = arith.constant 0 : i32
      %dma_wait3A_71 = tpu.memref_slice %arg10[%add3A_63, %dma_wait3A_70] : memref<10240x128xf32, #tpu.memory_space<vmem_shared>> -> memref<80x128xf32, #tpu.memory_space<vmem_shared>>
      %dma_wait3A_72 = arith.constant 0 : i32
      %dma_wait3A_73 = tpu.memref_slice %arg10[%add3A_63, %dma_wait3A_72] : memref<10240x128xf32, #tpu.memory_space<vmem_shared>> -> memref<80x128xf32, #tpu.memory_space<vmem_shared>>
      tpu.wait_dma2 semaphore(%run_scoped3A : memref<!tpu.dma_semaphore, #tpu.memory_space<semaphore_mem>>) src(%dma_wait3A_73 : memref<80x128xf32, #tpu.memory_space<vmem_shared>>) dst(%arg9 : memref<80x128xf32, #tpu.memory_space<vmem>>)
      tpu.yield
    }) : () -> ()
    %add3A_64 = arith.constant 560 : i32
    %add3A_65 = arith.addi %add3A_33, %add3A_64 : i32
    "tpu.region"() ({
      %run_scoped3A = tpu.sem_alloc : memref<!tpu.dma_semaphore, #tpu.memory_space<semaphore_mem>>
      %dma_start3A_66 = arith.constant 0 : i32
      %dma_start3A_67 = tpu.memref_slice %arg5[%add3A_65, %dma_start3A_66] : memref<20480x128xf32, #tpu.memory_space<hbm>> -> memref<80x128xf32, #tpu.memory_space<hbm>>
      %dma_start3A_68 = arith.constant 0 : i32
      %dma_start3A_69 = tpu.memref_slice %arg5[%add3A_65, %dma_start3A_68] : memref<20480x128xf32, #tpu.memory_space<hbm>> -> memref<80x128xf32, #tpu.memory_space<hbm>>
      tpu.enqueue_dma source(%arg9 : memref<80x128xf32, #tpu.memory_space<vmem>>) target(%dma_start3A_69 : memref<80x128xf32, #tpu.memory_space<hbm>>) target_semaphore(%run_scoped3A : memref<!tpu.dma_semaphore, #tpu.memory_space<semaphore_mem>>)
      %dma_wait3A_70 = arith.constant 0 : i32
      %dma_wait3A_71 = tpu.memref_slice %arg5[%add3A_65, %dma_wait3A_70] : memref<20480x128xf32, #tpu.memory_space<hbm>> -> memref<80x128xf32, #tpu.memory_space<hbm>>
      %dma_wait3A_72 = arith.constant 0 : i32
      %dma_wait3A_73 = tpu.memref_slice %arg5[%add3A_65, %dma_wait3A_72] : memref<20480x128xf32, #tpu.memory_space<hbm>> -> memref<80x128xf32, #tpu.memory_space<hbm>>
      tpu.wait_dma2 semaphore(%run_scoped3A : memref<!tpu.dma_semaphore, #tpu.memory_space<semaphore_mem>>) src(%arg9 : memref<80x128xf32, #tpu.memory_space<vmem>>) dst(%dma_wait3A_73 : memref<80x128xf32, #tpu.memory_space<hbm>>)
      tpu.yield
    }) : () -> ()
    return
  }
}

module attributes {stable_mosaic.version = 14 : i64} {
  func.func @_matmul_t_kernel(%arg0: memref<10000x128xf32, #tpu.memory_space<vmem>>, %arg1: memref<128x128xf32, #tpu.memory_space<vmem>>, %arg2: memref<1x128xf32, #tpu.memory_space<vmem>>, %arg3: memref<10000x128xf32, #tpu.memory_space<vmem>>) attributes {dimension_semantics = [], scalar_prefetch = 0 : i64, scratch_operands = 0 : i64, tpu.core_type = #tpu.core_type<tc>} {
    %get3A = arith.constant 0 : index
    %get3A_0 = arith.constant 0 : index
    %get3A_1 = vector.load %arg0[%get3A, %get3A_0] : memref<10000x128xf32, #tpu.memory_space<vmem>>, vector<10000x128xf32>
    %get3A_2 = arith.constant 0 : index
    %get3A_3 = arith.constant 0 : index
    %get3A_4 = vector.load %arg1[%get3A_2, %get3A_3] : memref<128x128xf32, #tpu.memory_space<vmem>>, vector<128x128xf32>
    %dot_general3A = arith.constant dense<0.000000e+00> : vector<10000x128xf32>
    %dot_general3A_5 = tpu.matmul %get3A_1, %get3A_4, %dot_general3A {dimension_numbers = #tpu.dot_dimension_numbers<[1], [1], [0], [0], [0, 0, 1, 0], [], []>, transpose_lhs_hint = false} : vector<10000x128xf32>, vector<128x128xf32>, vector<10000x128xf32> -> vector<10000x128xf32>
    %get3A_6 = arith.constant 0 : index
    %get3A_7 = arith.constant 0 : index
    %get3A_8 = vector.load %arg2[%get3A_6, %get3A_7] : memref<1x128xf32, #tpu.memory_space<vmem>>, vector<1x128xf32>
    %add3A = vector.broadcast %get3A_8 : vector<1x128xf32> to vector<10000x128xf32>
    %add3A_9 = arith.addf %dot_general3A_5, %add3A : vector<10000x128xf32>
    %swap3A = arith.constant 0 : index
    %swap3A_10 = arith.constant 0 : index
    %swap3A_11 = vector.load %arg3[%swap3A, %swap3A_10] : memref<10000x128xf32, #tpu.memory_space<vmem>>, vector<10000x128xf32>
    tpu.vector_store %arg3[%swap3A, %swap3A_10], %add3A_9 {strides = array<i32>} : memref<10000x128xf32, #tpu.memory_space<vmem>>, vector<10000x128xf32>,
    return
  }
}

module attributes {stable_mosaic.version = 14 : i64} {
  func.func @_matmul_t_kernel(%arg0: i32, %arg1: memref<16000x16xf32, #tpu.memory_space<vmem>>, %arg2: memref<128x16xf32, #tpu.memory_space<vmem>>, %arg3: memref<1x128xf32, #tpu.memory_space<vmem>>, %arg4: memref<16000x128xf32, #tpu.memory_space<vmem>>) attributes {dimension_semantics = [#tpu.dimension_semantics<arbitrary>], iteration_bounds = array<i64: 20>, scalar_prefetch = 0 : i64, scratch_operands = 0 : i64, tpu.core_type = #tpu.core_type<tc>, window_params = [{transform_indices = @transform_0, window_bounds = array<i64: 16000, 16>}, {pipeline_mode = #tpu.pipeline_mode<synchronous>, transform_indices = @transform_1, window_bounds = array<i64: 128, 16>}, {pipeline_mode = #tpu.pipeline_mode<synchronous>, transform_indices = @transform_2, window_bounds = array<i64: 1, 128>}, {transform_indices = @transform_3, window_bounds = array<i64: 16000, 128>}]} {
    %get3A = arith.constant 0 : index
    %get3A_0 = arith.constant 0 : index
    %get3A_1 = vector.load %arg1[%get3A, %get3A_0] : memref<16000x16xf32, #tpu.memory_space<vmem>>, vector<16000x16xf32>
    %get3A_2 = arith.constant 0 : index
    %get3A_3 = arith.constant 0 : index
    %get3A_4 = vector.load %arg2[%get3A_2, %get3A_3] : memref<128x16xf32, #tpu.memory_space<vmem>>, vector<128x16xf32>
    %dot_general3A = arith.constant dense<0.000000e+00> : vector<16000x128xf32>
    %dot_general3A_5 = tpu.matmul %get3A_1, %get3A_4, %dot_general3A {dimension_numbers = #tpu.dot_dimension_numbers<[1], [1], [0], [0], [0, 0, 1, 0], [], []>, transpose_lhs_hint = false} : vector<16000x16xf32>, vector<128x16xf32>, vector<16000x128xf32> -> vector<16000x128xf32>
    %get3A_6 = arith.constant 0 : index
    %get3A_7 = arith.constant 0 : index
    %get3A_8 = vector.load %arg3[%get3A_6, %get3A_7] : memref<1x128xf32, #tpu.memory_space<vmem>>, vector<1x128xf32>
    %add3A = vector.broadcast %get3A_8 : vector<1x128xf32> to vector<16000x128xf32>
    %add3A_9 = arith.addf %dot_general3A_5, %add3A : vector<16000x128xf32>
    %swap3A = arith.constant 0 : index
    %swap3A_10 = arith.constant 0 : index
    %swap3A_11 = vector.load %arg4[%swap3A, %swap3A_10] : memref<16000x128xf32, #tpu.memory_space<vmem>>, vector<16000x128xf32>
    tpu.vector_store %arg4[%swap3A, %swap3A_10], %add3A_9 {strides = array<i32>} : memref<16000x128xf32, #tpu.memory_space<vmem>>, vector<16000x128xf32>,
    return
  }
  func.func @transform_0(%arg0: i32) -> (i32, i32) {
    %c0_i32 = arith.constant 0 : i32
    %c0_i32_0 = arith.constant 0 : i32
    return %arg0, %c0_i32 : i32, i32
  }
  func.func @transform_1(%arg0: i32) -> (i32, i32) {
    %c0_i32 = arith.constant 0 : i32
    %c0_i32_0 = arith.constant 0 : i32
    %c0_i32_1 = arith.constant 0 : i32
    return %c0_i32, %c0_i32_0 : i32, i32
  }
  func.func @transform_2(%arg0: i32) -> (i32, i32) {
    %c0_i32 = arith.constant 0 : i32
    %c0_i32_0 = arith.constant 0 : i32
    %c0_i32_1 = arith.constant 0 : i32
    return %c0_i32, %c0_i32_0 : i32, i32
  }
  func.func @transform_3(%arg0: i32) -> (i32, i32) {
    %c0_i32 = arith.constant 0 : i32
    %c0_i32_0 = arith.constant 0 : i32
    return %arg0, %c0_i32 : i32, i32
  }
}

module attributes {stable_mosaic.version = 14 : i64} {
  func.func @_combine_kernel(%arg0: i32, %arg1: memref<2x2560x128xf32, #tpu.memory_space<vmem>>, %arg2: memref<2x2560x128xf32, #tpu.memory_space<vmem>>, %arg3: memref<2560x128xf32, #tpu.memory_space<vmem>>) attributes {dimension_semantics = [#tpu.dimension_semantics<arbitrary>], iteration_bounds = array<i64: 4>, scalar_prefetch = 0 : i64, scratch_operands = 0 : i64, tpu.core_type = #tpu.core_type<tc>, window_params = [{transform_indices = @transform_0, window_bounds = array<i64: 2, 2560, 128>}, {transform_indices = @transform_1, window_bounds = array<i64: 2, 2560, 128>}, {transform_indices = @transform_2, window_bounds = array<i64: 2560, 128>}]} {
    %get3A = arith.constant 0 : index
    %get3A_0 = arith.constant 0 : index
    %get3A_1 = arith.constant 0 : index
    %get3A_2 = vector.load %arg1[%get3A, %get3A_0, %get3A_1] : memref<2x2560x128xf32, #tpu.memory_space<vmem>>, vector<1x2560x128xf32>
    %get3A_3 = vector.shape_cast %get3A_2 : vector<1x2560x128xf32> to vector<2560x128xf32>
    %get3A_4 = arith.constant 1 : index
    %get3A_5 = arith.constant 0 : index
    %get3A_6 = arith.constant 0 : index
    %get3A_7 = vector.load %arg1[%get3A_4, %get3A_5, %get3A_6] : memref<2x2560x128xf32, #tpu.memory_space<vmem>>, vector<1x2560x128xf32>
    %get3A_8 = vector.shape_cast %get3A_7 : vector<1x2560x128xf32> to vector<2560x128xf32>
    %add3A = arith.addf %get3A_3, %get3A_8 : vector<2560x128xf32>
    %get3A_9 = arith.constant 0 : index
    %get3A_10 = arith.constant 0 : index
    %get3A_11 = arith.constant 0 : index
    %get3A_12 = vector.load %arg2[%get3A_9, %get3A_10, %get3A_11] : memref<2x2560x128xf32, #tpu.memory_space<vmem>>, vector<1x2560x1xf32>
    %get3A_13 = vector.shape_cast %get3A_12 : vector<1x2560x1xf32> to vector<2560x1xf32>
    %get3A_14 = arith.constant 1 : index
    %get3A_15 = arith.constant 0 : index
    %get3A_16 = arith.constant 0 : index
    %get3A_17 = vector.load %arg2[%get3A_14, %get3A_15, %get3A_16] : memref<2x2560x128xf32, #tpu.memory_space<vmem>>, vector<1x2560x1xf32>
    %get3A_18 = vector.shape_cast %get3A_17 : vector<1x2560x1xf32> to vector<2560x1xf32>
    %add3A_19 = arith.addf %get3A_13, %get3A_18 : vector<2560x1xf32>
    %max3A = arith.constant 1.000000e+00 : f32
    %max3A_20 = vector.broadcast %max3A : f32 to vector<2560x1xf32>
    %max3A_21 = arith.maximumf %add3A_19, %max3A_20 : vector<2560x1xf32>
    %div3A = vector.broadcast %max3A_21 : vector<2560x1xf32> to vector<2560x128xf32>
    %div3A_22 = arith.divf %add3A, %div3A : vector<2560x128xf32>
    %swap3A = arith.constant 0 : index
    %swap3A_23 = arith.constant 0 : index
    %swap3A_24 = vector.load %arg3[%swap3A, %swap3A_23] : memref<2560x128xf32, #tpu.memory_space<vmem>>, vector<2560x128xf32>
    tpu.vector_store %arg3[%swap3A, %swap3A_23], %div3A_22 {strides = array<i32>} : memref<2560x128xf32, #tpu.memory_space<vmem>>, vector<2560x128xf32>,
    return
  }
  func.func @transform_0(%arg0: i32) -> (i32, i32, i32) {
    %c0_i32 = arith.constant 0 : i32
    %c0_i32_0 = arith.constant 0 : i32
    %c0_i32_1 = arith.constant 0 : i32
    return %c0_i32, %arg0, %c0_i32_0 : i32, i32, i32
  }
  func.func @transform_1(%arg0: i32) -> (i32, i32, i32) {
    %c0_i32 = arith.constant 0 : i32
    %c0_i32_0 = arith.constant 0 : i32
    %c0_i32_1 = arith.constant 0 : i32
    return %c0_i32, %arg0, %c0_i32_0 : i32, i32, i32
  }
  func.func @transform_2(%arg0: i32) -> (i32, i32) {
    %c0_i32 = arith.constant 0 : i32
    %c0_i32_0 = arith.constant 0 : i32
    return %arg0, %c0_i32 : i32, i32
  }
}

</mosaic_0001>

<sc_bundles>
// kernel: kernel.10.cloned.1.call-start
scs
__scs_entry_jumppad:
0x0: {  	(pc) =	sbr.rel $0x88, $3  }
0x1: {  	(tag) =	ssettag $0x0;
	lr =	simm.s32 $0x1  }
0x2: {  	[smem:$0x3F9B] =	sst lr;
	_ =	strace $0xD0000000  }
0x3: {  	_ = 	snop  }
0x4: {  	_ = 	snop  }
0x5: {  	_ = 	snop  }
0x6: {  	_ = 	snop  }
0x7: {  	_ = 	snop  }
__scs_overlays_trampoline_lowered:
0x8: {  	[smem:$0x3FAA] =	sst s0  }
0x9: {  	[smem:$0x3FAB] =	sst s1  }
0xa: {  	[smem:$0x3FAC] =	sst s2  }
0xb: {  	[smem:$0x3FAD] =	sst s3  }
0xc: {  	[smem:$0x3FAE] =	sst s4  }
0xd: {  	[smem:$0x3FAF] =	sst s5  }
0xe: {  	[smem:$0x3FB0] =	sst s6  }
0xf: {  	[smem:$0x3FB1] =	sst s7  }
0x10: {  	[smem:$0x3FB2] =	sst s8  }
0x11: {  	[smem:$0x3FB3] =	sst s9;
	s0 =	simm.s32 @!p0 $0x0  }
0x12: {  	s1 =	sld [smem:$0x3F99];
	s0 =	simm.s32 @p0 $0x1  }
0x13: {  	[smem:$0x3FB4] =	sst s0;
	s0 =	simm.s32 @!p1 $0x0  }
0x14: {  	s2 =	sld [smem:$0x3F98];
	s0 =	simm.s32 @p1 $0x1  }
0x15: {  	[smem:$0x3FB5] =	sst s0;
	s0 =	simm.s32 @!p2 $0x0  }
0x16: {  	s3 =	sld [smem:$0x3FDB];
	s0 =	simm.s32 @p2 $0x1  }
0x17: {  	s4 =	simm.s32 $0x1BF5;
	[smem:$0x3FB7] =	sst s0  }
0x18: {  	s0 =	sld [smem:$0x3F9A];
	_ =	swait.ge [sflag:s4], $0x0  }
0x19: {  	s7 =	sld [smem:$0x3F9B]  }
0x1a: {  	s8 =	sadd.s32 $0xFFFFE003, lr  }
0x1b: {  	s9 =	sadd.s32 $0xFFFFFEF7, lr;
	s5 =	simm.s32 $0xFFFFFFFF;
	p2 =	slt.u32 s8, $0xFFFFF086  }
0x1c: {  	p1 =	slt.u32 s9, $0xF7A;
	s5 =	simm.s32 @!p2 $0x0  }
0x1d: {  	s5 =	simm.s32 @p1 $0x1;
	p0 =	seq.s32 s7, s2  }
0x1e: {  	s7 =	smul.u32 @!p0 $0xF7A, s2;
	p2 =	seq.s32 @!p0 s5, $0x0  }
0x1f: {  	s9 =	smul.u32 $0xF7A, s1;
	s8 =	simm.s32 @!p0 $0x1BF5;
	p2 =	por !p2, p0  }
0x20: {  	[sflag:s8] =	ssyncset.s32 @!p0 $0xFFFFF086;
	s6 =	sadd.s32 @!p0 s3, s7;
	s7 =	simm.s32 @!p0 $0x108  }
0x21: {  	s3 =	sadd.s32 s3, s9;
	s6 =	sadd.s32 @!p0 $0x88, s6;
	s7 =	simm.s32 @p2 $0x1082  }
0x22: {  	[simem:s7], [sflag:s8] =	dma.local @!p0 [hbm:s6], $0xF7A  }
0x23: {  	s9 =	sor.u32 $0xD0000000, s2;
	s6 =	simm.s32 $0x108;
	_ =	swait.ge @!p0 [sflag:s8], $0x0  }
0x24: {  	s3 =	sadd.s32 $0x88, s3;
	s6 =	simm.s32 @!p1 $0x1082;
	[sflag:s4] =	ssyncset.s32 $0xFFFFF086  }
0x25: {  	[simem:s6], [sflag:s4] =	dma.local [hbm:s3], $0xF7A  }
0x26: {  	[smem:$0x3F9B] =	sst s1;
	(tag) =	ssettag s2;
	_ =	strace s9  }
0x27: {  	s1 =	sld [smem:$0x3FAB]  }
0x28: {  	s2 =	sld [smem:$0x3FAC]  }
0x29: {  	s4 =	sld [smem:$0x3FAE]  }
0x2a: {  	p0 =	seq.s32 s5, $0x0;
	s5 =	sld [smem:$0x3FAF]  }
0x2b: {  	s6 =	sld [smem:$0x3FB0]  }
0x2c: {  	s7 =	sld [smem:$0x3FB1]  }
0x2d: {  	s3 =	simm.s32 $0x108;
	s8 =	sld [smem:$0x3FB2]  }
0x2e: {  	s3 =	simm.s32 @!p0 $0x1082;
	s9 =	sld [smem:$0x3FB3]  }
0x2f: {  	lr =	sadd.s32 s0, s3;
	s0 =	sld [smem:$0x3FAA]  }
0x30: {  	s3 =	sld [smem:$0x3FAD]  }
0x31: {  	[smem:$0x3FB6] =	sst s10  }
0x32: {  	s10 =	sld [smem:$0x3FB4];
	_ =	sdelay $0x3  }
0x33: {  	p0 =	seq.s32 s10, $0x1;
	s10 =	sld [smem:$0x3FB6];
	_ =	sdelay $0x3  }
0x34: {  	[smem:$0x3FB6] =	sst s10  }
0x35: {  	s10 =	sld [smem:$0x3FB5];
	_ =	sdelay $0x3  }
0x36: {  	p1 =	seq.s32 s10, $0x1;
	s10 =	sld [smem:$0x3FB6];
	_ =	sdelay $0x3  }
0x37: {  	[smem:$0x3FB6] =	sst s10  }
0x38: {  	s10 =	sld [smem:$0x3FB7]  }
0x39: {  	_ = 	snop;
	(pc) =	sbr.ind lr, $3  }
0x3a: {  	_ = 	snop  }
0x3b: {  	_ = 	snop  }
0x3c: {  	p2 =	seq.s32 s10, $0x1;
	s10 =	sld [smem:$0x3FB6]  }
0x3d: {  	_ =	shalt  }
0x3e: {  	_ =	shalt  }
0x3f: {  	_ =	shalt  }
0x40: {  	_ =	shalt  }
0x41: {  	_ =	shalt  }
0x42: {  	_ =	shalt  }
0x43: {  	_ =	shalt  }
0x44: {  	_ =	shalt  }
0x45: {  	_ =	shalt  }
0x46: {  	_ =	shalt  }
0x47: {  	_ =	shalt  }
0x48: {  	_ =	shalt  }
0x49: {  	_ =	shalt  }
0x4a: {  	_ =	shalt  }
0x4b: {  	_ =	shalt  }
0x4c: {  	_ =	shalt  }
0x4d: {  	_ =	shalt  }
0x4e: {  	_ =	shalt  }
0x4f: {  	_ =	shalt  }
0x50: {  	_ =	shalt  }
0x51: {  	_ =	shalt  }
0x52: {  	_ =	shalt  }
0x53: {  	_ =	shalt  }
0x54: {  	_ =	shalt  }
0x55: {  	_ =	shalt  }
0x56: {  	_ =	shalt  }
0x57: {  	_ =	shalt  }
0x58: {  	_ =	shalt  }
0x59: {  	_ =	shalt  }
0x5a: {  	_ =	shalt  }
0x5b: {  	_ =	shalt  }
0x5c: {  	_ =	shalt  }
0x5d: {  	_ =	shalt  }
0x5e: {  	_ =	shalt  }
0x5f: {  	_ =	shalt  }
0x60: {  	_ =	shalt  }
0x61: {  	_ =	shalt  }
0x62: {  	_ =	shalt  }
0x63: {  	_ =	shalt  }
0x64: {  	_ =	shalt  }
0x65: {  	_ =	shalt  }
0x66: {  	_ =	shalt  }
0x67: {  	_ =	shalt  }
0x68: {  	_ =	shalt  }
0x69: {  	_ =	shalt  }
0x6a: {  	_ =	shalt  }
0x6b: {  	_ =	shalt  }
0x6c: {  	_ =	shalt  }
0x6d: {  	_ =	shalt  }
0x6e: {  	_ =	shalt  }
0x6f: {  	_ =	shalt  }
0x70: {  	_ =	shalt  }
0x71: {  	_ =	shalt  }
0x72: {  	_ =	shalt  }
0x73: {  	_ =	shalt  }
0x74: {  	_ =	shalt  }
0x75: {  	_ =	shalt  }
0x76: {  	_ =	shalt  }
0x77: {  	_ =	shalt  }
0x78: {  	_ =	shalt  }
0x79: {  	_ =	shalt  }
0x7a: {  	_ =	shalt  }
0x7b: {  	_ =	shalt  }
0x7c: {  	_ =	shalt  }
0x7d: {  	_ =	shalt  }
0x7e: {  	_ =	shalt  }
0x7f: {  	_ =	shalt  }
0x80: {  	_ =	shalt  }
0x81: {  	_ =	shalt  }
0x82: {  	_ =	shalt  }
0x83: {  	_ =	shalt  }
0x84: {  	_ =	shalt  }
0x85: {  	_ =	shalt  }
0x86: {  	_ =	shalt  }
0x87: {  	_ =	shalt  }
.Lfunc_end0:
.L_simem_size_0:
called_computation.1_lowered:
.L_overlay_start_0:
0x88: {  	s2 =	sld [smem:$0x3FD9]  }
0x89: {  	s3 =	sld [smem:$0x3FFE];
	_ =	sdelay $0x1  }
0x8a: {  	s1 =	srdreg.scid  }
0x8b: {  	s0 =	sand.u32 $0x1, s1  }
0x8c: {  	s17 =	sshll.u32 s0, $0xA;
	s2 =	sadd.s32 s3, s2  }
0x8d: {  	s2 =	sadd.s32 s2, s17  }
0x8e: {  	[smem:$0x3FC2] =	sst s2  }
0x8f: {  	_ = 	snop  }
0x90: {  	s2 =	sld [smem:$0x3FD0];
	(tm) =	ssettm $0x1  }
0x91: {  	s18 =	sld [smem:$0x3FFB];
	_ =	sdelay $0x3  }
0x92: {  	_ =	strace s18  }
0x93: {  	s3 =	sld [smem:$0x3FFC];
	_ =	sdelay $0x3  }
0x94: {  	_ =	strace s3  }
0x95: {  	s3 =	sld [smem:$0x3FFD];
	_ =	sdelay $0x3  }
0x96: {  	_ =	strace s3  }
0x97: {  	_ =	strace $0x8FFFFFFF  }
0x98: {  	s19 =	sld [smem:$0x3FDB];
	_ =	sdelay $0x1  }
0x99: {  	s4 =	simm.s32 $_scs_section_size  }
0x9a: {  	s5 =	simm.s32 $_size__tile_overlayer_lowered;
	s6 =	simm.s32 $_tile_overlayer_lowered  }
0x9b: {  	s22 =	simm.s32 $0x1BFF;
	s21 =	sshll.u32 s6, $0x1;
	s3 =	sadd.s32 s4, s19  }
0x9c: {  	s7 =	simm.s32 $0x0;
	s20 =	sshll.u32 s5, $0x1;
	s5 =	sadd.s32 s21, s3  }
0x9d: {  	[timem:s7], [sflag:s22] =	dma.local [hbm:s5], s20  }
0x9e: {  	_ =	swait.ge [sflag:s22], s20  }
0x9f: {  	s4 =	ssub.s32 $0x0, s20;
	[sflag:s22] =	ssyncset.done $0x0  }
0xa0: {  	[sflag:s22] =	ssyncadd.s32 s4;
	_ =	sdelay $0x1  }
0xa1: {  	s23 =	simm.s32 $0x1B8B  }
0xa2: {  	_ =	swait.ge [sflag:s23], $0x1  }
0xa3: {  	[sflag:s23] =	ssyncset.done $0x0  }
0xa4: {  	s25 =	simm.s32 $0x1B8E;
	s24 =	sld [smem:$0x3FFE];
	[sflag:s23] =	ssyncadd.s32 $0xFFFFFFFF  }
0xa5: {  	s26 =	simm.s32 $execute0_lowered;
	[smem:$0x3FD2] =	sst s25  }
0xa6: {  	s5 =	sshll.u32 s26, $0x1;
	_ =	strace $0x80000046;
	[dreg:$0x1] =	wrdreg $0xFFFFFFFF  }
0xa7: {  	s28 =	simm.s32 $_size_execute0_lowered;
	s3 =	sadd.s32 s3, s5;
	[dreg:$0x0] =	wrdreg $0x0  }
0xa8: {  	s5 =	sshll.u32 s28, $0x1;
	[dreg:$0x2] =	wrdreg s3  }
0xa9: {  	[dreg:$0x3] =	wrdreg s5  }
0xaa: {  	[dreg:$0x4] =	wrdreg $0xC0  }
0xab: {  	_ =	task [dreg:s7], $0x5FFFF  }
0xac: {  	[dreg:$0x1] =	wrdreg $0xFFFFFFFF  }
0xad: {  	[dreg:$0x0] =	wrdreg $0x60  }
0xae: {  	[dreg:$0x2] =	wrdreg s2  }
0xaf: {  	[dreg:$0x3] =	wrdreg s24  }
0xb0: {  	[dreg:$0x4] =	wrdreg $0x68800  }
0xb1: {  	[dreg:$0x5] =	wrdreg $0xA  }
0xb2: {  	_ =	task.clear_ibuf [dreg:s7], $0x6FFFF;
	_ =	strace $0x90000046  }
0xb3: {  	s29 =	simm.s32 $0xA;
	_ =	strace $0x80000048  }
0xb4: {  	_ =	swait.ge [sflag:s29], $0x1  }
0xb5: {  	[sflag:s29] =	ssyncadd.s32 $0xFFFFFFFF  }
0xb6: {  	_ =	strace $0x90000048  }
0xb7: {  	_ =	sfence  }
0xb8: {  	s30 =	sld [smem:$0x0];
	_ =	sdelay $0x2  }
0xb9: {  	s31 =	sshll.u32 s1, $0xD;
	s1 =	sshrl.u32 s1, $0x2  }
0xba: {  	s3 =	sand.u32 $0x4000, s31;
	s1 =	sadd.s32 s1, s30  }
0xbb: {  	s0 =	sor.u32 s3, s0;
	s1 =	sshll.u32 s1, $0x11  }
0xbc: {  	s0 =	sor.u32 s1, s0  }
0xbd: {  	s0 =	sadd.s32 $0x8F2B, s0  }
0xbe: {  	[sflag:s0] =	ssyncadd.remote.s32 $0x1  }
0xbf: {  	_ =	sfence.sel $0xFFFF  }
0xc0: {  	[dreg:$0x0] =	wrdreg $0xFFFFFFFF;
	(pc) =	sbr.abs _section_cstart, $3  }
0xc1: {  	[dreg:$0x1] =	wrdreg $0xFFFFFFFF  }
0xc2: {  	_ =	task.clear_ibuf [dreg:s7], $0x2FFFF;
	_ =	strace $0x9FFFFFFF  }
0xc3: {  	(tm) =	ssettm $0x7FFFFFFF  }
tec
execute0_lowered:
.L_overlay_start_1:
0x0: {  	(tag) =	ssettag $0x1  }
0x1: {  	s1 =	rddreg [dreg:$0x0];
	s3 =	srdreg.scid  }
0x2: {  	s0 =	rddreg [dreg:$0x1];
	s3 =	sand.u32 $0x1, s3  }
0x3: {  	s2 =	rddreg [dreg:$0x2];
	s12 =	stileid.u32;
	s10 =	sshll.u32 s3, $0x4  }
0x4: {  	s4 =	simm.s32 $0x0;
	s8 =	smul.u32 $0x280, s12;
	s10 =	sor.u32 s12, s10  }
0x5: {  	[smem:$0x7FF] =	sst s4;
	s5 =	sadd.s32 $0x1400, s0;
	s26 =	smul.u32 $0x2710, s10  }
0x6: {  	s6 =	sadd.s32 $0xB200, s0;
	s7 =	sadd.s32 $0x4F7000, s0;
	s10 =	smul.u32 $0x27100, s10  }
0x7: {  	s13 =	sadd.s32 $0x15000, s0;
	_ =	strace $0x80000047;
	s9 =	smul.u32 $0x2800, s3  }
0x8: {  	s3 =	ssub.s32 $0x2, s3;
	[dreg:$0x4] =	wrdreg s13;
	s10 =	sadd.s32 s7, s10  }
0x9: {  	s11 =	sshrl.u32 s3, $0x1;
	s21 =	sadd.s32 $0x50, s26;
	[dreg:$0x8] =	wrdreg s10  }
0xa: {  	s12 =	smul.u32 $0x50000, s12;
	s22 =	sadd.s32 $0x78, s26;
	[dreg:$0xc] =	wrdreg s21  }
0xb: {  	s8 =	sadd.s32 s8, s9;
	s23 =	sadd.s32 $0xA0, s26;
	[dreg:$0xd] =	wrdreg s22  }
0xc: {  	s14 =	sshrl.u32 s12, $0x2;
	s24 =	sadd.s32 $0xC8, s26;
	[dreg:$0xe] =	wrdreg s23  }
0xd: {  	s15 =	sshrl.u32 s26, $0x3;
	s25 =	sadd.s32 $0xF0, s26;
	[dreg:$0xf] =	wrdreg s24  }
0xe: {  	s18 =	sadd.s32 $0x28, s26;
	s26 =	sadd.s32 $0x118, s26;
	[dreg:$0x10] =	wrdreg s25  }
0xf: {  	s3 =	ssub.s32 s3, s11;
	s16 =	sadd.s32 s14, s2;
	[dreg:$0x11] =	wrdreg s26  }
0x10: {  	s8 =	sshll.u32 s8, $0x4;
	s17 =	sadd.s32 s5, s15;
	[dreg:$0x5] =	wrdreg s16  }
0x11: {  	s0 =	sadd.s32 s8, s0;
	s11 =	sadd.s32 s6, s15;
	[dreg:$0x6] =	wrdreg s17  }
0x12: {  	s9 =	sadd.s32 $0x15400, s0;
	[dreg:$0x7] =	wrdreg s11  }
0x13: {  	s12 =	sadd.s32 $0x15B80, s0;
	[dreg:$0x12] =	wrdreg s9  }
0x14: {  	s13 =	sadd.s32 $0x15E00, s0;
	[dreg:$0x15] =	wrdreg s12  }
0x15: {  	s14 =	sadd.s32 $0x16080, s0;
	[dreg:$0x16] =	wrdreg s13  }
0x16: {  	s19 =	sshrl.u32 s18, $0x3;
	s15 =	sadd.s32 $0x16300, s0;
	[dreg:$0x17] =	wrdreg s14  }
0x17: {  	s8 =	sshll.u32 s18, $0x4;
	s18 =	sadd.s32 $0x16800, s0;
	[dreg:$0x18] =	wrdreg s15  }
0x18: {  	s21 =	sadd.s32 $0x16F80, s0;
	[dreg:$0x1a] =	wrdreg s18  }
0x19: {  	s22 =	sadd.s32 $0x17200, s0;
	[dreg:$0x1d] =	wrdreg s21  }
0x1a: {  	s23 =	sadd.s32 $0x17480, s0;
	[dreg:$0x1e] =	wrdreg s22  }
0x1b: {  	s29 =	simm.s32 $0x2;
	s24 =	sadd.s32 $0x17700, s0;
	[dreg:$0x1f] =	wrdreg s23  }
0x1c: {  	s25 =	smax.u32 s3, $0x1;
	s26 =	sadd.s32 $0x1400, s16;
	[smem:$0x7F5] =	sst s24  }
0x1d: {  	s30 =	sadd.s32 $0xB400, s16;
	s28 =	sadd.s32 $0xC800, s16;
	[smem:$0x7F7] =	sst s25  }
0x1e: {  	s31 =	sadd.s32 $0xF000, s16;
	s20 =	sadd.s32 s5, s19;
	[smem:$0x7F8] =	sst s26  }
0x1f: {  	s3 =	simm.s32 $0x5;
	s10 =	sadd.s32 s6, s19;
	[dreg:$0x9] =	wrdreg s20  }
0x20: {  	s8 =	sadd.s32 s7, s8;
	s11 =	sadd.s32 $0x15900, s0;
	[dreg:$0xa] =	wrdreg s10  }
0x21: {  	s17 =	sadd.s32 $0x16580, s0;
	s19 =	sadd.s32 $0x16A80, s0;
	[dreg:$0xb] =	wrdreg s8  }
0x22: {  	s18 =	sadd.s32 $0x3C00, s16;
	s21 =	sadd.s32 $0x5000, s16;
	[dreg:$0x14] =	wrdreg s11  }
0x23: {  	s22 =	sadd.s32 $0x6400, s16;
	s23 =	sadd.s32 $0x7800, s16;
	[dreg:$0x19] =	wrdreg s17  }
0x24: {  	s24 =	sadd.s32 $0xA000, s16;
	s14 =	simm.s32 $0x0;
	[dreg:$0x1b] =	wrdreg s19  }
0x25: {  	s13 =	sadd.s32 $0x11800, s16;
	s12 =	simm.s32 $0x480;
	[smem:$0x7F9] =	sst s14  }
0x26: {  	s25 =	simm.s32 $0x1;
	s26 =	simm.s32 $0x28;
	[smem:$0x7FB] =	sst s18  }
0x27: {  	s9 =	simm.s32 $0x7;
	s10 =	sadd.s32 $0x15680, s0;
	[smem:$0x7FC] =	sst s21  }
.Ltmp0:
0x28: {  	s20 =	sadd.s32 $0x16D00, s0;
	[dreg:$0x13] =	wrdreg s10;
	(pc) =	sbr.rel .LBB2_1-.Ltmp0, $4  }
0x29: {  	s0 =	sadd.s32 $0x17980, s0;
	s17 =	sadd.s32 $0x2800, s16;
	[dreg:$0x1c] =	wrdreg s20  }
0x2a: {  	s11 =	sadd.s32 $0x8C00, s16;
	s8 =	simm.s32 $0x3;
	[smem:$0x7F6] =	sst s0  }
0x2b: {  	s19 =	simm.s32 $0x6;
	s0 =	sadd.s32 $0x12C00, s16;
	[smem:$0x7FA] =	sst s17  }
0x2c: {  	s20 =	sadd.s32 $0xDC00, s16;
	s10 =	sadd.s32 $0x10400, s16;
	[smem:$0x7FD] =	sst s0  }
.LBB2_16:
0x2d: {  	s14 =	simm.s32 $0x9  }
0x2e: {  	_ =	swait.ge [sflag:s14], $0x1400  }
0x2f: {  	[sflag:s14] =	ssyncset.done $0x0  }
0x30: {  	[sflag:s14] =	ssyncadd.s32 $0xFFFFEC00  }
0x31: {  	_ =	swait.ge [sflag:s9], $0x1400  }
0x32: {  	[sflag:s9] =	ssyncset.done $0x0  }
0x33: {  	[sflag:s9] =	ssyncadd.s32 $0xFFFFEC00  }
0x34: {  	[bflag:$0x0] =	sbarrier.arrive $0xFFFF  }
0x35: {  	s15 =	rddreg [dreg:$0x5]  }
0x36: {  	[tilespmem:s12], [sflag:$0xA] =	stream.linear.gather [spmem:s15], $0x1400, $0x38;
	[tilespmem:$0x1A880] =	vst v63  }
0x37: {  	s15 =	simm.s32 $0xA  }
0x38: {  	_ =	swait.ge [sflag:s15], $0x1400  }
0x39: {  	[sflag:s15] =	ssyncset.done $0x0  }
0x3a: {  	s16 =	rddreg [dreg:$0x12];
	[sflag:s15] =	ssyncadd.s32 $0xFFFFEC00  }
0x3b: {  	[hbm4b:s16+s4] =	stream.linear.scatter [tilespmem:s12], [sflag:$0xA], $0x1400, $0x38;
	[tilespmem:$0x1A880] =	vst v63  }
0x3c: {  	_ =	swait.ge [sflag:s15], $0x1400  }
0x3d: {  	s17 =	sld [smem:$0x7F8]  }
0x3e: {  	[sflag:s15] =	ssyncset.done $0x0  }
0x3f: {  	[sflag:s15] =	ssyncadd.s32 $0xFFFFEC00  }
0x40: {  	[tilespmem:s12], [sflag:$0xA] =	stream.linear.gather [spmem:s17], $0x1400, $0x38;
	[tilespmem:$0x1A880] =	vst v63  }
0x41: {  	_ =	swait.ge [sflag:s15], $0x1400  }
0x42: {  	[sflag:s15] =	ssyncset.done $0x0  }
0x43: {  	s18 =	rddreg [dreg:$0x13];
	[sflag:s15] =	ssyncadd.s32 $0xFFFFEC00  }
0x44: {  	[hbm4b:s18+s4] =	stream.linear.scatter [tilespmem:s12], [sflag:$0xA], $0x1400, $0x38;
	[tilespmem:$0x1A880] =	vst v63  }
0x45: {  	_ =	swait.ge [sflag:s15], $0x1400  }
0x46: {  	s17 =	sld [smem:$0x7FA]  }
0x47: {  	[sflag:s15] =	ssyncset.done $0x0  }
0x48: {  	[sflag:s15] =	ssyncadd.s32 $0xFFFFEC00  }
0x49: {  	[tilespmem:s12], [sflag:$0xA] =	stream.linear.gather [spmem:s17], $0x1400, $0x38;
	[tilespmem:$0x1A880] =	vst v63  }
0x4a: {  	_ =	swait.ge [sflag:s15], $0x1400  }
0x4b: {  	[sflag:s15] =	ssyncset.done $0x0  }
0x4c: {  	s21 =	rddreg [dreg:$0x14];
	[sflag:s15] =	ssyncadd.s32 $0xFFFFEC00  }
0x4d: {  	[hbm4b:s21+s4] =	stream.linear.scatter [tilespmem:s12], [sflag:$0xA], $0x1400, $0x38;
	[tilespmem:$0x1A880] =	vst v63  }
0x4e: {  	_ =	swait.ge [sflag:s15], $0x1400  }
0x4f: {  	s18 =	sld [smem:$0x7FB]  }
0x50: {  	[sflag:s15] =	ssyncset.done $0x0  }
0x51: {  	[sflag:s15] =	ssyncadd.s32 $0xFFFFEC00  }
0x52: {  	[tilespmem:s12], [sflag:$0xA] =	stream.linear.gather [spmem:s18], $0x1400, $0x38;
	[tilespmem:$0x1A880] =	vst v63  }
0x53: {  	_ =	swait.ge [sflag:s15], $0x1400  }
0x54: {  	[sflag:s15] =	ssyncset.done $0x0  }
0x55: {  	s23 =	rddreg [dreg:$0x15];
	[sflag:s15] =	ssyncadd.s32 $0xFFFFEC00  }
0x56: {  	[hbm4b:s23+s4] =	stream.linear.scatter [tilespmem:s12], [sflag:$0xA], $0x1400, $0x38;
	[tilespmem:$0x1A880] =	vst v63  }
0x57: {  	_ =	swait.ge [sflag:s15], $0x1400  }
0x58: {  	s21 =	sld [smem:$0x7FC]  }
0x59: {  	[sflag:s15] =	ssyncset.done $0x0  }
0x5a: {  	[sflag:s15] =	ssyncadd.s32 $0xFFFFEC00  }
0x5b: {  	[tilespmem:s12], [sflag:$0xA] =	stream.linear.gather [spmem:s21], $0x1400, $0x38;
	[tilespmem:$0x1A880] =	vst v63  }
0x5c: {  	_ =	swait.ge [sflag:s15], $0x1400  }
0x5d: {  	[sflag:s15] =	ssyncset.done $0x0  }
0x5e: {  	s16 =	rddreg [dreg:$0x16];
	[sflag:s15] =	ssyncadd.s32 $0xFFFFEC00  }
0x5f: {  	[hbm4b:s16+s4] =	stream.linear.scatter [tilespmem:s12], [sflag:$0xA], $0x1400, $0x38;
	[tilespmem:$0x1A880] =	vst v63  }
0x60: {  	_ =	swait.ge [sflag:s15], $0x1400  }
0x61: {  	[sflag:s15] =	ssyncset.done $0x0  }
0x62: {  	[sflag:s15] =	ssyncadd.s32 $0xFFFFEC00  }
0x63: {  	[tilespmem:s12], [sflag:$0xA] =	stream.linear.gather [spmem:s22], $0x1400, $0x38;
	[tilespmem:$0x1A880] =	vst v63  }
0x64: {  	_ =	swait.ge [sflag:s15], $0x1400  }
0x65: {  	[sflag:s15] =	ssyncset.done $0x0  }
0x66: {  	s23 =	rddreg [dreg:$0x17];
	[sflag:s15] =	ssyncadd.s32 $0xFFFFEC00  }
0x67: {  	[hbm4b:s23+s4] =	stream.linear.scatter [tilespmem:s12], [sflag:$0xA], $0x1400, $0x38;
	[tilespmem:$0x1A880] =	vst v63  }
0x68: {  	_ =	swait.ge [sflag:s15], $0x1400  }
0x69: {  	[sflag:s15] =	ssyncset.done $0x0  }
0x6a: {  	[sflag:s15] =	ssyncadd.s32 $0xFFFFEC00  }
0x6b: {  	[tilespmem:s12], [sflag:$0xA] =	stream.linear.gather [spmem:s0], $0x1400, $0x38;
	[tilespmem:$0x1A880] =	vst v63  }
0x6c: {  	_ =	swait.ge [sflag:s15], $0x1400  }
0x6d: {  	[sflag:s15] =	ssyncset.done $0x0  }
0x6e: {  	s23 =	smov.u32 s0;
	s0 =	rddreg [dreg:$0x18];
	[sflag:s15] =	ssyncadd.s32 $0xFFFFEC00  }
0x6f: {  	[hbm4b:s0+s4] =	stream.linear.scatter [tilespmem:s12], [sflag:$0xA], $0x1400, $0x38;
	[tilespmem:$0x1A880] =	vst v63  }
0x70: {  	_ =	swait.ge [sflag:s15], $0x1400  }
0x71: {  	[sflag:s15] =	ssyncset.done $0x0  }
0x72: {  	[sflag:s15] =	ssyncadd.s32 $0xFFFFEC00  }
0x73: {  	[tilespmem:s12], [sflag:$0xA] =	stream.linear.gather [spmem:s11], $0x1400, $0x38;
	[tilespmem:$0x1A880] =	vst v63  }
0x74: {  	_ =	swait.ge [sflag:s15], $0x1400  }
0x75: {  	[sflag:s15] =	ssyncset.done $0x0  }
0x76: {  	s16 =	rddreg [dreg:$0x19];
	[sflag:s15] =	ssyncadd.s32 $0xFFFFEC00  }
0x77: {  	[hbm4b:s16+s4] =	stream.linear.scatter [tilespmem:s12], [sflag:$0xA], $0x1400, $0x38;
	[tilespmem:$0x1A880] =	vst v63  }
0x78: {  	_ =	swait.ge [sflag:s15], $0x1400  }
0x79: {  	[sflag:s15] =	ssyncset.done $0x0  }
0x7a: {  	[sflag:s15] =	ssyncadd.s32 $0xFFFFEC00  }
0x7b: {  	[tilespmem:s12], [sflag:$0xA] =	stream.linear.gather [spmem:s24], $0x1400, $0x38;
	[tilespmem:$0x1A880] =	vst v63  }
0x7c: {  	_ =	swait.ge [sflag:s15], $0x1400  }
0x7d: {  	[sflag:s15] =	ssyncset.done $0x0  }
0x7e: {  	s0 =	rddreg [dreg:$0x1a];
	[sflag:s15] =	ssyncadd.s32 $0xFFFFEC00  }
0x7f: {  	[hbm4b:s0+s4] =	stream.linear.scatter [tilespmem:s12], [sflag:$0xA], $0x1400, $0x38;
	[tilespmem:$0x1A880] =	vst v63  }
0x80: {  	_ =	swait.ge [sflag:s15], $0x1400  }
0x81: {  	[sflag:s15] =	ssyncset.done $0x0  }
0x82: {  	[sflag:s15] =	ssyncadd.s32 $0xFFFFEC00  }
0x83: {  	[tilespmem:s12], [sflag:$0xA] =	stream.linear.gather [spmem:s30], $0x1400, $0x38;
	[tilespmem:$0x1A880] =	vst v63  }
0x84: {  	_ =	swait.ge [sflag:s15], $0x1400  }
0x85: {  	[sflag:s15] =	ssyncset.done $0x0  }
0x86: {  	s16 =	rddreg [dreg:$0x1b];
	[sflag:s15] =	ssyncadd.s32 $0xFFFFEC00  }
0x87: {  	[hbm4b:s16+s4] =	stream.linear.scatter [tilespmem:s12], [sflag:$0xA], $0x1400, $0x38;
	[tilespmem:$0x1A880] =	vst v63  }
0x88: {  	_ =	swait.ge [sflag:s15], $0x1400  }
0x89: {  	[sflag:s15] =	ssyncset.done $0x0  }
0x8a: {  	[sflag:s15] =	ssyncadd.s32 $0xFFFFEC00  }
0x8b: {  	[tilespmem:s12], [sflag:$0xA] =	stream.linear.gather [spmem:s28], $0x1400, $0x38;
	[tilespmem:$0x1A880] =	vst v63  }
0x8c: {  	_ =	swait.ge [sflag:s15], $0x1400  }
0x8d: {  	[sflag:s15] =	ssyncset.done $0x0  }
0x8e: {  	s0 =	rddreg [dreg:$0x1c];
	[sflag:s15] =	ssyncadd.s32 $0xFFFFEC00  }
0x8f: {  	[hbm4b:s0+s4] =	stream.linear.scatter [tilespmem:s12], [sflag:$0xA], $0x1400, $0x38;
	[tilespmem:$0x1A880] =	vst v63  }
0x90: {  	_ =	swait.ge [sflag:s15], $0x1400  }
0x91: {  	[sflag:s15] =	ssyncset.done $0x0  }
0x92: {  	[sflag:s15] =	ssyncadd.s32 $0xFFFFEC00  }
0x93: {  	[tilespmem:s12], [sflag:$0xA] =	stream.linear.gather [spmem:s20], $0x1400, $0x38;
	[tilespmem:$0x1A880] =	vst v63  }
0x94: {  	_ =	swait.ge [sflag:s15], $0x1400  }
0x95: {  	[sflag:s15] =	ssyncset.done $0x0  }
0x96: {  	s16 =	rddreg [dreg:$0x1d];
	[sflag:s15] =	ssyncadd.s32 $0xFFFFEC00  }
0x97: {  	[hbm4b:s16+s4] =	stream.linear.scatter [tilespmem:s12], [sflag:$0xA], $0x1400, $0x38;
	[tilespmem:$0x1A880] =	vst v63  }
0x98: {  	_ =	swait.ge [sflag:s15], $0x1400  }
0x99: {  	[sflag:s15] =	ssyncset.done $0x0  }
0x9a: {  	[sflag:s15] =	ssyncadd.s32 $0xFFFFEC00  }
0x9b: {  	[tilespmem:s12], [sflag:$0xA] =	stream.linear.gather [spmem:s31], $0x1400, $0x38;
	[tilespmem:$0x1A880] =	vst v63  }
0x9c: {  	_ =	swait.ge [sflag:s15], $0x1400  }
0x9d: {  	[sflag:s15] =	ssyncset.done $0x0  }
0x9e: {  	s0 =	rddreg [dreg:$0x1e];
	[sflag:s15] =	ssyncadd.s32 $0xFFFFEC00  }
0x9f: {  	[hbm4b:s0+s4] =	stream.linear.scatter [tilespmem:s12], [sflag:$0xA], $0x1400, $0x38;
	[tilespmem:$0x1A880] =	vst v63  }
0xa0: {  	_ =	swait.ge [sflag:s15], $0x1400  }
0xa1: {  	[sflag:s15] =	ssyncset.done $0x0  }
0xa2: {  	[sflag:s15] =	ssyncadd.s32 $0xFFFFEC00  }
0xa3: {  	[tilespmem:s12], [sflag:$0xA] =	stream.linear.gather [spmem:s10], $0x1400, $0x38;
	[tilespmem:$0x1A880] =	vst v63  }
0xa4: {  	_ =	swait.ge [sflag:s15], $0x1400  }
0xa5: {  	[sflag:s15] =	ssyncset.done $0x0  }
0xa6: {  	s16 =	rddreg [dreg:$0x1f];
	[sflag:s15] =	ssyncadd.s32 $0xFFFFEC00  }
0xa7: {  	[hbm4b:s16+s4] =	stream.linear.scatter [tilespmem:s12], [sflag:$0xA], $0x1400, $0x38;
	[tilespmem:$0x1A880] =	vst v63  }
0xa8: {  	_ =	swait.ge [sflag:s15], $0x1400  }
0xa9: {  	[sflag:s15] =	ssyncset.done $0x0  }
0xaa: {  	[sflag:s15] =	ssyncadd.s32 $0xFFFFEC00  }
0xab: {  	[tilespmem:s12], [sflag:$0xA] =	stream.linear.gather [spmem:s13], $0x1400, $0x38;
	[tilespmem:$0x1A880] =	vst v63  }
0xac: {  	_ =	swait.ge [sflag:s15], $0x1400  }
0xad: {  	s0 =	sld [smem:$0x7F5]  }
0xae: {  	[sflag:s15] =	ssyncset.done $0x0  }
0xaf: {  	[sflag:s15] =	ssyncadd.s32 $0xFFFFEC00  }
0xb0: {  	[hbm4b:s0+s4] =	stream.linear.scatter [tilespmem:s12], [sflag:$0xA], $0x1400, $0x38;
	[tilespmem:$0x1A880] =	vst v63  }
0xb1: {  	_ =	swait.ge [sflag:s15], $0x1400  }
0xb2: {  	s0 =	sld [smem:$0x7FD]  }
0xb3: {  	[sflag:s15] =	ssyncset.done $0x0  }
0xb4: {  	[sflag:s15] =	ssyncadd.s32 $0xFFFFEC00  }
0xb5: {  	[tilespmem:s12], [sflag:$0xA] =	stream.linear.gather [spmem:s0], $0x1400, $0x38;
	[tilespmem:$0x1A880] =	vst v63  }
0xb6: {  	_ =	swait.ge [sflag:s15], $0x1400  }
0xb7: {  	s16 =	sld [smem:$0x7F6]  }
0xb8: {  	[sflag:s15] =	ssyncset.done $0x0  }
0xb9: {  	[sflag:s15] =	ssyncadd.s32 $0xFFFFEC00  }
0xba: {  	[hbm4b:s16+s4] =	stream.linear.scatter [tilespmem:s12], [sflag:$0xA], $0x1400, $0x38;
	[tilespmem:$0x1A880] =	vst v63  }
0xbb: {  	_ =	swait.ge [sflag:s15], $0x1400  }
0xbc: {  	s16 =	sld [smem:$0x7F9]  }
0xbd: {  	[sflag:s15] =	ssyncset.done $0x0;
	s15 =	sld [smem:$0x7F7];
	_ =	sdelay $0x1  }
0xbe: {  	s16 =	sadd.s32 $0x1, s16  }
0xbf: {  	p0 =	sne.s32 s16, s15  }
.Ltmp1:
0xc0: {  	_ = 	snop;
	(pc) =	sbr.rel @!p0 .LBB2_17-.Ltmp1, $3  }
0xc1: {  	_ =	sdelay $0x1  }
0xc2: {  	[smem:$0x7F9] =	sst s16;
	s15 =	simm.s32 $0xA  }
0xc3: {  	s16 =	rddreg [dreg:$0x5];
	[sflag:s15] =	ssyncadd.s32 $0xFFFFEC00  }
.LBB2_1:
0xc4: {  	s15 =	simm.s32 $0xA;
	s14 =	rddreg [dreg:$0x4]  }
0xc5: {  	[tilespmem:s12], [sflag:$0xA] =	stream.linear.gather [hbm4b:s14+s4], $0x1400, $0x38;
	[tilespmem:$0x1A880] =	vst v63  }
0xc6: {  	_ =	swait.ge [sflag:s15], $0x1400  }
0xc7: {  	[sflag:s15] =	ssyncset.done $0x0  }
0xc8: {  	[sflag:s15] =	ssyncadd.s32 $0xFFFFEC00  }
0xc9: {  	[spmem:s16] =	stream.linear.scatter [tilespmem:s12], [sflag:$0xA], $0x1400, $0x38;
	[tilespmem:$0x1A880] =	vst v63  }
0xca: {  	_ =	swait.ge [sflag:s15], $0x1400  }
0xcb: {  	s16 =	sld [smem:$0x7F8]  }
0xcc: {  	[sflag:s15] =	ssyncset.done $0x0  }
0xcd: {  	[sflag:s15] =	ssyncadd.s32 $0xFFFFEC00  }
0xce: {  	[spmem:s16] =	stream.linear.scatter [tilespmem:s12], [sflag:$0xA], $0x1400, $0x38;
	[tilespmem:$0x1A880] =	vst v63  }
0xcf: {  	_ =	swait.ge [sflag:s15], $0x1400  }
0xd0: {  	[sflag:s15] =	ssyncset.done $0x0  }
0xd1: {  	[sflag:s15] =	ssyncadd.s32 $0xFFFFEC00  }
0xd2: {  	[spmem:s17] =	stream.linear.scatter [tilespmem:s12], [sflag:$0xA], $0x1400, $0x38;
	[tilespmem:$0x1A880] =	vst v63  }
0xd3: {  	_ =	swait.ge [sflag:s15], $0x1400  }
0xd4: {  	[sflag:s15] =	ssyncset.done $0x0  }
0xd5: {  	[sflag:s15] =	ssyncadd.s32 $0xFFFFEC00  }
0xd6: {  	[spmem:s18] =	stream.linear.scatter [tilespmem:s12], [sflag:$0xA], $0x1400, $0x38;
	[tilespmem:$0x1A880] =	vst v63  }
0xd7: {  	_ =	swait.ge [sflag:s15], $0x1400  }
0xd8: {  	[sflag:s15] =	ssyncset.done $0x0  }
0xd9: {  	[sflag:s15] =	ssyncadd.s32 $0xFFFFEC00  }
0xda: {  	[spmem:s21] =	stream.linear.scatter [tilespmem:s12], [sflag:$0xA], $0x1400, $0x38;
	[tilespmem:$0x1A880] =	vst v63  }
0xdb: {  	_ =	swait.ge [sflag:s15], $0x1400  }
0xdc: {  	[sflag:s15] =	ssyncset.done $0x0  }
0xdd: {  	[sflag:s15] =	ssyncadd.s32 $0xFFFFEC00  }
0xde: {  	[spmem:s22] =	stream.linear.scatter [tilespmem:s12], [sflag:$0xA], $0x1400, $0x38;
	[tilespmem:$0x1A880] =	vst v63  }
0xdf: {  	_ =	swait.ge [sflag:s15], $0x1400  }
0xe0: {  	[sflag:s15] =	ssyncset.done $0x0  }
0xe1: {  	[sflag:s15] =	ssyncadd.s32 $0xFFFFEC00  }
0xe2: {  	[spmem:s23] =	stream.linear.scatter [tilespmem:s12], [sflag:$0xA], $0x1400, $0x38;
	[tilespmem:$0x1A880] =	vst v63  }
0xe3: {  	_ =	swait.ge [sflag:s15], $0x1400  }
0xe4: {  	[sflag:s15] =	ssyncset.done $0x0  }
0xe5: {  	[sflag:s15] =	ssyncadd.s32 $0xFFFFEC00  }
0xe6: {  	[spmem:s11] =	stream.linear.scatter [tilespmem:s12], [sflag:$0xA], $0x1400, $0x38;
	[tilespmem:$0x1A880] =	vst v63  }
0xe7: {  	_ =	swait.ge [sflag:s15], $0x1400  }
0xe8: {  	[sflag:s15] =	ssyncset.done $0x0  }
0xe9: {  	[sflag:s15] =	ssyncadd.s32 $0xFFFFEC00  }
0xea: {  	[spmem:s24] =	stream.linear.scatter [tilespmem:s12], [sflag:$0xA], $0x1400, $0x38;
	[tilespmem:$0x1A880] =	vst v63  }
0xeb: {  	_ =	swait.ge [sflag:s15], $0x1400  }
0xec: {  	[sflag:s15] =	ssyncset.done $0x0  }
0xed: {  	[sflag:s15] =	ssyncadd.s32 $0xFFFFEC00  }
0xee: {  	[spmem:s30] =	stream.linear.scatter [tilespmem:s12], [sflag:$0xA], $0x1400, $0x38;
	[tilespmem:$0x1A880] =	vst v63  }
0xef: {  	_ =	swait.ge [sflag:s15], $0x1400  }
0xf0: {  	[sflag:s15] =	ssyncset.done $0x0  }
0xf1: {  	[sflag:s15] =	ssyncadd.s32 $0xFFFFEC00  }
0xf2: {  	[spmem:s28] =	stream.linear.scatter [tilespmem:s12], [sflag:$0xA], $0x1400, $0x38;
	[tilespmem:$0x1A880] =	vst v63  }
0xf3: {  	_ =	swait.ge [sflag:s15], $0x1400  }
0xf4: {  	[sflag:s15] =	ssyncset.done $0x0  }
0xf5: {  	[sflag:s15] =	ssyncadd.s32 $0xFFFFEC00  }
0xf6: {  	[spmem:s20] =	stream.linear.scatter [tilespmem:s12], [sflag:$0xA], $0x1400, $0x38;
	[tilespmem:$0x1A880] =	vst v63  }
0xf7: {  	_ =	swait.ge [sflag:s15], $0x1400  }
0xf8: {  	[sflag:s15] =	ssyncset.done $0x0  }
0xf9: {  	[sflag:s15] =	ssyncadd.s32 $0xFFFFEC00  }
0xfa: {  	[spmem:s31] =	stream.linear.scatter [tilespmem:s12], [sflag:$0xA], $0x1400, $0x38;
	[tilespmem:$0x1A880] =	vst v63  }
0xfb: {  	_ =	swait.ge [sflag:s15], $0x1400  }
0xfc: {  	[sflag:s15] =	ssyncset.done $0x0  }
0xfd: {  	[sflag:s15] =	ssyncadd.s32 $0xFFFFEC00  }
0xfe: {  	[spmem:s10] =	stream.linear.scatter [tilespmem:s12], [sflag:$0xA], $0x1400, $0x38;
	[tilespmem:$0x1A880] =	vst v63  }
0xff: {  	_ =	swait.ge [sflag:s15], $0x1400  }
0x100: {  	[sflag:s15] =	ssyncset.done $0x0  }
0x101: {  	[sflag:s15] =	ssyncadd.s32 $0xFFFFEC00  }
0x102: {  	[spmem:s13] =	stream.linear.scatter [tilespmem:s12], [sflag:$0xA], $0x1400, $0x38;
	[tilespmem:$0x1A880] =	vst v63  }
0x103: {  	_ =	swait.ge [sflag:s15], $0x1400  }
0x104: {  	[sflag:s15] =	ssyncset.done $0x0  }
0x105: {  	[sflag:s15] =	ssyncadd.s32 $0xFFFFEC00  }
0x106: {  	[spmem:s0] =	stream.linear.scatter [tilespmem:s12], [sflag:$0xA], $0x1400, $0x38;
	[tilespmem:$0x1A880] =	vst v63  }
0x107: {  	_ =	swait.ge [sflag:s15], $0x1400  }
0x108: {  	[sflag:s15] =	ssyncset.done $0x0  }
0x109: {  	[sflag:s15] =	ssyncadd.s32 $0xFFFFEC00  }
0x10a: {  	[bflag:$0x0] =	sbarrier.arrive $0xFFFF  }
0x10b: {  	s15 =	rddreg [dreg:$0x6]  }
0x10c: {  	[tilespmem:s4], [sflag:$0x1] =	stream.linear.gather [hbm4b:s15+s4], $0x28, $0x38;
	[tilespmem:$0x1A880] =	vst v63  }
0x10d: {  	s17 =	simm.s32 $0x180;
	s16 =	rddreg [dreg:$0x7]  }
0x10e: {  	[tilespmem:s17], [sflag:$0x1] =	stream.linear.gather [hbm4b:s16+s4], $0x28, $0x38;
	[tilespmem:$0x1A880] =	vst v63  }
0x10f: {  	s21 =	simm.s32 $0x4080;
	s18 =	rddreg [dreg:$0x8]  }
0x110: {  	[tilespmem:s21], [sflag:$0x1] =	stream.linear.gather [hbm4b:s18+s4], $0x1400, $0x38;
	[tilespmem:$0x1A880] =	vst v63  }
0x111: {  	s0 =	rddreg [dreg:$0x9];
	s18 =	simm.s32 $0x80  }
0x112: {  	[tilespmem:s18], [sflag:$0x2] =	stream.linear.gather [hbm4b:s0+s4], $0x28, $0x38;
	[tilespmem:$0x1A880] =	vst v63  }
0x113: {  	s15 =	rddreg [dreg:$0xa];
	s16 =	simm.s32 $0x200  }
0x114: {  	[tilespmem:s16], [sflag:$0x2] =	stream.linear.gather [hbm4b:s15+s4], $0x28, $0x38;
	[tilespmem:$0x1A880] =	vst v63  }
0x115: {  	s17 =	rddreg [dreg:$0xb];
	s21 =	simm.s32 $0x5480  }
0x116: {  	[tilespmem:s21], [sflag:$0x2] =	stream.linear.gather [hbm4b:s17+s4], $0x1400, $0x38;
	[tilespmem:$0x1A880] =	vst v63  }
0x117: {  	_ =	swait.ge [sflag:s25], $0x28  }
0x118: {  	[sflag:s25] =	ssyncset.done $0x0  }
0x119: {  	[sflag:s25] =	ssyncadd.s32 $0xFFFFFFD8  }
0x11a: {  	_ =	swait.ge [sflag:s25], $0x28  }
0x11b: {  	[sflag:s25] =	ssyncset.done $0x0  }
0x11c: {  	[sflag:s25] =	ssyncadd.s32 $0xFFFFFFD8  }
0x11d: {  	_ =	swait.ge [sflag:s25], $0x1400  }
0x11e: {  	[sflag:s25] =	ssyncset.done $0x0  }
0x11f: {  	s16 =	simm.s32 $0x0;
	[sflag:s25] =	ssyncadd.s32 $0xFFFFEC00  }
0x120: {  	[tilespmem:s12], [sflag:$0x4] =	stream.indirect.gather [hbm4b:s1+s26], $0x80, s4, s26, $0xb8;
	[tilespmem:$0x1A880] =	vst v63  }
.LBB2_2:
0x121: {  	s17 =	smul.u32 $0x6, s16;
	_ =	sdelay $0x1  }
0x122: {  	s17 =	sadd.s32 $0xFFFFFFFE, s17  }
0x123: {  	p0 =	sgt.u32 s17, $0xF7  }
0x124: {  	s17 =	simm.s32 @!p0 $0x8  }
0x125: {  	_ =	swait.ge @!p0 [sflag:s17], $0x1400  }
0x126: {  	[sflag:s17] =	ssyncset.done @!p0 $0x0  }
0x127: {  	s0 =	simm.s32 $0x4;
	[sflag:s17] =	ssyncadd.s32 @!p0 $0xFFFFEC00  }
0x128: {  	_ =	swait.ge [sflag:s0], $0x1400  }
0x129: {  	[sflag:s0] =	ssyncset.done $0x0  }
0x12a: {  	[sflag:s0] =	ssyncadd.s32 $0xFFFFEC00  }
0x12b: {  	_ =	swait.ge [sflag:s29], $0x28  }
0x12c: {  	[sflag:s29] =	ssyncset.done $0x0  }
0x12d: {  	[sflag:s29] =	ssyncadd.s32 $0xFFFFFFD8  }
0x12e: {  	_ =	swait.ge [sflag:s29], $0x28  }
0x12f: {  	[sflag:s29] =	ssyncset.done $0x0  }
0x130: {  	[sflag:s29] =	ssyncadd.s32 $0xFFFFFFD8  }
0x131: {  	_ =	swait.ge [sflag:s29], $0x1400  }
0x132: {  	[sflag:s29] =	ssyncset.done $0x0  }
0x133: {  	s21 =	simm.s32 $0x1880;
	s17 =	simm.s32 $0x0;
	[sflag:s29] =	ssyncadd.s32 $0xFFFFEC00  }
0x134: {  	[tilespmem:s21], [sflag:$0x5] =	stream.indirect.gather [hbm4b:s1+s26], $0x80, s18, s26, $0xb8;
	[tilespmem:$0x1A880] =	vst v63  }
0x135: {  	v7 =	vld [tilespmem:s17+$0x4080]  }
0x136: {  	v11 =	vld [tilespmem:s17+$0x4090]  }
0x137: {  	v5 =	vld [tilespmem:s17+$0x40A0]  }
0x138: {  	v4 =	vld [tilespmem:s17+$0x40B0]  }
0x139: {  	v3 =	vld [tilespmem:s17+$0x40C0]  }
0x13a: {  	v2 =	vld [tilespmem:s17+$0x40D0]  }
0x13b: {  	v1 =	vld [tilespmem:s17+$0x40E0]  }
0x13c: {  	v0 =	vld [tilespmem:s17+$0x40F0]  }
0x13d: {  	v12 =	vld [tilespmem:s17+$0x480]  }
0x13e: {  	v13 =	vld [tilespmem:s17+$0x490]  }
0x13f: {  	v10 =	vld [tilespmem:s17+$0x4A0]  }
0x140: {  	v9 =	vld [tilespmem:s17+$0x4B0]  }
0x141: {  	v8 =	vld [tilespmem:s17+$0x4C0]  }
0x142: {  	v6 =	vld [tilespmem:s17+$0x4D0];
	v12 =	vmul.f32 v7, v12  }
0x143: {  	s18 =	simm.s32 $0x200;
	v11 =	vmul.f32 v11, v13;
	v7 =	vld [tilespmem:s17+$0x4E0]  }
.LBB2_3:
0x144: {  	s21 =	sshra.s32 s18, $0x2;
	p0 =	sne.s32 s18, $0x4E00;
	[tilespmem:s17+$0x480] =	vst v12;
	v5 =	vmul.f32 v5, v10;
	v10 =	vld [tilespmem:s17+$0x4F0]  }
0x145: {  	v12 =	vld [tilespmem:s21+$0x4080];
	[tilespmem:s17+$0x490] =	vst v11;
	v4 =	vmul.f32 v4, v9  }
0x146: {  	v11 =	vld [tilespmem:s21+$0x4090];
	[tilespmem:s17+$0x4A0] =	vst v5;
	v3 =	vmul.f32 v3, v8  }
0x147: {  	v5 =	vld [tilespmem:s21+$0x40A0];
	[tilespmem:s17+$0x4B0] =	vst v4;
	v2 =	vmul.f32 v2, v6  }
0x148: {  	v4 =	vld [tilespmem:s21+$0x40B0];
	[tilespmem:s17+$0x4C0] =	vst v3;
	v1 =	vmul.f32 v1, v7  }
0x149: {  	v3 =	vld [tilespmem:s21+$0x40C0];
	[tilespmem:s17+$0x4D0] =	vst v2;
	v0 =	vmul.f32 v0, v10  }
0x14a: {  	v2 =	vld [tilespmem:s21+$0x40D0];
	[tilespmem:s17+$0x4E0] =	vst v1  }
0x14b: {  	v1 =	vld [tilespmem:s21+$0x40E0];
	[tilespmem:s17+$0x4F0] =	vst v0;
	s17 =	smov.u32 s21  }
0x14c: {  	v0 =	vld [tilespmem:s17+$0x40F0]  }
0x14d: {  	v6 =	vld [tilespmem:s17+$0x480]  }
0x14e: {  	v7 =	vld [tilespmem:s17+$0x490]  }
.Ltmp2:
0x14f: {  	v10 =	vld [tilespmem:s17+$0x4A0];
	(pc) =	sbr.rel @p0 .LBB2_3-.Ltmp2, $4  }
0x150: {  	v9 =	vld [tilespmem:s17+$0x4B0]  }
0x151: {  	v8 =	vld [tilespmem:s17+$0x4C0]  }
0x152: {  	v12 =	vmul.f32 v12, v6;
	v6 =	vld [tilespmem:s17+$0x4D0]  }
0x153: {  	s18 =	sadd.s32 $0x200, s18;
	v11 =	vmul.f32 v11, v7;
	v7 =	vld [tilespmem:s17+$0x4E0]  }
0x154: {  	[tilespmem:s17+$0x480] =	vst v12;
	v5 =	vmul.f32 v5, v10;
	v10 =	vld [tilespmem:s17+$0x4F0]  }
0x155: {  	[tilespmem:s17+$0x490] =	vst v11;
	v4 =	vmul.f32 v4, v9  }
0x156: {  	[tilespmem:s17+$0x4A0] =	vst v5;
	v3 =	vmul.f32 v3, v8  }
0x157: {  	[tilespmem:s17+$0x4B0] =	vst v4;
	v2 =	vmul.f32 v2, v6  }
0x158: {  	[tilespmem:s17+$0x4C0] =	vst v3;
	v1 =	vmul.f32 v1, v7  }
0x159: {  	[tilespmem:s17+$0x4D0] =	vst v2;
	v0 =	vmul.f32 v0, v10  }
0x15a: {  	s0 =	smov.u32 s23;
	[tilespmem:s17+$0x4E0] =	vst v1  }
0x15b: {  	s14 =	simm.s32 $0x180;
	s23 =	rddreg [dreg:$0xc];
	[tilespmem:s17+$0x4F0] =	vst v0;
	s17 =	smul.u32 $0xF0, s16  }
0x15c: {  	[spmem:s2] =	stream.indirect.scatter.add.f32 [tilespmem:s12], [sflag:$0x7], $0x80, s14, s26, $0xb8;
	[tilespmem:$0x1A880] =	vst v63  }
0x15d: {  	s18 =	sadd.s32 s17, s23  }
0x15e: {  	s21 =	sshrl.u32 s18, $0x3  }
0x15f: {  	s23 =	simm.s32 $0x100;
	s15 =	sadd.s32 s5, s21  }
0x160: {  	[tilespmem:s23], [sflag:$0x3] =	stream.linear.gather [hbm4b:s15+s4], $0x28, $0x38;
	[tilespmem:$0x1A880] =	vst v63  }
0x161: {  	s21 =	sadd.s32 s6, s21;
	s15 =	simm.s32 $0x280  }
0x162: {  	[tilespmem:s15], [sflag:$0x3] =	stream.linear.gather [hbm4b:s21+s4], $0x28, $0x38;
	[tilespmem:$0x1A880] =	vst v63  }
0x163: {  	s15 =	sshll.u32 s18, $0x4  }
0x164: {  	p0 =	seq.s32 s16, $0x0;
	s18 =	simm.s32 $0x4080;
	s14 =	sadd.s32 s7, s15  }
0x165: {  	[tilespmem:s18], [sflag:$0x3] =	stream.linear.gather [hbm4b:s14+s4], $0x1400, $0x38;
	[tilespmem:$0x1A880] =	vst v63  }
0x166: {  	s14 =	simm.s32 @!p0 $0x9  }
0x167: {  	_ =	swait.ge @!p0 [sflag:s14], $0x1400  }
0x168: {  	[sflag:s14] =	ssyncset.done @!p0 $0x0  }
0x169: {  	[sflag:s14] =	ssyncadd.s32 @!p0 $0xFFFFEC00  }
0x16a: {  	_ =	swait.ge [sflag:s3], $0x1400  }
0x16b: {  	[sflag:s3] =	ssyncset.done $0x0  }
0x16c: {  	[sflag:s3] =	ssyncadd.s32 $0xFFFFEC00  }
0x16d: {  	_ =	swait.ge [sflag:s8], $0x28  }
0x16e: {  	[sflag:s8] =	ssyncset.done $0x0  }
0x16f: {  	[sflag:s8] =	ssyncadd.s32 $0xFFFFFFD8  }
0x170: {  	_ =	swait.ge [sflag:s8], $0x28  }
0x171: {  	[sflag:s8] =	ssyncset.done $0x0  }
0x172: {  	[sflag:s8] =	ssyncadd.s32 $0xFFFFFFD8  }
0x173: {  	_ =	swait.ge [sflag:s8], $0x1400  }
0x174: {  	[sflag:s8] =	ssyncset.done $0x0  }
0x175: {  	s21 =	simm.s32 $0x2C80;
	s18 =	simm.s32 $0x0;
	[sflag:s8] =	ssyncadd.s32 $0xFFFFEC00  }
0x176: {  	[tilespmem:s21], [sflag:$0x6] =	stream.indirect.gather [hbm4b:s1+s26], $0x80, s23, s26, $0xb8;
	[tilespmem:$0x1A880] =	vst v63  }
0x177: {  	v7 =	vld [tilespmem:s18+$0x5480]  }
0x178: {  	v11 =	vld [tilespmem:s18+$0x5490]  }
0x179: {  	v5 =	vld [tilespmem:s18+$0x54A0]  }
0x17a: {  	v4 =	vld [tilespmem:s18+$0x54B0]  }
0x17b: {  	v3 =	vld [tilespmem:s18+$0x54C0]  }
0x17c: {  	v2 =	vld [tilespmem:s18+$0x54D0]  }
0x17d: {  	v1 =	vld [tilespmem:s18+$0x54E0]  }
0x17e: {  	v0 =	vld [tilespmem:s18+$0x54F0]  }
0x17f: {  	v12 =	vld [tilespmem:s18+$0x1880]  }
0x180: {  	v13 =	vld [tilespmem:s18+$0x1890]  }
0x181: {  	v10 =	vld [tilespmem:s18+$0x18A0]  }
0x182: {  	v9 =	vld [tilespmem:s18+$0x18B0]  }
0x183: {  	v8 =	vld [tilespmem:s18+$0x18C0]  }
0x184: {  	v6 =	vld [tilespmem:s18+$0x18D0];
	v12 =	vmul.f32 v7, v12  }
0x185: {  	s21 =	simm.s32 $0x200;
	v11 =	vmul.f32 v11, v13;
	v7 =	vld [tilespmem:s18+$0x18E0]  }
.LBB2_5:
0x186: {  	s14 =	sshra.s32 s21, $0x2;
	p0 =	sne.s32 s21, $0x4E00;
	[tilespmem:s18+$0x1880] =	vst v12;
	v5 =	vmul.f32 v5, v10;
	v10 =	vld [tilespmem:s18+$0x18F0]  }
0x187: {  	v12 =	vld [tilespmem:s14+$0x5480];
	[tilespmem:s18+$0x1890] =	vst v11;
	v4 =	vmul.f32 v4, v9  }
0x188: {  	v11 =	vld [tilespmem:s14+$0x5490];
	[tilespmem:s18+$0x18A0] =	vst v5;
	v3 =	vmul.f32 v3, v8  }
0x189: {  	v5 =	vld [tilespmem:s14+$0x54A0];
	[tilespmem:s18+$0x18B0] =	vst v4;
	v2 =	vmul.f32 v2, v6  }
0x18a: {  	v4 =	vld [tilespmem:s14+$0x54B0];
	[tilespmem:s18+$0x18C0] =	vst v3;
	v1 =	vmul.f32 v1, v7  }
0x18b: {  	v3 =	vld [tilespmem:s14+$0x54C0];
	[tilespmem:s18+$0x18D0] =	vst v2;
	v0 =	vmul.f32 v0, v10  }
0x18c: {  	v2 =	vld [tilespmem:s14+$0x54D0];
	[tilespmem:s18+$0x18E0] =	vst v1  }
0x18d: {  	v1 =	vld [tilespmem:s14+$0x54E0];
	[tilespmem:s18+$0x18F0] =	vst v0;
	s18 =	smov.u32 s14  }
0x18e: {  	v0 =	vld [tilespmem:s18+$0x54F0]  }
0x18f: {  	v6 =	vld [tilespmem:s18+$0x1880]  }
0x190: {  	v7 =	vld [tilespmem:s18+$0x1890]  }
.Ltmp3:
0x191: {  	v10 =	vld [tilespmem:s18+$0x18A0];
	(pc) =	sbr.rel @p0 .LBB2_5-.Ltmp3, $4  }
0x192: {  	v9 =	vld [tilespmem:s18+$0x18B0]  }
0x193: {  	v8 =	vld [tilespmem:s18+$0x18C0]  }
0x194: {  	v12 =	vmul.f32 v12, v6;
	v6 =	vld [tilespmem:s18+$0x18D0]  }
0x195: {  	s21 =	sadd.s32 $0x200, s21;
	v11 =	vmul.f32 v11, v7;
	v7 =	vld [tilespmem:s18+$0x18E0]  }
0x196: {  	[tilespmem:s18+$0x1880] =	vst v12;
	v5 =	vmul.f32 v5, v10;
	v10 =	vld [tilespmem:s18+$0x18F0]  }
0x197: {  	[tilespmem:s18+$0x1890] =	vst v11;
	v4 =	vmul.f32 v4, v9  }
0x198: {  	[tilespmem:s18+$0x18A0] =	vst v5;
	v3 =	vmul.f32 v3, v8  }
0x199: {  	[tilespmem:s18+$0x18B0] =	vst v4;
	v2 =	vmul.f32 v2, v6  }
0x19a: {  	[tilespmem:s18+$0x18C0] =	vst v3;
	v1 =	vmul.f32 v1, v7  }
0x19b: {  	[tilespmem:s18+$0x18D0] =	vst v2;
	v0 =	vmul.f32 v0, v10  }
0x19c: {  	[tilespmem:s18+$0x18E0] =	vst v1  }
0x19d: {  	s14 =	simm.s32 $0x200;
	s15 =	simm.s32 $0x1880;
	s21 =	rddreg [dreg:$0xd];
	[tilespmem:s18+$0x18F0] =	vst v0  }
0x19e: {  	[spmem:s2] =	stream.indirect.scatter.add.f32 [tilespmem:s15], [sflag:$0x8], $0x80, s14, s26, $0xb8;
	[tilespmem:$0x1A880] =	vst v63  }
0x19f: {  	s14 =	sadd.s32 s17, s21  }
0x1a0: {  	s23 =	smov.u32 s22;
	s22 =	sshrl.u32 s14, $0x3  }
0x1a1: {  	s15 =	simm.s32 $0x0;
	s21 =	sadd.s32 s5, s22  }
0x1a2: {  	[tilespmem:s15], [sflag:$0x1] =	stream.linear.gather [hbm4b:s21+s15], $0x28, $0x38;
	[tilespmem:$0x1A880] =	vst v63  }
0x1a3: {  	s14 =	sshll.u32 s14, $0x4;
	s18 =	sadd.s32 s6, s22;
	s22 =	simm.s32 $0x300  }
0x1a4: {  	[tilespmem:s22], [sflag:$0x1] =	stream.linear.gather [hbm4b:s18+s15], $0x28, $0x38;
	[tilespmem:$0x1A880] =	vst v63  }
0x1a5: {  	s14 =	sadd.s32 s7, s14;
	s22 =	simm.s32 $0x5480  }
0x1a6: {  	[tilespmem:s22], [sflag:$0x1] =	stream.linear.gather [hbm4b:s14+s15], $0x1400, $0x38;
	[tilespmem:$0x1A880] =	vst v63  }
0x1a7: {  	_ =	swait.ge [sflag:s9], $0x1400  }
0x1a8: {  	[sflag:s9] =	ssyncset.done $0x0  }
0x1a9: {  	[sflag:s9] =	ssyncadd.s32 $0xFFFFEC00  }
0x1aa: {  	_ =	swait.ge [sflag:s19], $0x1400  }
0x1ab: {  	[sflag:s19] =	ssyncset.done $0x0  }
0x1ac: {  	[sflag:s19] =	ssyncadd.s32 $0xFFFFEC00  }
0x1ad: {  	_ =	swait.ge [sflag:s25], $0x28  }
0x1ae: {  	[sflag:s25] =	ssyncset.done $0x0  }
0x1af: {  	[sflag:s25] =	ssyncadd.s32 $0xFFFFFFD8  }
0x1b0: {  	_ =	swait.ge [sflag:s25], $0x28  }
0x1b1: {  	[sflag:s25] =	ssyncset.done $0x0  }
0x1b2: {  	[sflag:s25] =	ssyncadd.s32 $0xFFFFFFD8  }
0x1b3: {  	_ =	swait.ge [sflag:s25], $0x1400  }
0x1b4: {  	[sflag:s25] =	ssyncset.done $0x0  }
0x1b5: {  	s18 =	simm.s32 $0x0;
	[sflag:s25] =	ssyncadd.s32 $0xFFFFEC00  }
0x1b6: {  	[tilespmem:s12], [sflag:$0x4] =	stream.indirect.gather [hbm4b:s1+s26], $0x80, s15, s26, $0xb8;
	[tilespmem:$0x1A880] =	vst v63  }
0x1b7: {  	v7 =	vld [tilespmem:s18+$0x4080]  }
0x1b8: {  	v11 =	vld [tilespmem:s18+$0x4090]  }
0x1b9: {  	v5 =	vld [tilespmem:s18+$0x40A0]  }
0x1ba: {  	v4 =	vld [tilespmem:s18+$0x40B0]  }
0x1bb: {  	v3 =	vld [tilespmem:s18+$0x40C0]  }
0x1bc: {  	v2 =	vld [tilespmem:s18+$0x40D0]  }
0x1bd: {  	v1 =	vld [tilespmem:s18+$0x40E0]  }
0x1be: {  	v0 =	vld [tilespmem:s18+$0x40F0]  }
0x1bf: {  	v12 =	vld [tilespmem:s18+$0x2C80]  }
0x1c0: {  	v13 =	vld [tilespmem:s18+$0x2C90]  }
0x1c1: {  	v10 =	vld [tilespmem:s18+$0x2CA0]  }
0x1c2: {  	v9 =	vld [tilespmem:s18+$0x2CB0]  }
0x1c3: {  	v8 =	vld [tilespmem:s18+$0x2CC0]  }
0x1c4: {  	v6 =	vld [tilespmem:s18+$0x2CD0];
	v12 =	vmul.f32 v7, v12  }
0x1c5: {  	s21 =	simm.s32 $0x200;
	v11 =	vmul.f32 v11, v13;
	v7 =	vld [tilespmem:s18+$0x2CE0]  }
.LBB2_7:
0x1c6: {  	s14 =	sshra.s32 s21, $0x2;
	p0 =	sne.s32 s21, $0x4E00;
	[tilespmem:s18+$0x2C80] =	vst v12;
	v5 =	vmul.f32 v5, v10;
	v10 =	vld [tilespmem:s18+$0x2CF0]  }
0x1c7: {  	v12 =	vld [tilespmem:s14+$0x4080];
	[tilespmem:s18+$0x2C90] =	vst v11;
	v4 =	vmul.f32 v4, v9  }
0x1c8: {  	v11 =	vld [tilespmem:s14+$0x4090];
	[tilespmem:s18+$0x2CA0] =	vst v5;
	v3 =	vmul.f32 v3, v8  }
0x1c9: {  	v5 =	vld [tilespmem:s14+$0x40A0];
	[tilespmem:s18+$0x2CB0] =	vst v4;
	v2 =	vmul.f32 v2, v6  }
0x1ca: {  	v4 =	vld [tilespmem:s14+$0x40B0];
	[tilespmem:s18+$0x2CC0] =	vst v3;
	v1 =	vmul.f32 v1, v7  }
0x1cb: {  	v3 =	vld [tilespmem:s14+$0x40C0];
	[tilespmem:s18+$0x2CD0] =	vst v2;
	v0 =	vmul.f32 v0, v10  }
0x1cc: {  	v2 =	vld [tilespmem:s14+$0x40D0];
	[tilespmem:s18+$0x2CE0] =	vst v1  }
0x1cd: {  	v1 =	vld [tilespmem:s14+$0x40E0];
	[tilespmem:s18+$0x2CF0] =	vst v0;
	s18 =	smov.u32 s14  }
0x1ce: {  	v0 =	vld [tilespmem:s18+$0x40F0]  }
0x1cf: {  	v6 =	vld [tilespmem:s18+$0x2C80]  }
0x1d0: {  	v7 =	vld [tilespmem:s18+$0x2C90]  }
.Ltmp4:
0x1d1: {  	v10 =	vld [tilespmem:s18+$0x2CA0];
	(pc) =	sbr.rel @p0 .LBB2_7-.Ltmp4, $4  }
0x1d2: {  	v9 =	vld [tilespmem:s18+$0x2CB0]  }
0x1d3: {  	v8 =	vld [tilespmem:s18+$0x2CC0]  }
0x1d4: {  	v12 =	vmul.f32 v12, v6;
	v6 =	vld [tilespmem:s18+$0x2CD0]  }
0x1d5: {  	s21 =	sadd.s32 $0x200, s21;
	v11 =	vmul.f32 v11, v7;
	v7 =	vld [tilespmem:s18+$0x2CE0]  }
0x1d6: {  	[tilespmem:s18+$0x2C80] =	vst v12;
	v5 =	vmul.f32 v5, v10;
	v10 =	vld [tilespmem:s18+$0x2CF0]  }
0x1d7: {  	[tilespmem:s18+$0x2C90] =	vst v11;
	v4 =	vmul.f32 v4, v9  }
0x1d8: {  	[tilespmem:s18+$0x2CA0] =	vst v5;
	v3 =	vmul.f32 v3, v8  }
0x1d9: {  	[tilespmem:s18+$0x2CB0] =	vst v4;
	v2 =	vmul.f32 v2, v6  }
0x1da: {  	[tilespmem:s18+$0x2CC0] =	vst v3;
	v1 =	vmul.f32 v1, v7  }
0x1db: {  	[tilespmem:s18+$0x2CD0] =	vst v2;
	v0 =	vmul.f32 v0, v10  }
0x1dc: {  	[tilespmem:s18+$0x2CE0] =	vst v1  }
0x1dd: {  	s14 =	simm.s32 $0x280;
	s15 =	simm.s32 $0x2C80;
	p0 =	seq.s32 s16, $0x29;
	[tilespmem:s18+$0x2CF0] =	vst v0  }
0x1de: {  	[spmem:s2] =	stream.indirect.scatter.add.f32 [tilespmem:s15], [sflag:$0x9], $0x80, s14, s26, $0xb8;
	[tilespmem:$0x1A880] =	vst v63  }
0x1df: {  	s14 =	simm.s32 @p0 $0x8  }
0x1e0: {  	_ =	swait.ge @p0 [sflag:s14], $0x1400  }
0x1e1: {  	[sflag:s14] =	ssyncset.done @p0 $0x0  }
0x1e2: {  	[sflag:s14] =	ssyncadd.s32 @p0 $0xFFFFEC00;
	s14 =	simm.s32 @p0 $0x4  }
0x1e3: {  	_ =	swait.ge @p0 [sflag:s14], $0x1400  }
0x1e4: {  	s15 =	rddreg [dreg:$0xe]  }
0x1e5: {  	[sflag:s14] =	ssyncset.done @p0 $0x0;
	s15 =	sadd.s32 @!p0 s17, s15  }
0x1e6: {  	[sflag:s14] =	ssyncadd.s32 @p0 $0xFFFFEC00;
	s14 =	sshrl.u32 @!p0 s15, $0x3  }
0x1e7: {  	s21 =	simm.s32 @!p0 $0x0;
	s22 =	simm.s32 @!p0 $0x80;
	s18 =	sadd.s32 @!p0 s5, s14  }
0x1e8: {  	[tilespmem:s22], [sflag:$0x2] =	stream.linear.gather @!p0 [hbm4b:s18+s21], $0x28, $0x38;
	[tilespmem:$0x1A880] =	vst v63  }
0x1e9: {  	s14 =	sadd.s32 @!p0 s6, s14;
	s18 =	simm.s32 @!p0 $0x380  }
0x1ea: {  	[tilespmem:s18], [sflag:$0x2] =	stream.linear.gather @!p0 [hbm4b:s14+s21], $0x28, $0x38;
	[tilespmem:$0x1A880] =	vst v63  }
0x1eb: {  	s14 =	sshll.u32 @!p0 s15, $0x4  }
0x1ec: {  	s15 =	simm.s32 @!p0 $0x4080;
	s14 =	sadd.s32 @!p0 s7, s14  }
0x1ed: {  	[tilespmem:s15], [sflag:$0x2] =	stream.linear.gather @!p0 [hbm4b:s14+s21], $0x1400, $0x38;
	[tilespmem:$0x1A880] =	vst v63  }
0x1ee: {  	s14 =	simm.s32 @!p0 $0x8  }
0x1ef: {  	_ =	swait.ge @!p0 [sflag:s14], $0x1400  }
0x1f0: {  	[sflag:s14] =	ssyncset.done @!p0 $0x0  }
0x1f1: {  	[sflag:s14] =	ssyncadd.s32 @!p0 $0xFFFFEC00;
	s14 =	simm.s32 @!p0 $0x4  }
0x1f2: {  	_ =	swait.ge @!p0 [sflag:s14], $0x1400  }
0x1f3: {  	[sflag:s14] =	ssyncset.done @!p0 $0x0  }
0x1f4: {  	[sflag:s14] =	ssyncadd.s32 @!p0 $0xFFFFEC00;
	s14 =	simm.s32 @!p0 $0x2  }
0x1f5: {  	_ =	swait.ge @!p0 [sflag:s14], $0x28  }
0x1f6: {  	[sflag:s14] =	ssyncset.done @!p0 $0x0  }
0x1f7: {  	[sflag:s14] =	ssyncadd.s32 @!p0 $0xFFFFFFD8  }
0x1f8: {  	_ =	swait.ge @!p0 [sflag:s14], $0x28  }
0x1f9: {  	[sflag:s14] =	ssyncset.done @!p0 $0x0  }
0x1fa: {  	[sflag:s14] =	ssyncadd.s32 @!p0 $0xFFFFFFD8  }
0x1fb: {  	_ =	swait.ge @!p0 [sflag:s14], $0x1400  }
0x1fc: {  	s18 =	simm.s32 $0x0;
	[sflag:s14] =	ssyncset.done @!p0 $0x0  }
0x1fd: {  	s15 =	simm.s32 @!p0 $0x1880;
	[sflag:s14] =	ssyncadd.s32 @!p0 $0xFFFFEC00;
	s14 =	simm.s32 @!p0 $0x28  }
0x1fe: {  	[tilespmem:s15], [sflag:$0x5] =	stream.indirect.gather @!p0 [hbm4b:s1+s14], $0x80, s22, s14, $0xb8;
	[tilespmem:$0x1A880] =	vst v63  }
0x1ff: {  	v7 =	vld [tilespmem:s18+$0x5480]  }
0x200: {  	v11 =	vld [tilespmem:s18+$0x5490]  }
0x201: {  	v5 =	vld [tilespmem:s18+$0x54A0]  }
0x202: {  	v4 =	vld [tilespmem:s18+$0x54B0]  }
0x203: {  	v3 =	vld [tilespmem:s18+$0x54C0]  }
0x204: {  	v2 =	vld [tilespmem:s18+$0x54D0]  }
0x205: {  	v1 =	vld [tilespmem:s18+$0x54E0]  }
0x206: {  	v0 =	vld [tilespmem:s18+$0x54F0]  }
0x207: {  	v12 =	vld [tilespmem:s18+$0x480]  }
0x208: {  	v13 =	vld [tilespmem:s18+$0x490]  }
0x209: {  	v10 =	vld [tilespmem:s18+$0x4A0]  }
0x20a: {  	v9 =	vld [tilespmem:s18+$0x4B0]  }
0x20b: {  	v8 =	vld [tilespmem:s18+$0x4C0]  }
0x20c: {  	v6 =	vld [tilespmem:s18+$0x4D0];
	v12 =	vmul.f32 v7, v12  }
0x20d: {  	s21 =	simm.s32 $0x200;
	v11 =	vmul.f32 v11, v13;
	v7 =	vld [tilespmem:s18+$0x4E0]  }
.LBB2_9:
0x20e: {  	s14 =	sshra.s32 s21, $0x2;
	p1 =	sne.s32 s21, $0x4E00;
	[tilespmem:s18+$0x480] =	vst v12;
	v5 =	vmul.f32 v5, v10;
	v10 =	vld [tilespmem:s18+$0x4F0]  }
0x20f: {  	v12 =	vld [tilespmem:s14+$0x5480];
	[tilespmem:s18+$0x490] =	vst v11;
	v4 =	vmul.f32 v4, v9  }
0x210: {  	v11 =	vld [tilespmem:s14+$0x5490];
	[tilespmem:s18+$0x4A0] =	vst v5;
	v3 =	vmul.f32 v3, v8  }
0x211: {  	v5 =	vld [tilespmem:s14+$0x54A0];
	[tilespmem:s18+$0x4B0] =	vst v4;
	v2 =	vmul.f32 v2, v6  }
0x212: {  	v4 =	vld [tilespmem:s14+$0x54B0];
	[tilespmem:s18+$0x4C0] =	vst v3;
	v1 =	vmul.f32 v1, v7  }
0x213: {  	v3 =	vld [tilespmem:s14+$0x54C0];
	[tilespmem:s18+$0x4D0] =	vst v2;
	v0 =	vmul.f32 v0, v10  }
0x214: {  	v2 =	vld [tilespmem:s14+$0x54D0];
	[tilespmem:s18+$0x4E0] =	vst v1  }
0x215: {  	v1 =	vld [tilespmem:s14+$0x54E0];
	[tilespmem:s18+$0x4F0] =	vst v0;
	s18 =	smov.u32 s14  }
0x216: {  	v0 =	vld [tilespmem:s18+$0x54F0]  }
0x217: {  	v6 =	vld [tilespmem:s18+$0x480]  }
0x218: {  	v7 =	vld [tilespmem:s18+$0x490]  }
.Ltmp5:
0x219: {  	v10 =	vld [tilespmem:s18+$0x4A0];
	(pc) =	sbr.rel @p1 .LBB2_9-.Ltmp5, $4  }
0x21a: {  	v9 =	vld [tilespmem:s18+$0x4B0]  }
0x21b: {  	v8 =	vld [tilespmem:s18+$0x4C0]  }
0x21c: {  	v12 =	vmul.f32 v12, v6;
	v6 =	vld [tilespmem:s18+$0x4D0]  }
0x21d: {  	s21 =	sadd.s32 $0x200, s21;
	v11 =	vmul.f32 v11, v7;
	v7 =	vld [tilespmem:s18+$0x4E0]  }
0x21e: {  	[tilespmem:s18+$0x480] =	vst v12;
	v5 =	vmul.f32 v5, v10;
	v63 =	vld [tilespmem:s18+$0x4F0]  }
0x21f: {  	[tilespmem:s18+$0x490] =	vst v11;
	v4 =	vmul.f32 v4, v9  }
0x220: {  	[tilespmem:s18+$0x4A0] =	vst v5;
	v3 =	vmul.f32 v3, v8  }
0x221: {  	[tilespmem:s18+$0x4B0] =	vst v4;
	v2 =	vmul.f32 v2, v6  }
.Ltmp6:
0x222: {  	[tilespmem:s18+$0x4C0] =	vst v3;
	v1 =	vmul.f32 v1, v7;
	(pc) =	sbr.rel @p0 .LBB2_16-.Ltmp6, $4  }
0x223: {  	[tilespmem:s18+$0x4D0] =	vst v2;
	v0 =	vmul.f32 v0, v63  }
0x224: {  	[tilespmem:s18+$0x4E0] =	vst v1  }
0x225: {  	s14 =	simm.s32 $0x300;
	s22 =	smov.u32 s23;
	[tilespmem:s18+$0x4F0] =	vst v0  }
0x226: {  	[spmem:s2] =	stream.indirect.scatter.add.f32 [tilespmem:s12], [sflag:$0x7], $0x80, s14, s26, $0xb8;
	[tilespmem:$0x1A880] =	vst v63  }
0x227: {  	s14 =	rddreg [dreg:$0xf]  }
0x228: {  	s14 =	sadd.s32 s17, s14  }
0x229: {  	s15 =	sshrl.u32 s14, $0x3  }
0x22a: {  	s21 =	simm.s32 $0x0;
	s23 =	simm.s32 $0x100;
	s18 =	sadd.s32 s5, s15  }
0x22b: {  	[tilespmem:s23], [sflag:$0x3] =	stream.linear.gather [hbm4b:s18+s21], $0x28, $0x38;
	[tilespmem:$0x1A880] =	vst v63  }
0x22c: {  	s14 =	sshll.u32 s14, $0x4;
	s15 =	sadd.s32 s6, s15;
	s18 =	simm.s32 $0x400  }
0x22d: {  	[tilespmem:s18], [sflag:$0x3] =	stream.linear.gather [hbm4b:s15+s21], $0x28, $0x38;
	[tilespmem:$0x1A880] =	vst v63  }
0x22e: {  	s14 =	sadd.s32 s7, s14;
	s18 =	simm.s32 $0x5480  }
0x22f: {  	[tilespmem:s18], [sflag:$0x3] =	stream.linear.gather [hbm4b:s14+s21], $0x1400, $0x38;
	[tilespmem:$0x1A880] =	vst v63  }
0x230: {  	s18 =	simm.s32 $0x9  }
0x231: {  	_ =	swait.ge [sflag:s18], $0x1400  }
0x232: {  	[sflag:s18] =	ssyncset.done $0x0  }
0x233: {  	[sflag:s18] =	ssyncadd.s32 $0xFFFFEC00  }
0x234: {  	_ =	swait.ge [sflag:s3], $0x1400  }
0x235: {  	[sflag:s3] =	ssyncset.done $0x0  }
0x236: {  	[sflag:s3] =	ssyncadd.s32 $0xFFFFEC00  }
0x237: {  	_ =	swait.ge [sflag:s8], $0x28  }
0x238: {  	[sflag:s8] =	ssyncset.done $0x0  }
0x239: {  	[sflag:s8] =	ssyncadd.s32 $0xFFFFFFD8  }
0x23a: {  	_ =	swait.ge [sflag:s8], $0x28  }
0x23b: {  	[sflag:s8] =	ssyncset.done $0x0  }
0x23c: {  	[sflag:s8] =	ssyncadd.s32 $0xFFFFFFD8  }
0x23d: {  	_ =	swait.ge [sflag:s8], $0x1400  }
0x23e: {  	[sflag:s8] =	ssyncset.done $0x0  }
0x23f: {  	s21 =	simm.s32 $0x2C80;
	s18 =	simm.s32 $0x0;
	[sflag:s8] =	ssyncadd.s32 $0xFFFFEC00  }
0x240: {  	[tilespmem:s21], [sflag:$0x6] =	stream.indirect.gather [hbm4b:s1+s26], $0x80, s23, s26, $0xb8;
	[tilespmem:$0x1A880] =	vst v63  }
0x241: {  	v7 =	vld [tilespmem:s18+$0x4080]  }
0x242: {  	v11 =	vld [tilespmem:s18+$0x4090]  }
0x243: {  	v5 =	vld [tilespmem:s18+$0x40A0]  }
0x244: {  	v4 =	vld [tilespmem:s18+$0x40B0]  }
0x245: {  	v3 =	vld [tilespmem:s18+$0x40C0]  }
0x246: {  	v2 =	vld [tilespmem:s18+$0x40D0]  }
0x247: {  	v1 =	vld [tilespmem:s18+$0x40E0]  }
0x248: {  	v0 =	vld [tilespmem:s18+$0x40F0]  }
0x249: {  	v12 =	vld [tilespmem:s18+$0x1880]  }
0x24a: {  	v13 =	vld [tilespmem:s18+$0x1890]  }
0x24b: {  	v10 =	vld [tilespmem:s18+$0x18A0]  }
0x24c: {  	v9 =	vld [tilespmem:s18+$0x18B0]  }
0x24d: {  	v8 =	vld [tilespmem:s18+$0x18C0]  }
0x24e: {  	v6 =	vld [tilespmem:s18+$0x18D0];
	v12 =	vmul.f32 v7, v12  }
0x24f: {  	s21 =	simm.s32 $0x200;
	s23 =	smov.u32 s0;
	v11 =	vmul.f32 v11, v13;
	v7 =	vld [tilespmem:s18+$0x18E0]  }
.LBB2_12:
0x250: {  	s14 =	sshra.s32 s21, $0x2;
	p0 =	sne.s32 s21, $0x4E00;
	[tilespmem:s18+$0x1880] =	vst v12;
	v5 =	vmul.f32 v5, v10;
	v10 =	vld [tilespmem:s18+$0x18F0]  }
0x251: {  	v12 =	vld [tilespmem:s14+$0x4080];
	[tilespmem:s18+$0x1890] =	vst v11;
	v4 =	vmul.f32 v4, v9  }
0x252: {  	v11 =	vld [tilespmem:s14+$0x4090];
	[tilespmem:s18+$0x18A0] =	vst v5;
	v3 =	vmul.f32 v3, v8  }
0x253: {  	v5 =	vld [tilespmem:s14+$0x40A0];
	[tilespmem:s18+$0x18B0] =	vst v4;
	v2 =	vmul.f32 v2, v6  }
0x254: {  	v4 =	vld [tilespmem:s14+$0x40B0];
	[tilespmem:s18+$0x18C0] =	vst v3;
	v1 =	vmul.f32 v1, v7  }
0x255: {  	v3 =	vld [tilespmem:s14+$0x40C0];
	[tilespmem:s18+$0x18D0] =	vst v2;
	v0 =	vmul.f32 v0, v10  }
0x256: {  	v2 =	vld [tilespmem:s14+$0x40D0];
	[tilespmem:s18+$0x18E0] =	vst v1  }
0x257: {  	v1 =	vld [tilespmem:s14+$0x40E0];
	[tilespmem:s18+$0x18F0] =	vst v0;
	s18 =	smov.u32 s14  }
0x258: {  	v0 =	vld [tilespmem:s18+$0x40F0]  }
0x259: {  	v6 =	vld [tilespmem:s18+$0x1880]  }
0x25a: {  	v7 =	vld [tilespmem:s18+$0x1890]  }
.Ltmp7:
0x25b: {  	v10 =	vld [tilespmem:s18+$0x18A0];
	(pc) =	sbr.rel @p0 .LBB2_12-.Ltmp7, $4  }
0x25c: {  	v9 =	vld [tilespmem:s18+$0x18B0]  }
0x25d: {  	v8 =	vld [tilespmem:s18+$0x18C0]  }
0x25e: {  	v12 =	vmul.f32 v12, v6;
	v6 =	vld [tilespmem:s18+$0x18D0]  }
0x25f: {  	s21 =	sadd.s32 $0x200, s21;
	v11 =	vmul.f32 v11, v7;
	v7 =	vld [tilespmem:s18+$0x18E0]  }
0x260: {  	[tilespmem:s18+$0x1880] =	vst v12;
	v5 =	vmul.f32 v5, v10;
	v10 =	vld [tilespmem:s18+$0x18F0]  }
0x261: {  	[tilespmem:s18+$0x1890] =	vst v11;
	v4 =	vmul.f32 v4, v9  }
0x262: {  	[tilespmem:s18+$0x18A0] =	vst v5;
	v3 =	vmul.f32 v3, v8  }
0x263: {  	[tilespmem:s18+$0x18B0] =	vst v4;
	v2 =	vmul.f32 v2, v6  }
0x264: {  	[tilespmem:s18+$0x18C0] =	vst v3;
	v1 =	vmul.f32 v1, v7  }
0x265: {  	[tilespmem:s18+$0x18D0] =	vst v2;
	v0 =	vmul.f32 v0, v10  }
0x266: {  	[tilespmem:s18+$0x18E0] =	vst v1  }
0x267: {  	s0 =	simm.s32 $0x1880;
	s14 =	simm.s32 $0x380;
	s21 =	rddreg [dreg:$0x10];
	[tilespmem:s18+$0x18F0] =	vst v0  }
0x268: {  	[spmem:s2] =	stream.indirect.scatter.add.f32 [tilespmem:s0], [sflag:$0x8], $0x80, s14, s26, $0xb8;
	[tilespmem:$0x1A880] =	vst v63  }
0x269: {  	s14 =	sadd.s32 s17, s21  }
0x26a: {  	s15 =	sshrl.u32 s14, $0x3  }
0x26b: {  	s21 =	simm.s32 $0x0;
	s0 =	sadd.s32 s5, s15  }
0x26c: {  	[tilespmem:s21], [sflag:$0x1] =	stream.linear.gather [hbm4b:s0+s21], $0x28, $0x38;
	[tilespmem:$0x1A880] =	vst v63  }
0x26d: {  	s18 =	simm.s32 $0x180;
	s14 =	sshll.u32 s14, $0x4;
	s15 =	sadd.s32 s6, s15  }
0x26e: {  	[tilespmem:s18], [sflag:$0x1] =	stream.linear.gather [hbm4b:s15+s21], $0x28, $0x38;
	[tilespmem:$0x1A880] =	vst v63  }
0x26f: {  	s14 =	sadd.s32 s7, s14;
	s18 =	simm.s32 $0x4080  }
0x270: {  	[tilespmem:s18], [sflag:$0x1] =	stream.linear.gather [hbm4b:s14+s21], $0x1400, $0x38;
	[tilespmem:$0x1A880] =	vst v63  }
0x271: {  	_ =	swait.ge [sflag:s9], $0x1400  }
0x272: {  	[sflag:s9] =	ssyncset.done $0x0  }
0x273: {  	[sflag:s9] =	ssyncadd.s32 $0xFFFFEC00  }
0x274: {  	_ =	swait.ge [sflag:s19], $0x1400  }
0x275: {  	[sflag:s19] =	ssyncset.done $0x0  }
0x276: {  	[sflag:s19] =	ssyncadd.s32 $0xFFFFEC00  }
0x277: {  	_ =	swait.ge [sflag:s25], $0x28  }
0x278: {  	[sflag:s25] =	ssyncset.done $0x0  }
0x279: {  	[sflag:s25] =	ssyncadd.s32 $0xFFFFFFD8  }
0x27a: {  	_ =	swait.ge [sflag:s25], $0x28  }
0x27b: {  	[sflag:s25] =	ssyncset.done $0x0  }
0x27c: {  	[sflag:s25] =	ssyncadd.s32 $0xFFFFFFD8  }
0x27d: {  	_ =	swait.ge [sflag:s25], $0x1400  }
0x27e: {  	[sflag:s25] =	ssyncset.done $0x0  }
0x27f: {  	s18 =	simm.s32 $0x0;
	[sflag:s25] =	ssyncadd.s32 $0xFFFFEC00  }
0x280: {  	[tilespmem:s12], [sflag:$0x4] =	stream.indirect.gather [hbm4b:s1+s26], $0x80, s21, s26, $0xb8;
	[tilespmem:$0x1A880] =	vst v63  }
0x281: {  	v7 =	vld [tilespmem:s18+$0x5480]  }
0x282: {  	v11 =	vld [tilespmem:s18+$0x5490]  }
0x283: {  	v5 =	vld [tilespmem:s18+$0x54A0]  }
0x284: {  	v4 =	vld [tilespmem:s18+$0x54B0]  }
0x285: {  	v3 =	vld [tilespmem:s18+$0x54C0]  }
0x286: {  	v2 =	vld [tilespmem:s18+$0x54D0]  }
0x287: {  	v1 =	vld [tilespmem:s18+$0x54E0]  }
0x288: {  	v0 =	vld [tilespmem:s18+$0x54F0]  }
0x289: {  	v12 =	vld [tilespmem:s18+$0x2C80]  }
0x28a: {  	v13 =	vld [tilespmem:s18+$0x2C90]  }
0x28b: {  	v10 =	vld [tilespmem:s18+$0x2CA0]  }
0x28c: {  	v9 =	vld [tilespmem:s18+$0x2CB0]  }
0x28d: {  	v8 =	vld [tilespmem:s18+$0x2CC0]  }
0x28e: {  	v6 =	vld [tilespmem:s18+$0x2CD0];
	v12 =	vmul.f32 v7, v12  }
0x28f: {  	s21 =	simm.s32 $0x200;
	v11 =	vmul.f32 v11, v13;
	v7 =	vld [tilespmem:s18+$0x2CE0]  }
.LBB2_14:
0x290: {  	s14 =	sshra.s32 s21, $0x2;
	p0 =	sne.s32 s21, $0x4E00;
	[tilespmem:s18+$0x2C80] =	vst v12;
	v5 =	vmul.f32 v5, v10;
	v10 =	vld [tilespmem:s18+$0x2CF0]  }
0x291: {  	v12 =	vld [tilespmem:s14+$0x5480];
	[tilespmem:s18+$0x2C90] =	vst v11;
	v4 =	vmul.f32 v4, v9  }
0x292: {  	v11 =	vld [tilespmem:s14+$0x5490];
	[tilespmem:s18+$0x2CA0] =	vst v5;
	v3 =	vmul.f32 v3, v8  }
0x293: {  	v5 =	vld [tilespmem:s14+$0x54A0];
	[tilespmem:s18+$0x2CB0] =	vst v4;
	v2 =	vmul.f32 v2, v6  }
0x294: {  	v4 =	vld [tilespmem:s14+$0x54B0];
	[tilespmem:s18+$0x2CC0] =	vst v3;
	v1 =	vmul.f32 v1, v7  }
0x295: {  	v3 =	vld [tilespmem:s14+$0x54C0];
	[tilespmem:s18+$0x2CD0] =	vst v2;
	v0 =	vmul.f32 v0, v10  }
0x296: {  	v2 =	vld [tilespmem:s14+$0x54D0];
	[tilespmem:s18+$0x2CE0] =	vst v1  }
0x297: {  	v1 =	vld [tilespmem:s14+$0x54E0];
	[tilespmem:s18+$0x2CF0] =	vst v0;
	s18 =	smov.u32 s14  }
0x298: {  	v0 =	vld [tilespmem:s18+$0x54F0]  }
0x299: {  	v6 =	vld [tilespmem:s18+$0x2C80]  }
0x29a: {  	v7 =	vld [tilespmem:s18+$0x2C90]  }
.Ltmp8:
0x29b: {  	v10 =	vld [tilespmem:s18+$0x2CA0];
	(pc) =	sbr.rel @p0 .LBB2_14-.Ltmp8, $4  }
0x29c: {  	v9 =	vld [tilespmem:s18+$0x2CB0]  }
0x29d: {  	v8 =	vld [tilespmem:s18+$0x2CC0]  }
0x29e: {  	v12 =	vmul.f32 v12, v6;
	v6 =	vld [tilespmem:s18+$0x2CD0]  }
0x29f: {  	s21 =	sadd.s32 $0x200, s21;
	v11 =	vmul.f32 v11, v7;
	v7 =	vld [tilespmem:s18+$0x2CE0]  }
0x2a0: {  	[tilespmem:s18+$0x2C80] =	vst v12;
	v5 =	vmul.f32 v5, v10;
	v63 =	vld [tilespmem:s18+$0x2CF0]  }
0x2a1: {  	[tilespmem:s18+$0x2C90] =	vst v11;
	v4 =	vmul.f32 v4, v9  }
0x2a2: {  	[tilespmem:s18+$0x2CA0] =	vst v5;
	v3 =	vmul.f32 v3, v8  }
0x2a3: {  	[tilespmem:s18+$0x2CB0] =	vst v4;
	v2 =	vmul.f32 v2, v6  }
0x2a4: {  	[tilespmem:s18+$0x2CC0] =	vst v3;
	v1 =	vmul.f32 v1, v7  }
0x2a5: {  	[tilespmem:s18+$0x2CD0] =	vst v2;
	v0 =	vmul.f32 v0, v63  }
0x2a6: {  	[tilespmem:s18+$0x2CE0] =	vst v1  }
0x2a7: {  	s14 =	simm.s32 $0x2C80;
	s15 =	simm.s32 $0x400;
	s21 =	rddreg [dreg:$0x11];
	[tilespmem:s18+$0x2CF0] =	vst v0  }
0x2a8: {  	[spmem:s2] =	stream.indirect.scatter.add.f32 [tilespmem:s14], [sflag:$0x9], $0x80, s15, s26, $0xb8;
	[tilespmem:$0x1A880] =	vst v63  }
0x2a9: {  	s14 =	sadd.s32 s17, s21  }
0x2aa: {  	s0 =	sshrl.u32 s14, $0x3  }
0x2ab: {  	s18 =	simm.s32 $0x80;
	s21 =	sadd.s32 s5, s0  }
0x2ac: {  	[tilespmem:s18], [sflag:$0x2] =	stream.linear.gather [hbm4b:s21+s4], $0x28, $0x38;
	[tilespmem:$0x1A880] =	vst v63  }
.Ltmp9:
0x2ad: {  	_ = 	snop;
	(pc) =	sbr.rel .LBB2_2-.Ltmp9, $4  }
0x2ae: {  	s14 =	sshll.u32 s14, $0x4;
	s15 =	sadd.s32 s6, s0;
	s0 =	simm.s32 $0x200  }
0x2af: {  	[tilespmem:s0], [sflag:$0x2] =	stream.linear.gather [hbm4b:s15+s4], $0x28, $0x38;
	[tilespmem:$0x1A880] =	vst v63  }
0x2b0: {  	s16 =	sadd.s32 $0x1, s16;
	s14 =	sadd.s32 s7, s14;
	s21 =	simm.s32 $0x5480  }
0x2b1: {  	[tilespmem:s21], [sflag:$0x2] =	stream.linear.gather [hbm4b:s14+s4], $0x1400, $0x38;
	[tilespmem:$0x1A880] =	vst v63  }
.LBB2_17:
0x2b2: {  	_ =	sfence.sel $0x180000  }
0x2b3: {  	[bflag:$0x0] =	sbarrier.arrive $0xFFFF  }
0x2b4: {  	_ =	strace $0x90000047  }
0x2b5: {  	s0 =	stileid.u32;
	[bflag:$0x2] =	sbarrier.arrive $0xFFFF  }
0x2b6: {  	p0 =	sne.s32 s0, $0x0;
	s0 =	rddreg [dreg:$0x3]  }
0x2b7: {  	s0 =	sadd.s32 @!p0 $0x100000, s0  }
0x2b8: {  	[sflag:s0] =	ssyncadd.tile.s32 @!p0 $0x1;
	_ =	shalt  }
.Lfunc_end2:
_tile_overlayer_lowered:
.L_overlay_start_2:
0x2b9: {  	(tag) =	ssettag $0x2  }
0x2ba: {  	s0 =	rddreg [dreg:$0x0];
	s2 =	stileid.u32  }
0x2bb: {  	s1 =	rddreg [dreg:$0x1];
	p0 =	sne.s32 s2, $0x0  }
0x2bc: {  	s3 =	rddreg [dreg:$0x2];
	[bflag:$0x3] =	sbarrier.arrive $0xFFFF;
	s2 =	simm.s32 @!p0 $0x1C0A  }
0x2bd: {  	[timem:s3], [sflag:s2] =	dma.local @!p0 [hbm:s0], s1  }
0x2be: {  	s0 =	simm.s32 @!p0 $0xA  }
0x2bf: {  	_ =	swait.ge @!p0 [sflag:s0], s1  }
0x2c0: {  	s1 =	ssub.s32 @!p0 $0x0, s1;
	[sflag:s0] =	ssyncset.done @!p0 $0x0  }
0x2c1: {  	[sflag:s0] =	ssyncadd.s32 @!p0 s1  }
0x2c2: {  	[bflag:$0x3] =	sbarrier.arrive $0xFFFF  }
0x2c3: {  	_ =	shalt  }

// kernel: kernel.7.cloned.1.call-start
scs
__scs_entry_jumppad:
0x0: {  	(pc) =	sbr.rel $0x88, $3  }
0x1: {  	(tag) =	ssettag $0x0;
	lr =	simm.s32 $0x1  }
0x2: {  	[smem:$0x3F9B] =	sst lr;
	_ =	strace $0xD0000000  }
0x3: {  	_ = 	snop  }
0x4: {  	_ = 	snop  }
0x5: {  	_ = 	snop  }
0x6: {  	_ = 	snop  }
0x7: {  	_ = 	snop  }
__scs_overlays_trampoline_lowered:
0x8: {  	[smem:$0x3FAA] =	sst s0  }
0x9: {  	[smem:$0x3FAB] =	sst s1  }
0xa: {  	[smem:$0x3FAC] =	sst s2  }
0xb: {  	[smem:$0x3FAD] =	sst s3  }
0xc: {  	[smem:$0x3FAE] =	sst s4  }
0xd: {  	[smem:$0x3FAF] =	sst s5  }
0xe: {  	[smem:$0x3FB0] =	sst s6  }
0xf: {  	[smem:$0x3FB1] =	sst s7  }
0x10: {  	[smem:$0x3FB2] =	sst s8  }
0x11: {  	[smem:$0x3FB3] =	sst s9;
	s0 =	simm.s32 @!p0 $0x0  }
0x12: {  	s1 =	sld [smem:$0x3F99];
	s0 =	simm.s32 @p0 $0x1  }
0x13: {  	[smem:$0x3FB4] =	sst s0;
	s0 =	simm.s32 @!p1 $0x0  }
0x14: {  	s2 =	sld [smem:$0x3F98];
	s0 =	simm.s32 @p1 $0x1  }
0x15: {  	[smem:$0x3FB5] =	sst s0;
	s0 =	simm.s32 @!p2 $0x0  }
0x16: {  	s3 =	sld [smem:$0x3FDB];
	s0 =	simm.s32 @p2 $0x1  }
0x17: {  	s4 =	simm.s32 $0x1BF5;
	[smem:$0x3FB7] =	sst s0  }
0x18: {  	s0 =	sld [smem:$0x3F9A];
	_ =	swait.ge [sflag:s4], $0x0  }
0x19: {  	s7 =	sld [smem:$0x3F9B]  }
0x1a: {  	s8 =	sadd.s32 $0xFFFFE003, lr  }
0x1b: {  	s9 =	sadd.s32 $0xFFFFFEF7, lr;
	s5 =	simm.s32 $0xFFFFFFFF;
	p2 =	slt.u32 s8, $0xFFFFF086  }
0x1c: {  	p1 =	slt.u32 s9, $0xF7A;
	s5 =	simm.s32 @!p2 $0x0  }
0x1d: {  	s5 =	simm.s32 @p1 $0x1;
	p0 =	seq.s32 s7, s2  }
0x1e: {  	s7 =	smul.u32 @!p0 $0xF7A, s2;
	p2 =	seq.s32 @!p0 s5, $0x0  }
0x1f: {  	s9 =	smul.u32 $0xF7A, s1;
	s8 =	simm.s32 @!p0 $0x1BF5;
	p2 =	por !p2, p0  }
0x20: {  	[sflag:s8] =	ssyncset.s32 @!p0 $0xFFFFF086;
	s6 =	sadd.s32 @!p0 s3, s7;
	s7 =	simm.s32 @!p0 $0x108  }
0x21: {  	s3 =	sadd.s32 s3, s9;
	s6 =	sadd.s32 @!p0 $0x88, s6;
	s7 =	simm.s32 @p2 $0x1082  }
0x22: {  	[simem:s7], [sflag:s8] =	dma.local @!p0 [hbm:s6], $0xF7A  }
0x23: {  	s9 =	sor.u32 $0xD0000000, s2;
	s6 =	simm.s32 $0x108;
	_ =	swait.ge @!p0 [sflag:s8], $0x0  }
0x24: {  	s3 =	sadd.s32 $0x88, s3;
	s6 =	simm.s32 @!p1 $0x1082;
	[sflag:s4] =	ssyncset.s32 $0xFFFFF086  }
0x25: {  	[simem:s6], [sflag:s4] =	dma.local [hbm:s3], $0xF7A  }
0x26: {  	[smem:$0x3F9B] =	sst s1;
	(tag) =	ssettag s2;
	_ =	strace s9  }
0x27: {  	s1 =	sld [smem:$0x3FAB]  }
0x28: {  	s2 =	sld [smem:$0x3FAC]  }
0x29: {  	s4 =	sld [smem:$0x3FAE]  }
0x2a: {  	p0 =	seq.s32 s5, $0x0;
	s5 =	sld [smem:$0x3FAF]  }
0x2b: {  	s6 =	sld [smem:$0x3FB0]  }
0x2c: {  	s7 =	sld [smem:$0x3FB1]  }
0x2d: {  	s3 =	simm.s32 $0x108;
	s8 =	sld [smem:$0x3FB2]  }
0x2e: {  	s3 =	simm.s32 @!p0 $0x1082;
	s9 =	sld [smem:$0x3FB3]  }
0x2f: {  	lr =	sadd.s32 s0, s3;
	s0 =	sld [smem:$0x3FAA]  }
0x30: {  	s3 =	sld [smem:$0x3FAD]  }
0x31: {  	[smem:$0x3FB6] =	sst s10  }
0x32: {  	s10 =	sld [smem:$0x3FB4];
	_ =	sdelay $0x3  }
0x33: {  	p0 =	seq.s32 s10, $0x1;
	s10 =	sld [smem:$0x3FB6];
	_ =	sdelay $0x3  }
0x34: {  	[smem:$0x3FB6] =	sst s10  }
0x35: {  	s10 =	sld [smem:$0x3FB5];
	_ =	sdelay $0x3  }
0x36: {  	p1 =	seq.s32 s10, $0x1;
	s10 =	sld [smem:$0x3FB6];
	_ =	sdelay $0x3  }
0x37: {  	[smem:$0x3FB6] =	sst s10  }
0x38: {  	s10 =	sld [smem:$0x3FB7]  }
0x39: {  	_ = 	snop;
	(pc) =	sbr.ind lr, $3  }
0x3a: {  	_ = 	snop  }
0x3b: {  	_ = 	snop  }
0x3c: {  	p2 =	seq.s32 s10, $0x1;
	s10 =	sld [smem:$0x3FB6]  }
0x3d: {  	_ =	shalt  }
0x3e: {  	_ =	shalt  }
0x3f: {  	_ =	shalt  }
0x40: {  	_ =	shalt  }
0x41: {  	_ =	shalt  }
0x42: {  	_ =	shalt  }
0x43: {  	_ =	shalt  }
0x44: {  	_ =	shalt  }
0x45: {  	_ =	shalt  }
0x46: {  	_ =	shalt  }
0x47: {  	_ =	shalt  }
0x48: {  	_ =	shalt  }
0x49: {  	_ =	shalt  }
0x4a: {  	_ =	shalt  }
0x4b: {  	_ =	shalt  }
0x4c: {  	_ =	shalt  }
0x4d: {  	_ =	shalt  }
0x4e: {  	_ =	shalt  }
0x4f: {  	_ =	shalt  }
0x50: {  	_ =	shalt  }
0x51: {  	_ =	shalt  }
0x52: {  	_ =	shalt  }
0x53: {  	_ =	shalt  }
0x54: {  	_ =	shalt  }
0x55: {  	_ =	shalt  }
0x56: {  	_ =	shalt  }
0x57: {  	_ =	shalt  }
0x58: {  	_ =	shalt  }
0x59: {  	_ =	shalt  }
0x5a: {  	_ =	shalt  }
0x5b: {  	_ =	shalt  }
0x5c: {  	_ =	shalt  }
0x5d: {  	_ =	shalt  }
0x5e: {  	_ =	shalt  }
0x5f: {  	_ =	shalt  }
0x60: {  	_ =	shalt  }
0x61: {  	_ =	shalt  }
0x62: {  	_ =	shalt  }
0x63: {  	_ =	shalt  }
0x64: {  	_ =	shalt  }
0x65: {  	_ =	shalt  }
0x66: {  	_ =	shalt  }
0x67: {  	_ =	shalt  }
0x68: {  	_ =	shalt  }
0x69: {  	_ =	shalt  }
0x6a: {  	_ =	shalt  }
0x6b: {  	_ =	shalt  }
0x6c: {  	_ =	shalt  }
0x6d: {  	_ =	shalt  }
0x6e: {  	_ =	shalt  }
0x6f: {  	_ =	shalt  }
0x70: {  	_ =	shalt  }
0x71: {  	_ =	shalt  }
0x72: {  	_ =	shalt  }
0x73: {  	_ =	shalt  }
0x74: {  	_ =	shalt  }
0x75: {  	_ =	shalt  }
0x76: {  	_ =	shalt  }
0x77: {  	_ =	shalt  }
0x78: {  	_ =	shalt  }
0x79: {  	_ =	shalt  }
0x7a: {  	_ =	shalt  }
0x7b: {  	_ =	shalt  }
0x7c: {  	_ =	shalt  }
0x7d: {  	_ =	shalt  }
0x7e: {  	_ =	shalt  }
0x7f: {  	_ =	shalt  }
0x80: {  	_ =	shalt  }
0x81: {  	_ =	shalt  }
0x82: {  	_ =	shalt  }
0x83: {  	_ =	shalt  }
0x84: {  	_ =	shalt  }
0x85: {  	_ =	shalt  }
0x86: {  	_ =	shalt  }
0x87: {  	_ =	shalt  }
.Lfunc_end0:
.L_simem_size_0:
called_computation_lowered:
.L_overlay_start_0:
0x88: {  	s2 =	sld [smem:$0x3FD9]  }
0x89: {  	s3 =	sld [smem:$0x3FFE];
	_ =	sdelay $0x1  }
0x8a: {  	s1 =	srdreg.scid  }
0x8b: {  	s0 =	sand.u32 $0x1, s1  }
0x8c: {  	s17 =	sshll.u32 s0, $0xA;
	s2 =	sadd.s32 s3, s2  }
0x8d: {  	s2 =	sadd.s32 s2, s17  }
0x8e: {  	[smem:$0x3FC2] =	sst s2  }
0x8f: {  	_ = 	snop  }
0x90: {  	(tm) =	ssettm $0x1  }
0x91: {  	s18 =	sld [smem:$0x3FFB];
	_ =	sdelay $0x3  }
0x92: {  	_ =	strace s18  }
0x93: {  	s2 =	sld [smem:$0x3FFC];
	_ =	sdelay $0x3  }
0x94: {  	_ =	strace s2  }
0x95: {  	s2 =	sld [smem:$0x3FFD];
	_ =	sdelay $0x3  }
0x96: {  	_ =	strace s2  }
0x97: {  	_ =	strace $0x8FFFFFFF  }
0x98: {  	s19 =	sld [smem:$0x3FDB];
	_ =	sdelay $0x1  }
0x99: {  	s20 =	simm.s32 $_scs_section_size  }
0x9a: {  	s4 =	simm.s32 $_size__tile_overlayer_lowered;
	s5 =	simm.s32 $_tile_overlayer_lowered  }
0x9b: {  	s6 =	simm.s32 $0x1BFF;
	s21 =	sshll.u32 s5, $0x1;
	s3 =	sadd.s32 s20, s19  }
0x9c: {  	s22 =	simm.s32 $0x0;
	s4 =	sshll.u32 s4, $0x1;
	s5 =	sadd.s32 s21, s3  }
0x9d: {  	[timem:s22], [sflag:s6] =	dma.local [hbm:s5], s4  }
0x9e: {  	_ =	swait.ge [sflag:s6], s4  }
0x9f: {  	s4 =	ssub.s32 $0x0, s4;
	[sflag:s6] =	ssyncset.done $0x0  }
0xa0: {  	[sflag:s6] =	ssyncadd.s32 s4;
	_ =	sdelay $0x1  }
0xa1: {  	s23 =	simm.s32 $0x1B8B  }
0xa2: {  	_ =	swait.ge [sflag:s23], $0x1  }
0xa3: {  	[sflag:s23] =	ssyncset.done $0x0  }
0xa4: {  	[sflag:s23] =	ssyncadd.s32 $0xFFFFFFFF  }
0xa5: {  	s4 =	sld [smem:$0x0]  }
0xa6: {  	s5 =	sand.u32 $0xFFFFFFFE, s1  }
0xa7: {  	p0 =	sne.s32 s1, s5  }
0xa8: {  	s5 =	sshll.u32 @p0 s5, $0xE  }
0xa9: {  	s5 =	sadd.s32 @p0 $0x11B8D, s5;
	s6 =	sshll.u32 @p0 s4, $0x11  }
0xaa: {  	s5 =	sor.u32 @p0 s6, s5  }
0xab: {  	[sflag:s5] =	ssyncadd.remote.s32 @p0 $0x1;
	_ =	sdelay $0x1  }
0xac: {  	s5 =	simm.s32 @p0 $0x1B8D  }
0xad: {  	_ =	swait.eq @p0 [sflag:s5], $0x1  }
0xae: {  	[sflag:s5] =	ssyncadd.s32 @p0 $0xFFFFFFFF  }
0xaf: {  	s6 =	sshll.u32 @!p0 s1, $0xE  }
0xb0: {  	s6 =	sor.u32 @!p0 $0x4000, s6;
	s5 =	simm.s32 @!p0 $0x1B8D  }
0xb1: {  	s4 =	sshll.u32 @!p0 s4, $0x11;
	s6 =	sadd.s32 @!p0 $0x11B8D, s6;
	_ =	swait.eq @!p0 [sflag:s5], $0x1  }
0xb2: {  	s4 =	sor.u32 @!p0 s4, s6;
	[sflag:s5] =	ssyncadd.s32 @!p0 $0xFFFFFFFF  }
0xb3: {  	s25 =	simm.s32 $0x1B8E;
	s24 =	sld [smem:$0x3FFE];
	[sflag:s4] =	ssyncadd.remote.s32 @!p0 $0x1  }
0xb4: {  	s26 =	simm.s32 $execute0_lowered;
	[smem:$0x3FD2] =	sst s25  }
0xb5: {  	s5 =	sshll.u32 s26, $0x1;
	_ =	strace $0x80000049;
	[dreg:$0x1] =	wrdreg $0xFFFFFFFF  }
0xb6: {  	s28 =	simm.s32 $_size_execute0_lowered;
	s3 =	sadd.s32 s3, s5;
	[dreg:$0x0] =	wrdreg $0x0  }
0xb7: {  	s5 =	sshll.u32 s28, $0x1;
	[dreg:$0x2] =	wrdreg s3  }
0xb8: {  	[dreg:$0x3] =	wrdreg s5  }
0xb9: {  	[dreg:$0x4] =	wrdreg $0xC0  }
0xba: {  	_ =	task [dreg:s22], $0x5FFFF  }
0xbb: {  	[dreg:$0x1] =	wrdreg $0xFFFFFFFF  }
0xbc: {  	[dreg:$0x0] =	wrdreg $0x60  }
0xbd: {  	[dreg:$0x2] =	wrdreg s24  }
0xbe: {  	[dreg:$0x3] =	wrdreg $0x51000  }
0xbf: {  	[dreg:$0x4] =	wrdreg $0x9  }
0xc0: {  	_ =	task.clear_ibuf [dreg:s22], $0x5FFFF;
	_ =	strace $0x90000049  }
0xc1: {  	s29 =	simm.s32 $0x9;
	_ =	strace $0x8000004B  }
0xc2: {  	_ =	swait.ge [sflag:s29], $0x1  }
0xc3: {  	[sflag:s29] =	ssyncadd.s32 $0xFFFFFFFF  }
0xc4: {  	_ =	strace $0x9000004B  }
0xc5: {  	_ =	sfence  }
0xc6: {  	s30 =	sld [smem:$0x0];
	_ =	sdelay $0x2  }
0xc7: {  	s31 =	sshll.u32 s1, $0xD;
	s1 =	sshrl.u32 s1, $0x2  }
0xc8: {  	s4 =	sand.u32 $0x4000, s31;
	s1 =	sadd.s32 s1, s30  }
0xc9: {  	s0 =	sor.u32 s4, s0;
	s1 =	sshll.u32 s1, $0x11  }
0xca: {  	s0 =	sor.u32 s1, s0  }
0xcb: {  	s0 =	sadd.s32 $0x8F2B, s0  }
0xcc: {  	[sflag:s0] =	ssyncadd.remote.s32 $0x1  }
0xcd: {  	_ =	sfence.sel $0xFFFF  }
0xce: {  	[dreg:$0x0] =	wrdreg $0xFFFFFFFF;
	(pc) =	sbr.abs _section_cstart, $3  }
0xcf: {  	[dreg:$0x1] =	wrdreg $0xFFFFFFFF  }
0xd0: {  	_ =	task.clear_ibuf [dreg:s22], $0x2FFFF;
	_ =	strace $0x9FFFFFFF  }
0xd1: {  	(tm) =	ssettm $0x7FFFFFFF  }
tec
execute0_lowered:
.L_overlay_start_1:
0x0: {  	(tag) =	ssettag $0x1  }
0x1: {  	s0 =	rddreg [dreg:$0x0]  }
0x2: {  	s1 =	srdreg.scid;
	s14 =	stileid.u32  }
0x3: {  	s2 =	rddreg [dreg:$0x1];
	s3 =	simm.s32 $0x0;
	s28 =	simm.s32 $0x100  }
0x4: {  	s29 =	simm.s32 $0x5;
	s30 =	simm.s32 $0x2900;
	s31 =	simm.s32 $0x80  }
0x5: {  	s1 =	sand.u32 $0x1, s1;
	s5 =	smul.u32 $0x280, s14;
	[smem:$0x7FF] =	sst s3  }
0x6: {  	s13 =	sadd.s32 $0x65A00, s0;
	s15 =	smul.u32 $0x50000, s14;
	s7 =	sadd.s32 $0x65400, s0  }
0x7: {  	s20 =	smul.u32 $0x2710, s14;
	_ =	strace $0x8000004A;
	[dreg:$0x3] =	wrdreg s13  }
0x8: {  	s4 =	sadd.s32 $0xB200, s0;
	s6 =	smul.u32 $0x2800, s1;
	[dreg:$0x4] =	wrdreg s7  }
0x9: {  	s16 =	ssub.s32 $0x2, s1;
	s8 =	sshll.u32 s1, $0x4;
	s1 =	smul.u32 $0x27100, s1  }
0xa: {  	s17 =	sshrl.u32 s16, $0x1;
	s8 =	sor.u32 s14, s8;
	s14 =	simm.s32 $0x4  }
0xb: {  	s5 =	sadd.s32 s5, s6;
	s6 =	sshrl.u32 s15, $0x2;
	s18 =	smul.u32 $0x2710, s8  }
0xc: {  	s1 =	sadd.s32 s20, s1;
	s15 =	simm.s32 $0x0;
	s5 =	sshll.u32 s5, $0x4  }
0xd: {  	s7 =	sadd.s32 s6, s2;
	s26 =	sadd.s32 $0x50, s1;
	s6 =	sshrl.u32 s18, $0x3  }
0xe: {  	s0 =	sadd.s32 s5, s0;
	s5 =	ssub.s32 s16, s17;
	s6 =	sadd.s32 s4, s6  }
0xf: {  	s8 =	sadd.s32 $0x2800, s7;
	s19 =	sadd.s32 $0x66000, s0;
	[dreg:$0x5] =	wrdreg s6  }
0x10: {  	s9 =	sadd.s32 $0x5000, s7;
	s21 =	sadd.s32 $0x66500, s0;
	[dreg:$0x6] =	wrdreg s19  }
0x11: {  	s10 =	sadd.s32 $0x7800, s7;
	s22 =	sadd.s32 $0x66A00, s0;
	[dreg:$0x7] =	wrdreg s21  }
0x12: {  	s11 =	sadd.s32 $0xA000, s7;
	s23 =	sadd.s32 $0x66F00, s0;
	[dreg:$0x8] =	wrdreg s22  }
0x13: {  	s12 =	sadd.s32 $0xC800, s7;
	s24 =	sadd.s32 $0x67400, s0;
	[dreg:$0x9] =	wrdreg s23  }
0x14: {  	s13 =	sadd.s32 $0xF000, s7;
	s25 =	sadd.s32 $0x67900, s0;
	[dreg:$0xa] =	wrdreg s24  }
0x15: {  	[dreg:$0xb] =	wrdreg s25;
	s21 =	sadd.s32 $0x67E00, s0;
	s22 =	sadd.s32 $0x68300, s0  }
0x16: {  	s23 =	smax.u32 s5, $0x1;
	s24 =	sadd.s32 $0xA0, s1;
	s0 =	sshrl.u32 s26, $0x3  }
0x17: {  	s26 =	sadd.s32 $0x11800, s7;
	s1 =	simm.s32 $0x1;
	s5 =	simm.s32 $0x3  }
0x18: {  	s6 =	simm.s32 $0x2;
	s25 =	sadd.s32 s0, s4;
	s0 =	simm.s32 $0x50  }
.LBB2_1:
0x19: {  	s16 =	rddreg [dreg:$0x3]  }
0x1a: {  	[tilespmem:s28], [sflag:$0x5] =	stream.linear.gather [hbm4b:s16+s3], $0x2800, $0x38;
	[tilespmem:$0x19100] =	vst v63  }
0x1b: {  	_ =	swait.ge [sflag:s29], $0x2800  }
0x1c: {  	[sflag:s29] =	ssyncset.done $0x0  }
0x1d: {  	s18 =	rddreg [dreg:$0x4];
	[sflag:s29] =	ssyncadd.s32 $0xFFFFD800  }
0x1e: {  	[tilespmem:s30], [sflag:$0x5] =	stream.linear.gather [hbm4b:s18+s3], $0x2800, $0x38;
	[tilespmem:$0x19100] =	vst v63  }
0x1f: {  	_ =	swait.ge [sflag:s29], $0x2800  }
0x20: {  	[sflag:s29] =	ssyncset.done $0x0  }
0x21: {  	[sflag:s29] =	ssyncadd.s32 $0xFFFFD800  }
0x22: {  	[spmem:s7] =	stream.linear.scatter [tilespmem:s30], [sflag:$0x5], $0x2800, $0x38;
	[tilespmem:$0x19100] =	vst v63  }
0x23: {  	_ =	swait.ge [sflag:s29], $0x2800  }
0x24: {  	[sflag:s29] =	ssyncset.done $0x0  }
0x25: {  	[sflag:s29] =	ssyncadd.s32 $0xFFFFD800  }
0x26: {  	[spmem:s8] =	stream.linear.scatter [tilespmem:s30], [sflag:$0x5], $0x2800, $0x38;
	[tilespmem:$0x19100] =	vst v63  }
0x27: {  	_ =	swait.ge [sflag:s29], $0x2800  }
0x28: {  	[sflag:s29] =	ssyncset.done $0x0  }
0x29: {  	[sflag:s29] =	ssyncadd.s32 $0xFFFFD800  }
0x2a: {  	[spmem:s9] =	stream.linear.scatter [tilespmem:s30], [sflag:$0x5], $0x2800, $0x38;
	[tilespmem:$0x19100] =	vst v63  }
0x2b: {  	_ =	swait.ge [sflag:s29], $0x2800  }
0x2c: {  	[sflag:s29] =	ssyncset.done $0x0  }
0x2d: {  	[sflag:s29] =	ssyncadd.s32 $0xFFFFD800  }
0x2e: {  	[spmem:s10] =	stream.linear.scatter [tilespmem:s30], [sflag:$0x5], $0x2800, $0x38;
	[tilespmem:$0x19100] =	vst v63  }
0x2f: {  	_ =	swait.ge [sflag:s29], $0x2800  }
0x30: {  	[sflag:s29] =	ssyncset.done $0x0  }
0x31: {  	[sflag:s29] =	ssyncadd.s32 $0xFFFFD800  }
0x32: {  	[spmem:s11] =	stream.linear.scatter [tilespmem:s30], [sflag:$0x5], $0x2800, $0x38;
	[tilespmem:$0x19100] =	vst v63  }
0x33: {  	_ =	swait.ge [sflag:s29], $0x2800  }
0x34: {  	[sflag:s29] =	ssyncset.done $0x0  }
0x35: {  	[sflag:s29] =	ssyncadd.s32 $0xFFFFD800  }
0x36: {  	[spmem:s12] =	stream.linear.scatter [tilespmem:s30], [sflag:$0x5], $0x2800, $0x38;
	[tilespmem:$0x19100] =	vst v63  }
0x37: {  	_ =	swait.ge [sflag:s29], $0x2800  }
0x38: {  	[sflag:s29] =	ssyncset.done $0x0  }
0x39: {  	[sflag:s29] =	ssyncadd.s32 $0xFFFFD800  }
0x3a: {  	[spmem:s13] =	stream.linear.scatter [tilespmem:s30], [sflag:$0x5], $0x2800, $0x38;
	[tilespmem:$0x19100] =	vst v63  }
0x3b: {  	_ =	swait.ge [sflag:s29], $0x2800  }
0x3c: {  	[sflag:s29] =	ssyncset.done $0x0  }
0x3d: {  	[sflag:s29] =	ssyncadd.s32 $0xFFFFD800  }
0x3e: {  	[spmem:s26] =	stream.linear.scatter [tilespmem:s30], [sflag:$0x5], $0x2800, $0x38;
	[tilespmem:$0x19100] =	vst v63  }
0x3f: {  	_ =	swait.ge [sflag:s29], $0x2800  }
0x40: {  	[sflag:s29] =	ssyncset.done $0x0  }
0x41: {  	[sflag:s29] =	ssyncadd.s32 $0xFFFFD800  }
0x42: {  	p0 =	por $0x1, $0x1;
	[bflag:$0x0] =	sbarrier.arrive $0xFFFF  }
0x43: {  	s16 =	simm.s32 @!p0 $0x4;
	s19 =	rddreg [dreg:$0x5]  }
0x44: {  	[tilespmem:s3], [sflag:$0x1] =	stream.linear.gather [hbm4b:s19+s3], $0x50, $0x38;
	[tilespmem:$0x19100] =	vst v63  }
0x45: {  	_ =	swait.ge @!p0 [sflag:s16], $0x2800  }
0x46: {  	[sflag:s16] =	ssyncset.done @!p0 $0x0  }
0x47: {  	[sflag:s16] =	ssyncadd.s32 @!p0 $0xFFFFD800  }
0x48: {  	[tilespmem:s31], [sflag:$0x2] =	stream.linear.gather [hbm4b:s25+s3], $0x50, $0x38;
	[tilespmem:$0x19100] =	vst v63  }
0x49: {  	_ =	swait.ge [sflag:s1], $0x50  }
0x4a: {  	[sflag:s1] =	ssyncset.done $0x0  }
0x4b: {  	[sflag:s1] =	ssyncadd.s32 $0xFFFFFFB0  }
0x4c: {  	[spmem:s2] =	stream.indirect.scatter.add.f32 [tilespmem:s28], [sflag:$0x3], $0x80, s3, s0, $0xb8;
	[tilespmem:$0x19100] =	vst v63  }
0x4d: {  	_ =	swait.ge [sflag:s5], $0x2800  }
0x4e: {  	s20 =	sshrl.u32 s24, $0x3;
	[sflag:s5] =	ssyncset.done $0x0  }
0x4f: {  	s16 =	sadd.s32 s4, s20;
	[sflag:s5] =	ssyncadd.s32 $0xFFFFD800  }
0x50: {  	[tilespmem:s3], [sflag:$0x1] =	stream.linear.gather [hbm4b:s16+s3], $0x50, $0x38;
	[tilespmem:$0x19100] =	vst v63  }
0x51: {  	s17 =	sadd.s32 $0x14, s25;
	p1 =	por $0x0, $0x0;
	_ =	swait.ge [sflag:s6], $0x50  }
0x52: {  	s18 =	simm.s32 $0x2;
	s16 =	sadd.s32 $0xA0, s24;
	[sflag:s6] =	ssyncset.done $0x0  }
.LBB2_2:
0x53: {  	s19 =	simm.s32 @!p1 $0x4  }
0x54: {  	[sflag:s6] =	ssyncadd.s32 $0xFFFFFFB0;
	s20 =	smov.u32 s18;
	s18 =	sadd.s32 $0x2, s18  }
0x55: {  	[spmem:s2] =	stream.indirect.scatter.add.f32 [tilespmem:s28], [sflag:$0x4], $0x80, s31, s0, $0xb8;
	[tilespmem:$0x19100] =	vst v63  }
0x56: {  	p0 =	sne.s32 s18, $0x7A;
	_ =	swait.ge @!p1 [sflag:s19], $0x2800  }
0x57: {  	[sflag:s19] =	ssyncset.done @!p1 $0x0  }
0x58: {  	[sflag:s19] =	ssyncadd.s32 @!p1 $0xFFFFD800  }
0x59: {  	[tilespmem:s31], [sflag:$0x2] =	stream.linear.gather [hbm4b:s17+s3], $0x50, $0x38;
	[tilespmem:$0x19100] =	vst v63  }
0x5a: {  	_ =	swait.ge [sflag:s1], $0x50  }
0x5b: {  	[sflag:s1] =	ssyncset.done $0x0  }
0x5c: {  	[sflag:s1] =	ssyncadd.s32 $0xFFFFFFB0  }
0x5d: {  	[spmem:s2] =	stream.indirect.scatter.add.f32 [tilespmem:s28], [sflag:$0x3], $0x80, s3, s0, $0xb8;
	[tilespmem:$0x19100] =	vst v63  }
0x5e: {  	_ =	swait.ge [sflag:s5], $0x2800  }
.Ltmp0:
0x5f: {  	s19 =	sshrl.u32 s16, $0x3;
	[sflag:s5] =	ssyncset.done $0x0;
	(pc) =	sbr.rel @p0 .LBB2_2-.Ltmp0, $4  }
0x60: {  	s19 =	sadd.s32 s4, s19;
	[sflag:s5] =	ssyncadd.s32 $0xFFFFD800  }
0x61: {  	[tilespmem:s3], [sflag:$0x1] =	stream.linear.gather [hbm4b:s19+s3], $0x50, $0x38;
	[tilespmem:$0x19100] =	vst v63  }
0x62: {  	s17 =	sadd.s32 $0x14, s17;
	_ =	swait.ge [sflag:s6], $0x50  }
0x63: {  	p1 =	sgt.u32 s20, $0x7B;
	s16 =	sadd.s32 $0xA0, s16;
	[sflag:s6] =	ssyncset.done $0x0  }
0x64: {  	s18 =	simm.s32 @!p1 $0x4;
	[sflag:s6] =	ssyncadd.s32 $0xFFFFFFB0  }
0x65: {  	[spmem:s2] =	stream.indirect.scatter.add.f32 [tilespmem:s28], [sflag:$0x4], $0x80, s31, s0, $0xb8;
	[tilespmem:$0x19100] =	vst v63  }
0x66: {  	_ =	swait.ge @!p1 [sflag:s18], $0x2800  }
0x67: {  	[sflag:s18] =	ssyncset.done @!p1 $0x0  }
0x68: {  	[sflag:s18] =	ssyncadd.s32 @!p1 $0xFFFFD800  }
0x69: {  	[tilespmem:s31], [sflag:$0x2] =	stream.linear.gather [hbm4b:s17+s3], $0x50, $0x38;
	[tilespmem:$0x19100] =	vst v63  }
0x6a: {  	_ =	swait.ge [sflag:s1], $0x50  }
0x6b: {  	[sflag:s1] =	ssyncset.done $0x0  }
0x6c: {  	[sflag:s1] =	ssyncadd.s32 $0xFFFFFFB0  }
0x6d: {  	[spmem:s2] =	stream.indirect.scatter.add.f32 [tilespmem:s28], [sflag:$0x3], $0x80, s3, s0, $0xb8;
	[tilespmem:$0x19100] =	vst v63  }
0x6e: {  	_ =	swait.ge [sflag:s5], $0x2800  }
0x6f: {  	s16 =	sshrl.u32 s16, $0x3;
	[sflag:s5] =	ssyncset.done $0x0  }
0x70: {  	s16 =	sadd.s32 s4, s16;
	[sflag:s5] =	ssyncadd.s32 $0xFFFFD800  }
0x71: {  	[tilespmem:s3], [sflag:$0x1] =	stream.linear.gather [hbm4b:s16+s3], $0x50, $0x38;
	[tilespmem:$0x19100] =	vst v63  }
0x72: {  	_ =	swait.ge [sflag:s6], $0x50  }
0x73: {  	[sflag:s6] =	ssyncset.done $0x0  }
0x74: {  	[sflag:s6] =	ssyncadd.s32 $0xFFFFFFB0  }
0x75: {  	[spmem:s2] =	stream.indirect.scatter.add.f32 [tilespmem:s28], [sflag:$0x4], $0x80, s31, s0, $0xb8;
	[tilespmem:$0x19100] =	vst v63  }
0x76: {  	_ =	swait.ge [sflag:s14], $0x2800  }
0x77: {  	[sflag:s14] =	ssyncset.done $0x0  }
0x78: {  	[sflag:s14] =	ssyncadd.s32 $0xFFFFD800  }
0x79: {  	_ =	swait.ge [sflag:s1], $0x50  }
0x7a: {  	[sflag:s1] =	ssyncset.done $0x0  }
0x7b: {  	[sflag:s1] =	ssyncadd.s32 $0xFFFFFFB0  }
0x7c: {  	[spmem:s2] =	stream.indirect.scatter.add.f32 [tilespmem:s28], [sflag:$0x3], $0x80, s3, s0, $0xb8;
	[tilespmem:$0x19100] =	vst v63  }
0x7d: {  	_ =	swait.ge [sflag:s5], $0x2800  }
0x7e: {  	[sflag:s5] =	ssyncset.done $0x0  }
0x7f: {  	[sflag:s5] =	ssyncadd.s32 $0xFFFFD800  }
0x80: {  	[bflag:$0x0] =	sbarrier.arrive $0xFFFF  }
0x81: {  	[tilespmem:s30], [sflag:$0x5] =	stream.linear.gather [spmem:s7], $0x2800, $0x38;
	[tilespmem:$0x19100] =	vst v63  }
0x82: {  	_ =	swait.ge [sflag:s29], $0x2800  }
0x83: {  	[sflag:s29] =	ssyncset.done $0x0  }
0x84: {  	s19 =	rddreg [dreg:$0x6];
	[sflag:s29] =	ssyncadd.s32 $0xFFFFD800  }
0x85: {  	[hbm4b:s19+s3] =	stream.linear.scatter [tilespmem:s30], [sflag:$0x5], $0x2800, $0x38;
	[tilespmem:$0x19100] =	vst v63  }
0x86: {  	_ =	swait.ge [sflag:s29], $0x2800  }
0x87: {  	[sflag:s29] =	ssyncset.done $0x0  }
0x88: {  	[sflag:s29] =	ssyncadd.s32 $0xFFFFD800  }
0x89: {  	[tilespmem:s30], [sflag:$0x5] =	stream.linear.gather [spmem:s8], $0x2800, $0x38;
	[tilespmem:$0x19100] =	vst v63  }
0x8a: {  	_ =	swait.ge [sflag:s29], $0x2800  }
0x8b: {  	[sflag:s29] =	ssyncset.done $0x0  }
0x8c: {  	s20 =	rddreg [dreg:$0x7];
	[sflag:s29] =	ssyncadd.s32 $0xFFFFD800  }
0x8d: {  	[hbm4b:s20+s3] =	stream.linear.scatter [tilespmem:s30], [sflag:$0x5], $0x2800, $0x38;
	[tilespmem:$0x19100] =	vst v63  }
0x8e: {  	_ =	swait.ge [sflag:s29], $0x2800  }
0x8f: {  	[sflag:s29] =	ssyncset.done $0x0  }
0x90: {  	[sflag:s29] =	ssyncadd.s32 $0xFFFFD800  }
0x91: {  	[tilespmem:s30], [sflag:$0x5] =	stream.linear.gather [spmem:s9], $0x2800, $0x38;
	[tilespmem:$0x19100] =	vst v63  }
0x92: {  	_ =	swait.ge [sflag:s29], $0x2800  }
0x93: {  	[sflag:s29] =	ssyncset.done $0x0  }
0x94: {  	s17 =	rddreg [dreg:$0x8];
	[sflag:s29] =	ssyncadd.s32 $0xFFFFD800  }
0x95: {  	[hbm4b:s17+s3] =	stream.linear.scatter [tilespmem:s30], [sflag:$0x5], $0x2800, $0x38;
	[tilespmem:$0x19100] =	vst v63  }
0x96: {  	_ =	swait.ge [sflag:s29], $0x2800  }
0x97: {  	[sflag:s29] =	ssyncset.done $0x0  }
0x98: {  	[sflag:s29] =	ssyncadd.s32 $0xFFFFD800  }
0x99: {  	[tilespmem:s30], [sflag:$0x5] =	stream.linear.gather [spmem:s10], $0x2800, $0x38;
	[tilespmem:$0x19100] =	vst v63  }
0x9a: {  	_ =	swait.ge [sflag:s29], $0x2800  }
0x9b: {  	[sflag:s29] =	ssyncset.done $0x0  }
0x9c: {  	s18 =	rddreg [dreg:$0x9];
	[sflag:s29] =	ssyncadd.s32 $0xFFFFD800  }
0x9d: {  	[hbm4b:s18+s3] =	stream.linear.scatter [tilespmem:s30], [sflag:$0x5], $0x2800, $0x38;
	[tilespmem:$0x19100] =	vst v63  }
0x9e: {  	_ =	swait.ge [sflag:s29], $0x2800  }
0x9f: {  	[sflag:s29] =	ssyncset.done $0x0  }
0xa0: {  	[sflag:s29] =	ssyncadd.s32 $0xFFFFD800  }
0xa1: {  	[tilespmem:s30], [sflag:$0x5] =	stream.linear.gather [spmem:s11], $0x2800, $0x38;
	[tilespmem:$0x19100] =	vst v63  }
0xa2: {  	_ =	swait.ge [sflag:s29], $0x2800  }
0xa3: {  	[sflag:s29] =	ssyncset.done $0x0  }
0xa4: {  	s19 =	rddreg [dreg:$0xa];
	[sflag:s29] =	ssyncadd.s32 $0xFFFFD800  }
0xa5: {  	[hbm4b:s19+s3] =	stream.linear.scatter [tilespmem:s30], [sflag:$0x5], $0x2800, $0x38;
	[tilespmem:$0x19100] =	vst v63  }
0xa6: {  	_ =	swait.ge [sflag:s29], $0x2800  }
0xa7: {  	[sflag:s29] =	ssyncset.done $0x0  }
0xa8: {  	[sflag:s29] =	ssyncadd.s32 $0xFFFFD800  }
0xa9: {  	[tilespmem:s30], [sflag:$0x5] =	stream.linear.gather [spmem:s12], $0x2800, $0x38;
	[tilespmem:$0x19100] =	vst v63  }
0xaa: {  	_ =	swait.ge [sflag:s29], $0x2800  }
0xab: {  	[sflag:s29] =	ssyncset.done $0x0  }
0xac: {  	s20 =	rddreg [dreg:$0xb];
	[sflag:s29] =	ssyncadd.s32 $0xFFFFD800  }
0xad: {  	[hbm4b:s20+s3] =	stream.linear.scatter [tilespmem:s30], [sflag:$0x5], $0x2800, $0x38;
	[tilespmem:$0x19100] =	vst v63  }
0xae: {  	_ =	swait.ge [sflag:s29], $0x2800  }
0xaf: {  	[sflag:s29] =	ssyncset.done $0x0  }
0xb0: {  	[sflag:s29] =	ssyncadd.s32 $0xFFFFD800  }
0xb1: {  	[tilespmem:s30], [sflag:$0x5] =	stream.linear.gather [spmem:s13], $0x2800, $0x38;
	[tilespmem:$0x19100] =	vst v63  }
0xb2: {  	_ =	swait.ge [sflag:s29], $0x2800  }
0xb3: {  	[sflag:s29] =	ssyncset.done $0x0  }
0xb4: {  	[sflag:s29] =	ssyncadd.s32 $0xFFFFD800  }
0xb5: {  	[hbm4b:s21+s3] =	stream.linear.scatter [tilespmem:s30], [sflag:$0x5], $0x2800, $0x38;
	[tilespmem:$0x19100] =	vst v63  }
0xb6: {  	_ =	swait.ge [sflag:s29], $0x2800  }
0xb7: {  	[sflag:s29] =	ssyncset.done $0x0  }
0xb8: {  	[sflag:s29] =	ssyncadd.s32 $0xFFFFD800  }
0xb9: {  	[tilespmem:s30], [sflag:$0x5] =	stream.linear.gather [spmem:s26], $0x2800, $0x38;
	[tilespmem:$0x19100] =	vst v63  }
0xba: {  	s15 =	sadd.s32 $0x1, s15;
	_ =	swait.ge [sflag:s29], $0x2800  }
0xbb: {  	p0 =	sne.s32 s15, s23;
	[sflag:s29] =	ssyncset.done $0x0  }
.Ltmp1:
0xbc: {  	[sflag:s29] =	ssyncadd.s32 $0xFFFFD800;
	(pc) =	sbr.rel @p0 .LBB2_1-.Ltmp1, $4  }
0xbd: {  	[hbm4b:s22+s3] =	stream.linear.scatter [tilespmem:s30], [sflag:$0x5], $0x2800, $0x38;
	[tilespmem:$0x19100] =	vst v63  }
0xbe: {  	_ =	swait.ge [sflag:s29], $0x2800  }
0xbf: {  	[sflag:s29] =	ssyncset.done $0x0  }
0xc0: {  	[sflag:s29] =	ssyncadd.s32 $0xFFFFD800  }
0xc1: {  	_ =	sfence.sel $0x180000  }
0xc2: {  	[bflag:$0x0] =	sbarrier.arrive $0xFFFF  }
0xc3: {  	_ =	strace $0x9000004A  }
0xc4: {  	s0 =	stileid.u32;
	[bflag:$0x2] =	sbarrier.arrive $0xFFFF  }
0xc5: {  	p0 =	sne.s32 s0, $0x0;
	s0 =	rddreg [dreg:$0x2]  }
0xc6: {  	s0 =	sadd.s32 @!p0 $0x100000, s0  }
0xc7: {  	[sflag:s0] =	ssyncadd.tile.s32 @!p0 $0x1;
	_ =	shalt  }
.Lfunc_end2:
_tile_overlayer_lowered:
.L_overlay_start_2:
0xc8: {  	(tag) =	ssettag $0x2  }
0xc9: {  	s0 =	rddreg [dreg:$0x0];
	s2 =	stileid.u32  }
0xca: {  	s1 =	rddreg [dreg:$0x1];
	p0 =	sne.s32 s2, $0x0  }
0xcb: {  	s3 =	rddreg [dreg:$0x2];
	[bflag:$0x3] =	sbarrier.arrive $0xFFFF;
	s2 =	simm.s32 @!p0 $0x1C05  }
0xcc: {  	[timem:s3], [sflag:s2] =	dma.local @!p0 [hbm:s0], s1  }
0xcd: {  	s0 =	simm.s32 @!p0 $0x5  }
0xce: {  	_ =	swait.ge @!p0 [sflag:s0], s1  }
0xcf: {  	s1 =	ssub.s32 @!p0 $0x0, s1;
	[sflag:s0] =	ssyncset.done @!p0 $0x0  }
0xd0: {  	[sflag:s0] =	ssyncadd.s32 @!p0 s1  }
0xd1: {  	[bflag:$0x3] =	sbarrier.arrive $0xFFFF  }
0xd2: {  	_ =	shalt  }

</sc_bundles>
